<compile_context>
chip_gen: v7x
topology: tpu7x:2x2x1
jax: 0.10.2.dev20260603
libtpu: 0.0.44.dev20260713+nightly
codegen_flags: <defaults>
</compile_context>

<pallas_src>
import functools

import jax
import jax.numpy as jnp
from jax import lax
from jax.experimental import pallas as pl
from jax.experimental.pallas import tpu as pltpu
from jax.experimental.pallas import tpu_sc as plsc

_NUM_ENT = 1000000
_EMB_DIM = 32
_NUM_PAIRS = 16384
_NSLOTS = 2 * _NUM_PAIRS

_NC = 2
_NS = 16
_NW = _NC * _NS
_LANES = 16

_BLKS = _NUM_ENT // 128
_TAIL0 = _BLKS * 128
_WIN_BLKS = 8
_WIN = _WIN_BLKS * 128
_NWIN = 31

_ROWS = _NSLOTS + 64
_DUMP = _NSLOTS

_WCAP = 6144
_CCAP = 2048
_NSTG = 6

_PW = _NUM_PAIRS // _NW
_BCH = 128
_EPS_INV = 1e12

_SENT = 1 << 30


def _rsqrt_nr(x):
    i = plsc.bitcast(x, jnp.int32)
    i = jnp.int32(0x5F3759DF) - lax.shift_right_logical(i, jnp.int32(1))
    y = plsc.bitcast(i, jnp.float32)
    for _ in range(3):
        y = y * (jnp.float32(1.5) - jnp.float32(0.5) * x * y * y)
    return y


def _append_compacted(liste, lists, pos_base, e, s, m, cap=_WCAP):
    mi = m.astype(jnp.int32)
    within = plsc.cumsum(mi) - mi
    pos = pos_base + within
    pos = jnp.minimum(pos, jnp.int32(cap))
    plsc.store_scatter(liste, [pos], e, mask=m)
    plsc.store_scatter(lists, [pos], s, mask=m)
    return pos_base + plsc.all_reduce_population_count(m)




@functools.partial(
    pl.kernel,
    mesh=plsc.VectorSubcoreMesh(core_axis_name="c", subcore_axis_name="s"),
    compiler_params=pltpu.CompilerParams(needs_layout_passes=False),
    out_type=jax.ShapeDtypeStruct((_ROWS, 128), jnp.float32),
    scratch_types=[
        pltpu.VMEM((_NSLOTS,), jnp.int32),
        pltpu.VMEM((_WCAP + 2 * _LANES,), jnp.int32),
        pltpu.VMEM((_WCAP + 2 * _LANES,), jnp.int32),
        pltpu.VMEM((_CCAP + 2 * _LANES,), jnp.int32),
        pltpu.VMEM((_CCAP + 2 * _LANES,), jnp.int32),
        pltpu.VMEM((2, _EMB_DIM, _WIN), jnp.float32),
        pltpu.VMEM((_NSTG, _LANES, 128), jnp.float32),
        pltpu.VMEM((16, 128), jnp.float32),
        pltpu.SemaphoreType.DMA,
        pltpu.SemaphoreType.DMA,
        pltpu.SemaphoreType.DMA,
    ],
)
def _route_rows_sc(tbl_t_hbm, pairs_t_hbm, tail_hbm, rows_hbm,
                   idx_v, white_v, whits_v, che_v, chs_v,
                   win_v, staged_v, tail_v, semi, semw, sems):
    wid = lax.axis_index("s") * _NC + lax.axis_index("c")
    lane = lax.iota(jnp.int32, _LANES)

    b_lo = (jnp.int32(_BLKS) * wid) // jnp.int32(_NW)
    b_hi = (jnp.int32(_BLKS) * (wid + 1)) // jnp.int32(_NW)

    pltpu.sync_copy(pairs_t_hbm.at[0], idx_v.at[pl.ds(0, _NUM_PAIRS)])
    pltpu.sync_copy(pairs_t_hbm.at[1], idx_v.at[pl.ds(_NUM_PAIRS, _NUM_PAIRS)])
    pltpu.sync_copy(tail_hbm, tail_v)

    lo = b_lo * jnp.int32(128)
    hi = jnp.where(wid == _NW - 1, jnp.int32(_SENT), b_hi * jnp.int32(128))

    def scan_body(q, cnt):
        e = idx_v[pl.ds(q * _LANES, _LANES)]
        m = jnp.logical_and(e >= lo, e < hi)
        s = q * _LANES + lane
        return _append_compacted(white_v, whits_v, cnt, e, s, m)

    cnt = lax.fori_loop(0, _NSLOTS // _LANES, scan_body,
                        jnp.zeros((_LANES,), jnp.int32))
    nw = jnp.minimum(lax.reduce_max(cnt, (0,)), jnp.int32(_WCAP))
    sent_e = jnp.full((_LANES,), _SENT, jnp.int32)
    sent_s = jnp.full((_LANES,), _DUMP, jnp.int32) + lane
    white_v[pl.ds(nw, _LANES)] = sent_e
    whits_v[pl.ds(nw, _LANES)] = sent_s
    white_v[pl.ds(nw + _LANES, _LANES)] = sent_e
    whits_v[pl.ds(nw + _LANES, _LANES)] = sent_s
    wtrips2 = (nw + 2 * _LANES - 1) // (2 * _LANES)

    def filter_hits(lo_c, hi_c):
        def body(qq, cc):
            for half in range(2):
                off = (2 * qq + half) * _LANES
                e = white_v[pl.ds(off, _LANES)]
                s = whits_v[pl.ds(off, _LANES)]
                m = jnp.logical_and(e >= lo_c, e < hi_c)
                cc = _append_compacted(che_v, chs_v, cc, e, s, m, cap=_CCAP)
            return cc

        cc = lax.fori_loop(0, wtrips2, body, jnp.zeros((_LANES,), jnp.int32))
        nc = jnp.minimum(lax.reduce_max(cc, (0,)), jnp.int32(_CCAP))
        che_v[pl.ds(nc, _LANES)] = sent_e
        chs_v[pl.ds(nc, _LANES)] = sent_s
        return (nc + _LANES - 1) // _LANES

    def drain_scatter():
        pltpu.make_async_copy(
            staged_v.at[0], rows_hbm.at[pl.ds(_DUMP, _LANES)], sems).wait()

    def win_start(c):
        return jnp.minimum(b_lo + c * _WIN_BLKS, b_hi - _WIN_BLKS) * jnp.int32(128)

    def drain_win(par):
        pltpu.make_async_copy(
            tbl_t_hbm.at[:, pl.ds(pl.multiple_of(win_start(0), 128), _WIN)],
            win_v.at[par], semw).wait()

    pltpu.async_copy(
        tbl_t_hbm.at[:, pl.ds(pl.multiple_of(win_start(0), 128), _WIN)],
        win_v.at[0], semw)

    def win_body(c, _):
        par = jnp.bitwise_and(c, jnp.int32(1))
        l0 = win_start(c)

        @pl.when(c + 1 < _NWIN)
        def _prefetch():
            pltpu.async_copy(
                tbl_t_hbm.at[:, pl.ds(pl.multiple_of(win_start(c + 1), 128),
                                      _WIN)],
                win_v.at[1 - par], semw)

        drain_win(par)

        ng = filter_hits(l0, l0 + jnp.int32(_WIN))

        def group_body(g, _2):
            gpar = lax.rem(g, jnp.int32(_NSTG))

            @pl.when(g >= _NSTG)
            def _drain():
                drain_scatter()

            e = che_v[pl.ds(g * _LANES, _LANES)]
            s = chs_v[pl.ds(g * _LANES, _LANES)]
            eloc = jnp.minimum(jnp.maximum(e - l0, jnp.int32(0)),
                               jnp.int32(_WIN - 1))
            for d in range(_EMB_DIM):
                dv = jnp.full((_LANES,), d, jnp.int32)
                val = plsc.load_gather(win_v.at[par], [dv, eloc])
                plsc.store_scatter(staged_v.at[gpar], [lane, dv], val)
            pltpu.async_copy(staged_v.at[gpar], rows_hbm.at[s], sems)
            return _2

        lax.fori_loop(0, ng, group_body, jnp.int32(0))

        for t in range(_NSTG):
            @pl.when(ng >= t + 1)
            def _dt():
                drain_scatter()

        return _

    lax.fori_loop(0, _NWIN, win_body, jnp.int32(0))

    ng = filter_hits(jnp.int32(_TAIL0), jnp.int32(_SENT))

    def tail_group(g, _2):
        e = che_v[pl.ds(g * _LANES, _LANES)]
        s = chs_v[pl.ds(g * _LANES, _LANES)]
        base = jnp.minimum(jnp.maximum(e - jnp.int32(_TAIL0), jnp.int32(0)),
                           jnp.int32(63)) * jnp.int32(_EMB_DIM)
        for d in range(_EMB_DIM):
            dv = jnp.full((_LANES,), d, jnp.int32)
            flat = base + d
            val = plsc.load_gather(
                tail_v, [lax.shift_right_logical(flat, jnp.int32(7)),
                         jnp.bitwise_and(flat, jnp.int32(127))])
            plsc.store_scatter(staged_v.at[0], [lane, dv], val)
        cp = pltpu.async_copy(staged_v.at[0], rows_hbm.at[s], sems)
        cp.wait()
        return _2

    lax.fori_loop(0, ng, tail_group, jnp.int32(0))


@functools.partial(
    pl.kernel,
    mesh=plsc.VectorSubcoreMesh(core_axis_name="c", subcore_axis_name="s"),
    compiler_params=pltpu.CompilerParams(needs_layout_passes=False),
    out_type=jax.ShapeDtypeStruct((_NW, 128), jnp.float32),
    scratch_types=[
        pltpu.VMEM((_BCH, 128), jnp.float32),
        pltpu.VMEM((_BCH, 128), jnp.float32),
        pltpu.VMEM((128,), jnp.float32),
        pltpu.SemaphoreType.DMA,
    ],
)
def _pair_loss_sc(rows_hbm, out_hbm, ra_v, rb_v, res_v, sem):
    wid = lax.axis_index("s") * _NC + lax.axis_index("c")
    lane = lax.iota(jnp.int32, _LANES)
    p0 = wid * _PW

    def chunk_body(cb, acc):
        pltpu.sync_copy(rows_hbm.at[pl.ds(p0 + cb * _BCH, _BCH)], ra_v)
        pltpu.sync_copy(
            rows_hbm.at[pl.ds(_NUM_PAIRS + p0 + cb * _BCH, _BCH)], rb_v)

        def group_body(g, acc_in):
            row = g * _LANES + lane
            zero = jnp.zeros((_LANES,), jnp.float32)
            s12, s11, s22 = zero, zero, zero
            for d in range(_EMB_DIM):
                dv = jnp.full((_LANES,), d, jnp.int32)
                a = plsc.load_gather(ra_v, [row, dv])
                b = plsc.load_gather(rb_v, [row, dv])
                s12 = s12 + a * b
                s11 = s11 + a * a
                s22 = s22 + b * b
            r1 = jnp.minimum(_rsqrt_nr(s11), jnp.float32(_EPS_INV))
            r2 = jnp.minimum(_rsqrt_nr(s22), jnp.float32(_EPS_INV))
            return acc_in + (jnp.float32(1.0) - s12 * r1 * r2)

        return lax.fori_loop(0, _BCH // _LANES, group_body, acc)

    acc = lax.fori_loop(0, _PW // _BCH, chunk_body,
                        jnp.zeros((_LANES,), jnp.float32))
    for k in range(128 // _LANES):
        res_v[pl.ds(k * _LANES, _LANES)] = (
            acc if k == 0 else jnp.zeros((_LANES,), jnp.float32))
    pltpu.sync_copy(res_v, out_hbm.at[wid])


def kernel(ent_embeddings, entity_pairs):
    tbl_t = ent_embeddings.T
    pairs_t = entity_pairs.T
    tail = ent_embeddings[_TAIL0:].reshape(16, 128)
    rows = _route_rows_sc(tbl_t, pairs_t, tail)
    partials = _pair_loss_sc(rows)
    return jnp.sum(partials) / jnp.float32(_NUM_PAIRS)

# --- scband reference (transcript-rebuilt; emitter-appended) ---
"""Pipeline reference for scband-entity-alignment-loss-78563541778734 (READ-ONLY COPY).

The authoritative reference and input builder live on the scoring server;
editing this copy changes nothing except your own understanding.
"""

import jax, jax.numpy as jnp
import numpy as np

NUM_ENT = 1000000
EMB_DIM = 32
NUM_PAIRS = 16384


def setup_inputs(seed: int = 0) -> dict:
    key = jax.random.key(seed)
    k1, k2 = jax.random.split(key)
    ent_embeddings = jax.random.normal(k1, (NUM_ENT, EMB_DIM), dtype=jnp.float32)
    entity_pairs = jax.random.randint(k2, (NUM_PAIRS, 2), 0, NUM_ENT, dtype=jnp.int32)
    return {"ent_embeddings": ent_embeddings, "entity_pairs": entity_pairs}


def _l2_normalize(x, eps=1e-12):
    # matches torch.nn.functional.normalize(p=2, dim=1, eps=1e-12)
    norm = jnp.sqrt(jnp.sum(x * x, axis=1, keepdims=True))
    return x / jnp.maximum(norm, eps)


def reference(ent_embeddings, entity_pairs):
    e1_emb = jnp.take(ent_embeddings, entity_pairs[:, 0], axis=0)
    e2_emb = jnp.take(ent_embeddings, entity_pairs[:, 1], axis=0)
    e1_emb_norm = _l2_normalize(e1_emb)
    e2_emb_norm = _l2_normalize(e2_emb)
    cosine_sim = jnp.sum(e1_emb_norm * e2_emb_norm, axis=1)
    align_loss = jnp.mean(1.0 - cosine_sim)
    return align_loss

if __name__ == "__main__":
    import jax
    _d = setup_inputs()
    print(jax.jit(kernel)(*tuple(_d.values())))

</pallas_src>

<mosaic_0001>
#map = affine_map<(d0, d1) -> (0, 0)>
module attributes {stable_mosaic.version = 14 : i64} {
  func.func @_pair_loss_sc(%arg0: i32, %arg1: i32, %arg2: memref<32832x128xf32, #tpu.memory_space<hbm>>, %arg3: memref<32x128xf32, #tpu.memory_space<hbm>>, %arg4: memref<128x128xf32, #tpu.memory_space<vmem>>, %arg5: memref<128x128xf32, #tpu.memory_space<vmem>>, %arg6: memref<128xf32, #tpu.memory_space<vmem>>, %arg7: memref<!tpu.dma_semaphore, #tpu.memory_space<semaphore_mem>>) attributes {dimension_semantics = [#tpu.dimension_semantics<core_parallel>, #tpu.dimension_semantics<subcore_parallel>], iteration_bounds = array<i64: 2, 16>, scalar_prefetch = 0 : i64, scratch_operands = 4 : i64, tpu.core_type = #tpu.core_type<sc_vector_subcore>, window_params = [{transform_indices = #map}, {transform_indices = #map}]} {
    %mul3A = arith.constant 2 : i32
    %mul3A_0 = arith.muli %arg1, %mul3A : i32
    %add3A = arith.addi %mul3A_0, %arg0 : i32
    %iota3A = tpu.iota {dimensions = array<i32: 0>} : vector<16xi32>
    %mul3A_1 = arith.constant 512 : i32
    %mul3A_2 = arith.muli %add3A, %mul3A_1 : i32
    %broadcast_in_dim3A = arith.constant 0.000000e+00 : f32
    %broadcast_in_dim3A_3 = vector.broadcast %broadcast_in_dim3A : f32 to vector<16xf32>
    %scan3A = arith.constant 0 : i32
    %scan3A_4 = arith.constant 4 : i32
    %scan3A_5 = arith.addi %scan3A, %scan3A_4 : i32
    %scan3A_6 = arith.constant 1 : i32
    %scan3A_7 = scf.for %scan3A_38 = %scan3A to %scan3A_5 step %scan3A_6 iter_args(%scan3A_39 = %broadcast_in_dim3A_3) -> (vector<16xf32>)  : i32 {
      %mul3A_40 = arith.constant 128 : i32
      %mul3A_41 = arith.muli %scan3A_38, %mul3A_40 : i32
      %add3A_42 = arith.addi %mul3A_2, %mul3A_41 : i32
      "tpu.region"() ({
        %run_scoped3A = tpu.sem_alloc : memref<!tpu.dma_semaphore, #tpu.memory_space<semaphore_mem>>
        %dma_start3A = arith.constant 0 : i32
        %dma_start3A_54 = tpu.memref_slice %arg2[%add3A_42, %dma_start3A] : memref<32832x128xf32, #tpu.memory_space<hbm>> -> memref<128x128xf32, #tpu.memory_space<hbm>>
        %dma_start3A_55 = arith.constant 0 : i32
        %dma_start3A_56 = tpu.memref_slice %arg2[%add3A_42, %dma_start3A_55] : memref<32832x128xf32, #tpu.memory_space<hbm>> -> memref<128x128xf32, #tpu.memory_space<hbm>>
        tpu.enqueue_dma source(%dma_start3A_56 : memref<128x128xf32, #tpu.memory_space<hbm>>) target(%arg4 : memref<128x128xf32, #tpu.memory_space<vmem>>) target_semaphore(%run_scoped3A : memref<!tpu.dma_semaphore, #tpu.memory_space<semaphore_mem>>)
        %dma_wait3A = arith.constant 0 : i32
        %dma_wait3A_57 = tpu.memref_slice %arg2[%add3A_42, %dma_wait3A] : memref<32832x128xf32, #tpu.memory_space<hbm>> -> memref<128x128xf32, #tpu.memory_space<hbm>>
        %dma_wait3A_58 = arith.constant 0 : i32
        %dma_wait3A_59 = tpu.memref_slice %arg2[%add3A_42, %dma_wait3A_58] : memref<32832x128xf32, #tpu.memory_space<hbm>> -> memref<128x128xf32, #tpu.memory_space<hbm>>
        tpu.wait_dma2 semaphore(%run_scoped3A : memref<!tpu.dma_semaphore, #tpu.memory_space<semaphore_mem>>) src(%dma_wait3A_59 : memref<128x128xf32, #tpu.memory_space<hbm>>) dst(%arg4 : memref<128x128xf32, #tpu.memory_space<vmem>>)
        tpu.yield
      }) : () -> ()
      %add3A_43 = arith.constant 16384 : i32
      %add3A_44 = arith.addi %add3A_43, %mul3A_2 : i32
      %mul3A_45 = arith.constant 128 : i32
      %mul3A_46 = arith.muli %scan3A_38, %mul3A_45 : i32
      %add3A_47 = arith.addi %add3A_44, %mul3A_46 : i32
      "tpu.region"() ({
        %run_scoped3A = tpu.sem_alloc : memref<!tpu.dma_semaphore, #tpu.memory_space<semaphore_mem>>
        %dma_start3A = arith.constant 0 : i32
        %dma_start3A_54 = tpu.memref_slice %arg2[%add3A_47, %dma_start3A] : memref<32832x128xf32, #tpu.memory_space<hbm>> -> memref<128x128xf32, #tpu.memory_space<hbm>>
        %dma_start3A_55 = arith.constant 0 : i32
        %dma_start3A_56 = tpu.memref_slice %arg2[%add3A_47, %dma_start3A_55] : memref<32832x128xf32, #tpu.memory_space<hbm>> -> memref<128x128xf32, #tpu.memory_space<hbm>>
        tpu.enqueue_dma source(%dma_start3A_56 : memref<128x128xf32, #tpu.memory_space<hbm>>) target(%arg5 : memref<128x128xf32, #tpu.memory_space<vmem>>) target_semaphore(%run_scoped3A : memref<!tpu.dma_semaphore, #tpu.memory_space<semaphore_mem>>)
        %dma_wait3A = arith.constant 0 : i32
        %dma_wait3A_57 = tpu.memref_slice %arg2[%add3A_47, %dma_wait3A] : memref<32832x128xf32, #tpu.memory_space<hbm>> -> memref<128x128xf32, #tpu.memory_space<hbm>>
        %dma_wait3A_58 = arith.constant 0 : i32
        %dma_wait3A_59 = tpu.memref_slice %arg2[%add3A_47, %dma_wait3A_58] : memref<32832x128xf32, #tpu.memory_space<hbm>> -> memref<128x128xf32, #tpu.memory_space<hbm>>
        tpu.wait_dma2 semaphore(%run_scoped3A : memref<!tpu.dma_semaphore, #tpu.memory_space<semaphore_mem>>) src(%dma_wait3A_59 : memref<128x128xf32, #tpu.memory_space<hbm>>) dst(%arg5 : memref<128x128xf32, #tpu.memory_space<vmem>>)
        tpu.yield
      }) : () -> ()
      %scan3A_48 = arith.constant 0 : i32
      %scan3A_49 = arith.constant 8 : i32
      %scan3A_50 = arith.addi %scan3A_48, %scan3A_49 : i32
      %scan3A_51 = arith.constant 1 : i32
      %scan3A_52 = scf.for %scan3A_54 = %scan3A_48 to %scan3A_50 step %scan3A_51 iter_args(%scan3A_55 = %scan3A_39) -> (vector<16xf32>)  : i32 {
        %mul3A_56 = arith.constant 16 : i32
        %mul3A_57 = arith.muli %scan3A_54, %mul3A_56 : i32
        %add3A_58 = vector.broadcast %mul3A_57 : i32 to vector<16xi32>
        %add3A_59 = arith.addi %add3A_58, %iota3A : vector<16xi32>
        %broadcast_in_dim3A_60 = arith.constant 0.000000e+00 : f32
        %broadcast_in_dim3A_61 = vector.broadcast %broadcast_in_dim3A_60 : f32 to vector<16xf32>
        %broadcast_in_dim3A_62 = arith.constant 0 : i32
        %broadcast_in_dim3A_63 = vector.broadcast %broadcast_in_dim3A_62 : i32 to vector<16xi32>
        %gather3A = tpu.vector_load_idx %arg4[%add3A_59, %broadcast_in_dim3A_63] : memref<128x128xf32, #tpu.memory_space<vmem>>[vector<16xi32>, vector<16xi32>], vector<16xf32>,
        %gather3A_64 = tpu.vector_load_idx %arg5[%add3A_59, %broadcast_in_dim3A_63] : memref<128x128xf32, #tpu.memory_space<vmem>>[vector<16xi32>, vector<16xi32>], vector<16xf32>,
        %mul3A_65 = arith.mulf %gather3A, %gather3A_64 : vector<16xf32>
        %add3A_66 = arith.addf %broadcast_in_dim3A_61, %mul3A_65 : vector<16xf32>
        %mul3A_67 = arith.mulf %gather3A, %gather3A : vector<16xf32>
        %add3A_68 = arith.addf %broadcast_in_dim3A_61, %mul3A_67 : vector<16xf32>
        %mul3A_69 = arith.mulf %gather3A_64, %gather3A_64 : vector<16xf32>
        %add3A_70 = arith.addf %broadcast_in_dim3A_61, %mul3A_69 : vector<16xf32>
        %broadcast_in_dim3A_71 = arith.constant 1 : i32
        %broadcast_in_dim3A_72 = vector.broadcast %broadcast_in_dim3A_71 : i32 to vector<16xi32>
        %gather3A_73 = tpu.vector_load_idx %arg4[%add3A_59, %broadcast_in_dim3A_72] : memref<128x128xf32, #tpu.memory_space<vmem>>[vector<16xi32>, vector<16xi32>], vector<16xf32>,
        %gather3A_74 = tpu.vector_load_idx %arg5[%add3A_59, %broadcast_in_dim3A_72] : memref<128x128xf32, #tpu.memory_space<vmem>>[vector<16xi32>, vector<16xi32>], vector<16xf32>,
        %mul3A_75 = arith.mulf %gather3A_73, %gather3A_74 : vector<16xf32>
        %add3A_76 = arith.addf %add3A_66, %mul3A_75 : vector<16xf32>
        %mul3A_77 = arith.mulf %gather3A_73, %gather3A_73 : vector<16xf32>
        %add3A_78 = arith.addf %add3A_68, %mul3A_77 : vector<16xf32>
        %mul3A_79 = arith.mulf %gather3A_74, %gather3A_74 : vector<16xf32>
        %add3A_80 = arith.addf %add3A_70, %mul3A_79 : vector<16xf32>
        %broadcast_in_dim3A_81 = arith.constant 2 : i32
        %broadcast_in_dim3A_82 = vector.broadcast %broadcast_in_dim3A_81 : i32 to vector<16xi32>
        %gather3A_83 = tpu.vector_load_idx %arg4[%add3A_59, %broadcast_in_dim3A_82] : memref<128x128xf32, #tpu.memory_space<vmem>>[vector<16xi32>, vector<16xi32>], vector<16xf32>,
        %gather3A_84 = tpu.vector_load_idx %arg5[%add3A_59, %broadcast_in_dim3A_82] : memref<128x128xf32, #tpu.memory_space<vmem>>[vector<16xi32>, vector<16xi32>], vector<16xf32>,
        %mul3A_85 = arith.mulf %gather3A_83, %gather3A_84 : vector<16xf32>
        %add3A_86 = arith.addf %add3A_76, %mul3A_85 : vector<16xf32>
        %mul3A_87 = arith.mulf %gather3A_83, %gather3A_83 : vector<16xf32>
        %add3A_88 = arith.addf %add3A_78, %mul3A_87 : vector<16xf32>
        %mul3A_89 = arith.mulf %gather3A_84, %gather3A_84 : vector<16xf32>
        %add3A_90 = arith.addf %add3A_80, %mul3A_89 : vector<16xf32>
        %broadcast_in_dim3A_91 = arith.constant 3 : i32
        %broadcast_in_dim3A_92 = vector.broadcast %broadcast_in_dim3A_91 : i32 to vector<16xi32>
        %gather3A_93 = tpu.vector_load_idx %arg4[%add3A_59, %broadcast_in_dim3A_92] : memref<128x128xf32, #tpu.memory_space<vmem>>[vector<16xi32>, vector<16xi32>], vector<16xf32>,
        %gather3A_94 = tpu.vector_load_idx %arg5[%add3A_59, %broadcast_in_dim3A_92] : memref<128x128xf32, #tpu.memory_space<vmem>>[vector<16xi32>, vector<16xi32>], vector<16xf32>,
        %mul3A_95 = arith.mulf %gather3A_93, %gather3A_94 : vector<16xf32>
        %add3A_96 = arith.addf %add3A_86, %mul3A_95 : vector<16xf32>
        %mul3A_97 = arith.mulf %gather3A_93, %gather3A_93 : vector<16xf32>
        %add3A_98 = arith.addf %add3A_88, %mul3A_97 : vector<16xf32>
        %mul3A_99 = arith.mulf %gather3A_94, %gather3A_94 : vector<16xf32>
        %add3A_100 = arith.addf %add3A_90, %mul3A_99 : vector<16xf32>
        %broadcast_in_dim3A_101 = arith.constant 4 : i32
        %broadcast_in_dim3A_102 = vector.broadcast %broadcast_in_dim3A_101 : i32 to vector<16xi32>
        %gather3A_103 = tpu.vector_load_idx %arg4[%add3A_59, %broadcast_in_dim3A_102] : memref<128x128xf32, #tpu.memory_space<vmem>>[vector<16xi32>, vector<16xi32>], vector<16xf32>,
        %gather3A_104 = tpu.vector_load_idx %arg5[%add3A_59, %broadcast_in_dim3A_102] : memref<128x128xf32, #tpu.memory_space<vmem>>[vector<16xi32>, vector<16xi32>], vector<16xf32>,
        %mul3A_105 = arith.mulf %gather3A_103, %gather3A_104 : vector<16xf32>
        %add3A_106 = arith.addf %add3A_96, %mul3A_105 : vector<16xf32>
        %mul3A_107 = arith.mulf %gather3A_103, %gather3A_103 : vector<16xf32>
        %add3A_108 = arith.addf %add3A_98, %mul3A_107 : vector<16xf32>
        %mul3A_109 = arith.mulf %gather3A_104, %gather3A_104 : vector<16xf32>
        %add3A_110 = arith.addf %add3A_100, %mul3A_109 : vector<16xf32>
        %broadcast_in_dim3A_111 = arith.constant 5 : i32
        %broadcast_in_dim3A_112 = vector.broadcast %broadcast_in_dim3A_111 : i32 to vector<16xi32>
        %gather3A_113 = tpu.vector_load_idx %arg4[%add3A_59, %broadcast_in_dim3A_112] : memref<128x128xf32, #tpu.memory_space<vmem>>[vector<16xi32>, vector<16xi32>], vector<16xf32>,
        %gather3A_114 = tpu.vector_load_idx %arg5[%add3A_59, %broadcast_in_dim3A_112] : memref<128x128xf32, #tpu.memory_space<vmem>>[vector<16xi32>, vector<16xi32>], vector<16xf32>,
        %mul3A_115 = arith.mulf %gather3A_113, %gather3A_114 : vector<16xf32>
        %add3A_116 = arith.addf %add3A_106, %mul3A_115 : vector<16xf32>
        %mul3A_117 = arith.mulf %gather3A_113, %gather3A_113 : vector<16xf32>
        %add3A_118 = arith.addf %add3A_108, %mul3A_117 : vector<16xf32>
        %mul3A_119 = arith.mulf %gather3A_114, %gather3A_114 : vector<16xf32>
        %add3A_120 = arith.addf %add3A_110, %mul3A_119 : vector<16xf32>
        %broadcast_in_dim3A_121 = arith.constant 6 : i32
        %broadcast_in_dim3A_122 = vector.broadcast %broadcast_in_dim3A_121 : i32 to vector<16xi32>
        %gather3A_123 = tpu.vector_load_idx %arg4[%add3A_59, %broadcast_in_dim3A_122] : memref<128x128xf32, #tpu.memory_space<vmem>>[vector<16xi32>, vector<16xi32>], vector<16xf32>,
        %gather3A_124 = tpu.vector_load_idx %arg5[%add3A_59, %broadcast_in_dim3A_122] : memref<128x128xf32, #tpu.memory_space<vmem>>[vector<16xi32>, vector<16xi32>], vector<16xf32>,
        %mul3A_125 = arith.mulf %gather3A_123, %gather3A_124 : vector<16xf32>
        %add3A_126 = arith.addf %add3A_116, %mul3A_125 : vector<16xf32>
        %mul3A_127 = arith.mulf %gather3A_123, %gather3A_123 : vector<16xf32>
        %add3A_128 = arith.addf %add3A_118, %mul3A_127 : vector<16xf32>
        %mul3A_129 = arith.mulf %gather3A_124, %gather3A_124 : vector<16xf32>
        %add3A_130 = arith.addf %add3A_120, %mul3A_129 : vector<16xf32>
        %broadcast_in_dim3A_131 = arith.constant 7 : i32
        %broadcast_in_dim3A_132 = vector.broadcast %broadcast_in_dim3A_131 : i32 to vector<16xi32>
        %gather3A_133 = tpu.vector_load_idx %arg4[%add3A_59, %broadcast_in_dim3A_132] : memref<128x128xf32, #tpu.memory_space<vmem>>[vector<16xi32>, vector<16xi32>], vector<16xf32>,
        %gather3A_134 = tpu.vector_load_idx %arg5[%add3A_59, %broadcast_in_dim3A_132] : memref<128x128xf32, #tpu.memory_space<vmem>>[vector<16xi32>, vector<16xi32>], vector<16xf32>,
        %mul3A_135 = arith.mulf %gather3A_133, %gather3A_134 : vector<16xf32>
        %add3A_136 = arith.addf %add3A_126, %mul3A_135 : vector<16xf32>
        %mul3A_137 = arith.mulf %gather3A_133, %gather3A_133 : vector<16xf32>
        %add3A_138 = arith.addf %add3A_128, %mul3A_137 : vector<16xf32>
        %mul3A_139 = arith.mulf %gather3A_134, %gather3A_134 : vector<16xf32>
        %add3A_140 = arith.addf %add3A_130, %mul3A_139 : vector<16xf32>
        %broadcast_in_dim3A_141 = arith.constant 8 : i32
        %broadcast_in_dim3A_142 = vector.broadcast %broadcast_in_dim3A_141 : i32 to vector<16xi32>
        %gather3A_143 = tpu.vector_load_idx %arg4[%add3A_59, %broadcast_in_dim3A_142] : memref<128x128xf32, #tpu.memory_space<vmem>>[vector<16xi32>, vector<16xi32>], vector<16xf32>,
        %gather3A_144 = tpu.vector_load_idx %arg5[%add3A_59, %broadcast_in_dim3A_142] : memref<128x128xf32, #tpu.memory_space<vmem>>[vector<16xi32>, vector<16xi32>], vector<16xf32>,
        %mul3A_145 = arith.mulf %gather3A_143, %gather3A_144 : vector<16xf32>
        %add3A_146 = arith.addf %add3A_136, %mul3A_145 : vector<16xf32>
        %mul3A_147 = arith.mulf %gather3A_143, %gather3A_143 : vector<16xf32>
        %add3A_148 = arith.addf %add3A_138, %mul3A_147 : vector<16xf32>
        %mul3A_149 = arith.mulf %gather3A_144, %gather3A_144 : vector<16xf32>
        %add3A_150 = arith.addf %add3A_140, %mul3A_149 : vector<16xf32>
        %broadcast_in_dim3A_151 = arith.constant 9 : i32
        %broadcast_in_dim3A_152 = vector.broadcast %broadcast_in_dim3A_151 : i32 to vector<16xi32>
        %gather3A_153 = tpu.vector_load_idx %arg4[%add3A_59, %broadcast_in_dim3A_152] : memref<128x128xf32, #tpu.memory_space<vmem>>[vector<16xi32>, vector<16xi32>], vector<16xf32>,
        %gather3A_154 = tpu.vector_load_idx %arg5[%add3A_59, %broadcast_in_dim3A_152] : memref<128x128xf32, #tpu.memory_space<vmem>>[vector<16xi32>, vector<16xi32>], vector<16xf32>,
        %mul3A_155 = arith.mulf %gather3A_153, %gather3A_154 : vector<16xf32>
        %add3A_156 = arith.addf %add3A_146, %mul3A_155 : vector<16xf32>
        %mul3A_157 = arith.mulf %gather3A_153, %gather3A_153 : vector<16xf32>
        %add3A_158 = arith.addf %add3A_148, %mul3A_157 : vector<16xf32>
        %mul3A_159 = arith.mulf %gather3A_154, %gather3A_154 : vector<16xf32>
        %add3A_160 = arith.addf %add3A_150, %mul3A_159 : vector<16xf32>
        %broadcast_in_dim3A_161 = arith.constant 10 : i32
        %broadcast_in_dim3A_162 = vector.broadcast %broadcast_in_dim3A_161 : i32 to vector<16xi32>
        %gather3A_163 = tpu.vector_load_idx %arg4[%add3A_59, %broadcast_in_dim3A_162] : memref<128x128xf32, #tpu.memory_space<vmem>>[vector<16xi32>, vector<16xi32>], vector<16xf32>,
        %gather3A_164 = tpu.vector_load_idx %arg5[%add3A_59, %broadcast_in_dim3A_162] : memref<128x128xf32, #tpu.memory_space<vmem>>[vector<16xi32>, vector<16xi32>], vector<16xf32>,
        %mul3A_165 = arith.mulf %gather3A_163, %gather3A_164 : vector<16xf32>
        %add3A_166 = arith.addf %add3A_156, %mul3A_165 : vector<16xf32>
        %mul3A_167 = arith.mulf %gather3A_163, %gather3A_163 : vector<16xf32>
        %add3A_168 = arith.addf %add3A_158, %mul3A_167 : vector<16xf32>
        %mul3A_169 = arith.mulf %gather3A_164, %gather3A_164 : vector<16xf32>
        %add3A_170 = arith.addf %add3A_160, %mul3A_169 : vector<16xf32>
        %broadcast_in_dim3A_171 = arith.constant 11 : i32
        %broadcast_in_dim3A_172 = vector.broadcast %broadcast_in_dim3A_171 : i32 to vector<16xi32>
        %gather3A_173 = tpu.vector_load_idx %arg4[%add3A_59, %broadcast_in_dim3A_172] : memref<128x128xf32, #tpu.memory_space<vmem>>[vector<16xi32>, vector<16xi32>], vector<16xf32>,
        %gather3A_174 = tpu.vector_load_idx %arg5[%add3A_59, %broadcast_in_dim3A_172] : memref<128x128xf32, #tpu.memory_space<vmem>>[vector<16xi32>, vector<16xi32>], vector<16xf32>,
        %mul3A_175 = arith.mulf %gather3A_173, %gather3A_174 : vector<16xf32>
        %add3A_176 = arith.addf %add3A_166, %mul3A_175 : vector<16xf32>
        %mul3A_177 = arith.mulf %gather3A_173, %gather3A_173 : vector<16xf32>
        %add3A_178 = arith.addf %add3A_168, %mul3A_177 : vector<16xf32>
        %mul3A_179 = arith.mulf %gather3A_174, %gather3A_174 : vector<16xf32>
        %add3A_180 = arith.addf %add3A_170, %mul3A_179 : vector<16xf32>
        %broadcast_in_dim3A_181 = arith.constant 12 : i32
        %broadcast_in_dim3A_182 = vector.broadcast %broadcast_in_dim3A_181 : i32 to vector<16xi32>
        %gather3A_183 = tpu.vector_load_idx %arg4[%add3A_59, %broadcast_in_dim3A_182] : memref<128x128xf32, #tpu.memory_space<vmem>>[vector<16xi32>, vector<16xi32>], vector<16xf32>,
        %gather3A_184 = tpu.vector_load_idx %arg5[%add3A_59, %broadcast_in_dim3A_182] : memref<128x128xf32, #tpu.memory_space<vmem>>[vector<16xi32>, vector<16xi32>], vector<16xf32>,
        %mul3A_185 = arith.mulf %gather3A_183, %gather3A_184 : vector<16xf32>
        %add3A_186 = arith.addf %add3A_176, %mul3A_185 : vector<16xf32>
        %mul3A_187 = arith.mulf %gather3A_183, %gather3A_183 : vector<16xf32>
        %add3A_188 = arith.addf %add3A_178, %mul3A_187 : vector<16xf32>
        %mul3A_189 = arith.mulf %gather3A_184, %gather3A_184 : vector<16xf32>
        %add3A_190 = arith.addf %add3A_180, %mul3A_189 : vector<16xf32>
        %broadcast_in_dim3A_191 = arith.constant 13 : i32
        %broadcast_in_dim3A_192 = vector.broadcast %broadcast_in_dim3A_191 : i32 to vector<16xi32>
        %gather3A_193 = tpu.vector_load_idx %arg4[%add3A_59, %broadcast_in_dim3A_192] : memref<128x128xf32, #tpu.memory_space<vmem>>[vector<16xi32>, vector<16xi32>], vector<16xf32>,
        %gather3A_194 = tpu.vector_load_idx %arg5[%add3A_59, %broadcast_in_dim3A_192] : memref<128x128xf32, #tpu.memory_space<vmem>>[vector<16xi32>, vector<16xi32>], vector<16xf32>,
        %mul3A_195 = arith.mulf %gather3A_193, %gather3A_194 : vector<16xf32>
        %add3A_196 = arith.addf %add3A_186, %mul3A_195 : vector<16xf32>
        %mul3A_197 = arith.mulf %gather3A_193, %gather3A_193 : vector<16xf32>
        %add3A_198 = arith.addf %add3A_188, %mul3A_197 : vector<16xf32>
        %mul3A_199 = arith.mulf %gather3A_194, %gather3A_194 : vector<16xf32>
        %add3A_200 = arith.addf %add3A_190, %mul3A_199 : vector<16xf32>
        %broadcast_in_dim3A_201 = arith.constant 14 : i32
        %broadcast_in_dim3A_202 = vector.broadcast %broadcast_in_dim3A_201 : i32 to vector<16xi32>
        %gather3A_203 = tpu.vector_load_idx %arg4[%add3A_59, %broadcast_in_dim3A_202] : memref<128x128xf32, #tpu.memory_space<vmem>>[vector<16xi32>, vector<16xi32>], vector<16xf32>,
        %gather3A_204 = tpu.vector_load_idx %arg5[%add3A_59, %broadcast_in_dim3A_202] : memref<128x128xf32, #tpu.memory_space<vmem>>[vector<16xi32>, vector<16xi32>], vector<16xf32>,
        %mul3A_205 = arith.mulf %gather3A_203, %gather3A_204 : vector<16xf32>
        %add3A_206 = arith.addf %add3A_196, %mul3A_205 : vector<16xf32>
        %mul3A_207 = arith.mulf %gather3A_203, %gather3A_203 : vector<16xf32>
        %add3A_208 = arith.addf %add3A_198, %mul3A_207 : vector<16xf32>
        %mul3A_209 = arith.mulf %gather3A_204, %gather3A_204 : vector<16xf32>
        %add3A_210 = arith.addf %add3A_200, %mul3A_209 : vector<16xf32>
        %broadcast_in_dim3A_211 = arith.constant 15 : i32
        %broadcast_in_dim3A_212 = vector.broadcast %broadcast_in_dim3A_211 : i32 to vector<16xi32>
        %gather3A_213 = tpu.vector_load_idx %arg4[%add3A_59, %broadcast_in_dim3A_212] : memref<128x128xf32, #tpu.memory_space<vmem>>[vector<16xi32>, vector<16xi32>], vector<16xf32>,
        %gather3A_214 = tpu.vector_load_idx %arg5[%add3A_59, %broadcast_in_dim3A_212] : memref<128x128xf32, #tpu.memory_space<vmem>>[vector<16xi32>, vector<16xi32>], vector<16xf32>,
        %mul3A_215 = arith.mulf %gather3A_213, %gather3A_214 : vector<16xf32>
        %add3A_216 = arith.addf %add3A_206, %mul3A_215 : vector<16xf32>
        %mul3A_217 = arith.mulf %gather3A_213, %gather3A_213 : vector<16xf32>
        %add3A_218 = arith.addf %add3A_208, %mul3A_217 : vector<16xf32>
        %mul3A_219 = arith.mulf %gather3A_214, %gather3A_214 : vector<16xf32>
        %add3A_220 = arith.addf %add3A_210, %mul3A_219 : vector<16xf32>
        %broadcast_in_dim3A_221 = arith.constant 16 : i32
        %broadcast_in_dim3A_222 = vector.broadcast %broadcast_in_dim3A_221 : i32 to vector<16xi32>
        %gather3A_223 = tpu.vector_load_idx %arg4[%add3A_59, %broadcast_in_dim3A_222] : memref<128x128xf32, #tpu.memory_space<vmem>>[vector<16xi32>, vector<16xi32>], vector<16xf32>,
        %gather3A_224 = tpu.vector_load_idx %arg5[%add3A_59, %broadcast_in_dim3A_222] : memref<128x128xf32, #tpu.memory_space<vmem>>[vector<16xi32>, vector<16xi32>], vector<16xf32>,
        %mul3A_225 = arith.mulf %gather3A_223, %gather3A_224 : vector<16xf32>
        %add3A_226 = arith.addf %add3A_216, %mul3A_225 : vector<16xf32>
        %mul3A_227 = arith.mulf %gather3A_223, %gather3A_223 : vector<16xf32>
        %add3A_228 = arith.addf %add3A_218, %mul3A_227 : vector<16xf32>
        %mul3A_229 = arith.mulf %gather3A_224, %gather3A_224 : vector<16xf32>
        %add3A_230 = arith.addf %add3A_220, %mul3A_229 : vector<16xf32>
        %broadcast_in_dim3A_231 = arith.constant 17 : i32
        %broadcast_in_dim3A_232 = vector.broadcast %broadcast_in_dim3A_231 : i32 to vector<16xi32>
        %gather3A_233 = tpu.vector_load_idx %arg4[%add3A_59, %broadcast_in_dim3A_232] : memref<128x128xf32, #tpu.memory_space<vmem>>[vector<16xi32>, vector<16xi32>], vector<16xf32>,
        %gather3A_234 = tpu.vector_load_idx %arg5[%add3A_59, %broadcast_in_dim3A_232] : memref<128x128xf32, #tpu.memory_space<vmem>>[vector<16xi32>, vector<16xi32>], vector<16xf32>,
        %mul3A_235 = arith.mulf %gather3A_233, %gather3A_234 : vector<16xf32>
        %add3A_236 = arith.addf %add3A_226, %mul3A_235 : vector<16xf32>
        %mul3A_237 = arith.mulf %gather3A_233, %gather3A_233 : vector<16xf32>
        %add3A_238 = arith.addf %add3A_228, %mul3A_237 : vector<16xf32>
        %mul3A_239 = arith.mulf %gather3A_234, %gather3A_234 : vector<16xf32>
        %add3A_240 = arith.addf %add3A_230, %mul3A_239 : vector<16xf32>
        %broadcast_in_dim3A_241 = arith.constant 18 : i32
        %broadcast_in_dim3A_242 = vector.broadcast %broadcast_in_dim3A_241 : i32 to vector<16xi32>
        %gather3A_243 = tpu.vector_load_idx %arg4[%add3A_59, %broadcast_in_dim3A_242] : memref<128x128xf32, #tpu.memory_space<vmem>>[vector<16xi32>, vector<16xi32>], vector<16xf32>,
        %gather3A_244 = tpu.vector_load_idx %arg5[%add3A_59, %broadcast_in_dim3A_242] : memref<128x128xf32, #tpu.memory_space<vmem>>[vector<16xi32>, vector<16xi32>], vector<16xf32>,
        %mul3A_245 = arith.mulf %gather3A_243, %gather3A_244 : vector<16xf32>
        %add3A_246 = arith.addf %add3A_236, %mul3A_245 : vector<16xf32>
        %mul3A_247 = arith.mulf %gather3A_243, %gather3A_243 : vector<16xf32>
        %add3A_248 = arith.addf %add3A_238, %mul3A_247 : vector<16xf32>
        %mul3A_249 = arith.mulf %gather3A_244, %gather3A_244 : vector<16xf32>
        %add3A_250 = arith.addf %add3A_240, %mul3A_249 : vector<16xf32>
        %broadcast_in_dim3A_251 = arith.constant 19 : i32
        %broadcast_in_dim3A_252 = vector.broadcast %broadcast_in_dim3A_251 : i32 to vector<16xi32>
        %gather3A_253 = tpu.vector_load_idx %arg4[%add3A_59, %broadcast_in_dim3A_252] : memref<128x128xf32, #tpu.memory_space<vmem>>[vector<16xi32>, vector<16xi32>], vector<16xf32>,
        %gather3A_254 = tpu.vector_load_idx %arg5[%add3A_59, %broadcast_in_dim3A_252] : memref<128x128xf32, #tpu.memory_space<vmem>>[vector<16xi32>, vector<16xi32>], vector<16xf32>,
        %mul3A_255 = arith.mulf %gather3A_253, %gather3A_254 : vector<16xf32>
        %add3A_256 = arith.addf %add3A_246, %mul3A_255 : vector<16xf32>
        %mul3A_257 = arith.mulf %gather3A_253, %gather3A_253 : vector<16xf32>
        %add3A_258 = arith.addf %add3A_248, %mul3A_257 : vector<16xf32>
        %mul3A_259 = arith.mulf %gather3A_254, %gather3A_254 : vector<16xf32>
        %add3A_260 = arith.addf %add3A_250, %mul3A_259 : vector<16xf32>
        %broadcast_in_dim3A_261 = arith.constant 20 : i32
        %broadcast_in_dim3A_262 = vector.broadcast %broadcast_in_dim3A_261 : i32 to vector<16xi32>
        %gather3A_263 = tpu.vector_load_idx %arg4[%add3A_59, %broadcast_in_dim3A_262] : memref<128x128xf32, #tpu.memory_space<vmem>>[vector<16xi32>, vector<16xi32>], vector<16xf32>,
        %gather3A_264 = tpu.vector_load_idx %arg5[%add3A_59, %broadcast_in_dim3A_262] : memref<128x128xf32, #tpu.memory_space<vmem>>[vector<16xi32>, vector<16xi32>], vector<16xf32>,
        %mul3A_265 = arith.mulf %gather3A_263, %gather3A_264 : vector<16xf32>
        %add3A_266 = arith.addf %add3A_256, %mul3A_265 : vector<16xf32>
        %mul3A_267 = arith.mulf %gather3A_263, %gather3A_263 : vector<16xf32>
        %add3A_268 = arith.addf %add3A_258, %mul3A_267 : vector<16xf32>
        %mul3A_269 = arith.mulf %gather3A_264, %gather3A_264 : vector<16xf32>
        %add3A_270 = arith.addf %add3A_260, %mul3A_269 : vector<16xf32>
        %broadcast_in_dim3A_271 = arith.constant 21 : i32
        %broadcast_in_dim3A_272 = vector.broadcast %broadcast_in_dim3A_271 : i32 to vector<16xi32>
        %gather3A_273 = tpu.vector_load_idx %arg4[%add3A_59, %broadcast_in_dim3A_272] : memref<128x128xf32, #tpu.memory_space<vmem>>[vector<16xi32>, vector<16xi32>], vector<16xf32>,
        %gather3A_274 = tpu.vector_load_idx %arg5[%add3A_59, %broadcast_in_dim3A_272] : memref<128x128xf32, #tpu.memory_space<vmem>>[vector<16xi32>, vector<16xi32>], vector<16xf32>,
        %mul3A_275 = arith.mulf %gather3A_273, %gather3A_274 : vector<16xf32>
        %add3A_276 = arith.addf %add3A_266, %mul3A_275 : vector<16xf32>
        %mul3A_277 = arith.mulf %gather3A_273, %gather3A_273 : vector<16xf32>
        %add3A_278 = arith.addf %add3A_268, %mul3A_277 : vector<16xf32>
        %mul3A_279 = arith.mulf %gather3A_274, %gather3A_274 : vector<16xf32>
        %add3A_280 = arith.addf %add3A_270, %mul3A_279 : vector<16xf32>
        %broadcast_in_dim3A_281 = arith.constant 22 : i32
        %broadcast_in_dim3A_282 = vector.broadcast %broadcast_in_dim3A_281 : i32 to vector<16xi32>
        %gather3A_283 = tpu.vector_load_idx %arg4[%add3A_59, %broadcast_in_dim3A_282] : memref<128x128xf32, #tpu.memory_space<vmem>>[vector<16xi32>, vector<16xi32>], vector<16xf32>,
        %gather3A_284 = tpu.vector_load_idx %arg5[%add3A_59, %broadcast_in_dim3A_282] : memref<128x128xf32, #tpu.memory_space<vmem>>[vector<16xi32>, vector<16xi32>], vector<16xf32>,
        %mul3A_285 = arith.mulf %gather3A_283, %gather3A_284 : vector<16xf32>
        %add3A_286 = arith.addf %add3A_276, %mul3A_285 : vector<16xf32>
        %mul3A_287 = arith.mulf %gather3A_283, %gather3A_283 : vector<16xf32>
        %add3A_288 = arith.addf %add3A_278, %mul3A_287 : vector<16xf32>
        %mul3A_289 = arith.mulf %gather3A_284, %gather3A_284 : vector<16xf32>
        %add3A_290 = arith.addf %add3A_280, %mul3A_289 : vector<16xf32>
        %broadcast_in_dim3A_291 = arith.constant 23 : i32
        %broadcast_in_dim3A_292 = vector.broadcast %broadcast_in_dim3A_291 : i32 to vector<16xi32>
        %gather3A_293 = tpu.vector_load_idx %arg4[%add3A_59, %broadcast_in_dim3A_292] : memref<128x128xf32, #tpu.memory_space<vmem>>[vector<16xi32>, vector<16xi32>], vector<16xf32>,
        %gather3A_294 = tpu.vector_load_idx %arg5[%add3A_59, %broadcast_in_dim3A_292] : memref<128x128xf32, #tpu.memory_space<vmem>>[vector<16xi32>, vector<16xi32>], vector<16xf32>,
        %mul3A_295 = arith.mulf %gather3A_293, %gather3A_294 : vector<16xf32>
        %add3A_296 = arith.addf %add3A_286, %mul3A_295 : vector<16xf32>
        %mul3A_297 = arith.mulf %gather3A_293, %gather3A_293 : vector<16xf32>
        %add3A_298 = arith.addf %add3A_288, %mul3A_297 : vector<16xf32>
        %mul3A_299 = arith.mulf %gather3A_294, %gather3A_294 : vector<16xf32>
        %add3A_300 = arith.addf %add3A_290, %mul3A_299 : vector<16xf32>
        %broadcast_in_dim3A_301 = arith.constant 24 : i32
        %broadcast_in_dim3A_302 = vector.broadcast %broadcast_in_dim3A_301 : i32 to vector<16xi32>
        %gather3A_303 = tpu.vector_load_idx %arg4[%add3A_59, %broadcast_in_dim3A_302] : memref<128x128xf32, #tpu.memory_space<vmem>>[vector<16xi32>, vector<16xi32>], vector<16xf32>,
        %gather3A_304 = tpu.vector_load_idx %arg5[%add3A_59, %broadcast_in_dim3A_302] : memref<128x128xf32, #tpu.memory_space<vmem>>[vector<16xi32>, vector<16xi32>], vector<16xf32>,
        %mul3A_305 = arith.mulf %gather3A_303, %gather3A_304 : vector<16xf32>
        %add3A_306 = arith.addf %add3A_296, %mul3A_305 : vector<16xf32>
        %mul3A_307 = arith.mulf %gather3A_303, %gather3A_303 : vector<16xf32>
        %add3A_308 = arith.addf %add3A_298, %mul3A_307 : vector<16xf32>
        %mul3A_309 = arith.mulf %gather3A_304, %gather3A_304 : vector<16xf32>
        %add3A_310 = arith.addf %add3A_300, %mul3A_309 : vector<16xf32>
        %broadcast_in_dim3A_311 = arith.constant 25 : i32
        %broadcast_in_dim3A_312 = vector.broadcast %broadcast_in_dim3A_311 : i32 to vector<16xi32>
        %gather3A_313 = tpu.vector_load_idx %arg4[%add3A_59, %broadcast_in_dim3A_312] : memref<128x128xf32, #tpu.memory_space<vmem>>[vector<16xi32>, vector<16xi32>], vector<16xf32>,
        %gather3A_314 = tpu.vector_load_idx %arg5[%add3A_59, %broadcast_in_dim3A_312] : memref<128x128xf32, #tpu.memory_space<vmem>>[vector<16xi32>, vector<16xi32>], vector<16xf32>,
        %mul3A_315 = arith.mulf %gather3A_313, %gather3A_314 : vector<16xf32>
        %add3A_316 = arith.addf %add3A_306, %mul3A_315 : vector<16xf32>
        %mul3A_317 = arith.mulf %gather3A_313, %gather3A_313 : vector<16xf32>
        %add3A_318 = arith.addf %add3A_308, %mul3A_317 : vector<16xf32>
        %mul3A_319 = arith.mulf %gather3A_314, %gather3A_314 : vector<16xf32>
        %add3A_320 = arith.addf %add3A_310, %mul3A_319 : vector<16xf32>
        %broadcast_in_dim3A_321 = arith.constant 26 : i32
        %broadcast_in_dim3A_322 = vector.broadcast %broadcast_in_dim3A_321 : i32 to vector<16xi32>
        %gather3A_323 = tpu.vector_load_idx %arg4[%add3A_59, %broadcast_in_dim3A_322] : memref<128x128xf32, #tpu.memory_space<vmem>>[vector<16xi32>, vector<16xi32>], vector<16xf32>,
        %gather3A_324 = tpu.vector_load_idx %arg5[%add3A_59, %broadcast_in_dim3A_322] : memref<128x128xf32, #tpu.memory_space<vmem>>[vector<16xi32>, vector<16xi32>], vector<16xf32>,
        %mul3A_325 = arith.mulf %gather3A_323, %gather3A_324 : vector<16xf32>
        %add3A_326 = arith.addf %add3A_316, %mul3A_325 : vector<16xf32>
        %mul3A_327 = arith.mulf %gather3A_323, %gather3A_323 : vector<16xf32>
        %add3A_328 = arith.addf %add3A_318, %mul3A_327 : vector<16xf32>
        %mul3A_329 = arith.mulf %gather3A_324, %gather3A_324 : vector<16xf32>
        %add3A_330 = arith.addf %add3A_320, %mul3A_329 : vector<16xf32>
        %broadcast_in_dim3A_331 = arith.constant 27 : i32
        %broadcast_in_dim3A_332 = vector.broadcast %broadcast_in_dim3A_331 : i32 to vector<16xi32>
        %gather3A_333 = tpu.vector_load_idx %arg4[%add3A_59, %broadcast_in_dim3A_332] : memref<128x128xf32, #tpu.memory_space<vmem>>[vector<16xi32>, vector<16xi32>], vector<16xf32>,
        %gather3A_334 = tpu.vector_load_idx %arg5[%add3A_59, %broadcast_in_dim3A_332] : memref<128x128xf32, #tpu.memory_space<vmem>>[vector<16xi32>, vector<16xi32>], vector<16xf32>,
        %mul3A_335 = arith.mulf %gather3A_333, %gather3A_334 : vector<16xf32>
        %add3A_336 = arith.addf %add3A_326, %mul3A_335 : vector<16xf32>
        %mul3A_337 = arith.mulf %gather3A_333, %gather3A_333 : vector<16xf32>
        %add3A_338 = arith.addf %add3A_328, %mul3A_337 : vector<16xf32>
        %mul3A_339 = arith.mulf %gather3A_334, %gather3A_334 : vector<16xf32>
        %add3A_340 = arith.addf %add3A_330, %mul3A_339 : vector<16xf32>
        %broadcast_in_dim3A_341 = arith.constant 28 : i32
        %broadcast_in_dim3A_342 = vector.broadcast %broadcast_in_dim3A_341 : i32 to vector<16xi32>
        %gather3A_343 = tpu.vector_load_idx %arg4[%add3A_59, %broadcast_in_dim3A_342] : memref<128x128xf32, #tpu.memory_space<vmem>>[vector<16xi32>, vector<16xi32>], vector<16xf32>,
        %gather3A_344 = tpu.vector_load_idx %arg5[%add3A_59, %broadcast_in_dim3A_342] : memref<128x128xf32, #tpu.memory_space<vmem>>[vector<16xi32>, vector<16xi32>], vector<16xf32>,
        %mul3A_345 = arith.mulf %gather3A_343, %gather3A_344 : vector<16xf32>
        %add3A_346 = arith.addf %add3A_336, %mul3A_345 : vector<16xf32>
        %mul3A_347 = arith.mulf %gather3A_343, %gather3A_343 : vector<16xf32>
        %add3A_348 = arith.addf %add3A_338, %mul3A_347 : vector<16xf32>
        %mul3A_349 = arith.mulf %gather3A_344, %gather3A_344 : vector<16xf32>
        %add3A_350 = arith.addf %add3A_340, %mul3A_349 : vector<16xf32>
        %broadcast_in_dim3A_351 = arith.constant 29 : i32
        %broadcast_in_dim3A_352 = vector.broadcast %broadcast_in_dim3A_351 : i32 to vector<16xi32>
        %gather3A_353 = tpu.vector_load_idx %arg4[%add3A_59, %broadcast_in_dim3A_352] : memref<128x128xf32, #tpu.memory_space<vmem>>[vector<16xi32>, vector<16xi32>], vector<16xf32>,
        %gather3A_354 = tpu.vector_load_idx %arg5[%add3A_59, %broadcast_in_dim3A_352] : memref<128x128xf32, #tpu.memory_space<vmem>>[vector<16xi32>, vector<16xi32>], vector<16xf32>,
        %mul3A_355 = arith.mulf %gather3A_353, %gather3A_354 : vector<16xf32>
        %add3A_356 = arith.addf %add3A_346, %mul3A_355 : vector<16xf32>
        %mul3A_357 = arith.mulf %gather3A_353, %gather3A_353 : vector<16xf32>
        %add3A_358 = arith.addf %add3A_348, %mul3A_357 : vector<16xf32>
        %mul3A_359 = arith.mulf %gather3A_354, %gather3A_354 : vector<16xf32>
        %add3A_360 = arith.addf %add3A_350, %mul3A_359 : vector<16xf32>
        %broadcast_in_dim3A_361 = arith.constant 30 : i32
        %broadcast_in_dim3A_362 = vector.broadcast %broadcast_in_dim3A_361 : i32 to vector<16xi32>
        %gather3A_363 = tpu.vector_load_idx %arg4[%add3A_59, %broadcast_in_dim3A_362] : memref<128x128xf32, #tpu.memory_space<vmem>>[vector<16xi32>, vector<16xi32>], vector<16xf32>,
        %gather3A_364 = tpu.vector_load_idx %arg5[%add3A_59, %broadcast_in_dim3A_362] : memref<128x128xf32, #tpu.memory_space<vmem>>[vector<16xi32>, vector<16xi32>], vector<16xf32>,
        %mul3A_365 = arith.mulf %gather3A_363, %gather3A_364 : vector<16xf32>
        %add3A_366 = arith.addf %add3A_356, %mul3A_365 : vector<16xf32>
        %mul3A_367 = arith.mulf %gather3A_363, %gather3A_363 : vector<16xf32>
        %add3A_368 = arith.addf %add3A_358, %mul3A_367 : vector<16xf32>
        %mul3A_369 = arith.mulf %gather3A_364, %gather3A_364 : vector<16xf32>
        %add3A_370 = arith.addf %add3A_360, %mul3A_369 : vector<16xf32>
        %broadcast_in_dim3A_371 = arith.constant 31 : i32
        %broadcast_in_dim3A_372 = vector.broadcast %broadcast_in_dim3A_371 : i32 to vector<16xi32>
        %gather3A_373 = tpu.vector_load_idx %arg4[%add3A_59, %broadcast_in_dim3A_372] : memref<128x128xf32, #tpu.memory_space<vmem>>[vector<16xi32>, vector<16xi32>], vector<16xf32>,
        %gather3A_374 = tpu.vector_load_idx %arg5[%add3A_59, %broadcast_in_dim3A_372] : memref<128x128xf32, #tpu.memory_space<vmem>>[vector<16xi32>, vector<16xi32>], vector<16xf32>,
        %mul3A_375 = arith.mulf %gather3A_373, %gather3A_374 : vector<16xf32>
        %add3A_376 = arith.addf %add3A_366, %mul3A_375 : vector<16xf32>
        %mul3A_377 = arith.mulf %gather3A_373, %gather3A_373 : vector<16xf32>
        %add3A_378 = arith.addf %add3A_368, %mul3A_377 : vector<16xf32>
        %mul3A_379 = arith.mulf %gather3A_374, %gather3A_374 : vector<16xf32>
        %add3A_380 = arith.addf %add3A_370, %mul3A_379 : vector<16xf32>
        %bitcast3A = vector.bitcast %add3A_378 : vector<16xf32> to vector<16xi32>
        %shift_right_logical3A = arith.constant 1 : i32
        %shift_right_logical3A_381 = vector.broadcast %shift_right_logical3A : i32 to vector<16xi32>
        %shift_right_logical3A_382 = arith.shrui %bitcast3A, %shift_right_logical3A_381 : vector<16xi32>
        %sub3A = arith.constant 1597463007 : i32
        %sub3A_383 = vector.broadcast %sub3A : i32 to vector<16xi32>
        %sub3A_384 = arith.subi %sub3A_383, %shift_right_logical3A_382 : vector<16xi32>
        %bitcast3A_385 = vector.bitcast %sub3A_384 : vector<16xi32> to vector<16xf32>
        %mul3A_386 = arith.constant 5.000000e-01 : f32
        %mul3A_387 = vector.broadcast %mul3A_386 : f32 to vector<16xf32>
        %mul3A_388 = arith.mulf %mul3A_387, %add3A_378 : vector<16xf32>
        %mul3A_389 = arith.mulf %mul3A_388, %bitcast3A_385 : vector<16xf32>
        %mul3A_390 = arith.mulf %mul3A_389, %bitcast3A_385 : vector<16xf32>
        %sub3A_391 = arith.constant 1.500000e+00 : f32
        %sub3A_392 = vector.broadcast %sub3A_391 : f32 to vector<16xf32>
        %sub3A_393 = arith.subf %sub3A_392, %mul3A_390 : vector<16xf32>
        %mul3A_394 = arith.mulf %bitcast3A_385, %sub3A_393 : vector<16xf32>
        %mul3A_395 = arith.constant 5.000000e-01 : f32
        %mul3A_396 = vector.broadcast %mul3A_395 : f32 to vector<16xf32>
        %mul3A_397 = arith.mulf %mul3A_396, %add3A_378 : vector<16xf32>
        %mul3A_398 = arith.mulf %mul3A_397, %mul3A_394 : vector<16xf32>
        %mul3A_399 = arith.mulf %mul3A_398, %mul3A_394 : vector<16xf32>
        %sub3A_400 = arith.constant 1.500000e+00 : f32
        %sub3A_401 = vector.broadcast %sub3A_400 : f32 to vector<16xf32>
        %sub3A_402 = arith.subf %sub3A_401, %mul3A_399 : vector<16xf32>
        %mul3A_403 = arith.mulf %mul3A_394, %sub3A_402 : vector<16xf32>
        %mul3A_404 = arith.constant 5.000000e-01 : f32
        %mul3A_405 = vector.broadcast %mul3A_404 : f32 to vector<16xf32>
        %mul3A_406 = arith.mulf %mul3A_405, %add3A_378 : vector<16xf32>
        %mul3A_407 = arith.mulf %mul3A_406, %mul3A_403 : vector<16xf32>
        %mul3A_408 = arith.mulf %mul3A_407, %mul3A_403 : vector<16xf32>
        %sub3A_409 = arith.constant 1.500000e+00 : f32
        %sub3A_410 = vector.broadcast %sub3A_409 : f32 to vector<16xf32>
        %sub3A_411 = arith.subf %sub3A_410, %mul3A_408 : vector<16xf32>
        %mul3A_412 = arith.mulf %mul3A_403, %sub3A_411 : vector<16xf32>
        %min3A = arith.constant 9.99999995E+11 : f32
        %min3A_413 = vector.broadcast %min3A : f32 to vector<16xf32>
        %min3A_414 = arith.minimumf %mul3A_412, %min3A_413 : vector<16xf32>
        %bitcast3A_415 = vector.bitcast %add3A_380 : vector<16xf32> to vector<16xi32>
        %shift_right_logical3A_416 = arith.constant 1 : i32
        %shift_right_logical3A_417 = vector.broadcast %shift_right_logical3A_416 : i32 to vector<16xi32>
        %shift_right_logical3A_418 = arith.shrui %bitcast3A_415, %shift_right_logical3A_417 : vector<16xi32>
        %sub3A_419 = arith.constant 1597463007 : i32
        %sub3A_420 = vector.broadcast %sub3A_419 : i32 to vector<16xi32>
        %sub3A_421 = arith.subi %sub3A_420, %shift_right_logical3A_418 : vector<16xi32>
        %bitcast3A_422 = vector.bitcast %sub3A_421 : vector<16xi32> to vector<16xf32>
        %mul3A_423 = arith.constant 5.000000e-01 : f32
        %mul3A_424 = vector.broadcast %mul3A_423 : f32 to vector<16xf32>
        %mul3A_425 = arith.mulf %mul3A_424, %add3A_380 : vector<16xf32>
        %mul3A_426 = arith.mulf %mul3A_425, %bitcast3A_422 : vector<16xf32>
        %mul3A_427 = arith.mulf %mul3A_426, %bitcast3A_422 : vector<16xf32>
        %sub3A_428 = arith.constant 1.500000e+00 : f32
        %sub3A_429 = vector.broadcast %sub3A_428 : f32 to vector<16xf32>
        %sub3A_430 = arith.subf %sub3A_429, %mul3A_427 : vector<16xf32>
        %mul3A_431 = arith.mulf %bitcast3A_422, %sub3A_430 : vector<16xf32>
        %mul3A_432 = arith.constant 5.000000e-01 : f32
        %mul3A_433 = vector.broadcast %mul3A_432 : f32 to vector<16xf32>
        %mul3A_434 = arith.mulf %mul3A_433, %add3A_380 : vector<16xf32>
        %mul3A_435 = arith.mulf %mul3A_434, %mul3A_431 : vector<16xf32>
        %mul3A_436 = arith.mulf %mul3A_435, %mul3A_431 : vector<16xf32>
        %sub3A_437 = arith.constant 1.500000e+00 : f32
        %sub3A_438 = vector.broadcast %sub3A_437 : f32 to vector<16xf32>
        %sub3A_439 = arith.subf %sub3A_438, %mul3A_436 : vector<16xf32>
        %mul3A_440 = arith.mulf %mul3A_431, %sub3A_439 : vector<16xf32>
        %mul3A_441 = arith.constant 5.000000e-01 : f32
        %mul3A_442 = vector.broadcast %mul3A_441 : f32 to vector<16xf32>
        %mul3A_443 = arith.mulf %mul3A_442, %add3A_380 : vector<16xf32>
        %mul3A_444 = arith.mulf %mul3A_443, %mul3A_440 : vector<16xf32>
        %mul3A_445 = arith.mulf %mul3A_444, %mul3A_440 : vector<16xf32>
        %sub3A_446 = arith.constant 1.500000e+00 : f32
        %sub3A_447 = vector.broadcast %sub3A_446 : f32 to vector<16xf32>
        %sub3A_448 = arith.subf %sub3A_447, %mul3A_445 : vector<16xf32>
        %mul3A_449 = arith.mulf %mul3A_440, %sub3A_448 : vector<16xf32>
        %min3A_450 = arith.constant 9.99999995E+11 : f32
        %min3A_451 = vector.broadcast %min3A_450 : f32 to vector<16xf32>
        %min3A_452 = arith.minimumf %mul3A_449, %min3A_451 : vector<16xf32>
        %mul3A_453 = arith.mulf %add3A_376, %min3A_414 : vector<16xf32>
        %mul3A_454 = arith.mulf %mul3A_453, %min3A_452 : vector<16xf32>
        %sub3A_455 = arith.constant 1.000000e+00 : f32
        %sub3A_456 = vector.broadcast %sub3A_455 : f32 to vector<16xf32>
        %sub3A_457 = arith.subf %sub3A_456, %mul3A_454 : vector<16xf32>
        %add3A_458 = arith.addf %scan3A_55, %sub3A_457 : vector<16xf32>
        scf.yield %add3A_458 : vector<16xf32>
      }
      %scan3A_53 = arith.constant 8 : i32
      scf.yield %scan3A_52 : vector<16xf32>
    }
    %scan3A_8 = arith.constant 4 : i32
    %swap3A = arith.constant 0 : index
    %swap3A_9 = tpu.vector_load %arg6[%swap3A] {strides = array<i32>} : memref<128xf32, #tpu.memory_space<vmem>>, vector<16xf32>,
    tpu.vector_store %arg6[%swap3A], %scan3A_7 {strides = array<i32>} : memref<128xf32, #tpu.memory_space<vmem>>, vector<16xf32>,
    %broadcast_in_dim3A_10 = arith.constant 0.000000e+00 : f32
    %broadcast_in_dim3A_11 = vector.broadcast %broadcast_in_dim3A_10 : f32 to vector<16xf32>
    %swap3A_12 = arith.constant 16 : index
    %swap3A_13 = tpu.vector_load %arg6[%swap3A_12] {strides = array<i32>} : memref<128xf32, #tpu.memory_space<vmem>>, vector<16xf32>,
    tpu.vector_store %arg6[%swap3A_12], %broadcast_in_dim3A_11 {strides = array<i32>} : memref<128xf32, #tpu.memory_space<vmem>>, vector<16xf32>,
    %broadcast_in_dim3A_14 = arith.constant 0.000000e+00 : f32
    %broadcast_in_dim3A_15 = vector.broadcast %broadcast_in_dim3A_14 : f32 to vector<16xf32>
    %swap3A_16 = arith.constant 32 : index
    %swap3A_17 = tpu.vector_load %arg6[%swap3A_16] {strides = array<i32>} : memref<128xf32, #tpu.memory_space<vmem>>, vector<16xf32>,
    tpu.vector_store %arg6[%swap3A_16], %broadcast_in_dim3A_15 {strides = array<i32>} : memref<128xf32, #tpu.memory_space<vmem>>, vector<16xf32>,
    %broadcast_in_dim3A_18 = arith.constant 0.000000e+00 : f32
    %broadcast_in_dim3A_19 = vector.broadcast %broadcast_in_dim3A_18 : f32 to vector<16xf32>
    %swap3A_20 = arith.constant 48 : index
    %swap3A_21 = tpu.vector_load %arg6[%swap3A_20] {strides = array<i32>} : memref<128xf32, #tpu.memory_space<vmem>>, vector<16xf32>,
    tpu.vector_store %arg6[%swap3A_20], %broadcast_in_dim3A_19 {strides = array<i32>} : memref<128xf32, #tpu.memory_space<vmem>>, vector<16xf32>,
    %broadcast_in_dim3A_22 = arith.constant 0.000000e+00 : f32
    %broadcast_in_dim3A_23 = vector.broadcast %broadcast_in_dim3A_22 : f32 to vector<16xf32>
    %swap3A_24 = arith.constant 64 : index
    %swap3A_25 = tpu.vector_load %arg6[%swap3A_24] {strides = array<i32>} : memref<128xf32, #tpu.memory_space<vmem>>, vector<16xf32>,
    tpu.vector_store %arg6[%swap3A_24], %broadcast_in_dim3A_23 {strides = array<i32>} : memref<128xf32, #tpu.memory_space<vmem>>, vector<16xf32>,
    %broadcast_in_dim3A_26 = arith.constant 0.000000e+00 : f32
    %broadcast_in_dim3A_27 = vector.broadcast %broadcast_in_dim3A_26 : f32 to vector<16xf32>
    %swap3A_28 = arith.constant 80 : index
    %swap3A_29 = tpu.vector_load %arg6[%swap3A_28] {strides = array<i32>} : memref<128xf32, #tpu.memory_space<vmem>>, vector<16xf32>,
    tpu.vector_store %arg6[%swap3A_28], %broadcast_in_dim3A_27 {strides = array<i32>} : memref<128xf32, #tpu.memory_space<vmem>>, vector<16xf32>,
    %broadcast_in_dim3A_30 = arith.constant 0.000000e+00 : f32
    %broadcast_in_dim3A_31 = vector.broadcast %broadcast_in_dim3A_30 : f32 to vector<16xf32>
    %swap3A_32 = arith.constant 96 : index
    %swap3A_33 = tpu.vector_load %arg6[%swap3A_32] {strides = array<i32>} : memref<128xf32, #tpu.memory_space<vmem>>, vector<16xf32>,
    tpu.vector_store %arg6[%swap3A_32], %broadcast_in_dim3A_31 {strides = array<i32>} : memref<128xf32, #tpu.memory_space<vmem>>, vector<16xf32>,
    %broadcast_in_dim3A_34 = arith.constant 0.000000e+00 : f32
    %broadcast_in_dim3A_35 = vector.broadcast %broadcast_in_dim3A_34 : f32 to vector<16xf32>
    %swap3A_36 = arith.constant 112 : index
    %swap3A_37 = tpu.vector_load %arg6[%swap3A_36] {strides = array<i32>} : memref<128xf32, #tpu.memory_space<vmem>>, vector<16xf32>,
    tpu.vector_store %arg6[%swap3A_36], %broadcast_in_dim3A_35 {strides = array<i32>} : memref<128xf32, #tpu.memory_space<vmem>>, vector<16xf32>,
    "tpu.region"() ({
      %run_scoped3A = tpu.sem_alloc : memref<!tpu.dma_semaphore, #tpu.memory_space<semaphore_mem>>
      %dma_start3A = arith.constant 0 : i32
      %dma_start3A_38 = tpu.memref_slice %arg3[%add3A, %dma_start3A] : memref<32x128xf32, #tpu.memory_space<hbm>> -> memref<1x128xf32, #tpu.memory_space<hbm>>
      %dma_start3A_39 = tpu.memref_squeeze %dma_start3A_38 : memref<1x128xf32, #tpu.memory_space<hbm>> -> memref<128xf32, #tpu.memory_space<hbm>>
      %dma_start3A_40 = arith.constant 0 : i32
      %dma_start3A_41 = tpu.memref_slice %arg3[%add3A, %dma_start3A_40] : memref<32x128xf32, #tpu.memory_space<hbm>> -> memref<1x128xf32, #tpu.memory_space<hbm>>
      %dma_start3A_42 = tpu.memref_squeeze %dma_start3A_41 : memref<1x128xf32, #tpu.memory_space<hbm>> -> memref<128xf32, #tpu.memory_space<hbm>>
      tpu.enqueue_dma source(%arg6 : memref<128xf32, #tpu.memory_space<vmem>>) target(%dma_start3A_42 : memref<128xf32, #tpu.memory_space<hbm>>) target_semaphore(%run_scoped3A : memref<!tpu.dma_semaphore, #tpu.memory_space<semaphore_mem>>)
      %dma_wait3A = arith.constant 0 : i32
      %dma_wait3A_43 = tpu.memref_slice %arg3[%add3A, %dma_wait3A] : memref<32x128xf32, #tpu.memory_space<hbm>> -> memref<1x128xf32, #tpu.memory_space<hbm>>
      %dma_wait3A_44 = tpu.memref_squeeze %dma_wait3A_43 : memref<1x128xf32, #tpu.memory_space<hbm>> -> memref<128xf32, #tpu.memory_space<hbm>>
      %dma_wait3A_45 = arith.constant 0 : i32
      %dma_wait3A_46 = tpu.memref_slice %arg3[%add3A, %dma_wait3A_45] : memref<32x128xf32, #tpu.memory_space<hbm>> -> memref<1x128xf32, #tpu.memory_space<hbm>>
      %dma_wait3A_47 = tpu.memref_squeeze %dma_wait3A_46 : memref<1x128xf32, #tpu.memory_space<hbm>> -> memref<128xf32, #tpu.memory_space<hbm>>
      tpu.wait_dma2 semaphore(%run_scoped3A : memref<!tpu.dma_semaphore, #tpu.memory_space<semaphore_mem>>) src(%arg6 : memref<128xf32, #tpu.memory_space<vmem>>) dst(%dma_wait3A_47 : memref<128xf32, #tpu.memory_space<hbm>>)
      tpu.yield
    }) : () -> ()
    return
  }
}

#map = affine_map<(d0, d1) -> (0, 0)>
module attributes {stable_mosaic.version = 14 : i64} {
  func.func @_route_rows_sc(%arg0: i32, %arg1: i32, %arg2: memref<32x1000000xf32, #tpu.memory_space<hbm>>, %arg3: memref<2x16384xi32, #tpu.memory_space<hbm>>, %arg4: memref<16x128xf32, #tpu.memory_space<hbm>>, %arg5: memref<32832x128xf32, #tpu.memory_space<hbm>>, %arg6: memref<32768xi32, #tpu.memory_space<vmem>>, %arg7: memref<6176xi32, #tpu.memory_space<vmem>>, %arg8: memref<6176xi32, #tpu.memory_space<vmem>>, %arg9: memref<2080xi32, #tpu.memory_space<vmem>>, %arg10: memref<2080xi32, #tpu.memory_space<vmem>>, %arg11: memref<2x32x1024xf32, #tpu.memory_space<vmem>>, %arg12: memref<6x16x128xf32, #tpu.memory_space<vmem>>, %arg13: memref<16x128xf32, #tpu.memory_space<vmem>>, %arg14: memref<!tpu.dma_semaphore, #tpu.memory_space<semaphore_mem>>, %arg15: memref<!tpu.dma_semaphore, #tpu.memory_space<semaphore_mem>>, %arg16: memref<!tpu.dma_semaphore, #tpu.memory_space<semaphore_mem>>) attributes {dimension_semantics = [#tpu.dimension_semantics<core_parallel>, #tpu.dimension_semantics<subcore_parallel>], iteration_bounds = array<i64: 2, 16>, scalar_prefetch = 0 : i64, scratch_operands = 11 : i64, tpu.core_type = #tpu.core_type<sc_vector_subcore>, window_params = [{transform_indices = #map}, {transform_indices = #map}, {transform_indices = #map}, {transform_indices = #map}]} {
    %mul3A = arith.constant 2 : i32
    %mul3A_0 = arith.muli %arg1, %mul3A : i32
    %add3A = arith.addi %mul3A_0, %arg0 : i32
    %iota3A = tpu.iota {dimensions = array<i32: 0>} : vector<16xi32>
    %mul3A_1 = arith.constant 7812 : i32
    %mul3A_2 = arith.muli %mul3A_1, %add3A : i32
    %jit3A = arith.constant 32 : i32
    %div3A = arith.divsi %mul3A_2, %jit3A : i32
    %sign3A = arith.constant 0 : i32
    %sign3A_3 = arith.cmpi sgt, %mul3A_2, %sign3A : i32
    %sign3A_4 = arith.extui %sign3A_3 : i1 to i32
    %sign3A_5 = arith.constant 0 : i32
    %sign3A_6 = arith.cmpi slt, %mul3A_2, %sign3A_5 : i32
    %sign3A_7 = arith.extui %sign3A_6 : i1 to i32
    %sign3A_8 = arith.subi %sign3A_4, %sign3A_7 : i32
    %sign3A_9 = arith.constant 0 : i32
    %sign3A_10 = arith.cmpi sgt, %jit3A, %sign3A_9 : i32
    %sign3A_11 = arith.extui %sign3A_10 : i1 to i32
    %sign3A_12 = arith.constant 0 : i32
    %sign3A_13 = arith.cmpi slt, %jit3A, %sign3A_12 : i32
    %sign3A_14 = arith.extui %sign3A_13 : i1 to i32
    %sign3A_15 = arith.subi %sign3A_11, %sign3A_14 : i32
    %ne3A = arith.cmpi ne, %sign3A_8, %sign3A_15 : i32
    %rem3A = arith.remsi %mul3A_2, %jit3A : i32
    %ne3A_16 = arith.constant 0 : i32
    %ne3A_17 = arith.cmpi ne, %rem3A, %ne3A_16 : i32
    %and3A = arith.andi %ne3A, %ne3A_17 : i1
    %sub3A = arith.constant 1 : i32
    %sub3A_18 = arith.subi %div3A, %sub3A : i32
    %select_n3A = arith.select %and3A, %sub3A_18, %div3A : i32
    %add3A_19 = arith.constant 1 : i32
    %add3A_20 = arith.addi %add3A, %add3A_19 : i32
    %mul3A_21 = arith.constant 7812 : i32
    %mul3A_22 = arith.muli %mul3A_21, %add3A_20 : i32
    %jit3A_23 = arith.constant 32 : i32
    %div3A_24 = arith.divsi %mul3A_22, %jit3A_23 : i32
    %sign3A_25 = arith.constant 0 : i32
    %sign3A_26 = arith.cmpi sgt, %mul3A_22, %sign3A_25 : i32
    %sign3A_27 = arith.extui %sign3A_26 : i1 to i32
    %sign3A_28 = arith.constant 0 : i32
    %sign3A_29 = arith.cmpi slt, %mul3A_22, %sign3A_28 : i32
    %sign3A_30 = arith.extui %sign3A_29 : i1 to i32
    %sign3A_31 = arith.subi %sign3A_27, %sign3A_30 : i32
    %sign3A_32 = arith.constant 0 : i32
    %sign3A_33 = arith.cmpi sgt, %jit3A_23, %sign3A_32 : i32
    %sign3A_34 = arith.extui %sign3A_33 : i1 to i32
    %sign3A_35 = arith.constant 0 : i32
    %sign3A_36 = arith.cmpi slt, %jit3A_23, %sign3A_35 : i32
    %sign3A_37 = arith.extui %sign3A_36 : i1 to i32
    %sign3A_38 = arith.subi %sign3A_34, %sign3A_37 : i32
    %ne3A_39 = arith.cmpi ne, %sign3A_31, %sign3A_38 : i32
    %rem3A_40 = arith.remsi %mul3A_22, %jit3A_23 : i32
    %ne3A_41 = arith.constant 0 : i32
    %ne3A_42 = arith.cmpi ne, %rem3A_40, %ne3A_41 : i32
    %and3A_43 = arith.andi %ne3A_39, %ne3A_42 : i1
    %sub3A_44 = arith.constant 1 : i32
    %sub3A_45 = arith.subi %div3A_24, %sub3A_44 : i32
    %select_n3A_46 = arith.select %and3A_43, %sub3A_45, %div3A_24 : i32
    %run_scoped3A = arith.constant 0 : i32
    "tpu.region"() ({
      %run_scoped3A_204 = tpu.sem_alloc : memref<!tpu.dma_semaphore, #tpu.memory_space<semaphore_mem>>
      %dma_start3A_205 = arith.constant 0 : i32
      %dma_start3A_206 = tpu.memref_slice %arg6[%dma_start3A_205] : memref<32768xi32, #tpu.memory_space<vmem>> -> memref<16384xi32, #tpu.memory_space<vmem>>
      %dma_start3A_207 = arith.constant 0 : i32
      %dma_start3A_208 = tpu.memref_slice %arg3[%run_scoped3A, %dma_start3A_207] : memref<2x16384xi32, #tpu.memory_space<hbm>> -> memref<1x16384xi32, #tpu.memory_space<hbm>>
      %dma_start3A_209 = tpu.memref_squeeze %dma_start3A_208 : memref<1x16384xi32, #tpu.memory_space<hbm>> -> memref<16384xi32, #tpu.memory_space<hbm>>
      %dma_start3A_210 = arith.constant 0 : i32
      %dma_start3A_211 = tpu.memref_slice %arg6[%dma_start3A_210] : memref<32768xi32, #tpu.memory_space<vmem>> -> memref<16384xi32, #tpu.memory_space<vmem>>
      %dma_start3A_212 = arith.constant 0 : i32
      %dma_start3A_213 = tpu.memref_slice %arg3[%run_scoped3A, %dma_start3A_212] : memref<2x16384xi32, #tpu.memory_space<hbm>> -> memref<1x16384xi32, #tpu.memory_space<hbm>>
      %dma_start3A_214 = tpu.memref_squeeze %dma_start3A_213 : memref<1x16384xi32, #tpu.memory_space<hbm>> -> memref<16384xi32, #tpu.memory_space<hbm>>
      tpu.enqueue_dma source(%dma_start3A_214 : memref<16384xi32, #tpu.memory_space<hbm>>) target(%dma_start3A_211 : memref<16384xi32, #tpu.memory_space<vmem>>) target_semaphore(%run_scoped3A_204 : memref<!tpu.dma_semaphore, #tpu.memory_space<semaphore_mem>>)
      %dma_wait3A = arith.constant 0 : i32
      %dma_wait3A_215 = tpu.memref_slice %arg6[%dma_wait3A] : memref<32768xi32, #tpu.memory_space<vmem>> -> memref<16384xi32, #tpu.memory_space<vmem>>
      %dma_wait3A_216 = arith.constant 0 : i32
      %dma_wait3A_217 = tpu.memref_slice %arg3[%run_scoped3A, %dma_wait3A_216] : memref<2x16384xi32, #tpu.memory_space<hbm>> -> memref<1x16384xi32, #tpu.memory_space<hbm>>
      %dma_wait3A_218 = tpu.memref_squeeze %dma_wait3A_217 : memref<1x16384xi32, #tpu.memory_space<hbm>> -> memref<16384xi32, #tpu.memory_space<hbm>>
      %dma_wait3A_219 = arith.constant 0 : i32
      %dma_wait3A_220 = tpu.memref_slice %arg6[%dma_wait3A_219] : memref<32768xi32, #tpu.memory_space<vmem>> -> memref<16384xi32, #tpu.memory_space<vmem>>
      %dma_wait3A_221 = arith.constant 0 : i32
      %dma_wait3A_222 = tpu.memref_slice %arg3[%run_scoped3A, %dma_wait3A_221] : memref<2x16384xi32, #tpu.memory_space<hbm>> -> memref<1x16384xi32, #tpu.memory_space<hbm>>
      %dma_wait3A_223 = tpu.memref_squeeze %dma_wait3A_222 : memref<1x16384xi32, #tpu.memory_space<hbm>> -> memref<16384xi32, #tpu.memory_space<hbm>>
      tpu.wait_dma2 semaphore(%run_scoped3A_204 : memref<!tpu.dma_semaphore, #tpu.memory_space<semaphore_mem>>) src(%dma_wait3A_223 : memref<16384xi32, #tpu.memory_space<hbm>>) dst(%dma_wait3A_220 : memref<16384xi32, #tpu.memory_space<vmem>>)
      tpu.yield
    }) : () -> ()
    %run_scoped3A_47 = arith.constant 1 : i32
    "tpu.region"() ({
      %run_scoped3A_204 = tpu.sem_alloc : memref<!tpu.dma_semaphore, #tpu.memory_space<semaphore_mem>>
      %dma_start3A_205 = arith.constant 16384 : i32
      %dma_start3A_206 = tpu.memref_slice %arg6[%dma_start3A_205] : memref<32768xi32, #tpu.memory_space<vmem>> -> memref<16384xi32, #tpu.memory_space<vmem>>
      %dma_start3A_207 = arith.constant 0 : i32
      %dma_start3A_208 = tpu.memref_slice %arg3[%run_scoped3A_47, %dma_start3A_207] : memref<2x16384xi32, #tpu.memory_space<hbm>> -> memref<1x16384xi32, #tpu.memory_space<hbm>>
      %dma_start3A_209 = tpu.memref_squeeze %dma_start3A_208 : memref<1x16384xi32, #tpu.memory_space<hbm>> -> memref<16384xi32, #tpu.memory_space<hbm>>
      %dma_start3A_210 = arith.constant 16384 : i32
      %dma_start3A_211 = tpu.memref_slice %arg6[%dma_start3A_210] : memref<32768xi32, #tpu.memory_space<vmem>> -> memref<16384xi32, #tpu.memory_space<vmem>>
      %dma_start3A_212 = arith.constant 0 : i32
      %dma_start3A_213 = tpu.memref_slice %arg3[%run_scoped3A_47, %dma_start3A_212] : memref<2x16384xi32, #tpu.memory_space<hbm>> -> memref<1x16384xi32, #tpu.memory_space<hbm>>
      %dma_start3A_214 = tpu.memref_squeeze %dma_start3A_213 : memref<1x16384xi32, #tpu.memory_space<hbm>> -> memref<16384xi32, #tpu.memory_space<hbm>>
      tpu.enqueue_dma source(%dma_start3A_214 : memref<16384xi32, #tpu.memory_space<hbm>>) target(%dma_start3A_211 : memref<16384xi32, #tpu.memory_space<vmem>>) target_semaphore(%run_scoped3A_204 : memref<!tpu.dma_semaphore, #tpu.memory_space<semaphore_mem>>)
      %dma_wait3A = arith.constant 16384 : i32
      %dma_wait3A_215 = tpu.memref_slice %arg6[%dma_wait3A] : memref<32768xi32, #tpu.memory_space<vmem>> -> memref<16384xi32, #tpu.memory_space<vmem>>
      %dma_wait3A_216 = arith.constant 0 : i32
      %dma_wait3A_217 = tpu.memref_slice %arg3[%run_scoped3A_47, %dma_wait3A_216] : memref<2x16384xi32, #tpu.memory_space<hbm>> -> memref<1x16384xi32, #tpu.memory_space<hbm>>
      %dma_wait3A_218 = tpu.memref_squeeze %dma_wait3A_217 : memref<1x16384xi32, #tpu.memory_space<hbm>> -> memref<16384xi32, #tpu.memory_space<hbm>>
      %dma_wait3A_219 = arith.constant 16384 : i32
      %dma_wait3A_220 = tpu.memref_slice %arg6[%dma_wait3A_219] : memref<32768xi32, #tpu.memory_space<vmem>> -> memref<16384xi32, #tpu.memory_space<vmem>>
      %dma_wait3A_221 = arith.constant 0 : i32
      %dma_wait3A_222 = tpu.memref_slice %arg3[%run_scoped3A_47, %dma_wait3A_221] : memref<2x16384xi32, #tpu.memory_space<hbm>> -> memref<1x16384xi32, #tpu.memory_space<hbm>>
      %dma_wait3A_223 = tpu.memref_squeeze %dma_wait3A_222 : memref<1x16384xi32, #tpu.memory_space<hbm>> -> memref<16384xi32, #tpu.memory_space<hbm>>
      tpu.wait_dma2 semaphore(%run_scoped3A_204 : memref<!tpu.dma_semaphore, #tpu.memory_space<semaphore_mem>>) src(%dma_wait3A_223 : memref<16384xi32, #tpu.memory_space<hbm>>) dst(%dma_wait3A_220 : memref<16384xi32, #tpu.memory_space<vmem>>)
      tpu.yield
    }) : () -> ()
    "tpu.region"() ({
      %run_scoped3A_204 = tpu.sem_alloc : memref<!tpu.dma_semaphore, #tpu.memory_space<semaphore_mem>>
      tpu.enqueue_dma source(%arg4 : memref<16x128xf32, #tpu.memory_space<hbm>>) target(%arg13 : memref<16x128xf32, #tpu.memory_space<vmem>>) target_semaphore(%run_scoped3A_204 : memref<!tpu.dma_semaphore, #tpu.memory_space<semaphore_mem>>)
      tpu.wait_dma2 semaphore(%run_scoped3A_204 : memref<!tpu.dma_semaphore, #tpu.memory_space<semaphore_mem>>) src(%arg4 : memref<16x128xf32, #tpu.memory_space<hbm>>) dst(%arg13 : memref<16x128xf32, #tpu.memory_space<vmem>>)
      tpu.yield
    }) : () -> ()
    %mul3A_48 = arith.constant 128 : i32
    %mul3A_49 = arith.muli %select_n3A, %mul3A_48 : i32
    %eq3A = arith.constant 31 : i32
    %eq3A_50 = arith.cmpi eq, %add3A, %eq3A : i32
    %mul3A_51 = arith.constant 128 : i32
    %mul3A_52 = arith.muli %select_n3A_46, %mul3A_51 : i32
    %jit3A_53 = arith.constant 1073741824 : i32
    %select_n3A_54 = arith.select %eq3A_50, %jit3A_53, %mul3A_52 : i32
    %broadcast_in_dim3A = arith.constant 0 : i32
    %broadcast_in_dim3A_55 = vector.broadcast %broadcast_in_dim3A : i32 to vector<16xi32>
    %scan3A = arith.constant 0 : i32
    %scan3A_56 = arith.constant 2048 : i32
    %scan3A_57 = arith.addi %scan3A, %scan3A_56 : i32
    %scan3A_58 = arith.constant 1 : i32
    %scan3A_59 = scf.for %scan3A_204 = %scan3A to %scan3A_57 step %scan3A_58 iter_args(%scan3A_205 = %broadcast_in_dim3A_55) -> (vector<16xi32>)  : i32 {
      %mul3A_206 = arith.constant 16 : i32
      %mul3A_207 = arith.muli %scan3A_204, %mul3A_206 : i32
      %get3A = arith.index_cast %mul3A_207 : i32 to index
      %get3A_208 = tpu.vector_load %arg6[%get3A] {strides = array<i32>} : memref<32768xi32, #tpu.memory_space<vmem>>, vector<16xi32>,
      %ge3A = vector.broadcast %mul3A_49 : i32 to vector<16xi32>
      %ge3A_209 = arith.cmpi sge, %get3A_208, %ge3A : vector<16xi32>
      %lt3A = vector.broadcast %select_n3A_54 : i32 to vector<16xi32>
      %lt3A_210 = arith.cmpi slt, %get3A_208, %lt3A : vector<16xi32>
      %and3A_211 = arith.andi %ge3A_209, %lt3A_210 : vector<16xi1>
      %mul3A_212 = arith.constant 16 : i32
      %mul3A_213 = arith.muli %scan3A_204, %mul3A_212 : i32
      %add3A_214 = vector.broadcast %mul3A_213 : i32 to vector<16xi32>
      %add3A_215 = arith.addi %add3A_214, %iota3A : vector<16xi32>
      %convert_element_type3A = arith.extui %and3A_211 : vector<16xi1> to vector<16xi32>
      %broadcast_in_dim3A_216 = arith.constant true
      %broadcast_in_dim3A_217 = vector.broadcast %broadcast_in_dim3A_216 : i1 to vector<16xi1>
      %masked_cumsum3A = tpu.scan <sum>, %convert_element_type3A masked %broadcast_in_dim3A_217 : vector<16xi32>, vector<16xi1> -> vector<16xi32>
      %sub3A_218 = arith.subi %masked_cumsum3A, %convert_element_type3A : vector<16xi32>
      %add3A_219 = arith.addi %scan3A_205, %sub3A_218 : vector<16xi32>
      %min3A_220 = arith.constant 6144 : i32
      %min3A_221 = vector.broadcast %min3A_220 : i32 to vector<16xi32>
      %min3A_222 = arith.minsi %add3A_219, %min3A_221 : vector<16xi32>
      tpu.vector_store_idx %arg7[%min3A_222], %get3A_208 masked %and3A_211 : memref<6176xi32, #tpu.memory_space<vmem>>[vector<16xi32>], vector<16xi32>, vector<16xi1>
      tpu.vector_store_idx %arg8[%min3A_222], %add3A_215 masked %and3A_211 : memref<6176xi32, #tpu.memory_space<vmem>>[vector<16xi32>], vector<16xi32>, vector<16xi1>
      %all_reduce_population_count3A = tpu.all_reduce %and3A_211 {dim = 0 : i64, kind = #tpu.reduction_kind<sum>} : vector<16xi1> -> vector<16xi32>
      %add3A_223 = arith.addi %scan3A_205, %all_reduce_population_count3A : vector<16xi32>
      scf.yield %add3A_223 : vector<16xi32>
    }
    %scan3A_60 = arith.constant 2048 : i32
    %reduce_max3A = arith.constant true
    %reduce_max3A_61 = vector.broadcast %reduce_max3A : i1 to vector<16xi1>
    %reduce_max3A_62 = arith.constant -2147483648 : i32
    %reduce_max3A_63 = vector.broadcast %reduce_max3A_62 : i32 to vector<16xi32>
    %reduce_max3A_64 = arith.xori %scan3A_59, %reduce_max3A_63 : vector<16xi32>
    %reduce_max3A_65 = tpu.scan <max>, %reduce_max3A_64 masked %reduce_max3A_61 : vector<16xi32>, vector<16xi1> -> vector<16xi32>
    %reduce_max3A_66 = arith.xori %reduce_max3A_65, %reduce_max3A_63 : vector<16xi32>
    %reduce_max3A_67 = vector.extract %reduce_max3A_66[15] : i32 from vector<16xi32>
    %min3A = arith.constant 6144 : i32
    %min3A_68 = arith.minsi %reduce_max3A_67, %min3A : i32
    %broadcast_in_dim3A_69 = arith.constant 1073741824 : i32
    %broadcast_in_dim3A_70 = vector.broadcast %broadcast_in_dim3A_69 : i32 to vector<16xi32>
    %broadcast_in_dim3A_71 = arith.constant 32768 : i32
    %broadcast_in_dim3A_72 = vector.broadcast %broadcast_in_dim3A_71 : i32 to vector<16xi32>
    %add3A_73 = arith.addi %broadcast_in_dim3A_72, %iota3A : vector<16xi32>
    %swap3A = arith.index_cast %min3A_68 : i32 to index
    %swap3A_74 = tpu.vector_load %arg7[%swap3A] {strides = array<i32>} : memref<6176xi32, #tpu.memory_space<vmem>>, vector<16xi32>,
    tpu.vector_store %arg7[%swap3A], %broadcast_in_dim3A_70 {strides = array<i32>} : memref<6176xi32, #tpu.memory_space<vmem>>, vector<16xi32>,
    %swap3A_75 = arith.index_cast %min3A_68 : i32 to index
    %swap3A_76 = tpu.vector_load %arg8[%swap3A_75] {strides = array<i32>} : memref<6176xi32, #tpu.memory_space<vmem>>, vector<16xi32>,
    tpu.vector_store %arg8[%swap3A_75], %add3A_73 {strides = array<i32>} : memref<6176xi32, #tpu.memory_space<vmem>>, vector<16xi32>,
    %add3A_77 = arith.constant 16 : i32
    %add3A_78 = arith.addi %min3A_68, %add3A_77 : i32
    %swap3A_79 = arith.index_cast %add3A_78 : i32 to index
    %swap3A_80 = tpu.vector_load %arg7[%swap3A_79] {strides = array<i32>} : memref<6176xi32, #tpu.memory_space<vmem>>, vector<16xi32>,
    tpu.vector_store %arg7[%swap3A_79], %broadcast_in_dim3A_70 {strides = array<i32>} : memref<6176xi32, #tpu.memory_space<vmem>>, vector<16xi32>,
    %add3A_81 = arith.constant 16 : i32
    %add3A_82 = arith.addi %min3A_68, %add3A_81 : i32
    %swap3A_83 = arith.index_cast %add3A_82 : i32 to index
    %swap3A_84 = tpu.vector_load %arg8[%swap3A_83] {strides = array<i32>} : memref<6176xi32, #tpu.memory_space<vmem>>, vector<16xi32>,
    tpu.vector_store %arg8[%swap3A_83], %add3A_73 {strides = array<i32>} : memref<6176xi32, #tpu.memory_space<vmem>>, vector<16xi32>,
    %add3A_85 = arith.constant 32 : i32
    %add3A_86 = arith.addi %min3A_68, %add3A_85 : i32
    %sub3A_87 = arith.constant 1 : i32
    %sub3A_88 = arith.subi %add3A_86, %sub3A_87 : i32
    %jit3A_89 = arith.constant 32 : i32
    %div3A_90 = arith.divsi %sub3A_88, %jit3A_89 : i32
    %sign3A_91 = arith.constant 0 : i32
    %sign3A_92 = arith.cmpi sgt, %sub3A_88, %sign3A_91 : i32
    %sign3A_93 = arith.extui %sign3A_92 : i1 to i32
    %sign3A_94 = arith.constant 0 : i32
    %sign3A_95 = arith.cmpi slt, %sub3A_88, %sign3A_94 : i32
    %sign3A_96 = arith.extui %sign3A_95 : i1 to i32
    %sign3A_97 = arith.subi %sign3A_93, %sign3A_96 : i32
    %sign3A_98 = arith.constant 0 : i32
    %sign3A_99 = arith.cmpi sgt, %jit3A_89, %sign3A_98 : i32
    %sign3A_100 = arith.extui %sign3A_99 : i1 to i32
    %sign3A_101 = arith.constant 0 : i32
    %sign3A_102 = arith.cmpi slt, %jit3A_89, %sign3A_101 : i32
    %sign3A_103 = arith.extui %sign3A_102 : i1 to i32
    %sign3A_104 = arith.subi %sign3A_100, %sign3A_103 : i32
    %ne3A_105 = arith.cmpi ne, %sign3A_97, %sign3A_104 : i32
    %rem3A_106 = arith.remsi %sub3A_88, %jit3A_89 : i32
    %ne3A_107 = arith.constant 0 : i32
    %ne3A_108 = arith.cmpi ne, %rem3A_106, %ne3A_107 : i32
    %and3A_109 = arith.andi %ne3A_105, %ne3A_108 : i1
    %sub3A_110 = arith.constant 1 : i32
    %sub3A_111 = arith.subi %div3A_90, %sub3A_110 : i32
    %select_n3A_112 = arith.select %and3A_109, %sub3A_111, %div3A_90 : i32
    %add3A_113 = arith.constant 0 : i32
    %add3A_114 = arith.addi %select_n3A, %add3A_113 : i32
    %sub3A_115 = arith.constant 8 : i32
    %sub3A_116 = arith.subi %select_n3A_46, %sub3A_115 : i32
    %min3A_117 = arith.minsi %add3A_114, %sub3A_116 : i32
    %mul3A_118 = arith.constant 128 : i32
    %mul3A_119 = arith.muli %min3A_117, %mul3A_118 : i32
    %multiple_of3A = tpu.assume_multiple %mul3A_119, 128 : i32
    %dma_start3A = arith.constant 0 : i32
    %dma_start3A_120 = arith.constant 0 : i32
    %dma_start3A_121 = arith.constant 0 : i32
    %dma_start3A_122 = tpu.memref_slice %arg11[%dma_start3A, %dma_start3A_120, %dma_start3A_121] : memref<2x32x1024xf32, #tpu.memory_space<vmem>> -> memref<1x32x1024xf32, #tpu.memory_space<vmem>>
    %dma_start3A_123 = tpu.memref_squeeze %dma_start3A_122 : memref<1x32x1024xf32, #tpu.memory_space<vmem>> -> memref<32x1024xf32, #tpu.memory_space<vmem>>
    %dma_start3A_124 = arith.constant 0 : i32
    %dma_start3A_125 = tpu.memref_slice %arg2[%dma_start3A_124, %multiple_of3A] : memref<32x1000000xf32, #tpu.memory_space<hbm>> -> memref<32x1024xf32, #tpu.memory_space<hbm>>
    %dma_start3A_126 = arith.constant 0 : i32
    %dma_start3A_127 = arith.constant 0 : i32
    %dma_start3A_128 = tpu.memref_slice %arg11[%dma_start3A, %dma_start3A_126, %dma_start3A_127] : memref<2x32x1024xf32, #tpu.memory_space<vmem>> -> memref<1x32x1024xf32, #tpu.memory_space<vmem>>
    %dma_start3A_129 = tpu.memref_squeeze %dma_start3A_128 : memref<1x32x1024xf32, #tpu.memory_space<vmem>> -> memref<32x1024xf32, #tpu.memory_space<vmem>>
    %dma_start3A_130 = arith.constant 0 : i32
    %dma_start3A_131 = tpu.memref_slice %arg2[%dma_start3A_130, %multiple_of3A] : memref<32x1000000xf32, #tpu.memory_space<hbm>> -> memref<32x1024xf32, #tpu.memory_space<hbm>>
    tpu.enqueue_dma source(%dma_start3A_131 : memref<32x1024xf32, #tpu.memory_space<hbm>>) target(%dma_start3A_129 : memref<32x1024xf32, #tpu.memory_space<vmem>>) target_semaphore(%arg15 : memref<!tpu.dma_semaphore, #tpu.memory_space<semaphore_mem>>)
    %scan3A_132 = arith.constant 0 : i32
    %scan3A_133 = arith.constant 0 : i32
    %scan3A_134 = arith.constant 31 : i32
    %scan3A_135 = arith.addi %scan3A_133, %scan3A_134 : i32
    %scan3A_136 = arith.constant 1 : i32
    scf.for %scan3A_204 = %scan3A_133 to %scan3A_135 step %scan3A_136  : i32 {
      %and3A_205 = arith.constant 1 : i32
      %and3A_206 = arith.andi %scan3A_204, %and3A_205 : i32
      %mul3A_207 = arith.constant 8 : i32
      %mul3A_208 = arith.muli %scan3A_204, %mul3A_207 : i32
      %add3A_209 = arith.addi %select_n3A, %mul3A_208 : i32
      %sub3A_210 = arith.constant 8 : i32
      %sub3A_211 = arith.subi %select_n3A_46, %sub3A_210 : i32
      %min3A_212 = arith.minsi %add3A_209, %sub3A_211 : i32
      %mul3A_213 = arith.constant 128 : i32
      %mul3A_214 = arith.muli %min3A_212, %mul3A_213 : i32
      %add3A_215 = arith.constant 1 : i32
      %add3A_216 = arith.addi %scan3A_204, %add3A_215 : i32
      %lt3A = arith.constant 31 : i32
      %lt3A_217 = arith.cmpi slt, %add3A_216, %lt3A : i32
      %convert_element_type3A = arith.extui %lt3A_217 : i1 to i32
      %cond3A = arith.constant 0 : i32
      %cond3A_218 = arith.cmpi ne, %convert_element_type3A, %cond3A : i32
      scf.if %cond3A_218 {
        %add3A_334 = arith.constant 1 : i32
        %add3A_335 = arith.addi %scan3A_204, %add3A_334 : i32
        %mul3A_336 = arith.constant 8 : i32
        %mul3A_337 = arith.muli %add3A_335, %mul3A_336 : i32
        %add3A_338 = arith.addi %select_n3A, %mul3A_337 : i32
        %sub3A_339 = arith.constant 8 : i32
        %sub3A_340 = arith.subi %select_n3A_46, %sub3A_339 : i32
        %min3A_341 = arith.minsi %add3A_338, %sub3A_340 : i32
        %mul3A_342 = arith.constant 128 : i32
        %mul3A_343 = arith.muli %min3A_341, %mul3A_342 : i32
        %multiple_of3A_344 = tpu.assume_multiple %mul3A_343, 128 : i32
        %sub3A_345 = arith.constant 1 : i32
        %sub3A_346 = arith.subi %sub3A_345, %and3A_206 : i32
        %dma_start3A_347 = arith.constant 0 : i32
        %dma_start3A_348 = arith.constant 0 : i32
        %dma_start3A_349 = tpu.memref_slice %arg11[%sub3A_346, %dma_start3A_347, %dma_start3A_348] : memref<2x32x1024xf32, #tpu.memory_space<vmem>> -> memref<1x32x1024xf32, #tpu.memory_space<vmem>>
        %dma_start3A_350 = tpu.memref_squeeze %dma_start3A_349 : memref<1x32x1024xf32, #tpu.memory_space<vmem>> -> memref<32x1024xf32, #tpu.memory_space<vmem>>
        %dma_start3A_351 = arith.constant 0 : i32
        %dma_start3A_352 = tpu.memref_slice %arg2[%dma_start3A_351, %multiple_of3A_344] : memref<32x1000000xf32, #tpu.memory_space<hbm>> -> memref<32x1024xf32, #tpu.memory_space<hbm>>
        %dma_start3A_353 = arith.constant 0 : i32
        %dma_start3A_354 = arith.constant 0 : i32
        %dma_start3A_355 = tpu.memref_slice %arg11[%sub3A_346, %dma_start3A_353, %dma_start3A_354] : memref<2x32x1024xf32, #tpu.memory_space<vmem>> -> memref<1x32x1024xf32, #tpu.memory_space<vmem>>
        %dma_start3A_356 = tpu.memref_squeeze %dma_start3A_355 : memref<1x32x1024xf32, #tpu.memory_space<vmem>> -> memref<32x1024xf32, #tpu.memory_space<vmem>>
        %dma_start3A_357 = arith.constant 0 : i32
        %dma_start3A_358 = tpu.memref_slice %arg2[%dma_start3A_357, %multiple_of3A_344] : memref<32x1000000xf32, #tpu.memory_space<hbm>> -> memref<32x1024xf32, #tpu.memory_space<hbm>>
        tpu.enqueue_dma source(%dma_start3A_358 : memref<32x1024xf32, #tpu.memory_space<hbm>>) target(%dma_start3A_356 : memref<32x1024xf32, #tpu.memory_space<vmem>>) target_semaphore(%arg15 : memref<!tpu.dma_semaphore, #tpu.memory_space<semaphore_mem>>)
      } else {
      }
      %add3A_219 = arith.constant 0 : i32
      %add3A_220 = arith.addi %select_n3A, %add3A_219 : i32
      %sub3A_221 = arith.constant 8 : i32
      %sub3A_222 = arith.subi %select_n3A_46, %sub3A_221 : i32
      %min3A_223 = arith.minsi %add3A_220, %sub3A_222 : i32
      %mul3A_224 = arith.constant 128 : i32
      %mul3A_225 = arith.muli %min3A_223, %mul3A_224 : i32
      %multiple_of3A_226 = tpu.assume_multiple %mul3A_225, 128 : i32
      %dma_wait3A = arith.constant 0 : i32
      %dma_wait3A_227 = arith.constant 0 : i32
      %dma_wait3A_228 = tpu.memref_slice %arg11[%and3A_206, %dma_wait3A, %dma_wait3A_227] : memref<2x32x1024xf32, #tpu.memory_space<vmem>> -> memref<1x32x1024xf32, #tpu.memory_space<vmem>>
      %dma_wait3A_229 = tpu.memref_squeeze %dma_wait3A_228 : memref<1x32x1024xf32, #tpu.memory_space<vmem>> -> memref<32x1024xf32, #tpu.memory_space<vmem>>
      %dma_wait3A_230 = arith.constant 0 : i32
      %dma_wait3A_231 = tpu.memref_slice %arg2[%dma_wait3A_230, %multiple_of3A_226] : memref<32x1000000xf32, #tpu.memory_space<hbm>> -> memref<32x1024xf32, #tpu.memory_space<hbm>>
      %dma_wait3A_232 = arith.constant 0 : i32
      %dma_wait3A_233 = arith.constant 0 : i32
      %dma_wait3A_234 = tpu.memref_slice %arg11[%and3A_206, %dma_wait3A_232, %dma_wait3A_233] : memref<2x32x1024xf32, #tpu.memory_space<vmem>> -> memref<1x32x1024xf32, #tpu.memory_space<vmem>>
      %dma_wait3A_235 = tpu.memref_squeeze %dma_wait3A_234 : memref<1x32x1024xf32, #tpu.memory_space<vmem>> -> memref<32x1024xf32, #tpu.memory_space<vmem>>
      %dma_wait3A_236 = arith.constant 0 : i32
      %dma_wait3A_237 = tpu.memref_slice %arg2[%dma_wait3A_236, %multiple_of3A_226] : memref<32x1000000xf32, #tpu.memory_space<hbm>> -> memref<32x1024xf32, #tpu.memory_space<hbm>>
      tpu.wait_dma2 semaphore(%arg15 : memref<!tpu.dma_semaphore, #tpu.memory_space<semaphore_mem>>) src(%dma_wait3A_237 : memref<32x1024xf32, #tpu.memory_space<hbm>>) dst(%dma_wait3A_235 : memref<32x1024xf32, #tpu.memory_space<vmem>>)
      %add3A_238 = arith.constant 1024 : i32
      %add3A_239 = arith.addi %mul3A_214, %add3A_238 : i32
      %broadcast_in_dim3A_240 = arith.constant 0 : i32
      %broadcast_in_dim3A_241 = vector.broadcast %broadcast_in_dim3A_240 : i32 to vector<16xi32>
      %while3A_242 = arith.constant 0 : i32
      %while3A_243 = arith.subi %select_n3A_112, %while3A_242 : i32
      %while3A_244 = arith.addi %while3A_242, %while3A_243 : i32
      %while3A_245 = arith.constant 1 : i32
      %while3A_246 = arith.divsi %while3A_243, %while3A_245 : i32
      %while3A_247 = arith.muli %while3A_246, %while3A_245 : i32
      %while3A_248 = arith.addi %while3A_242, %while3A_247 : i32
      %while3A_249 = arith.constant 1 : i32
      %while3A_250 = scf.for %while3A_334 = %while3A_242 to %while3A_248 step %while3A_249 iter_args(%while3A_335 = %broadcast_in_dim3A_241) -> (vector<16xi32>)  : i32 {
        %mul3A_336 = arith.constant 2 : i32
        %mul3A_337 = arith.muli %mul3A_336, %while3A_334 : i32
        %add3A_338 = arith.constant 0 : i32
        %add3A_339 = arith.addi %mul3A_337, %add3A_338 : i32
        %mul3A_340 = arith.constant 16 : i32
        %mul3A_341 = arith.muli %add3A_339, %mul3A_340 : i32
        %get3A = arith.index_cast %mul3A_341 : i32 to index
        %get3A_342 = tpu.vector_load %arg7[%get3A] {strides = array<i32>} : memref<6176xi32, #tpu.memory_space<vmem>>, vector<16xi32>,
        %get3A_343 = arith.index_cast %mul3A_341 : i32 to index
        %get3A_344 = tpu.vector_load %arg8[%get3A_343] {strides = array<i32>} : memref<6176xi32, #tpu.memory_space<vmem>>, vector<16xi32>,
        %ge3A_345 = vector.broadcast %mul3A_214 : i32 to vector<16xi32>
        %ge3A_346 = arith.cmpi sge, %get3A_342, %ge3A_345 : vector<16xi32>
        %lt3A_347 = vector.broadcast %add3A_239 : i32 to vector<16xi32>
        %lt3A_348 = arith.cmpi slt, %get3A_342, %lt3A_347 : vector<16xi32>
        %and3A_349 = arith.andi %ge3A_346, %lt3A_348 : vector<16xi1>
        %convert_element_type3A_350 = arith.extui %and3A_349 : vector<16xi1> to vector<16xi32>
        %broadcast_in_dim3A_351 = arith.constant true
        %broadcast_in_dim3A_352 = vector.broadcast %broadcast_in_dim3A_351 : i1 to vector<16xi1>
        %masked_cumsum3A = tpu.scan <sum>, %convert_element_type3A_350 masked %broadcast_in_dim3A_352 : vector<16xi32>, vector<16xi1> -> vector<16xi32>
        %sub3A_353 = arith.subi %masked_cumsum3A, %convert_element_type3A_350 : vector<16xi32>
        %add3A_354 = arith.addi %while3A_335, %sub3A_353 : vector<16xi32>
        %min3A_355 = arith.constant 2048 : i32
        %min3A_356 = vector.broadcast %min3A_355 : i32 to vector<16xi32>
        %min3A_357 = arith.minsi %add3A_354, %min3A_356 : vector<16xi32>
        tpu.vector_store_idx %arg9[%min3A_357], %get3A_342 masked %and3A_349 : memref<2080xi32, #tpu.memory_space<vmem>>[vector<16xi32>], vector<16xi32>, vector<16xi1>
        tpu.vector_store_idx %arg10[%min3A_357], %get3A_344 masked %and3A_349 : memref<2080xi32, #tpu.memory_space<vmem>>[vector<16xi32>], vector<16xi32>, vector<16xi1>
        %all_reduce_population_count3A = tpu.all_reduce %and3A_349 {dim = 0 : i64, kind = #tpu.reduction_kind<sum>} : vector<16xi1> -> vector<16xi32>
        %add3A_358 = arith.addi %while3A_335, %all_reduce_population_count3A : vector<16xi32>
        %mul3A_359 = arith.constant 2 : i32
        %mul3A_360 = arith.muli %mul3A_359, %while3A_334 : i32
        %add3A_361 = arith.constant 1 : i32
        %add3A_362 = arith.addi %mul3A_360, %add3A_361 : i32
        %mul3A_363 = arith.constant 16 : i32
        %mul3A_364 = arith.muli %add3A_362, %mul3A_363 : i32
        %get3A_365 = arith.index_cast %mul3A_364 : i32 to index
        %get3A_366 = tpu.vector_load %arg7[%get3A_365] {strides = array<i32>} : memref<6176xi32, #tpu.memory_space<vmem>>, vector<16xi32>,
        %get3A_367 = arith.index_cast %mul3A_364 : i32 to index
        %get3A_368 = tpu.vector_load %arg8[%get3A_367] {strides = array<i32>} : memref<6176xi32, #tpu.memory_space<vmem>>, vector<16xi32>,
        %ge3A_369 = vector.broadcast %mul3A_214 : i32 to vector<16xi32>
        %ge3A_370 = arith.cmpi sge, %get3A_366, %ge3A_369 : vector<16xi32>
        %lt3A_371 = vector.broadcast %add3A_239 : i32 to vector<16xi32>
        %lt3A_372 = arith.cmpi slt, %get3A_366, %lt3A_371 : vector<16xi32>
        %and3A_373 = arith.andi %ge3A_370, %lt3A_372 : vector<16xi1>
        %convert_element_type3A_374 = arith.extui %and3A_373 : vector<16xi1> to vector<16xi32>
        %broadcast_in_dim3A_375 = arith.constant true
        %broadcast_in_dim3A_376 = vector.broadcast %broadcast_in_dim3A_375 : i1 to vector<16xi1>
        %masked_cumsum3A_377 = tpu.scan <sum>, %convert_element_type3A_374 masked %broadcast_in_dim3A_376 : vector<16xi32>, vector<16xi1> -> vector<16xi32>
        %sub3A_378 = arith.subi %masked_cumsum3A_377, %convert_element_type3A_374 : vector<16xi32>
        %add3A_379 = arith.addi %add3A_358, %sub3A_378 : vector<16xi32>
        %min3A_380 = arith.constant 2048 : i32
        %min3A_381 = vector.broadcast %min3A_380 : i32 to vector<16xi32>
        %min3A_382 = arith.minsi %add3A_379, %min3A_381 : vector<16xi32>
        tpu.vector_store_idx %arg9[%min3A_382], %get3A_366 masked %and3A_373 : memref<2080xi32, #tpu.memory_space<vmem>>[vector<16xi32>], vector<16xi32>, vector<16xi1>
        tpu.vector_store_idx %arg10[%min3A_382], %get3A_368 masked %and3A_373 : memref<2080xi32, #tpu.memory_space<vmem>>[vector<16xi32>], vector<16xi32>, vector<16xi1>
        %all_reduce_population_count3A_383 = tpu.all_reduce %and3A_373 {dim = 0 : i64, kind = #tpu.reduction_kind<sum>} : vector<16xi1> -> vector<16xi32>
        %add3A_384 = arith.addi %add3A_358, %all_reduce_population_count3A_383 : vector<16xi32>
        scf.yield %add3A_384 : vector<16xi32>
      }
      %while3A_251 = arith.constant 1 : i32
      %while3A_252 = scf.for %while3A_334 = %while3A_248 to %while3A_244 step %while3A_251 iter_args(%while3A_335 = %while3A_250) -> (vector<16xi32>)  : i32 {
        %mul3A_336 = arith.constant 2 : i32
        %mul3A_337 = arith.muli %mul3A_336, %while3A_334 : i32
        %add3A_338 = arith.constant 0 : i32
        %add3A_339 = arith.addi %mul3A_337, %add3A_338 : i32
        %mul3A_340 = arith.constant 16 : i32
        %mul3A_341 = arith.muli %add3A_339, %mul3A_340 : i32
        %get3A = arith.index_cast %mul3A_341 : i32 to index
        %get3A_342 = tpu.vector_load %arg7[%get3A] {strides = array<i32>} : memref<6176xi32, #tpu.memory_space<vmem>>, vector<16xi32>,
        %get3A_343 = arith.index_cast %mul3A_341 : i32 to index
        %get3A_344 = tpu.vector_load %arg8[%get3A_343] {strides = array<i32>} : memref<6176xi32, #tpu.memory_space<vmem>>, vector<16xi32>,
        %ge3A_345 = vector.broadcast %mul3A_214 : i32 to vector<16xi32>
        %ge3A_346 = arith.cmpi sge, %get3A_342, %ge3A_345 : vector<16xi32>
        %lt3A_347 = vector.broadcast %add3A_239 : i32 to vector<16xi32>
        %lt3A_348 = arith.cmpi slt, %get3A_342, %lt3A_347 : vector<16xi32>
        %and3A_349 = arith.andi %ge3A_346, %lt3A_348 : vector<16xi1>
        %convert_element_type3A_350 = arith.extui %and3A_349 : vector<16xi1> to vector<16xi32>
        %broadcast_in_dim3A_351 = arith.constant true
        %broadcast_in_dim3A_352 = vector.broadcast %broadcast_in_dim3A_351 : i1 to vector<16xi1>
        %masked_cumsum3A = tpu.scan <sum>, %convert_element_type3A_350 masked %broadcast_in_dim3A_352 : vector<16xi32>, vector<16xi1> -> vector<16xi32>
        %sub3A_353 = arith.subi %masked_cumsum3A, %convert_element_type3A_350 : vector<16xi32>
        %add3A_354 = arith.addi %while3A_335, %sub3A_353 : vector<16xi32>
        %min3A_355 = arith.constant 2048 : i32
        %min3A_356 = vector.broadcast %min3A_355 : i32 to vector<16xi32>
        %min3A_357 = arith.minsi %add3A_354, %min3A_356 : vector<16xi32>
        tpu.vector_store_idx %arg9[%min3A_357], %get3A_342 masked %and3A_349 : memref<2080xi32, #tpu.memory_space<vmem>>[vector<16xi32>], vector<16xi32>, vector<16xi1>
        tpu.vector_store_idx %arg10[%min3A_357], %get3A_344 masked %and3A_349 : memref<2080xi32, #tpu.memory_space<vmem>>[vector<16xi32>], vector<16xi32>, vector<16xi1>
        %all_reduce_population_count3A = tpu.all_reduce %and3A_349 {dim = 0 : i64, kind = #tpu.reduction_kind<sum>} : vector<16xi1> -> vector<16xi32>
        %add3A_358 = arith.addi %while3A_335, %all_reduce_population_count3A : vector<16xi32>
        %mul3A_359 = arith.constant 2 : i32
        %mul3A_360 = arith.muli %mul3A_359, %while3A_334 : i32
        %add3A_361 = arith.constant 1 : i32
        %add3A_362 = arith.addi %mul3A_360, %add3A_361 : i32
        %mul3A_363 = arith.constant 16 : i32
        %mul3A_364 = arith.muli %add3A_362, %mul3A_363 : i32
        %get3A_365 = arith.index_cast %mul3A_364 : i32 to index
        %get3A_366 = tpu.vector_load %arg7[%get3A_365] {strides = array<i32>} : memref<6176xi32, #tpu.memory_space<vmem>>, vector<16xi32>,
        %get3A_367 = arith.index_cast %mul3A_364 : i32 to index
        %get3A_368 = tpu.vector_load %arg8[%get3A_367] {strides = array<i32>} : memref<6176xi32, #tpu.memory_space<vmem>>, vector<16xi32>,
        %ge3A_369 = vector.broadcast %mul3A_214 : i32 to vector<16xi32>
        %ge3A_370 = arith.cmpi sge, %get3A_366, %ge3A_369 : vector<16xi32>
        %lt3A_371 = vector.broadcast %add3A_239 : i32 to vector<16xi32>
        %lt3A_372 = arith.cmpi slt, %get3A_366, %lt3A_371 : vector<16xi32>
        %and3A_373 = arith.andi %ge3A_370, %lt3A_372 : vector<16xi1>
        %convert_element_type3A_374 = arith.extui %and3A_373 : vector<16xi1> to vector<16xi32>
        %broadcast_in_dim3A_375 = arith.constant true
        %broadcast_in_dim3A_376 = vector.broadcast %broadcast_in_dim3A_375 : i1 to vector<16xi1>
        %masked_cumsum3A_377 = tpu.scan <sum>, %convert_element_type3A_374 masked %broadcast_in_dim3A_376 : vector<16xi32>, vector<16xi1> -> vector<16xi32>
        %sub3A_378 = arith.subi %masked_cumsum3A_377, %convert_element_type3A_374 : vector<16xi32>
        %add3A_379 = arith.addi %add3A_358, %sub3A_378 : vector<16xi32>
        %min3A_380 = arith.constant 2048 : i32
        %min3A_381 = vector.broadcast %min3A_380 : i32 to vector<16xi32>
        %min3A_382 = arith.minsi %add3A_379, %min3A_381 : vector<16xi32>
        tpu.vector_store_idx %arg9[%min3A_382], %get3A_366 masked %and3A_373 : memref<2080xi32, #tpu.memory_space<vmem>>[vector<16xi32>], vector<16xi32>, vector<16xi1>
        tpu.vector_store_idx %arg10[%min3A_382], %get3A_368 masked %and3A_373 : memref<2080xi32, #tpu.memory_space<vmem>>[vector<16xi32>], vector<16xi32>, vector<16xi1>
        %all_reduce_population_count3A_383 = tpu.all_reduce %and3A_373 {dim = 0 : i64, kind = #tpu.reduction_kind<sum>} : vector<16xi1> -> vector<16xi32>
        %add3A_384 = arith.addi %add3A_358, %all_reduce_population_count3A_383 : vector<16xi32>
        scf.yield %add3A_384 : vector<16xi32>
      }
      %reduce_max3A_253 = arith.constant true
      %reduce_max3A_254 = vector.broadcast %reduce_max3A_253 : i1 to vector<16xi1>
      %reduce_max3A_255 = arith.constant -2147483648 : i32
      %reduce_max3A_256 = vector.broadcast %reduce_max3A_255 : i32 to vector<16xi32>
      %reduce_max3A_257 = arith.xori %while3A_252, %reduce_max3A_256 : vector<16xi32>
      %reduce_max3A_258 = tpu.scan <max>, %reduce_max3A_257 masked %reduce_max3A_254 : vector<16xi32>, vector<16xi1> -> vector<16xi32>
      %reduce_max3A_259 = arith.xori %reduce_max3A_258, %reduce_max3A_256 : vector<16xi32>
      %reduce_max3A_260 = vector.extract %reduce_max3A_259[15] : i32 from vector<16xi32>
      %min3A_261 = arith.constant 2048 : i32
      %min3A_262 = arith.minsi %reduce_max3A_260, %min3A_261 : i32
      %swap3A_263 = arith.index_cast %min3A_262 : i32 to index
      %swap3A_264 = tpu.vector_load %arg9[%swap3A_263] {strides = array<i32>} : memref<2080xi32, #tpu.memory_space<vmem>>, vector<16xi32>,
      tpu.vector_store %arg9[%swap3A_263], %broadcast_in_dim3A_70 {strides = array<i32>} : memref<2080xi32, #tpu.memory_space<vmem>>, vector<16xi32>,
      %swap3A_265 = arith.index_cast %min3A_262 : i32 to index
      %swap3A_266 = tpu.vector_load %arg10[%swap3A_265] {strides = array<i32>} : memref<2080xi32, #tpu.memory_space<vmem>>, vector<16xi32>,
      tpu.vector_store %arg10[%swap3A_265], %add3A_73 {strides = array<i32>} : memref<2080xi32, #tpu.memory_space<vmem>>, vector<16xi32>,
      %add3A_267 = arith.constant 16 : i32
      %add3A_268 = arith.addi %min3A_262, %add3A_267 : i32
      %sub3A_269 = arith.constant 1 : i32
      %sub3A_270 = arith.subi %add3A_268, %sub3A_269 : i32
      %jit3A_271 = arith.constant 16 : i32
      %div3A_272 = arith.divsi %sub3A_270, %jit3A_271 : i32
      %sign3A_273 = arith.constant 0 : i32
      %sign3A_274 = arith.cmpi sgt, %sub3A_270, %sign3A_273 : i32
      %sign3A_275 = arith.extui %sign3A_274 : i1 to i32
      %sign3A_276 = arith.constant 0 : i32
      %sign3A_277 = arith.cmpi slt, %sub3A_270, %sign3A_276 : i32
      %sign3A_278 = arith.extui %sign3A_277 : i1 to i32
      %sign3A_279 = arith.subi %sign3A_275, %sign3A_278 : i32
      %sign3A_280 = arith.constant 0 : i32
      %sign3A_281 = arith.cmpi sgt, %jit3A_271, %sign3A_280 : i32
      %sign3A_282 = arith.extui %sign3A_281 : i1 to i32
      %sign3A_283 = arith.constant 0 : i32
      %sign3A_284 = arith.cmpi slt, %jit3A_271, %sign3A_283 : i32
      %sign3A_285 = arith.extui %sign3A_284 : i1 to i32
      %sign3A_286 = arith.subi %sign3A_282, %sign3A_285 : i32
      %ne3A_287 = arith.cmpi ne, %sign3A_279, %sign3A_286 : i32
      %rem3A_288 = arith.remsi %sub3A_270, %jit3A_271 : i32
      %ne3A_289 = arith.constant 0 : i32
      %ne3A_290 = arith.cmpi ne, %rem3A_288, %ne3A_289 : i32
      %and3A_291 = arith.andi %ne3A_287, %ne3A_290 : i1
      %sub3A_292 = arith.constant 1 : i32
      %sub3A_293 = arith.subi %div3A_272, %sub3A_292 : i32
      %select_n3A_294 = arith.select %and3A_291, %sub3A_293, %div3A_272 : i32
      %while3A_295 = arith.constant 0 : i32
      %while3A_296 = arith.constant 0 : i32
      %while3A_297 = arith.subi %select_n3A_294, %while3A_296 : i32
      %while3A_298 = arith.addi %while3A_296, %while3A_297 : i32
      %while3A_299 = arith.constant 1 : i32
      %while3A_300 = arith.divsi %while3A_297, %while3A_299 : i32
      %while3A_301 = arith.muli %while3A_300, %while3A_299 : i32
      %while3A_302 = arith.addi %while3A_296, %while3A_301 : i32
      %while3A_303 = arith.constant 1 : i32
      scf.for %while3A_334 = %while3A_296 to %while3A_302 step %while3A_303  : i32 {
        %rem3A_335 = arith.constant 6 : i32
        %rem3A_336 = arith.remsi %while3A_334, %rem3A_335 : i32
        %ge3A_337 = arith.constant 6 : i32
        %ge3A_338 = arith.cmpi sge, %while3A_334, %ge3A_337 : i32
        %convert_element_type3A_339 = arith.extui %ge3A_338 : i1 to i32
        %cond3A_340 = arith.constant 0 : i32
        %cond3A_341 = arith.cmpi ne, %convert_element_type3A_339, %cond3A_340 : i32
        scf.if %cond3A_341 {
          %dma_wait3A_713 = arith.constant 0 : i32
          %dma_wait3A_714 = arith.constant 0 : i32
          %dma_wait3A_715 = arith.constant 0 : i32
          %dma_wait3A_716 = tpu.memref_slice %arg12[%dma_wait3A_713, %dma_wait3A_714, %dma_wait3A_715] : memref<6x16x128xf32, #tpu.memory_space<vmem>> -> memref<1x16x128xf32, #tpu.memory_space<vmem>>
          %dma_wait3A_717 = tpu.memref_squeeze %dma_wait3A_716 : memref<1x16x128xf32, #tpu.memory_space<vmem>> -> memref<16x128xf32, #tpu.memory_space<vmem>>
          %dma_wait3A_718 = arith.constant 32768 : i32
          %dma_wait3A_719 = arith.constant 0 : i32
          %dma_wait3A_720 = tpu.memref_slice %arg5[%dma_wait3A_718, %dma_wait3A_719] : memref<32832x128xf32, #tpu.memory_space<hbm>> -> memref<16x128xf32, #tpu.memory_space<hbm>>
          %dma_wait3A_721 = arith.constant 32768 : i32
          %dma_wait3A_722 = arith.constant 0 : i32
          %dma_wait3A_723 = tpu.memref_slice %arg5[%dma_wait3A_721, %dma_wait3A_722] : memref<32832x128xf32, #tpu.memory_space<hbm>> -> memref<16x128xf32, #tpu.memory_space<hbm>>
          %dma_wait3A_724 = arith.constant 0 : i32
          %dma_wait3A_725 = arith.constant 0 : i32
          %dma_wait3A_726 = tpu.memref_slice %arg12[%dma_wait3A_713, %dma_wait3A_724, %dma_wait3A_725] : memref<6x16x128xf32, #tpu.memory_space<vmem>> -> memref<1x16x128xf32, #tpu.memory_space<vmem>>
          %dma_wait3A_727 = tpu.memref_squeeze %dma_wait3A_726 : memref<1x16x128xf32, #tpu.memory_space<vmem>> -> memref<16x128xf32, #tpu.memory_space<vmem>>
          tpu.wait_dma2 semaphore(%arg16 : memref<!tpu.dma_semaphore, #tpu.memory_space<semaphore_mem>>) src(%dma_wait3A_727 : memref<16x128xf32, #tpu.memory_space<vmem>>) dst(%dma_wait3A_723 : memref<16x128xf32, #tpu.memory_space<hbm>>)
        } else {
        }
        %mul3A_342 = arith.constant 16 : i32
        %mul3A_343 = arith.muli %while3A_334, %mul3A_342 : i32
        %get3A = arith.index_cast %mul3A_343 : i32 to index
        %get3A_344 = tpu.vector_load %arg9[%get3A] {strides = array<i32>} : memref<2080xi32, #tpu.memory_space<vmem>>, vector<16xi32>,
        %mul3A_345 = arith.constant 16 : i32
        %mul3A_346 = arith.muli %while3A_334, %mul3A_345 : i32
        %get3A_347 = arith.index_cast %mul3A_346 : i32 to index
        %get3A_348 = tpu.vector_load %arg10[%get3A_347] {strides = array<i32>} : memref<2080xi32, #tpu.memory_space<vmem>>, vector<16xi32>,
        %sub3A_349 = vector.broadcast %mul3A_214 : i32 to vector<16xi32>
        %sub3A_350 = arith.subi %get3A_344, %sub3A_349 : vector<16xi32>
        %max3A = arith.constant 0 : i32
        %max3A_351 = vector.broadcast %max3A : i32 to vector<16xi32>
        %max3A_352 = arith.maxsi %sub3A_350, %max3A_351 : vector<16xi32>
        %min3A_353 = arith.constant 1023 : i32
        %min3A_354 = vector.broadcast %min3A_353 : i32 to vector<16xi32>
        %min3A_355 = arith.minsi %max3A_352, %min3A_354 : vector<16xi32>
        %broadcast_in_dim3A_356 = arith.constant 0 : i32
        %broadcast_in_dim3A_357 = vector.broadcast %broadcast_in_dim3A_356 : i32 to vector<16xi32>
        %gather3A = arith.constant 0 : i32
        %gather3A_358 = arith.constant 0 : i32
        %gather3A_359 = tpu.memref_slice %arg11[%and3A_206, %gather3A, %gather3A_358] : memref<2x32x1024xf32, #tpu.memory_space<vmem>> -> memref<1x32x1024xf32, #tpu.memory_space<vmem>>
        %gather3A_360 = tpu.memref_squeeze %gather3A_359 : memref<1x32x1024xf32, #tpu.memory_space<vmem>> -> memref<32x1024xf32, #tpu.memory_space<vmem>>
        %gather3A_361 = tpu.vector_load_idx %gather3A_360[%broadcast_in_dim3A_357, %min3A_355] : memref<32x1024xf32, #tpu.memory_space<vmem>>[vector<16xi32>, vector<16xi32>], vector<16xf32>,
        %scatter3A = arith.constant 0 : i32
        %scatter3A_362 = arith.constant 0 : i32
        %scatter3A_363 = tpu.memref_slice %arg12[%rem3A_336, %scatter3A, %scatter3A_362] : memref<6x16x128xf32, #tpu.memory_space<vmem>> -> memref<1x16x128xf32, #tpu.memory_space<vmem>>
        %scatter3A_364 = tpu.memref_squeeze %scatter3A_363 : memref<1x16x128xf32, #tpu.memory_space<vmem>> -> memref<16x128xf32, #tpu.memory_space<vmem>>
        tpu.vector_store_idx %scatter3A_364[%iota3A, %broadcast_in_dim3A_357], %gather3A_361 : memref<16x128xf32, #tpu.memory_space<vmem>>[vector<16xi32>, vector<16xi32>], vector<16xf32>,
        %broadcast_in_dim3A_365 = arith.constant 1 : i32
        %broadcast_in_dim3A_366 = vector.broadcast %broadcast_in_dim3A_365 : i32 to vector<16xi32>
        %gather3A_367 = arith.constant 0 : i32
        %gather3A_368 = arith.constant 0 : i32
        %gather3A_369 = tpu.memref_slice %arg11[%and3A_206, %gather3A_367, %gather3A_368] : memref<2x32x1024xf32, #tpu.memory_space<vmem>> -> memref<1x32x1024xf32, #tpu.memory_space<vmem>>
        %gather3A_370 = tpu.memref_squeeze %gather3A_369 : memref<1x32x1024xf32, #tpu.memory_space<vmem>> -> memref<32x1024xf32, #tpu.memory_space<vmem>>
        %gather3A_371 = tpu.vector_load_idx %gather3A_370[%broadcast_in_dim3A_366, %min3A_355] : memref<32x1024xf32, #tpu.memory_space<vmem>>[vector<16xi32>, vector<16xi32>], vector<16xf32>,
        %scatter3A_372 = arith.constant 0 : i32
        %scatter3A_373 = arith.constant 0 : i32
        %scatter3A_374 = tpu.memref_slice %arg12[%rem3A_336, %scatter3A_372, %scatter3A_373] : memref<6x16x128xf32, #tpu.memory_space<vmem>> -> memref<1x16x128xf32, #tpu.memory_space<vmem>>
        %scatter3A_375 = tpu.memref_squeeze %scatter3A_374 : memref<1x16x128xf32, #tpu.memory_space<vmem>> -> memref<16x128xf32, #tpu.memory_space<vmem>>
        tpu.vector_store_idx %scatter3A_375[%iota3A, %broadcast_in_dim3A_366], %gather3A_371 : memref<16x128xf32, #tpu.memory_space<vmem>>[vector<16xi32>, vector<16xi32>], vector<16xf32>,
        %broadcast_in_dim3A_376 = arith.constant 2 : i32
        %broadcast_in_dim3A_377 = vector.broadcast %broadcast_in_dim3A_376 : i32 to vector<16xi32>
        %gather3A_378 = arith.constant 0 : i32
        %gather3A_379 = arith.constant 0 : i32
        %gather3A_380 = tpu.memref_slice %arg11[%and3A_206, %gather3A_378, %gather3A_379] : memref<2x32x1024xf32, #tpu.memory_space<vmem>> -> memref<1x32x1024xf32, #tpu.memory_space<vmem>>
        %gather3A_381 = tpu.memref_squeeze %gather3A_380 : memref<1x32x1024xf32, #tpu.memory_space<vmem>> -> memref<32x1024xf32, #tpu.memory_space<vmem>>
        %gather3A_382 = tpu.vector_load_idx %gather3A_381[%broadcast_in_dim3A_377, %min3A_355] : memref<32x1024xf32, #tpu.memory_space<vmem>>[vector<16xi32>, vector<16xi32>], vector<16xf32>,
        %scatter3A_383 = arith.constant 0 : i32
        %scatter3A_384 = arith.constant 0 : i32
        %scatter3A_385 = tpu.memref_slice %arg12[%rem3A_336, %scatter3A_383, %scatter3A_384] : memref<6x16x128xf32, #tpu.memory_space<vmem>> -> memref<1x16x128xf32, #tpu.memory_space<vmem>>
        %scatter3A_386 = tpu.memref_squeeze %scatter3A_385 : memref<1x16x128xf32, #tpu.memory_space<vmem>> -> memref<16x128xf32, #tpu.memory_space<vmem>>
        tpu.vector_store_idx %scatter3A_386[%iota3A, %broadcast_in_dim3A_377], %gather3A_382 : memref<16x128xf32, #tpu.memory_space<vmem>>[vector<16xi32>, vector<16xi32>], vector<16xf32>,
        %broadcast_in_dim3A_387 = arith.constant 3 : i32
        %broadcast_in_dim3A_388 = vector.broadcast %broadcast_in_dim3A_387 : i32 to vector<16xi32>
        %gather3A_389 = arith.constant 0 : i32
        %gather3A_390 = arith.constant 0 : i32
        %gather3A_391 = tpu.memref_slice %arg11[%and3A_206, %gather3A_389, %gather3A_390] : memref<2x32x1024xf32, #tpu.memory_space<vmem>> -> memref<1x32x1024xf32, #tpu.memory_space<vmem>>
        %gather3A_392 = tpu.memref_squeeze %gather3A_391 : memref<1x32x1024xf32, #tpu.memory_space<vmem>> -> memref<32x1024xf32, #tpu.memory_space<vmem>>
        %gather3A_393 = tpu.vector_load_idx %gather3A_392[%broadcast_in_dim3A_388, %min3A_355] : memref<32x1024xf32, #tpu.memory_space<vmem>>[vector<16xi32>, vector<16xi32>], vector<16xf32>,
        %scatter3A_394 = arith.constant 0 : i32
        %scatter3A_395 = arith.constant 0 : i32
        %scatter3A_396 = tpu.memref_slice %arg12[%rem3A_336, %scatter3A_394, %scatter3A_395] : memref<6x16x128xf32, #tpu.memory_space<vmem>> -> memref<1x16x128xf32, #tpu.memory_space<vmem>>
        %scatter3A_397 = tpu.memref_squeeze %scatter3A_396 : memref<1x16x128xf32, #tpu.memory_space<vmem>> -> memref<16x128xf32, #tpu.memory_space<vmem>>
        tpu.vector_store_idx %scatter3A_397[%iota3A, %broadcast_in_dim3A_388], %gather3A_393 : memref<16x128xf32, #tpu.memory_space<vmem>>[vector<16xi32>, vector<16xi32>], vector<16xf32>,
        %broadcast_in_dim3A_398 = arith.constant 4 : i32
        %broadcast_in_dim3A_399 = vector.broadcast %broadcast_in_dim3A_398 : i32 to vector<16xi32>
        %gather3A_400 = arith.constant 0 : i32
        %gather3A_401 = arith.constant 0 : i32
        %gather3A_402 = tpu.memref_slice %arg11[%and3A_206, %gather3A_400, %gather3A_401] : memref<2x32x1024xf32, #tpu.memory_space<vmem>> -> memref<1x32x1024xf32, #tpu.memory_space<vmem>>
        %gather3A_403 = tpu.memref_squeeze %gather3A_402 : memref<1x32x1024xf32, #tpu.memory_space<vmem>> -> memref<32x1024xf32, #tpu.memory_space<vmem>>
        %gather3A_404 = tpu.vector_load_idx %gather3A_403[%broadcast_in_dim3A_399, %min3A_355] : memref<32x1024xf32, #tpu.memory_space<vmem>>[vector<16xi32>, vector<16xi32>], vector<16xf32>,
        %scatter3A_405 = arith.constant 0 : i32
        %scatter3A_406 = arith.constant 0 : i32
        %scatter3A_407 = tpu.memref_slice %arg12[%rem3A_336, %scatter3A_405, %scatter3A_406] : memref<6x16x128xf32, #tpu.memory_space<vmem>> -> memref<1x16x128xf32, #tpu.memory_space<vmem>>
        %scatter3A_408 = tpu.memref_squeeze %scatter3A_407 : memref<1x16x128xf32, #tpu.memory_space<vmem>> -> memref<16x128xf32, #tpu.memory_space<vmem>>
        tpu.vector_store_idx %scatter3A_408[%iota3A, %broadcast_in_dim3A_399], %gather3A_404 : memref<16x128xf32, #tpu.memory_space<vmem>>[vector<16xi32>, vector<16xi32>], vector<16xf32>,
        %broadcast_in_dim3A_409 = arith.constant 5 : i32
        %broadcast_in_dim3A_410 = vector.broadcast %broadcast_in_dim3A_409 : i32 to vector<16xi32>
        %gather3A_411 = arith.constant 0 : i32
        %gather3A_412 = arith.constant 0 : i32
        %gather3A_413 = tpu.memref_slice %arg11[%and3A_206, %gather3A_411, %gather3A_412] : memref<2x32x1024xf32, #tpu.memory_space<vmem>> -> memref<1x32x1024xf32, #tpu.memory_space<vmem>>
        %gather3A_414 = tpu.memref_squeeze %gather3A_413 : memref<1x32x1024xf32, #tpu.memory_space<vmem>> -> memref<32x1024xf32, #tpu.memory_space<vmem>>
        %gather3A_415 = tpu.vector_load_idx %gather3A_414[%broadcast_in_dim3A_410, %min3A_355] : memref<32x1024xf32, #tpu.memory_space<vmem>>[vector<16xi32>, vector<16xi32>], vector<16xf32>,
        %scatter3A_416 = arith.constant 0 : i32
        %scatter3A_417 = arith.constant 0 : i32
        %scatter3A_418 = tpu.memref_slice %arg12[%rem3A_336, %scatter3A_416, %scatter3A_417] : memref<6x16x128xf32, #tpu.memory_space<vmem>> -> memref<1x16x128xf32, #tpu.memory_space<vmem>>
        %scatter3A_419 = tpu.memref_squeeze %scatter3A_418 : memref<1x16x128xf32, #tpu.memory_space<vmem>> -> memref<16x128xf32, #tpu.memory_space<vmem>>
        tpu.vector_store_idx %scatter3A_419[%iota3A, %broadcast_in_dim3A_410], %gather3A_415 : memref<16x128xf32, #tpu.memory_space<vmem>>[vector<16xi32>, vector<16xi32>], vector<16xf32>,
        %broadcast_in_dim3A_420 = arith.constant 6 : i32
        %broadcast_in_dim3A_421 = vector.broadcast %broadcast_in_dim3A_420 : i32 to vector<16xi32>
        %gather3A_422 = arith.constant 0 : i32
        %gather3A_423 = arith.constant 0 : i32
        %gather3A_424 = tpu.memref_slice %arg11[%and3A_206, %gather3A_422, %gather3A_423] : memref<2x32x1024xf32, #tpu.memory_space<vmem>> -> memref<1x32x1024xf32, #tpu.memory_space<vmem>>
        %gather3A_425 = tpu.memref_squeeze %gather3A_424 : memref<1x32x1024xf32, #tpu.memory_space<vmem>> -> memref<32x1024xf32, #tpu.memory_space<vmem>>
        %gather3A_426 = tpu.vector_load_idx %gather3A_425[%broadcast_in_dim3A_421, %min3A_355] : memref<32x1024xf32, #tpu.memory_space<vmem>>[vector<16xi32>, vector<16xi32>], vector<16xf32>,
        %scatter3A_427 = arith.constant 0 : i32
        %scatter3A_428 = arith.constant 0 : i32
        %scatter3A_429 = tpu.memref_slice %arg12[%rem3A_336, %scatter3A_427, %scatter3A_428] : memref<6x16x128xf32, #tpu.memory_space<vmem>> -> memref<1x16x128xf32, #tpu.memory_space<vmem>>
        %scatter3A_430 = tpu.memref_squeeze %scatter3A_429 : memref<1x16x128xf32, #tpu.memory_space<vmem>> -> memref<16x128xf32, #tpu.memory_space<vmem>>
        tpu.vector_store_idx %scatter3A_430[%iota3A, %broadcast_in_dim3A_421], %gather3A_426 : memref<16x128xf32, #tpu.memory_space<vmem>>[vector<16xi32>, vector<16xi32>], vector<16xf32>,
        %broadcast_in_dim3A_431 = arith.constant 7 : i32
        %broadcast_in_dim3A_432 = vector.broadcast %broadcast_in_dim3A_431 : i32 to vector<16xi32>
        %gather3A_433 = arith.constant 0 : i32
        %gather3A_434 = arith.constant 0 : i32
        %gather3A_435 = tpu.memref_slice %arg11[%and3A_206, %gather3A_433, %gather3A_434] : memref<2x32x1024xf32, #tpu.memory_space<vmem>> -> memref<1x32x1024xf32, #tpu.memory_space<vmem>>
        %gather3A_436 = tpu.memref_squeeze %gather3A_435 : memref<1x32x1024xf32, #tpu.memory_space<vmem>> -> memref<32x1024xf32, #tpu.memory_space<vmem>>
        %gather3A_437 = tpu.vector_load_idx %gather3A_436[%broadcast_in_dim3A_432, %min3A_355] : memref<32x1024xf32, #tpu.memory_space<vmem>>[vector<16xi32>, vector<16xi32>], vector<16xf32>,
        %scatter3A_438 = arith.constant 0 : i32
        %scatter3A_439 = arith.constant 0 : i32
        %scatter3A_440 = tpu.memref_slice %arg12[%rem3A_336, %scatter3A_438, %scatter3A_439] : memref<6x16x128xf32, #tpu.memory_space<vmem>> -> memref<1x16x128xf32, #tpu.memory_space<vmem>>
        %scatter3A_441 = tpu.memref_squeeze %scatter3A_440 : memref<1x16x128xf32, #tpu.memory_space<vmem>> -> memref<16x128xf32, #tpu.memory_space<vmem>>
        tpu.vector_store_idx %scatter3A_441[%iota3A, %broadcast_in_dim3A_432], %gather3A_437 : memref<16x128xf32, #tpu.memory_space<vmem>>[vector<16xi32>, vector<16xi32>], vector<16xf32>,
        %broadcast_in_dim3A_442 = arith.constant 8 : i32
        %broadcast_in_dim3A_443 = vector.broadcast %broadcast_in_dim3A_442 : i32 to vector<16xi32>
        %gather3A_444 = arith.constant 0 : i32
        %gather3A_445 = arith.constant 0 : i32
        %gather3A_446 = tpu.memref_slice %arg11[%and3A_206, %gather3A_444, %gather3A_445] : memref<2x32x1024xf32, #tpu.memory_space<vmem>> -> memref<1x32x1024xf32, #tpu.memory_space<vmem>>
        %gather3A_447 = tpu.memref_squeeze %gather3A_446 : memref<1x32x1024xf32, #tpu.memory_space<vmem>> -> memref<32x1024xf32, #tpu.memory_space<vmem>>
        %gather3A_448 = tpu.vector_load_idx %gather3A_447[%broadcast_in_dim3A_443, %min3A_355] : memref<32x1024xf32, #tpu.memory_space<vmem>>[vector<16xi32>, vector<16xi32>], vector<16xf32>,
        %scatter3A_449 = arith.constant 0 : i32
        %scatter3A_450 = arith.constant 0 : i32
        %scatter3A_451 = tpu.memref_slice %arg12[%rem3A_336, %scatter3A_449, %scatter3A_450] : memref<6x16x128xf32, #tpu.memory_space<vmem>> -> memref<1x16x128xf32, #tpu.memory_space<vmem>>
        %scatter3A_452 = tpu.memref_squeeze %scatter3A_451 : memref<1x16x128xf32, #tpu.memory_space<vmem>> -> memref<16x128xf32, #tpu.memory_space<vmem>>
        tpu.vector_store_idx %scatter3A_452[%iota3A, %broadcast_in_dim3A_443], %gather3A_448 : memref<16x128xf32, #tpu.memory_space<vmem>>[vector<16xi32>, vector<16xi32>], vector<16xf32>,
        %broadcast_in_dim3A_453 = arith.constant 9 : i32
        %broadcast_in_dim3A_454 = vector.broadcast %broadcast_in_dim3A_453 : i32 to vector<16xi32>
        %gather3A_455 = arith.constant 0 : i32
        %gather3A_456 = arith.constant 0 : i32
        %gather3A_457 = tpu.memref_slice %arg11[%and3A_206, %gather3A_455, %gather3A_456] : memref<2x32x1024xf32, #tpu.memory_space<vmem>> -> memref<1x32x1024xf32, #tpu.memory_space<vmem>>
        %gather3A_458 = tpu.memref_squeeze %gather3A_457 : memref<1x32x1024xf32, #tpu.memory_space<vmem>> -> memref<32x1024xf32, #tpu.memory_space<vmem>>
        %gather3A_459 = tpu.vector_load_idx %gather3A_458[%broadcast_in_dim3A_454, %min3A_355] : memref<32x1024xf32, #tpu.memory_space<vmem>>[vector<16xi32>, vector<16xi32>], vector<16xf32>,
        %scatter3A_460 = arith.constant 0 : i32
        %scatter3A_461 = arith.constant 0 : i32
        %scatter3A_462 = tpu.memref_slice %arg12[%rem3A_336, %scatter3A_460, %scatter3A_461] : memref<6x16x128xf32, #tpu.memory_space<vmem>> -> memref<1x16x128xf32, #tpu.memory_space<vmem>>
        %scatter3A_463 = tpu.memref_squeeze %scatter3A_462 : memref<1x16x128xf32, #tpu.memory_space<vmem>> -> memref<16x128xf32, #tpu.memory_space<vmem>>
        tpu.vector_store_idx %scatter3A_463[%iota3A, %broadcast_in_dim3A_454], %gather3A_459 : memref<16x128xf32, #tpu.memory_space<vmem>>[vector<16xi32>, vector<16xi32>], vector<16xf32>,
        %broadcast_in_dim3A_464 = arith.constant 10 : i32
        %broadcast_in_dim3A_465 = vector.broadcast %broadcast_in_dim3A_464 : i32 to vector<16xi32>
        %gather3A_466 = arith.constant 0 : i32
        %gather3A_467 = arith.constant 0 : i32
        %gather3A_468 = tpu.memref_slice %arg11[%and3A_206, %gather3A_466, %gather3A_467] : memref<2x32x1024xf32, #tpu.memory_space<vmem>> -> memref<1x32x1024xf32, #tpu.memory_space<vmem>>
        %gather3A_469 = tpu.memref_squeeze %gather3A_468 : memref<1x32x1024xf32, #tpu.memory_space<vmem>> -> memref<32x1024xf32, #tpu.memory_space<vmem>>
        %gather3A_470 = tpu.vector_load_idx %gather3A_469[%broadcast_in_dim3A_465, %min3A_355] : memref<32x1024xf32, #tpu.memory_space<vmem>>[vector<16xi32>, vector<16xi32>], vector<16xf32>,
        %scatter3A_471 = arith.constant 0 : i32
        %scatter3A_472 = arith.constant 0 : i32
        %scatter3A_473 = tpu.memref_slice %arg12[%rem3A_336, %scatter3A_471, %scatter3A_472] : memref<6x16x128xf32, #tpu.memory_space<vmem>> -> memref<1x16x128xf32, #tpu.memory_space<vmem>>
        %scatter3A_474 = tpu.memref_squeeze %scatter3A_473 : memref<1x16x128xf32, #tpu.memory_space<vmem>> -> memref<16x128xf32, #tpu.memory_space<vmem>>
        tpu.vector_store_idx %scatter3A_474[%iota3A, %broadcast_in_dim3A_465], %gather3A_470 : memref<16x128xf32, #tpu.memory_space<vmem>>[vector<16xi32>, vector<16xi32>], vector<16xf32>,
        %broadcast_in_dim3A_475 = arith.constant 11 : i32
        %broadcast_in_dim3A_476 = vector.broadcast %broadcast_in_dim3A_475 : i32 to vector<16xi32>
        %gather3A_477 = arith.constant 0 : i32
        %gather3A_478 = arith.constant 0 : i32
        %gather3A_479 = tpu.memref_slice %arg11[%and3A_206, %gather3A_477, %gather3A_478] : memref<2x32x1024xf32, #tpu.memory_space<vmem>> -> memref<1x32x1024xf32, #tpu.memory_space<vmem>>
        %gather3A_480 = tpu.memref_squeeze %gather3A_479 : memref<1x32x1024xf32, #tpu.memory_space<vmem>> -> memref<32x1024xf32, #tpu.memory_space<vmem>>
        %gather3A_481 = tpu.vector_load_idx %gather3A_480[%broadcast_in_dim3A_476, %min3A_355] : memref<32x1024xf32, #tpu.memory_space<vmem>>[vector<16xi32>, vector<16xi32>], vector<16xf32>,
        %scatter3A_482 = arith.constant 0 : i32
        %scatter3A_483 = arith.constant 0 : i32
        %scatter3A_484 = tpu.memref_slice %arg12[%rem3A_336, %scatter3A_482, %scatter3A_483] : memref<6x16x128xf32, #tpu.memory_space<vmem>> -> memref<1x16x128xf32, #tpu.memory_space<vmem>>
        %scatter3A_485 = tpu.memref_squeeze %scatter3A_484 : memref<1x16x128xf32, #tpu.memory_space<vmem>> -> memref<16x128xf32, #tpu.memory_space<vmem>>
        tpu.vector_store_idx %scatter3A_485[%iota3A, %broadcast_in_dim3A_476], %gather3A_481 : memref<16x128xf32, #tpu.memory_space<vmem>>[vector<16xi32>, vector<16xi32>], vector<16xf32>,
        %broadcast_in_dim3A_486 = arith.constant 12 : i32
        %broadcast_in_dim3A_487 = vector.broadcast %broadcast_in_dim3A_486 : i32 to vector<16xi32>
        %gather3A_488 = arith.constant 0 : i32
        %gather3A_489 = arith.constant 0 : i32
        %gather3A_490 = tpu.memref_slice %arg11[%and3A_206, %gather3A_488, %gather3A_489] : memref<2x32x1024xf32, #tpu.memory_space<vmem>> -> memref<1x32x1024xf32, #tpu.memory_space<vmem>>
        %gather3A_491 = tpu.memref_squeeze %gather3A_490 : memref<1x32x1024xf32, #tpu.memory_space<vmem>> -> memref<32x1024xf32, #tpu.memory_space<vmem>>
        %gather3A_492 = tpu.vector_load_idx %gather3A_491[%broadcast_in_dim3A_487, %min3A_355] : memref<32x1024xf32, #tpu.memory_space<vmem>>[vector<16xi32>, vector<16xi32>], vector<16xf32>,
        %scatter3A_493 = arith.constant 0 : i32
        %scatter3A_494 = arith.constant 0 : i32
        %scatter3A_495 = tpu.memref_slice %arg12[%rem3A_336, %scatter3A_493, %scatter3A_494] : memref<6x16x128xf32, #tpu.memory_space<vmem>> -> memref<1x16x128xf32, #tpu.memory_space<vmem>>
        %scatter3A_496 = tpu.memref_squeeze %scatter3A_495 : memref<1x16x128xf32, #tpu.memory_space<vmem>> -> memref<16x128xf32, #tpu.memory_space<vmem>>
        tpu.vector_store_idx %scatter3A_496[%iota3A, %broadcast_in_dim3A_487], %gather3A_492 : memref<16x128xf32, #tpu.memory_space<vmem>>[vector<16xi32>, vector<16xi32>], vector<16xf32>,
        %broadcast_in_dim3A_497 = arith.constant 13 : i32
        %broadcast_in_dim3A_498 = vector.broadcast %broadcast_in_dim3A_497 : i32 to vector<16xi32>
        %gather3A_499 = arith.constant 0 : i32
        %gather3A_500 = arith.constant 0 : i32
        %gather3A_501 = tpu.memref_slice %arg11[%and3A_206, %gather3A_499, %gather3A_500] : memref<2x32x1024xf32, #tpu.memory_space<vmem>> -> memref<1x32x1024xf32, #tpu.memory_space<vmem>>
        %gather3A_502 = tpu.memref_squeeze %gather3A_501 : memref<1x32x1024xf32, #tpu.memory_space<vmem>> -> memref<32x1024xf32, #tpu.memory_space<vmem>>
        %gather3A_503 = tpu.vector_load_idx %gather3A_502[%broadcast_in_dim3A_498, %min3A_355] : memref<32x1024xf32, #tpu.memory_space<vmem>>[vector<16xi32>, vector<16xi32>], vector<16xf32>,
        %scatter3A_504 = arith.constant 0 : i32
        %scatter3A_505 = arith.constant 0 : i32
        %scatter3A_506 = tpu.memref_slice %arg12[%rem3A_336, %scatter3A_504, %scatter3A_505] : memref<6x16x128xf32, #tpu.memory_space<vmem>> -> memref<1x16x128xf32, #tpu.memory_space<vmem>>
        %scatter3A_507 = tpu.memref_squeeze %scatter3A_506 : memref<1x16x128xf32, #tpu.memory_space<vmem>> -> memref<16x128xf32, #tpu.memory_space<vmem>>
        tpu.vector_store_idx %scatter3A_507[%iota3A, %broadcast_in_dim3A_498], %gather3A_503 : memref<16x128xf32, #tpu.memory_space<vmem>>[vector<16xi32>, vector<16xi32>], vector<16xf32>,
        %broadcast_in_dim3A_508 = arith.constant 14 : i32
        %broadcast_in_dim3A_509 = vector.broadcast %broadcast_in_dim3A_508 : i32 to vector<16xi32>
        %gather3A_510 = arith.constant 0 : i32
        %gather3A_511 = arith.constant 0 : i32
        %gather3A_512 = tpu.memref_slice %arg11[%and3A_206, %gather3A_510, %gather3A_511] : memref<2x32x1024xf32, #tpu.memory_space<vmem>> -> memref<1x32x1024xf32, #tpu.memory_space<vmem>>
        %gather3A_513 = tpu.memref_squeeze %gather3A_512 : memref<1x32x1024xf32, #tpu.memory_space<vmem>> -> memref<32x1024xf32, #tpu.memory_space<vmem>>
        %gather3A_514 = tpu.vector_load_idx %gather3A_513[%broadcast_in_dim3A_509, %min3A_355] : memref<32x1024xf32, #tpu.memory_space<vmem>>[vector<16xi32>, vector<16xi32>], vector<16xf32>,
        %scatter3A_515 = arith.constant 0 : i32
        %scatter3A_516 = arith.constant 0 : i32
        %scatter3A_517 = tpu.memref_slice %arg12[%rem3A_336, %scatter3A_515, %scatter3A_516] : memref<6x16x128xf32, #tpu.memory_space<vmem>> -> memref<1x16x128xf32, #tpu.memory_space<vmem>>
        %scatter3A_518 = tpu.memref_squeeze %scatter3A_517 : memref<1x16x128xf32, #tpu.memory_space<vmem>> -> memref<16x128xf32, #tpu.memory_space<vmem>>
        tpu.vector_store_idx %scatter3A_518[%iota3A, %broadcast_in_dim3A_509], %gather3A_514 : memref<16x128xf32, #tpu.memory_space<vmem>>[vector<16xi32>, vector<16xi32>], vector<16xf32>,
        %broadcast_in_dim3A_519 = arith.constant 15 : i32
        %broadcast_in_dim3A_520 = vector.broadcast %broadcast_in_dim3A_519 : i32 to vector<16xi32>
        %gather3A_521 = arith.constant 0 : i32
        %gather3A_522 = arith.constant 0 : i32
        %gather3A_523 = tpu.memref_slice %arg11[%and3A_206, %gather3A_521, %gather3A_522] : memref<2x32x1024xf32, #tpu.memory_space<vmem>> -> memref<1x32x1024xf32, #tpu.memory_space<vmem>>
        %gather3A_524 = tpu.memref_squeeze %gather3A_523 : memref<1x32x1024xf32, #tpu.memory_space<vmem>> -> memref<32x1024xf32, #tpu.memory_space<vmem>>
        %gather3A_525 = tpu.vector_load_idx %gather3A_524[%broadcast_in_dim3A_520, %min3A_355] : memref<32x1024xf32, #tpu.memory_space<vmem>>[vector<16xi32>, vector<16xi32>], vector<16xf32>,
        %scatter3A_526 = arith.constant 0 : i32
        %scatter3A_527 = arith.constant 0 : i32
        %scatter3A_528 = tpu.memref_slice %arg12[%rem3A_336, %scatter3A_526, %scatter3A_527] : memref<6x16x128xf32, #tpu.memory_space<vmem>> -> memref<1x16x128xf32, #tpu.memory_space<vmem>>
        %scatter3A_529 = tpu.memref_squeeze %scatter3A_528 : memref<1x16x128xf32, #tpu.memory_space<vmem>> -> memref<16x128xf32, #tpu.memory_space<vmem>>
        tpu.vector_store_idx %scatter3A_529[%iota3A, %broadcast_in_dim3A_520], %gather3A_525 : memref<16x128xf32, #tpu.memory_space<vmem>>[vector<16xi32>, vector<16xi32>], vector<16xf32>,
        %broadcast_in_dim3A_530 = arith.constant 16 : i32
        %broadcast_in_dim3A_531 = vector.broadcast %broadcast_in_dim3A_530 : i32 to vector<16xi32>
        %gather3A_532 = arith.constant 0 : i32
        %gather3A_533 = arith.constant 0 : i32
        %gather3A_534 = tpu.memref_slice %arg11[%and3A_206, %gather3A_532, %gather3A_533] : memref<2x32x1024xf32, #tpu.memory_space<vmem>> -> memref<1x32x1024xf32, #tpu.memory_space<vmem>>
        %gather3A_535 = tpu.memref_squeeze %gather3A_534 : memref<1x32x1024xf32, #tpu.memory_space<vmem>> -> memref<32x1024xf32, #tpu.memory_space<vmem>>
        %gather3A_536 = tpu.vector_load_idx %gather3A_535[%broadcast_in_dim3A_531, %min3A_355] : memref<32x1024xf32, #tpu.memory_space<vmem>>[vector<16xi32>, vector<16xi32>], vector<16xf32>,
        %scatter3A_537 = arith.constant 0 : i32
        %scatter3A_538 = arith.constant 0 : i32
        %scatter3A_539 = tpu.memref_slice %arg12[%rem3A_336, %scatter3A_537, %scatter3A_538] : memref<6x16x128xf32, #tpu.memory_space<vmem>> -> memref<1x16x128xf32, #tpu.memory_space<vmem>>
        %scatter3A_540 = tpu.memref_squeeze %scatter3A_539 : memref<1x16x128xf32, #tpu.memory_space<vmem>> -> memref<16x128xf32, #tpu.memory_space<vmem>>
        tpu.vector_store_idx %scatter3A_540[%iota3A, %broadcast_in_dim3A_531], %gather3A_536 : memref<16x128xf32, #tpu.memory_space<vmem>>[vector<16xi32>, vector<16xi32>], vector<16xf32>,
        %broadcast_in_dim3A_541 = arith.constant 17 : i32
        %broadcast_in_dim3A_542 = vector.broadcast %broadcast_in_dim3A_541 : i32 to vector<16xi32>
        %gather3A_543 = arith.constant 0 : i32
        %gather3A_544 = arith.constant 0 : i32
        %gather3A_545 = tpu.memref_slice %arg11[%and3A_206, %gather3A_543, %gather3A_544] : memref<2x32x1024xf32, #tpu.memory_space<vmem>> -> memref<1x32x1024xf32, #tpu.memory_space<vmem>>
        %gather3A_546 = tpu.memref_squeeze %gather3A_545 : memref<1x32x1024xf32, #tpu.memory_space<vmem>> -> memref<32x1024xf32, #tpu.memory_space<vmem>>
        %gather3A_547 = tpu.vector_load_idx %gather3A_546[%broadcast_in_dim3A_542, %min3A_355] : memref<32x1024xf32, #tpu.memory_space<vmem>>[vector<16xi32>, vector<16xi32>], vector<16xf32>,
        %scatter3A_548 = arith.constant 0 : i32
        %scatter3A_549 = arith.constant 0 : i32
        %scatter3A_550 = tpu.memref_slice %arg12[%rem3A_336, %scatter3A_548, %scatter3A_549] : memref<6x16x128xf32, #tpu.memory_space<vmem>> -> memref<1x16x128xf32, #tpu.memory_space<vmem>>
        %scatter3A_551 = tpu.memref_squeeze %scatter3A_550 : memref<1x16x128xf32, #tpu.memory_space<vmem>> -> memref<16x128xf32, #tpu.memory_space<vmem>>
        tpu.vector_store_idx %scatter3A_551[%iota3A, %broadcast_in_dim3A_542], %gather3A_547 : memref<16x128xf32, #tpu.memory_space<vmem>>[vector<16xi32>, vector<16xi32>], vector<16xf32>,
        %broadcast_in_dim3A_552 = arith.constant 18 : i32
        %broadcast_in_dim3A_553 = vector.broadcast %broadcast_in_dim3A_552 : i32 to vector<16xi32>
        %gather3A_554 = arith.constant 0 : i32
        %gather3A_555 = arith.constant 0 : i32
        %gather3A_556 = tpu.memref_slice %arg11[%and3A_206, %gather3A_554, %gather3A_555] : memref<2x32x1024xf32, #tpu.memory_space<vmem>> -> memref<1x32x1024xf32, #tpu.memory_space<vmem>>
        %gather3A_557 = tpu.memref_squeeze %gather3A_556 : memref<1x32x1024xf32, #tpu.memory_space<vmem>> -> memref<32x1024xf32, #tpu.memory_space<vmem>>
        %gather3A_558 = tpu.vector_load_idx %gather3A_557[%broadcast_in_dim3A_553, %min3A_355] : memref<32x1024xf32, #tpu.memory_space<vmem>>[vector<16xi32>, vector<16xi32>], vector<16xf32>,
        %scatter3A_559 = arith.constant 0 : i32
        %scatter3A_560 = arith.constant 0 : i32
        %scatter3A_561 = tpu.memref_slice %arg12[%rem3A_336, %scatter3A_559, %scatter3A_560] : memref<6x16x128xf32, #tpu.memory_space<vmem>> -> memref<1x16x128xf32, #tpu.memory_space<vmem>>
        %scatter3A_562 = tpu.memref_squeeze %scatter3A_561 : memref<1x16x128xf32, #tpu.memory_space<vmem>> -> memref<16x128xf32, #tpu.memory_space<vmem>>
        tpu.vector_store_idx %scatter3A_562[%iota3A, %broadcast_in_dim3A_553], %gather3A_558 : memref<16x128xf32, #tpu.memory_space<vmem>>[vector<16xi32>, vector<16xi32>], vector<16xf32>,
        %broadcast_in_dim3A_563 = arith.constant 19 : i32
        %broadcast_in_dim3A_564 = vector.broadcast %broadcast_in_dim3A_563 : i32 to vector<16xi32>
        %gather3A_565 = arith.constant 0 : i32
        %gather3A_566 = arith.constant 0 : i32
        %gather3A_567 = tpu.memref_slice %arg11[%and3A_206, %gather3A_565, %gather3A_566] : memref<2x32x1024xf32, #tpu.memory_space<vmem>> -> memref<1x32x1024xf32, #tpu.memory_space<vmem>>
        %gather3A_568 = tpu.memref_squeeze %gather3A_567 : memref<1x32x1024xf32, #tpu.memory_space<vmem>> -> memref<32x1024xf32, #tpu.memory_space<vmem>>
        %gather3A_569 = tpu.vector_load_idx %gather3A_568[%broadcast_in_dim3A_564, %min3A_355] : memref<32x1024xf32, #tpu.memory_space<vmem>>[vector<16xi32>, vector<16xi32>], vector<16xf32>,
        %scatter3A_570 = arith.constant 0 : i32
        %scatter3A_571 = arith.constant 0 : i32
        %scatter3A_572 = tpu.memref_slice %arg12[%rem3A_336, %scatter3A_570, %scatter3A_571] : memref<6x16x128xf32, #tpu.memory_space<vmem>> -> memref<1x16x128xf32, #tpu.memory_space<vmem>>
        %scatter3A_573 = tpu.memref_squeeze %scatter3A_572 : memref<1x16x128xf32, #tpu.memory_space<vmem>> -> memref<16x128xf32, #tpu.memory_space<vmem>>
        tpu.vector_store_idx %scatter3A_573[%iota3A, %broadcast_in_dim3A_564], %gather3A_569 : memref<16x128xf32, #tpu.memory_space<vmem>>[vector<16xi32>, vector<16xi32>], vector<16xf32>,
        %broadcast_in_dim3A_574 = arith.constant 20 : i32
        %broadcast_in_dim3A_575 = vector.broadcast %broadcast_in_dim3A_574 : i32 to vector<16xi32>
        %gather3A_576 = arith.constant 0 : i32
        %gather3A_577 = arith.constant 0 : i32
        %gather3A_578 = tpu.memref_slice %arg11[%and3A_206, %gather3A_576, %gather3A_577] : memref<2x32x1024xf32, #tpu.memory_space<vmem>> -> memref<1x32x1024xf32, #tpu.memory_space<vmem>>
        %gather3A_579 = tpu.memref_squeeze %gather3A_578 : memref<1x32x1024xf32, #tpu.memory_space<vmem>> -> memref<32x1024xf32, #tpu.memory_space<vmem>>
        %gather3A_580 = tpu.vector_load_idx %gather3A_579[%broadcast_in_dim3A_575, %min3A_355] : memref<32x1024xf32, #tpu.memory_space<vmem>>[vector<16xi32>, vector<16xi32>], vector<16xf32>,
        %scatter3A_581 = arith.constant 0 : i32
        %scatter3A_582 = arith.constant 0 : i32
        %scatter3A_583 = tpu.memref_slice %arg12[%rem3A_336, %scatter3A_581, %scatter3A_582] : memref<6x16x128xf32, #tpu.memory_space<vmem>> -> memref<1x16x128xf32, #tpu.memory_space<vmem>>
        %scatter3A_584 = tpu.memref_squeeze %scatter3A_583 : memref<1x16x128xf32, #tpu.memory_space<vmem>> -> memref<16x128xf32, #tpu.memory_space<vmem>>
        tpu.vector_store_idx %scatter3A_584[%iota3A, %broadcast_in_dim3A_575], %gather3A_580 : memref<16x128xf32, #tpu.memory_space<vmem>>[vector<16xi32>, vector<16xi32>], vector<16xf32>,
        %broadcast_in_dim3A_585 = arith.constant 21 : i32
        %broadcast_in_dim3A_586 = vector.broadcast %broadcast_in_dim3A_585 : i32 to vector<16xi32>
        %gather3A_587 = arith.constant 0 : i32
        %gather3A_588 = arith.constant 0 : i32
        %gather3A_589 = tpu.memref_slice %arg11[%and3A_206, %gather3A_587, %gather3A_588] : memref<2x32x1024xf32, #tpu.memory_space<vmem>> -> memref<1x32x1024xf32, #tpu.memory_space<vmem>>
        %gather3A_590 = tpu.memref_squeeze %gather3A_589 : memref<1x32x1024xf32, #tpu.memory_space<vmem>> -> memref<32x1024xf32, #tpu.memory_space<vmem>>
        %gather3A_591 = tpu.vector_load_idx %gather3A_590[%broadcast_in_dim3A_586, %min3A_355] : memref<32x1024xf32, #tpu.memory_space<vmem>>[vector<16xi32>, vector<16xi32>], vector<16xf32>,
        %scatter3A_592 = arith.constant 0 : i32
        %scatter3A_593 = arith.constant 0 : i32
        %scatter3A_594 = tpu.memref_slice %arg12[%rem3A_336, %scatter3A_592, %scatter3A_593] : memref<6x16x128xf32, #tpu.memory_space<vmem>> -> memref<1x16x128xf32, #tpu.memory_space<vmem>>
        %scatter3A_595 = tpu.memref_squeeze %scatter3A_594 : memref<1x16x128xf32, #tpu.memory_space<vmem>> -> memref<16x128xf32, #tpu.memory_space<vmem>>
        tpu.vector_store_idx %scatter3A_595[%iota3A, %broadcast_in_dim3A_586], %gather3A_591 : memref<16x128xf32, #tpu.memory_space<vmem>>[vector<16xi32>, vector<16xi32>], vector<16xf32>,
        %broadcast_in_dim3A_596 = arith.constant 22 : i32
        %broadcast_in_dim3A_597 = vector.broadcast %broadcast_in_dim3A_596 : i32 to vector<16xi32>
        %gather3A_598 = arith.constant 0 : i32
        %gather3A_599 = arith.constant 0 : i32
        %gather3A_600 = tpu.memref_slice %arg11[%and3A_206, %gather3A_598, %gather3A_599] : memref<2x32x1024xf32, #tpu.memory_space<vmem>> -> memref<1x32x1024xf32, #tpu.memory_space<vmem>>
        %gather3A_601 = tpu.memref_squeeze %gather3A_600 : memref<1x32x1024xf32, #tpu.memory_space<vmem>> -> memref<32x1024xf32, #tpu.memory_space<vmem>>
        %gather3A_602 = tpu.vector_load_idx %gather3A_601[%broadcast_in_dim3A_597, %min3A_355] : memref<32x1024xf32, #tpu.memory_space<vmem>>[vector<16xi32>, vector<16xi32>], vector<16xf32>,
        %scatter3A_603 = arith.constant 0 : i32
        %scatter3A_604 = arith.constant 0 : i32
        %scatter3A_605 = tpu.memref_slice %arg12[%rem3A_336, %scatter3A_603, %scatter3A_604] : memref<6x16x128xf32, #tpu.memory_space<vmem>> -> memref<1x16x128xf32, #tpu.memory_space<vmem>>
        %scatter3A_606 = tpu.memref_squeeze %scatter3A_605 : memref<1x16x128xf32, #tpu.memory_space<vmem>> -> memref<16x128xf32, #tpu.memory_space<vmem>>
        tpu.vector_store_idx %scatter3A_606[%iota3A, %broadcast_in_dim3A_597], %gather3A_602 : memref<16x128xf32, #tpu.memory_space<vmem>>[vector<16xi32>, vector<16xi32>], vector<16xf32>,
        %broadcast_in_dim3A_607 = arith.constant 23 : i32
        %broadcast_in_dim3A_608 = vector.broadcast %broadcast_in_dim3A_607 : i32 to vector<16xi32>
        %gather3A_609 = arith.constant 0 : i32
        %gather3A_610 = arith.constant 0 : i32
        %gather3A_611 = tpu.memref_slice %arg11[%and3A_206, %gather3A_609, %gather3A_610] : memref<2x32x1024xf32, #tpu.memory_space<vmem>> -> memref<1x32x1024xf32, #tpu.memory_space<vmem>>
        %gather3A_612 = tpu.memref_squeeze %gather3A_611 : memref<1x32x1024xf32, #tpu.memory_space<vmem>> -> memref<32x1024xf32, #tpu.memory_space<vmem>>
        %gather3A_613 = tpu.vector_load_idx %gather3A_612[%broadcast_in_dim3A_608, %min3A_355] : memref<32x1024xf32, #tpu.memory_space<vmem>>[vector<16xi32>, vector<16xi32>], vector<16xf32>,
        %scatter3A_614 = arith.constant 0 : i32
        %scatter3A_615 = arith.constant 0 : i32
        %scatter3A_616 = tpu.memref_slice %arg12[%rem3A_336, %scatter3A_614, %scatter3A_615] : memref<6x16x128xf32, #tpu.memory_space<vmem>> -> memref<1x16x128xf32, #tpu.memory_space<vmem>>
        %scatter3A_617 = tpu.memref_squeeze %scatter3A_616 : memref<1x16x128xf32, #tpu.memory_space<vmem>> -> memref<16x128xf32, #tpu.memory_space<vmem>>
        tpu.vector_store_idx %scatter3A_617[%iota3A, %broadcast_in_dim3A_608], %gather3A_613 : memref<16x128xf32, #tpu.memory_space<vmem>>[vector<16xi32>, vector<16xi32>], vector<16xf32>,
        %broadcast_in_dim3A_618 = arith.constant 24 : i32
        %broadcast_in_dim3A_619 = vector.broadcast %broadcast_in_dim3A_618 : i32 to vector<16xi32>
        %gather3A_620 = arith.constant 0 : i32
        %gather3A_621 = arith.constant 0 : i32
        %gather3A_622 = tpu.memref_slice %arg11[%and3A_206, %gather3A_620, %gather3A_621] : memref<2x32x1024xf32, #tpu.memory_space<vmem>> -> memref<1x32x1024xf32, #tpu.memory_space<vmem>>
        %gather3A_623 = tpu.memref_squeeze %gather3A_622 : memref<1x32x1024xf32, #tpu.memory_space<vmem>> -> memref<32x1024xf32, #tpu.memory_space<vmem>>
        %gather3A_624 = tpu.vector_load_idx %gather3A_623[%broadcast_in_dim3A_619, %min3A_355] : memref<32x1024xf32, #tpu.memory_space<vmem>>[vector<16xi32>, vector<16xi32>], vector<16xf32>,
        %scatter3A_625 = arith.constant 0 : i32
        %scatter3A_626 = arith.constant 0 : i32
        %scatter3A_627 = tpu.memref_slice %arg12[%rem3A_336, %scatter3A_625, %scatter3A_626] : memref<6x16x128xf32, #tpu.memory_space<vmem>> -> memref<1x16x128xf32, #tpu.memory_space<vmem>>
        %scatter3A_628 = tpu.memref_squeeze %scatter3A_627 : memref<1x16x128xf32, #tpu.memory_space<vmem>> -> memref<16x128xf32, #tpu.memory_space<vmem>>
        tpu.vector_store_idx %scatter3A_628[%iota3A, %broadcast_in_dim3A_619], %gather3A_624 : memref<16x128xf32, #tpu.memory_space<vmem>>[vector<16xi32>, vector<16xi32>], vector<16xf32>,
        %broadcast_in_dim3A_629 = arith.constant 25 : i32
        %broadcast_in_dim3A_630 = vector.broadcast %broadcast_in_dim3A_629 : i32 to vector<16xi32>
        %gather3A_631 = arith.constant 0 : i32
        %gather3A_632 = arith.constant 0 : i32
        %gather3A_633 = tpu.memref_slice %arg11[%and3A_206, %gather3A_631, %gather3A_632] : memref<2x32x1024xf32, #tpu.memory_space<vmem>> -> memref<1x32x1024xf32, #tpu.memory_space<vmem>>
        %gather3A_634 = tpu.memref_squeeze %gather3A_633 : memref<1x32x1024xf32, #tpu.memory_space<vmem>> -> memref<32x1024xf32, #tpu.memory_space<vmem>>
        %gather3A_635 = tpu.vector_load_idx %gather3A_634[%broadcast_in_dim3A_630, %min3A_355] : memref<32x1024xf32, #tpu.memory_space<vmem>>[vector<16xi32>, vector<16xi32>], vector<16xf32>,
        %scatter3A_636 = arith.constant 0 : i32
        %scatter3A_637 = arith.constant 0 : i32
        %scatter3A_638 = tpu.memref_slice %arg12[%rem3A_336, %scatter3A_636, %scatter3A_637] : memref<6x16x128xf32, #tpu.memory_space<vmem>> -> memref<1x16x128xf32, #tpu.memory_space<vmem>>
        %scatter3A_639 = tpu.memref_squeeze %scatter3A_638 : memref<1x16x128xf32, #tpu.memory_space<vmem>> -> memref<16x128xf32, #tpu.memory_space<vmem>>
        tpu.vector_store_idx %scatter3A_639[%iota3A, %broadcast_in_dim3A_630], %gather3A_635 : memref<16x128xf32, #tpu.memory_space<vmem>>[vector<16xi32>, vector<16xi32>], vector<16xf32>,
        %broadcast_in_dim3A_640 = arith.constant 26 : i32
        %broadcast_in_dim3A_641 = vector.broadcast %broadcast_in_dim3A_640 : i32 to vector<16xi32>
        %gather3A_642 = arith.constant 0 : i32
        %gather3A_643 = arith.constant 0 : i32
        %gather3A_644 = tpu.memref_slice %arg11[%and3A_206, %gather3A_642, %gather3A_643] : memref<2x32x1024xf32, #tpu.memory_space<vmem>> -> memref<1x32x1024xf32, #tpu.memory_space<vmem>>
        %gather3A_645 = tpu.memref_squeeze %gather3A_644 : memref<1x32x1024xf32, #tpu.memory_space<vmem>> -> memref<32x1024xf32, #tpu.memory_space<vmem>>
        %gather3A_646 = tpu.vector_load_idx %gather3A_645[%broadcast_in_dim3A_641, %min3A_355] : memref<32x1024xf32, #tpu.memory_space<vmem>>[vector<16xi32>, vector<16xi32>], vector<16xf32>,
        %scatter3A_647 = arith.constant 0 : i32
        %scatter3A_648 = arith.constant 0 : i32
        %scatter3A_649 = tpu.memref_slice %arg12[%rem3A_336, %scatter3A_647, %scatter3A_648] : memref<6x16x128xf32, #tpu.memory_space<vmem>> -> memref<1x16x128xf32, #tpu.memory_space<vmem>>
        %scatter3A_650 = tpu.memref_squeeze %scatter3A_649 : memref<1x16x128xf32, #tpu.memory_space<vmem>> -> memref<16x128xf32, #tpu.memory_space<vmem>>
        tpu.vector_store_idx %scatter3A_650[%iota3A, %broadcast_in_dim3A_641], %gather3A_646 : memref<16x128xf32, #tpu.memory_space<vmem>>[vector<16xi32>, vector<16xi32>], vector<16xf32>,
        %broadcast_in_dim3A_651 = arith.constant 27 : i32
        %broadcast_in_dim3A_652 = vector.broadcast %broadcast_in_dim3A_651 : i32 to vector<16xi32>
        %gather3A_653 = arith.constant 0 : i32
        %gather3A_654 = arith.constant 0 : i32
        %gather3A_655 = tpu.memref_slice %arg11[%and3A_206, %gather3A_653, %gather3A_654] : memref<2x32x1024xf32, #tpu.memory_space<vmem>> -> memref<1x32x1024xf32, #tpu.memory_space<vmem>>
        %gather3A_656 = tpu.memref_squeeze %gather3A_655 : memref<1x32x1024xf32, #tpu.memory_space<vmem>> -> memref<32x1024xf32, #tpu.memory_space<vmem>>
        %gather3A_657 = tpu.vector_load_idx %gather3A_656[%broadcast_in_dim3A_652, %min3A_355] : memref<32x1024xf32, #tpu.memory_space<vmem>>[vector<16xi32>, vector<16xi32>], vector<16xf32>,
        %scatter3A_658 = arith.constant 0 : i32
        %scatter3A_659 = arith.constant 0 : i32
        %scatter3A_660 = tpu.memref_slice %arg12[%rem3A_336, %scatter3A_658, %scatter3A_659] : memref<6x16x128xf32, #tpu.memory_space<vmem>> -> memref<1x16x128xf32, #tpu.memory_space<vmem>>
        %scatter3A_661 = tpu.memref_squeeze %scatter3A_660 : memref<1x16x128xf32, #tpu.memory_space<vmem>> -> memref<16x128xf32, #tpu.memory_space<vmem>>
        tpu.vector_store_idx %scatter3A_661[%iota3A, %broadcast_in_dim3A_652], %gather3A_657 : memref<16x128xf32, #tpu.memory_space<vmem>>[vector<16xi32>, vector<16xi32>], vector<16xf32>,
        %broadcast_in_dim3A_662 = arith.constant 28 : i32
        %broadcast_in_dim3A_663 = vector.broadcast %broadcast_in_dim3A_662 : i32 to vector<16xi32>
        %gather3A_664 = arith.constant 0 : i32
        %gather3A_665 = arith.constant 0 : i32
        %gather3A_666 = tpu.memref_slice %arg11[%and3A_206, %gather3A_664, %gather3A_665] : memref<2x32x1024xf32, #tpu.memory_space<vmem>> -> memref<1x32x1024xf32, #tpu.memory_space<vmem>>
        %gather3A_667 = tpu.memref_squeeze %gather3A_666 : memref<1x32x1024xf32, #tpu.memory_space<vmem>> -> memref<32x1024xf32, #tpu.memory_space<vmem>>
        %gather3A_668 = tpu.vector_load_idx %gather3A_667[%broadcast_in_dim3A_663, %min3A_355] : memref<32x1024xf32, #tpu.memory_space<vmem>>[vector<16xi32>, vector<16xi32>], vector<16xf32>,
        %scatter3A_669 = arith.constant 0 : i32
        %scatter3A_670 = arith.constant 0 : i32
        %scatter3A_671 = tpu.memref_slice %arg12[%rem3A_336, %scatter3A_669, %scatter3A_670] : memref<6x16x128xf32, #tpu.memory_space<vmem>> -> memref<1x16x128xf32, #tpu.memory_space<vmem>>
        %scatter3A_672 = tpu.memref_squeeze %scatter3A_671 : memref<1x16x128xf32, #tpu.memory_space<vmem>> -> memref<16x128xf32, #tpu.memory_space<vmem>>
        tpu.vector_store_idx %scatter3A_672[%iota3A, %broadcast_in_dim3A_663], %gather3A_668 : memref<16x128xf32, #tpu.memory_space<vmem>>[vector<16xi32>, vector<16xi32>], vector<16xf32>,
        %broadcast_in_dim3A_673 = arith.constant 29 : i32
        %broadcast_in_dim3A_674 = vector.broadcast %broadcast_in_dim3A_673 : i32 to vector<16xi32>
        %gather3A_675 = arith.constant 0 : i32
        %gather3A_676 = arith.constant 0 : i32
        %gather3A_677 = tpu.memref_slice %arg11[%and3A_206, %gather3A_675, %gather3A_676] : memref<2x32x1024xf32, #tpu.memory_space<vmem>> -> memref<1x32x1024xf32, #tpu.memory_space<vmem>>
        %gather3A_678 = tpu.memref_squeeze %gather3A_677 : memref<1x32x1024xf32, #tpu.memory_space<vmem>> -> memref<32x1024xf32, #tpu.memory_space<vmem>>
        %gather3A_679 = tpu.vector_load_idx %gather3A_678[%broadcast_in_dim3A_674, %min3A_355] : memref<32x1024xf32, #tpu.memory_space<vmem>>[vector<16xi32>, vector<16xi32>], vector<16xf32>,
        %scatter3A_680 = arith.constant 0 : i32
        %scatter3A_681 = arith.constant 0 : i32
        %scatter3A_682 = tpu.memref_slice %arg12[%rem3A_336, %scatter3A_680, %scatter3A_681] : memref<6x16x128xf32, #tpu.memory_space<vmem>> -> memref<1x16x128xf32, #tpu.memory_space<vmem>>
        %scatter3A_683 = tpu.memref_squeeze %scatter3A_682 : memref<1x16x128xf32, #tpu.memory_space<vmem>> -> memref<16x128xf32, #tpu.memory_space<vmem>>
        tpu.vector_store_idx %scatter3A_683[%iota3A, %broadcast_in_dim3A_674], %gather3A_679 : memref<16x128xf32, #tpu.memory_space<vmem>>[vector<16xi32>, vector<16xi32>], vector<16xf32>,
        %broadcast_in_dim3A_684 = arith.constant 30 : i32
        %broadcast_in_dim3A_685 = vector.broadcast %broadcast_in_dim3A_684 : i32 to vector<16xi32>
        %gather3A_686 = arith.constant 0 : i32
        %gather3A_687 = arith.constant 0 : i32
        %gather3A_688 = tpu.memref_slice %arg11[%and3A_206, %gather3A_686, %gather3A_687] : memref<2x32x1024xf32, #tpu.memory_space<vmem>> -> memref<1x32x1024xf32, #tpu.memory_space<vmem>>
        %gather3A_689 = tpu.memref_squeeze %gather3A_688 : memref<1x32x1024xf32, #tpu.memory_space<vmem>> -> memref<32x1024xf32, #tpu.memory_space<vmem>>
        %gather3A_690 = tpu.vector_load_idx %gather3A_689[%broadcast_in_dim3A_685, %min3A_355] : memref<32x1024xf32, #tpu.memory_space<vmem>>[vector<16xi32>, vector<16xi32>], vector<16xf32>,
        %scatter3A_691 = arith.constant 0 : i32
        %scatter3A_692 = arith.constant 0 : i32
        %scatter3A_693 = tpu.memref_slice %arg12[%rem3A_336, %scatter3A_691, %scatter3A_692] : memref<6x16x128xf32, #tpu.memory_space<vmem>> -> memref<1x16x128xf32, #tpu.memory_space<vmem>>
        %scatter3A_694 = tpu.memref_squeeze %scatter3A_693 : memref<1x16x128xf32, #tpu.memory_space<vmem>> -> memref<16x128xf32, #tpu.memory_space<vmem>>
        tpu.vector_store_idx %scatter3A_694[%iota3A, %broadcast_in_dim3A_685], %gather3A_690 : memref<16x128xf32, #tpu.memory_space<vmem>>[vector<16xi32>, vector<16xi32>], vector<16xf32>,
        %broadcast_in_dim3A_695 = arith.constant 31 : i32
        %broadcast_in_dim3A_696 = vector.broadcast %broadcast_in_dim3A_695 : i32 to vector<16xi32>
        %gather3A_697 = arith.constant 0 : i32
        %gather3A_698 = arith.constant 0 : i32
        %gather3A_699 = tpu.memref_slice %arg11[%and3A_206, %gather3A_697, %gather3A_698] : memref<2x32x1024xf32, #tpu.memory_space<vmem>> -> memref<1x32x1024xf32, #tpu.memory_space<vmem>>
        %gather3A_700 = tpu.memref_squeeze %gather3A_699 : memref<1x32x1024xf32, #tpu.memory_space<vmem>> -> memref<32x1024xf32, #tpu.memory_space<vmem>>
        %gather3A_701 = tpu.vector_load_idx %gather3A_700[%broadcast_in_dim3A_696, %min3A_355] : memref<32x1024xf32, #tpu.memory_space<vmem>>[vector<16xi32>, vector<16xi32>], vector<16xf32>,
        %scatter3A_702 = arith.constant 0 : i32
        %scatter3A_703 = arith.constant 0 : i32
        %scatter3A_704 = tpu.memref_slice %arg12[%rem3A_336, %scatter3A_702, %scatter3A_703] : memref<6x16x128xf32, #tpu.memory_space<vmem>> -> memref<1x16x128xf32, #tpu.memory_space<vmem>>
        %scatter3A_705 = tpu.memref_squeeze %scatter3A_704 : memref<1x16x128xf32, #tpu.memory_space<vmem>> -> memref<16x128xf32, #tpu.memory_space<vmem>>
        tpu.vector_store_idx %scatter3A_705[%iota3A, %broadcast_in_dim3A_696], %gather3A_701 : memref<16x128xf32, #tpu.memory_space<vmem>>[vector<16xi32>, vector<16xi32>], vector<16xf32>,
        %dma_start3A_706 = arith.constant 0 : i32
        %dma_start3A_707 = arith.constant 0 : i32
        %dma_start3A_708 = tpu.memref_slice %arg12[%rem3A_336, %dma_start3A_706, %dma_start3A_707] : memref<6x16x128xf32, #tpu.memory_space<vmem>> -> memref<1x16x128xf32, #tpu.memory_space<vmem>>
        %dma_start3A_709 = tpu.memref_squeeze %dma_start3A_708 : memref<1x16x128xf32, #tpu.memory_space<vmem>> -> memref<16x128xf32, #tpu.memory_space<vmem>>
        %dma_start3A_710 = arith.constant 0 : i32
        %dma_start3A_711 = arith.constant 0 : i32
        %dma_start3A_712 = tpu.memref_slice %arg5[%dma_start3A_710, %dma_start3A_711] : memref<32832x128xf32, #tpu.memory_space<hbm>> -> memref<32832x128xf32, #tpu.memory_space<hbm>>
        tpu.enqueue_indirect_dma source(%dma_start3A_709 : memref<16x128xf32, #tpu.memory_space<vmem>>) target(%dma_start3A_712 : memref<32832x128xf32, #tpu.memory_space<hbm>>) offsets(%get3A_348 : vector<16xi32>) semaphore(%arg16 : memref<!tpu.dma_semaphore, #tpu.memory_space<semaphore_mem>>)
      }
      %while3A_304 = arith.constant 1 : i32
      scf.for %while3A_334 = %while3A_302 to %while3A_298 step %while3A_304  : i32 {
        %rem3A_335 = arith.constant 6 : i32
        %rem3A_336 = arith.remsi %while3A_334, %rem3A_335 : i32
        %ge3A_337 = arith.constant 6 : i32
        %ge3A_338 = arith.cmpi sge, %while3A_334, %ge3A_337 : i32
        %convert_element_type3A_339 = arith.extui %ge3A_338 : i1 to i32
        %cond3A_340 = arith.constant 0 : i32
        %cond3A_341 = arith.cmpi ne, %convert_element_type3A_339, %cond3A_340 : i32
        scf.if %cond3A_341 {
          %dma_wait3A_713 = arith.constant 0 : i32
          %dma_wait3A_714 = arith.constant 0 : i32
          %dma_wait3A_715 = arith.constant 0 : i32
          %dma_wait3A_716 = tpu.memref_slice %arg12[%dma_wait3A_713, %dma_wait3A_714, %dma_wait3A_715] : memref<6x16x128xf32, #tpu.memory_space<vmem>> -> memref<1x16x128xf32, #tpu.memory_space<vmem>>
          %dma_wait3A_717 = tpu.memref_squeeze %dma_wait3A_716 : memref<1x16x128xf32, #tpu.memory_space<vmem>> -> memref<16x128xf32, #tpu.memory_space<vmem>>
          %dma_wait3A_718 = arith.constant 32768 : i32
          %dma_wait3A_719 = arith.constant 0 : i32
          %dma_wait3A_720 = tpu.memref_slice %arg5[%dma_wait3A_718, %dma_wait3A_719] : memref<32832x128xf32, #tpu.memory_space<hbm>> -> memref<16x128xf32, #tpu.memory_space<hbm>>
          %dma_wait3A_721 = arith.constant 32768 : i32
          %dma_wait3A_722 = arith.constant 0 : i32
          %dma_wait3A_723 = tpu.memref_slice %arg5[%dma_wait3A_721, %dma_wait3A_722] : memref<32832x128xf32, #tpu.memory_space<hbm>> -> memref<16x128xf32, #tpu.memory_space<hbm>>
          %dma_wait3A_724 = arith.constant 0 : i32
          %dma_wait3A_725 = arith.constant 0 : i32
          %dma_wait3A_726 = tpu.memref_slice %arg12[%dma_wait3A_713, %dma_wait3A_724, %dma_wait3A_725] : memref<6x16x128xf32, #tpu.memory_space<vmem>> -> memref<1x16x128xf32, #tpu.memory_space<vmem>>
          %dma_wait3A_727 = tpu.memref_squeeze %dma_wait3A_726 : memref<1x16x128xf32, #tpu.memory_space<vmem>> -> memref<16x128xf32, #tpu.memory_space<vmem>>
          tpu.wait_dma2 semaphore(%arg16 : memref<!tpu.dma_semaphore, #tpu.memory_space<semaphore_mem>>) src(%dma_wait3A_727 : memref<16x128xf32, #tpu.memory_space<vmem>>) dst(%dma_wait3A_723 : memref<16x128xf32, #tpu.memory_space<hbm>>)
        } else {
        }
        %mul3A_342 = arith.constant 16 : i32
        %mul3A_343 = arith.muli %while3A_334, %mul3A_342 : i32
        %get3A = arith.index_cast %mul3A_343 : i32 to index
        %get3A_344 = tpu.vector_load %arg9[%get3A] {strides = array<i32>} : memref<2080xi32, #tpu.memory_space<vmem>>, vector<16xi32>,
        %mul3A_345 = arith.constant 16 : i32
        %mul3A_346 = arith.muli %while3A_334, %mul3A_345 : i32
        %get3A_347 = arith.index_cast %mul3A_346 : i32 to index
        %get3A_348 = tpu.vector_load %arg10[%get3A_347] {strides = array<i32>} : memref<2080xi32, #tpu.memory_space<vmem>>, vector<16xi32>,
        %sub3A_349 = vector.broadcast %mul3A_214 : i32 to vector<16xi32>
        %sub3A_350 = arith.subi %get3A_344, %sub3A_349 : vector<16xi32>
        %max3A = arith.constant 0 : i32
        %max3A_351 = vector.broadcast %max3A : i32 to vector<16xi32>
        %max3A_352 = arith.maxsi %sub3A_350, %max3A_351 : vector<16xi32>
        %min3A_353 = arith.constant 1023 : i32
        %min3A_354 = vector.broadcast %min3A_353 : i32 to vector<16xi32>
        %min3A_355 = arith.minsi %max3A_352, %min3A_354 : vector<16xi32>
        %broadcast_in_dim3A_356 = arith.constant 0 : i32
        %broadcast_in_dim3A_357 = vector.broadcast %broadcast_in_dim3A_356 : i32 to vector<16xi32>
        %gather3A = arith.constant 0 : i32
        %gather3A_358 = arith.constant 0 : i32
        %gather3A_359 = tpu.memref_slice %arg11[%and3A_206, %gather3A, %gather3A_358] : memref<2x32x1024xf32, #tpu.memory_space<vmem>> -> memref<1x32x1024xf32, #tpu.memory_space<vmem>>
        %gather3A_360 = tpu.memref_squeeze %gather3A_359 : memref<1x32x1024xf32, #tpu.memory_space<vmem>> -> memref<32x1024xf32, #tpu.memory_space<vmem>>
        %gather3A_361 = tpu.vector_load_idx %gather3A_360[%broadcast_in_dim3A_357, %min3A_355] : memref<32x1024xf32, #tpu.memory_space<vmem>>[vector<16xi32>, vector<16xi32>], vector<16xf32>,
        %scatter3A = arith.constant 0 : i32
        %scatter3A_362 = arith.constant 0 : i32
        %scatter3A_363 = tpu.memref_slice %arg12[%rem3A_336, %scatter3A, %scatter3A_362] : memref<6x16x128xf32, #tpu.memory_space<vmem>> -> memref<1x16x128xf32, #tpu.memory_space<vmem>>
        %scatter3A_364 = tpu.memref_squeeze %scatter3A_363 : memref<1x16x128xf32, #tpu.memory_space<vmem>> -> memref<16x128xf32, #tpu.memory_space<vmem>>
        tpu.vector_store_idx %scatter3A_364[%iota3A, %broadcast_in_dim3A_357], %gather3A_361 : memref<16x128xf32, #tpu.memory_space<vmem>>[vector<16xi32>, vector<16xi32>], vector<16xf32>,
        %broadcast_in_dim3A_365 = arith.constant 1 : i32
        %broadcast_in_dim3A_366 = vector.broadcast %broadcast_in_dim3A_365 : i32 to vector<16xi32>
        %gather3A_367 = arith.constant 0 : i32
        %gather3A_368 = arith.constant 0 : i32
        %gather3A_369 = tpu.memref_slice %arg11[%and3A_206, %gather3A_367, %gather3A_368] : memref<2x32x1024xf32, #tpu.memory_space<vmem>> -> memref<1x32x1024xf32, #tpu.memory_space<vmem>>
        %gather3A_370 = tpu.memref_squeeze %gather3A_369 : memref<1x32x1024xf32, #tpu.memory_space<vmem>> -> memref<32x1024xf32, #tpu.memory_space<vmem>>
        %gather3A_371 = tpu.vector_load_idx %gather3A_370[%broadcast_in_dim3A_366, %min3A_355] : memref<32x1024xf32, #tpu.memory_space<vmem>>[vector<16xi32>, vector<16xi32>], vector<16xf32>,
        %scatter3A_372 = arith.constant 0 : i32
        %scatter3A_373 = arith.constant 0 : i32
        %scatter3A_374 = tpu.memref_slice %arg12[%rem3A_336, %scatter3A_372, %scatter3A_373] : memref<6x16x128xf32, #tpu.memory_space<vmem>> -> memref<1x16x128xf32, #tpu.memory_space<vmem>>
        %scatter3A_375 = tpu.memref_squeeze %scatter3A_374 : memref<1x16x128xf32, #tpu.memory_space<vmem>> -> memref<16x128xf32, #tpu.memory_space<vmem>>
        tpu.vector_store_idx %scatter3A_375[%iota3A, %broadcast_in_dim3A_366], %gather3A_371 : memref<16x128xf32, #tpu.memory_space<vmem>>[vector<16xi32>, vector<16xi32>], vector<16xf32>,
        %broadcast_in_dim3A_376 = arith.constant 2 : i32
        %broadcast_in_dim3A_377 = vector.broadcast %broadcast_in_dim3A_376 : i32 to vector<16xi32>
        %gather3A_378 = arith.constant 0 : i32
        %gather3A_379 = arith.constant 0 : i32
        %gather3A_380 = tpu.memref_slice %arg11[%and3A_206, %gather3A_378, %gather3A_379] : memref<2x32x1024xf32, #tpu.memory_space<vmem>> -> memref<1x32x1024xf32, #tpu.memory_space<vmem>>
        %gather3A_381 = tpu.memref_squeeze %gather3A_380 : memref<1x32x1024xf32, #tpu.memory_space<vmem>> -> memref<32x1024xf32, #tpu.memory_space<vmem>>
        %gather3A_382 = tpu.vector_load_idx %gather3A_381[%broadcast_in_dim3A_377, %min3A_355] : memref<32x1024xf32, #tpu.memory_space<vmem>>[vector<16xi32>, vector<16xi32>], vector<16xf32>,
        %scatter3A_383 = arith.constant 0 : i32
        %scatter3A_384 = arith.constant 0 : i32
        %scatter3A_385 = tpu.memref_slice %arg12[%rem3A_336, %scatter3A_383, %scatter3A_384] : memref<6x16x128xf32, #tpu.memory_space<vmem>> -> memref<1x16x128xf32, #tpu.memory_space<vmem>>
        %scatter3A_386 = tpu.memref_squeeze %scatter3A_385 : memref<1x16x128xf32, #tpu.memory_space<vmem>> -> memref<16x128xf32, #tpu.memory_space<vmem>>
        tpu.vector_store_idx %scatter3A_386[%iota3A, %broadcast_in_dim3A_377], %gather3A_382 : memref<16x128xf32, #tpu.memory_space<vmem>>[vector<16xi32>, vector<16xi32>], vector<16xf32>,
        %broadcast_in_dim3A_387 = arith.constant 3 : i32
        %broadcast_in_dim3A_388 = vector.broadcast %broadcast_in_dim3A_387 : i32 to vector<16xi32>
        %gather3A_389 = arith.constant 0 : i32
        %gather3A_390 = arith.constant 0 : i32
        %gather3A_391 = tpu.memref_slice %arg11[%and3A_206, %gather3A_389, %gather3A_390] : memref<2x32x1024xf32, #tpu.memory_space<vmem>> -> memref<1x32x1024xf32, #tpu.memory_space<vmem>>
        %gather3A_392 = tpu.memref_squeeze %gather3A_391 : memref<1x32x1024xf32, #tpu.memory_space<vmem>> -> memref<32x1024xf32, #tpu.memory_space<vmem>>
        %gather3A_393 = tpu.vector_load_idx %gather3A_392[%broadcast_in_dim3A_388, %min3A_355] : memref<32x1024xf32, #tpu.memory_space<vmem>>[vector<16xi32>, vector<16xi32>], vector<16xf32>,
        %scatter3A_394 = arith.constant 0 : i32
        %scatter3A_395 = arith.constant 0 : i32
        %scatter3A_396 = tpu.memref_slice %arg12[%rem3A_336, %scatter3A_394, %scatter3A_395] : memref<6x16x128xf32, #tpu.memory_space<vmem>> -> memref<1x16x128xf32, #tpu.memory_space<vmem>>
        %scatter3A_397 = tpu.memref_squeeze %scatter3A_396 : memref<1x16x128xf32, #tpu.memory_space<vmem>> -> memref<16x128xf32, #tpu.memory_space<vmem>>
        tpu.vector_store_idx %scatter3A_397[%iota3A, %broadcast_in_dim3A_388], %gather3A_393 : memref<16x128xf32, #tpu.memory_space<vmem>>[vector<16xi32>, vector<16xi32>], vector<16xf32>,
        %broadcast_in_dim3A_398 = arith.constant 4 : i32
        %broadcast_in_dim3A_399 = vector.broadcast %broadcast_in_dim3A_398 : i32 to vector<16xi32>
        %gather3A_400 = arith.constant 0 : i32
        %gather3A_401 = arith.constant 0 : i32
        %gather3A_402 = tpu.memref_slice %arg11[%and3A_206, %gather3A_400, %gather3A_401] : memref<2x32x1024xf32, #tpu.memory_space<vmem>> -> memref<1x32x1024xf32, #tpu.memory_space<vmem>>
        %gather3A_403 = tpu.memref_squeeze %gather3A_402 : memref<1x32x1024xf32, #tpu.memory_space<vmem>> -> memref<32x1024xf32, #tpu.memory_space<vmem>>
        %gather3A_404 = tpu.vector_load_idx %gather3A_403[%broadcast_in_dim3A_399, %min3A_355] : memref<32x1024xf32, #tpu.memory_space<vmem>>[vector<16xi32>, vector<16xi32>], vector<16xf32>,
        %scatter3A_405 = arith.constant 0 : i32
        %scatter3A_406 = arith.constant 0 : i32
        %scatter3A_407 = tpu.memref_slice %arg12[%rem3A_336, %scatter3A_405, %scatter3A_406] : memref<6x16x128xf32, #tpu.memory_space<vmem>> -> memref<1x16x128xf32, #tpu.memory_space<vmem>>
        %scatter3A_408 = tpu.memref_squeeze %scatter3A_407 : memref<1x16x128xf32, #tpu.memory_space<vmem>> -> memref<16x128xf32, #tpu.memory_space<vmem>>
        tpu.vector_store_idx %scatter3A_408[%iota3A, %broadcast_in_dim3A_399], %gather3A_404 : memref<16x128xf32, #tpu.memory_space<vmem>>[vector<16xi32>, vector<16xi32>], vector<16xf32>,
        %broadcast_in_dim3A_409 = arith.constant 5 : i32
        %broadcast_in_dim3A_410 = vector.broadcast %broadcast_in_dim3A_409 : i32 to vector<16xi32>
        %gather3A_411 = arith.constant 0 : i32
        %gather3A_412 = arith.constant 0 : i32
        %gather3A_413 = tpu.memref_slice %arg11[%and3A_206, %gather3A_411, %gather3A_412] : memref<2x32x1024xf32, #tpu.memory_space<vmem>> -> memref<1x32x1024xf32, #tpu.memory_space<vmem>>
        %gather3A_414 = tpu.memref_squeeze %gather3A_413 : memref<1x32x1024xf32, #tpu.memory_space<vmem>> -> memref<32x1024xf32, #tpu.memory_space<vmem>>
        %gather3A_415 = tpu.vector_load_idx %gather3A_414[%broadcast_in_dim3A_410, %min3A_355] : memref<32x1024xf32, #tpu.memory_space<vmem>>[vector<16xi32>, vector<16xi32>], vector<16xf32>,
        %scatter3A_416 = arith.constant 0 : i32
        %scatter3A_417 = arith.constant 0 : i32
        %scatter3A_418 = tpu.memref_slice %arg12[%rem3A_336, %scatter3A_416, %scatter3A_417] : memref<6x16x128xf32, #tpu.memory_space<vmem>> -> memref<1x16x128xf32, #tpu.memory_space<vmem>>
        %scatter3A_419 = tpu.memref_squeeze %scatter3A_418 : memref<1x16x128xf32, #tpu.memory_space<vmem>> -> memref<16x128xf32, #tpu.memory_space<vmem>>
        tpu.vector_store_idx %scatter3A_419[%iota3A, %broadcast_in_dim3A_410], %gather3A_415 : memref<16x128xf32, #tpu.memory_space<vmem>>[vector<16xi32>, vector<16xi32>], vector<16xf32>,
        %broadcast_in_dim3A_420 = arith.constant 6 : i32
        %broadcast_in_dim3A_421 = vector.broadcast %broadcast_in_dim3A_420 : i32 to vector<16xi32>
        %gather3A_422 = arith.constant 0 : i32
        %gather3A_423 = arith.constant 0 : i32
        %gather3A_424 = tpu.memref_slice %arg11[%and3A_206, %gather3A_422, %gather3A_423] : memref<2x32x1024xf32, #tpu.memory_space<vmem>> -> memref<1x32x1024xf32, #tpu.memory_space<vmem>>
        %gather3A_425 = tpu.memref_squeeze %gather3A_424 : memref<1x32x1024xf32, #tpu.memory_space<vmem>> -> memref<32x1024xf32, #tpu.memory_space<vmem>>
        %gather3A_426 = tpu.vector_load_idx %gather3A_425[%broadcast_in_dim3A_421, %min3A_355] : memref<32x1024xf32, #tpu.memory_space<vmem>>[vector<16xi32>, vector<16xi32>], vector<16xf32>,
        %scatter3A_427 = arith.constant 0 : i32
        %scatter3A_428 = arith.constant 0 : i32
        %scatter3A_429 = tpu.memref_slice %arg12[%rem3A_336, %scatter3A_427, %scatter3A_428] : memref<6x16x128xf32, #tpu.memory_space<vmem>> -> memref<1x16x128xf32, #tpu.memory_space<vmem>>
        %scatter3A_430 = tpu.memref_squeeze %scatter3A_429 : memref<1x16x128xf32, #tpu.memory_space<vmem>> -> memref<16x128xf32, #tpu.memory_space<vmem>>
        tpu.vector_store_idx %scatter3A_430[%iota3A, %broadcast_in_dim3A_421], %gather3A_426 : memref<16x128xf32, #tpu.memory_space<vmem>>[vector<16xi32>, vector<16xi32>], vector<16xf32>,
        %broadcast_in_dim3A_431 = arith.constant 7 : i32
        %broadcast_in_dim3A_432 = vector.broadcast %broadcast_in_dim3A_431 : i32 to vector<16xi32>
        %gather3A_433 = arith.constant 0 : i32
        %gather3A_434 = arith.constant 0 : i32
        %gather3A_435 = tpu.memref_slice %arg11[%and3A_206, %gather3A_433, %gather3A_434] : memref<2x32x1024xf32, #tpu.memory_space<vmem>> -> memref<1x32x1024xf32, #tpu.memory_space<vmem>>
        %gather3A_436 = tpu.memref_squeeze %gather3A_435 : memref<1x32x1024xf32, #tpu.memory_space<vmem>> -> memref<32x1024xf32, #tpu.memory_space<vmem>>
        %gather3A_437 = tpu.vector_load_idx %gather3A_436[%broadcast_in_dim3A_432, %min3A_355] : memref<32x1024xf32, #tpu.memory_space<vmem>>[vector<16xi32>, vector<16xi32>], vector<16xf32>,
        %scatter3A_438 = arith.constant 0 : i32
        %scatter3A_439 = arith.constant 0 : i32
        %scatter3A_440 = tpu.memref_slice %arg12[%rem3A_336, %scatter3A_438, %scatter3A_439] : memref<6x16x128xf32, #tpu.memory_space<vmem>> -> memref<1x16x128xf32, #tpu.memory_space<vmem>>
        %scatter3A_441 = tpu.memref_squeeze %scatter3A_440 : memref<1x16x128xf32, #tpu.memory_space<vmem>> -> memref<16x128xf32, #tpu.memory_space<vmem>>
        tpu.vector_store_idx %scatter3A_441[%iota3A, %broadcast_in_dim3A_432], %gather3A_437 : memref<16x128xf32, #tpu.memory_space<vmem>>[vector<16xi32>, vector<16xi32>], vector<16xf32>,
        %broadcast_in_dim3A_442 = arith.constant 8 : i32
        %broadcast_in_dim3A_443 = vector.broadcast %broadcast_in_dim3A_442 : i32 to vector<16xi32>
        %gather3A_444 = arith.constant 0 : i32
        %gather3A_445 = arith.constant 0 : i32
        %gather3A_446 = tpu.memref_slice %arg11[%and3A_206, %gather3A_444, %gather3A_445] : memref<2x32x1024xf32, #tpu.memory_space<vmem>> -> memref<1x32x1024xf32, #tpu.memory_space<vmem>>
        %gather3A_447 = tpu.memref_squeeze %gather3A_446 : memref<1x32x1024xf32, #tpu.memory_space<vmem>> -> memref<32x1024xf32, #tpu.memory_space<vmem>>
        %gather3A_448 = tpu.vector_load_idx %gather3A_447[%broadcast_in_dim3A_443, %min3A_355] : memref<32x1024xf32, #tpu.memory_space<vmem>>[vector<16xi32>, vector<16xi32>], vector<16xf32>,
        %scatter3A_449 = arith.constant 0 : i32
        %scatter3A_450 = arith.constant 0 : i32
        %scatter3A_451 = tpu.memref_slice %arg12[%rem3A_336, %scatter3A_449, %scatter3A_450] : memref<6x16x128xf32, #tpu.memory_space<vmem>> -> memref<1x16x128xf32, #tpu.memory_space<vmem>>
        %scatter3A_452 = tpu.memref_squeeze %scatter3A_451 : memref<1x16x128xf32, #tpu.memory_space<vmem>> -> memref<16x128xf32, #tpu.memory_space<vmem>>
        tpu.vector_store_idx %scatter3A_452[%iota3A, %broadcast_in_dim3A_443], %gather3A_448 : memref<16x128xf32, #tpu.memory_space<vmem>>[vector<16xi32>, vector<16xi32>], vector<16xf32>,
        %broadcast_in_dim3A_453 = arith.constant 9 : i32
        %broadcast_in_dim3A_454 = vector.broadcast %broadcast_in_dim3A_453 : i32 to vector<16xi32>
        %gather3A_455 = arith.constant 0 : i32
        %gather3A_456 = arith.constant 0 : i32
        %gather3A_457 = tpu.memref_slice %arg11[%and3A_206, %gather3A_455, %gather3A_456] : memref<2x32x1024xf32, #tpu.memory_space<vmem>> -> memref<1x32x1024xf32, #tpu.memory_space<vmem>>
        %gather3A_458 = tpu.memref_squeeze %gather3A_457 : memref<1x32x1024xf32, #tpu.memory_space<vmem>> -> memref<32x1024xf32, #tpu.memory_space<vmem>>
        %gather3A_459 = tpu.vector_load_idx %gather3A_458[%broadcast_in_dim3A_454, %min3A_355] : memref<32x1024xf32, #tpu.memory_space<vmem>>[vector<16xi32>, vector<16xi32>], vector<16xf32>,
        %scatter3A_460 = arith.constant 0 : i32
        %scatter3A_461 = arith.constant 0 : i32
        %scatter3A_462 = tpu.memref_slice %arg12[%rem3A_336, %scatter3A_460, %scatter3A_461] : memref<6x16x128xf32, #tpu.memory_space<vmem>> -> memref<1x16x128xf32, #tpu.memory_space<vmem>>
        %scatter3A_463 = tpu.memref_squeeze %scatter3A_462 : memref<1x16x128xf32, #tpu.memory_space<vmem>> -> memref<16x128xf32, #tpu.memory_space<vmem>>
        tpu.vector_store_idx %scatter3A_463[%iota3A, %broadcast_in_dim3A_454], %gather3A_459 : memref<16x128xf32, #tpu.memory_space<vmem>>[vector<16xi32>, vector<16xi32>], vector<16xf32>,
        %broadcast_in_dim3A_464 = arith.constant 10 : i32
        %broadcast_in_dim3A_465 = vector.broadcast %broadcast_in_dim3A_464 : i32 to vector<16xi32>
        %gather3A_466 = arith.constant 0 : i32
        %gather3A_467 = arith.constant 0 : i32
        %gather3A_468 = tpu.memref_slice %arg11[%and3A_206, %gather3A_466, %gather3A_467] : memref<2x32x1024xf32, #tpu.memory_space<vmem>> -> memref<1x32x1024xf32, #tpu.memory_space<vmem>>
        %gather3A_469 = tpu.memref_squeeze %gather3A_468 : memref<1x32x1024xf32, #tpu.memory_space<vmem>> -> memref<32x1024xf32, #tpu.memory_space<vmem>>
        %gather3A_470 = tpu.vector_load_idx %gather3A_469[%broadcast_in_dim3A_465, %min3A_355] : memref<32x1024xf32, #tpu.memory_space<vmem>>[vector<16xi32>, vector<16xi32>], vector<16xf32>,
        %scatter3A_471 = arith.constant 0 : i32
        %scatter3A_472 = arith.constant 0 : i32
        %scatter3A_473 = tpu.memref_slice %arg12[%rem3A_336, %scatter3A_471, %scatter3A_472] : memref<6x16x128xf32, #tpu.memory_space<vmem>> -> memref<1x16x128xf32, #tpu.memory_space<vmem>>
        %scatter3A_474 = tpu.memref_squeeze %scatter3A_473 : memref<1x16x128xf32, #tpu.memory_space<vmem>> -> memref<16x128xf32, #tpu.memory_space<vmem>>
        tpu.vector_store_idx %scatter3A_474[%iota3A, %broadcast_in_dim3A_465], %gather3A_470 : memref<16x128xf32, #tpu.memory_space<vmem>>[vector<16xi32>, vector<16xi32>], vector<16xf32>,
        %broadcast_in_dim3A_475 = arith.constant 11 : i32
        %broadcast_in_dim3A_476 = vector.broadcast %broadcast_in_dim3A_475 : i32 to vector<16xi32>
        %gather3A_477 = arith.constant 0 : i32
        %gather3A_478 = arith.constant 0 : i32
        %gather3A_479 = tpu.memref_slice %arg11[%and3A_206, %gather3A_477, %gather3A_478] : memref<2x32x1024xf32, #tpu.memory_space<vmem>> -> memref<1x32x1024xf32, #tpu.memory_space<vmem>>
        %gather3A_480 = tpu.memref_squeeze %gather3A_479 : memref<1x32x1024xf32, #tpu.memory_space<vmem>> -> memref<32x1024xf32, #tpu.memory_space<vmem>>
        %gather3A_481 = tpu.vector_load_idx %gather3A_480[%broadcast_in_dim3A_476, %min3A_355] : memref<32x1024xf32, #tpu.memory_space<vmem>>[vector<16xi32>, vector<16xi32>], vector<16xf32>,
        %scatter3A_482 = arith.constant 0 : i32
        %scatter3A_483 = arith.constant 0 : i32
        %scatter3A_484 = tpu.memref_slice %arg12[%rem3A_336, %scatter3A_482, %scatter3A_483] : memref<6x16x128xf32, #tpu.memory_space<vmem>> -> memref<1x16x128xf32, #tpu.memory_space<vmem>>
        %scatter3A_485 = tpu.memref_squeeze %scatter3A_484 : memref<1x16x128xf32, #tpu.memory_space<vmem>> -> memref<16x128xf32, #tpu.memory_space<vmem>>
        tpu.vector_store_idx %scatter3A_485[%iota3A, %broadcast_in_dim3A_476], %gather3A_481 : memref<16x128xf32, #tpu.memory_space<vmem>>[vector<16xi32>, vector<16xi32>], vector<16xf32>,
        %broadcast_in_dim3A_486 = arith.constant 12 : i32
        %broadcast_in_dim3A_487 = vector.broadcast %broadcast_in_dim3A_486 : i32 to vector<16xi32>
        %gather3A_488 = arith.constant 0 : i32
        %gather3A_489 = arith.constant 0 : i32
        %gather3A_490 = tpu.memref_slice %arg11[%and3A_206, %gather3A_488, %gather3A_489] : memref<2x32x1024xf32, #tpu.memory_space<vmem>> -> memref<1x32x1024xf32, #tpu.memory_space<vmem>>
        %gather3A_491 = tpu.memref_squeeze %gather3A_490 : memref<1x32x1024xf32, #tpu.memory_space<vmem>> -> memref<32x1024xf32, #tpu.memory_space<vmem>>
        %gather3A_492 = tpu.vector_load_idx %gather3A_491[%broadcast_in_dim3A_487, %min3A_355] : memref<32x1024xf32, #tpu.memory_space<vmem>>[vector<16xi32>, vector<16xi32>], vector<16xf32>,
        %scatter3A_493 = arith.constant 0 : i32
        %scatter3A_494 = arith.constant 0 : i32
        %scatter3A_495 = tpu.memref_slice %arg12[%rem3A_336, %scatter3A_493, %scatter3A_494] : memref<6x16x128xf32, #tpu.memory_space<vmem>> -> memref<1x16x128xf32, #tpu.memory_space<vmem>>
        %scatter3A_496 = tpu.memref_squeeze %scatter3A_495 : memref<1x16x128xf32, #tpu.memory_space<vmem>> -> memref<16x128xf32, #tpu.memory_space<vmem>>
        tpu.vector_store_idx %scatter3A_496[%iota3A, %broadcast_in_dim3A_487], %gather3A_492 : memref<16x128xf32, #tpu.memory_space<vmem>>[vector<16xi32>, vector<16xi32>], vector<16xf32>,
        %broadcast_in_dim3A_497 = arith.constant 13 : i32
        %broadcast_in_dim3A_498 = vector.broadcast %broadcast_in_dim3A_497 : i32 to vector<16xi32>
        %gather3A_499 = arith.constant 0 : i32
        %gather3A_500 = arith.constant 0 : i32
        %gather3A_501 = tpu.memref_slice %arg11[%and3A_206, %gather3A_499, %gather3A_500] : memref<2x32x1024xf32, #tpu.memory_space<vmem>> -> memref<1x32x1024xf32, #tpu.memory_space<vmem>>
        %gather3A_502 = tpu.memref_squeeze %gather3A_501 : memref<1x32x1024xf32, #tpu.memory_space<vmem>> -> memref<32x1024xf32, #tpu.memory_space<vmem>>
        %gather3A_503 = tpu.vector_load_idx %gather3A_502[%broadcast_in_dim3A_498, %min3A_355] : memref<32x1024xf32, #tpu.memory_space<vmem>>[vector<16xi32>, vector<16xi32>], vector<16xf32>,
        %scatter3A_504 = arith.constant 0 : i32
        %scatter3A_505 = arith.constant 0 : i32
        %scatter3A_506 = tpu.memref_slice %arg12[%rem3A_336, %scatter3A_504, %scatter3A_505] : memref<6x16x128xf32, #tpu.memory_space<vmem>> -> memref<1x16x128xf32, #tpu.memory_space<vmem>>
        %scatter3A_507 = tpu.memref_squeeze %scatter3A_506 : memref<1x16x128xf32, #tpu.memory_space<vmem>> -> memref<16x128xf32, #tpu.memory_space<vmem>>
        tpu.vector_store_idx %scatter3A_507[%iota3A, %broadcast_in_dim3A_498], %gather3A_503 : memref<16x128xf32, #tpu.memory_space<vmem>>[vector<16xi32>, vector<16xi32>], vector<16xf32>,
        %broadcast_in_dim3A_508 = arith.constant 14 : i32
        %broadcast_in_dim3A_509 = vector.broadcast %broadcast_in_dim3A_508 : i32 to vector<16xi32>
        %gather3A_510 = arith.constant 0 : i32
        %gather3A_511 = arith.constant 0 : i32
        %gather3A_512 = tpu.memref_slice %arg11[%and3A_206, %gather3A_510, %gather3A_511] : memref<2x32x1024xf32, #tpu.memory_space<vmem>> -> memref<1x32x1024xf32, #tpu.memory_space<vmem>>
        %gather3A_513 = tpu.memref_squeeze %gather3A_512 : memref<1x32x1024xf32, #tpu.memory_space<vmem>> -> memref<32x1024xf32, #tpu.memory_space<vmem>>
        %gather3A_514 = tpu.vector_load_idx %gather3A_513[%broadcast_in_dim3A_509, %min3A_355] : memref<32x1024xf32, #tpu.memory_space<vmem>>[vector<16xi32>, vector<16xi32>], vector<16xf32>,
        %scatter3A_515 = arith.constant 0 : i32
        %scatter3A_516 = arith.constant 0 : i32
        %scatter3A_517 = tpu.memref_slice %arg12[%rem3A_336, %scatter3A_515, %scatter3A_516] : memref<6x16x128xf32, #tpu.memory_space<vmem>> -> memref<1x16x128xf32, #tpu.memory_space<vmem>>
        %scatter3A_518 = tpu.memref_squeeze %scatter3A_517 : memref<1x16x128xf32, #tpu.memory_space<vmem>> -> memref<16x128xf32, #tpu.memory_space<vmem>>
        tpu.vector_store_idx %scatter3A_518[%iota3A, %broadcast_in_dim3A_509], %gather3A_514 : memref<16x128xf32, #tpu.memory_space<vmem>>[vector<16xi32>, vector<16xi32>], vector<16xf32>,
        %broadcast_in_dim3A_519 = arith.constant 15 : i32
        %broadcast_in_dim3A_520 = vector.broadcast %broadcast_in_dim3A_519 : i32 to vector<16xi32>
        %gather3A_521 = arith.constant 0 : i32
        %gather3A_522 = arith.constant 0 : i32
        %gather3A_523 = tpu.memref_slice %arg11[%and3A_206, %gather3A_521, %gather3A_522] : memref<2x32x1024xf32, #tpu.memory_space<vmem>> -> memref<1x32x1024xf32, #tpu.memory_space<vmem>>
        %gather3A_524 = tpu.memref_squeeze %gather3A_523 : memref<1x32x1024xf32, #tpu.memory_space<vmem>> -> memref<32x1024xf32, #tpu.memory_space<vmem>>
        %gather3A_525 = tpu.vector_load_idx %gather3A_524[%broadcast_in_dim3A_520, %min3A_355] : memref<32x1024xf32, #tpu.memory_space<vmem>>[vector<16xi32>, vector<16xi32>], vector<16xf32>,
        %scatter3A_526 = arith.constant 0 : i32
        %scatter3A_527 = arith.constant 0 : i32
        %scatter3A_528 = tpu.memref_slice %arg12[%rem3A_336, %scatter3A_526, %scatter3A_527] : memref<6x16x128xf32, #tpu.memory_space<vmem>> -> memref<1x16x128xf32, #tpu.memory_space<vmem>>
        %scatter3A_529 = tpu.memref_squeeze %scatter3A_528 : memref<1x16x128xf32, #tpu.memory_space<vmem>> -> memref<16x128xf32, #tpu.memory_space<vmem>>
        tpu.vector_store_idx %scatter3A_529[%iota3A, %broadcast_in_dim3A_520], %gather3A_525 : memref<16x128xf32, #tpu.memory_space<vmem>>[vector<16xi32>, vector<16xi32>], vector<16xf32>,
        %broadcast_in_dim3A_530 = arith.constant 16 : i32
        %broadcast_in_dim3A_531 = vector.broadcast %broadcast_in_dim3A_530 : i32 to vector<16xi32>
        %gather3A_532 = arith.constant 0 : i32
        %gather3A_533 = arith.constant 0 : i32
        %gather3A_534 = tpu.memref_slice %arg11[%and3A_206, %gather3A_532, %gather3A_533] : memref<2x32x1024xf32, #tpu.memory_space<vmem>> -> memref<1x32x1024xf32, #tpu.memory_space<vmem>>
        %gather3A_535 = tpu.memref_squeeze %gather3A_534 : memref<1x32x1024xf32, #tpu.memory_space<vmem>> -> memref<32x1024xf32, #tpu.memory_space<vmem>>
        %gather3A_536 = tpu.vector_load_idx %gather3A_535[%broadcast_in_dim3A_531, %min3A_355] : memref<32x1024xf32, #tpu.memory_space<vmem>>[vector<16xi32>, vector<16xi32>], vector<16xf32>,
        %scatter3A_537 = arith.constant 0 : i32
        %scatter3A_538 = arith.constant 0 : i32
        %scatter3A_539 = tpu.memref_slice %arg12[%rem3A_336, %scatter3A_537, %scatter3A_538] : memref<6x16x128xf32, #tpu.memory_space<vmem>> -> memref<1x16x128xf32, #tpu.memory_space<vmem>>
        %scatter3A_540 = tpu.memref_squeeze %scatter3A_539 : memref<1x16x128xf32, #tpu.memory_space<vmem>> -> memref<16x128xf32, #tpu.memory_space<vmem>>
        tpu.vector_store_idx %scatter3A_540[%iota3A, %broadcast_in_dim3A_531], %gather3A_536 : memref<16x128xf32, #tpu.memory_space<vmem>>[vector<16xi32>, vector<16xi32>], vector<16xf32>,
        %broadcast_in_dim3A_541 = arith.constant 17 : i32
        %broadcast_in_dim3A_542 = vector.broadcast %broadcast_in_dim3A_541 : i32 to vector<16xi32>
        %gather3A_543 = arith.constant 0 : i32
        %gather3A_544 = arith.constant 0 : i32
        %gather3A_545 = tpu.memref_slice %arg11[%and3A_206, %gather3A_543, %gather3A_544] : memref<2x32x1024xf32, #tpu.memory_space<vmem>> -> memref<1x32x1024xf32, #tpu.memory_space<vmem>>
        %gather3A_546 = tpu.memref_squeeze %gather3A_545 : memref<1x32x1024xf32, #tpu.memory_space<vmem>> -> memref<32x1024xf32, #tpu.memory_space<vmem>>
        %gather3A_547 = tpu.vector_load_idx %gather3A_546[%broadcast_in_dim3A_542, %min3A_355] : memref<32x1024xf32, #tpu.memory_space<vmem>>[vector<16xi32>, vector<16xi32>], vector<16xf32>,
        %scatter3A_548 = arith.constant 0 : i32
        %scatter3A_549 = arith.constant 0 : i32
        %scatter3A_550 = tpu.memref_slice %arg12[%rem3A_336, %scatter3A_548, %scatter3A_549] : memref<6x16x128xf32, #tpu.memory_space<vmem>> -> memref<1x16x128xf32, #tpu.memory_space<vmem>>
        %scatter3A_551 = tpu.memref_squeeze %scatter3A_550 : memref<1x16x128xf32, #tpu.memory_space<vmem>> -> memref<16x128xf32, #tpu.memory_space<vmem>>
        tpu.vector_store_idx %scatter3A_551[%iota3A, %broadcast_in_dim3A_542], %gather3A_547 : memref<16x128xf32, #tpu.memory_space<vmem>>[vector<16xi32>, vector<16xi32>], vector<16xf32>,
        %broadcast_in_dim3A_552 = arith.constant 18 : i32
        %broadcast_in_dim3A_553 = vector.broadcast %broadcast_in_dim3A_552 : i32 to vector<16xi32>
        %gather3A_554 = arith.constant 0 : i32
        %gather3A_555 = arith.constant 0 : i32
        %gather3A_556 = tpu.memref_slice %arg11[%and3A_206, %gather3A_554, %gather3A_555] : memref<2x32x1024xf32, #tpu.memory_space<vmem>> -> memref<1x32x1024xf32, #tpu.memory_space<vmem>>
        %gather3A_557 = tpu.memref_squeeze %gather3A_556 : memref<1x32x1024xf32, #tpu.memory_space<vmem>> -> memref<32x1024xf32, #tpu.memory_space<vmem>>
        %gather3A_558 = tpu.vector_load_idx %gather3A_557[%broadcast_in_dim3A_553, %min3A_355] : memref<32x1024xf32, #tpu.memory_space<vmem>>[vector<16xi32>, vector<16xi32>], vector<16xf32>,
        %scatter3A_559 = arith.constant 0 : i32
        %scatter3A_560 = arith.constant 0 : i32
        %scatter3A_561 = tpu.memref_slice %arg12[%rem3A_336, %scatter3A_559, %scatter3A_560] : memref<6x16x128xf32, #tpu.memory_space<vmem>> -> memref<1x16x128xf32, #tpu.memory_space<vmem>>
        %scatter3A_562 = tpu.memref_squeeze %scatter3A_561 : memref<1x16x128xf32, #tpu.memory_space<vmem>> -> memref<16x128xf32, #tpu.memory_space<vmem>>
        tpu.vector_store_idx %scatter3A_562[%iota3A, %broadcast_in_dim3A_553], %gather3A_558 : memref<16x128xf32, #tpu.memory_space<vmem>>[vector<16xi32>, vector<16xi32>], vector<16xf32>,
        %broadcast_in_dim3A_563 = arith.constant 19 : i32
        %broadcast_in_dim3A_564 = vector.broadcast %broadcast_in_dim3A_563 : i32 to vector<16xi32>
        %gather3A_565 = arith.constant 0 : i32
        %gather3A_566 = arith.constant 0 : i32
        %gather3A_567 = tpu.memref_slice %arg11[%and3A_206, %gather3A_565, %gather3A_566] : memref<2x32x1024xf32, #tpu.memory_space<vmem>> -> memref<1x32x1024xf32, #tpu.memory_space<vmem>>
        %gather3A_568 = tpu.memref_squeeze %gather3A_567 : memref<1x32x1024xf32, #tpu.memory_space<vmem>> -> memref<32x1024xf32, #tpu.memory_space<vmem>>
        %gather3A_569 = tpu.vector_load_idx %gather3A_568[%broadcast_in_dim3A_564, %min3A_355] : memref<32x1024xf32, #tpu.memory_space<vmem>>[vector<16xi32>, vector<16xi32>], vector<16xf32>,
        %scatter3A_570 = arith.constant 0 : i32
        %scatter3A_571 = arith.constant 0 : i32
        %scatter3A_572 = tpu.memref_slice %arg12[%rem3A_336, %scatter3A_570, %scatter3A_571] : memref<6x16x128xf32, #tpu.memory_space<vmem>> -> memref<1x16x128xf32, #tpu.memory_space<vmem>>
        %scatter3A_573 = tpu.memref_squeeze %scatter3A_572 : memref<1x16x128xf32, #tpu.memory_space<vmem>> -> memref<16x128xf32, #tpu.memory_space<vmem>>
        tpu.vector_store_idx %scatter3A_573[%iota3A, %broadcast_in_dim3A_564], %gather3A_569 : memref<16x128xf32, #tpu.memory_space<vmem>>[vector<16xi32>, vector<16xi32>], vector<16xf32>,
        %broadcast_in_dim3A_574 = arith.constant 20 : i32
        %broadcast_in_dim3A_575 = vector.broadcast %broadcast_in_dim3A_574 : i32 to vector<16xi32>
        %gather3A_576 = arith.constant 0 : i32
        %gather3A_577 = arith.constant 0 : i32
        %gather3A_578 = tpu.memref_slice %arg11[%and3A_206, %gather3A_576, %gather3A_577] : memref<2x32x1024xf32, #tpu.memory_space<vmem>> -> memref<1x32x1024xf32, #tpu.memory_space<vmem>>
        %gather3A_579 = tpu.memref_squeeze %gather3A_578 : memref<1x32x1024xf32, #tpu.memory_space<vmem>> -> memref<32x1024xf32, #tpu.memory_space<vmem>>
        %gather3A_580 = tpu.vector_load_idx %gather3A_579[%broadcast_in_dim3A_575, %min3A_355] : memref<32x1024xf32, #tpu.memory_space<vmem>>[vector<16xi32>, vector<16xi32>], vector<16xf32>,
        %scatter3A_581 = arith.constant 0 : i32
        %scatter3A_582 = arith.constant 0 : i32
        %scatter3A_583 = tpu.memref_slice %arg12[%rem3A_336, %scatter3A_581, %scatter3A_582] : memref<6x16x128xf32, #tpu.memory_space<vmem>> -> memref<1x16x128xf32, #tpu.memory_space<vmem>>
        %scatter3A_584 = tpu.memref_squeeze %scatter3A_583 : memref<1x16x128xf32, #tpu.memory_space<vmem>> -> memref<16x128xf32, #tpu.memory_space<vmem>>
        tpu.vector_store_idx %scatter3A_584[%iota3A, %broadcast_in_dim3A_575], %gather3A_580 : memref<16x128xf32, #tpu.memory_space<vmem>>[vector<16xi32>, vector<16xi32>], vector<16xf32>,
        %broadcast_in_dim3A_585 = arith.constant 21 : i32
        %broadcast_in_dim3A_586 = vector.broadcast %broadcast_in_dim3A_585 : i32 to vector<16xi32>
        %gather3A_587 = arith.constant 0 : i32
        %gather3A_588 = arith.constant 0 : i32
        %gather3A_589 = tpu.memref_slice %arg11[%and3A_206, %gather3A_587, %gather3A_588] : memref<2x32x1024xf32, #tpu.memory_space<vmem>> -> memref<1x32x1024xf32, #tpu.memory_space<vmem>>
        %gather3A_590 = tpu.memref_squeeze %gather3A_589 : memref<1x32x1024xf32, #tpu.memory_space<vmem>> -> memref<32x1024xf32, #tpu.memory_space<vmem>>
        %gather3A_591 = tpu.vector_load_idx %gather3A_590[%broadcast_in_dim3A_586, %min3A_355] : memref<32x1024xf32, #tpu.memory_space<vmem>>[vector<16xi32>, vector<16xi32>], vector<16xf32>,
        %scatter3A_592 = arith.constant 0 : i32
        %scatter3A_593 = arith.constant 0 : i32
        %scatter3A_594 = tpu.memref_slice %arg12[%rem3A_336, %scatter3A_592, %scatter3A_593] : memref<6x16x128xf32, #tpu.memory_space<vmem>> -> memref<1x16x128xf32, #tpu.memory_space<vmem>>
        %scatter3A_595 = tpu.memref_squeeze %scatter3A_594 : memref<1x16x128xf32, #tpu.memory_space<vmem>> -> memref<16x128xf32, #tpu.memory_space<vmem>>
        tpu.vector_store_idx %scatter3A_595[%iota3A, %broadcast_in_dim3A_586], %gather3A_591 : memref<16x128xf32, #tpu.memory_space<vmem>>[vector<16xi32>, vector<16xi32>], vector<16xf32>,
        %broadcast_in_dim3A_596 = arith.constant 22 : i32
        %broadcast_in_dim3A_597 = vector.broadcast %broadcast_in_dim3A_596 : i32 to vector<16xi32>
        %gather3A_598 = arith.constant 0 : i32
        %gather3A_599 = arith.constant 0 : i32
        %gather3A_600 = tpu.memref_slice %arg11[%and3A_206, %gather3A_598, %gather3A_599] : memref<2x32x1024xf32, #tpu.memory_space<vmem>> -> memref<1x32x1024xf32, #tpu.memory_space<vmem>>
        %gather3A_601 = tpu.memref_squeeze %gather3A_600 : memref<1x32x1024xf32, #tpu.memory_space<vmem>> -> memref<32x1024xf32, #tpu.memory_space<vmem>>
        %gather3A_602 = tpu.vector_load_idx %gather3A_601[%broadcast_in_dim3A_597, %min3A_355] : memref<32x1024xf32, #tpu.memory_space<vmem>>[vector<16xi32>, vector<16xi32>], vector<16xf32>,
        %scatter3A_603 = arith.constant 0 : i32
        %scatter3A_604 = arith.constant 0 : i32
        %scatter3A_605 = tpu.memref_slice %arg12[%rem3A_336, %scatter3A_603, %scatter3A_604] : memref<6x16x128xf32, #tpu.memory_space<vmem>> -> memref<1x16x128xf32, #tpu.memory_space<vmem>>
        %scatter3A_606 = tpu.memref_squeeze %scatter3A_605 : memref<1x16x128xf32, #tpu.memory_space<vmem>> -> memref<16x128xf32, #tpu.memory_space<vmem>>
        tpu.vector_store_idx %scatter3A_606[%iota3A, %broadcast_in_dim3A_597], %gather3A_602 : memref<16x128xf32, #tpu.memory_space<vmem>>[vector<16xi32>, vector<16xi32>], vector<16xf32>,
        %broadcast_in_dim3A_607 = arith.constant 23 : i32
        %broadcast_in_dim3A_608 = vector.broadcast %broadcast_in_dim3A_607 : i32 to vector<16xi32>
        %gather3A_609 = arith.constant 0 : i32
        %gather3A_610 = arith.constant 0 : i32
        %gather3A_611 = tpu.memref_slice %arg11[%and3A_206, %gather3A_609, %gather3A_610] : memref<2x32x1024xf32, #tpu.memory_space<vmem>> -> memref<1x32x1024xf32, #tpu.memory_space<vmem>>
        %gather3A_612 = tpu.memref_squeeze %gather3A_611 : memref<1x32x1024xf32, #tpu.memory_space<vmem>> -> memref<32x1024xf32, #tpu.memory_space<vmem>>
        %gather3A_613 = tpu.vector_load_idx %gather3A_612[%broadcast_in_dim3A_608, %min3A_355] : memref<32x1024xf32, #tpu.memory_space<vmem>>[vector<16xi32>, vector<16xi32>], vector<16xf32>,
        %scatter3A_614 = arith.constant 0 : i32
        %scatter3A_615 = arith.constant 0 : i32
        %scatter3A_616 = tpu.memref_slice %arg12[%rem3A_336, %scatter3A_614, %scatter3A_615] : memref<6x16x128xf32, #tpu.memory_space<vmem>> -> memref<1x16x128xf32, #tpu.memory_space<vmem>>
        %scatter3A_617 = tpu.memref_squeeze %scatter3A_616 : memref<1x16x128xf32, #tpu.memory_space<vmem>> -> memref<16x128xf32, #tpu.memory_space<vmem>>
        tpu.vector_store_idx %scatter3A_617[%iota3A, %broadcast_in_dim3A_608], %gather3A_613 : memref<16x128xf32, #tpu.memory_space<vmem>>[vector<16xi32>, vector<16xi32>], vector<16xf32>,
        %broadcast_in_dim3A_618 = arith.constant 24 : i32
        %broadcast_in_dim3A_619 = vector.broadcast %broadcast_in_dim3A_618 : i32 to vector<16xi32>
        %gather3A_620 = arith.constant 0 : i32
        %gather3A_621 = arith.constant 0 : i32
        %gather3A_622 = tpu.memref_slice %arg11[%and3A_206, %gather3A_620, %gather3A_621] : memref<2x32x1024xf32, #tpu.memory_space<vmem>> -> memref<1x32x1024xf32, #tpu.memory_space<vmem>>
        %gather3A_623 = tpu.memref_squeeze %gather3A_622 : memref<1x32x1024xf32, #tpu.memory_space<vmem>> -> memref<32x1024xf32, #tpu.memory_space<vmem>>
        %gather3A_624 = tpu.vector_load_idx %gather3A_623[%broadcast_in_dim3A_619, %min3A_355] : memref<32x1024xf32, #tpu.memory_space<vmem>>[vector<16xi32>, vector<16xi32>], vector<16xf32>,
        %scatter3A_625 = arith.constant 0 : i32
        %scatter3A_626 = arith.constant 0 : i32
        %scatter3A_627 = tpu.memref_slice %arg12[%rem3A_336, %scatter3A_625, %scatter3A_626] : memref<6x16x128xf32, #tpu.memory_space<vmem>> -> memref<1x16x128xf32, #tpu.memory_space<vmem>>
        %scatter3A_628 = tpu.memref_squeeze %scatter3A_627 : memref<1x16x128xf32, #tpu.memory_space<vmem>> -> memref<16x128xf32, #tpu.memory_space<vmem>>
        tpu.vector_store_idx %scatter3A_628[%iota3A, %broadcast_in_dim3A_619], %gather3A_624 : memref<16x128xf32, #tpu.memory_space<vmem>>[vector<16xi32>, vector<16xi32>], vector<16xf32>,
        %broadcast_in_dim3A_629 = arith.constant 25 : i32
        %broadcast_in_dim3A_630 = vector.broadcast %broadcast_in_dim3A_629 : i32 to vector<16xi32>
        %gather3A_631 = arith.constant 0 : i32
        %gather3A_632 = arith.constant 0 : i32
        %gather3A_633 = tpu.memref_slice %arg11[%and3A_206, %gather3A_631, %gather3A_632] : memref<2x32x1024xf32, #tpu.memory_space<vmem>> -> memref<1x32x1024xf32, #tpu.memory_space<vmem>>
        %gather3A_634 = tpu.memref_squeeze %gather3A_633 : memref<1x32x1024xf32, #tpu.memory_space<vmem>> -> memref<32x1024xf32, #tpu.memory_space<vmem>>
        %gather3A_635 = tpu.vector_load_idx %gather3A_634[%broadcast_in_dim3A_630, %min3A_355] : memref<32x1024xf32, #tpu.memory_space<vmem>>[vector<16xi32>, vector<16xi32>], vector<16xf32>,
        %scatter3A_636 = arith.constant 0 : i32
        %scatter3A_637 = arith.constant 0 : i32
        %scatter3A_638 = tpu.memref_slice %arg12[%rem3A_336, %scatter3A_636, %scatter3A_637] : memref<6x16x128xf32, #tpu.memory_space<vmem>> -> memref<1x16x128xf32, #tpu.memory_space<vmem>>
        %scatter3A_639 = tpu.memref_squeeze %scatter3A_638 : memref<1x16x128xf32, #tpu.memory_space<vmem>> -> memref<16x128xf32, #tpu.memory_space<vmem>>
        tpu.vector_store_idx %scatter3A_639[%iota3A, %broadcast_in_dim3A_630], %gather3A_635 : memref<16x128xf32, #tpu.memory_space<vmem>>[vector<16xi32>, vector<16xi32>], vector<16xf32>,
        %broadcast_in_dim3A_640 = arith.constant 26 : i32
        %broadcast_in_dim3A_641 = vector.broadcast %broadcast_in_dim3A_640 : i32 to vector<16xi32>
        %gather3A_642 = arith.constant 0 : i32
        %gather3A_643 = arith.constant 0 : i32
        %gather3A_644 = tpu.memref_slice %arg11[%and3A_206, %gather3A_642, %gather3A_643] : memref<2x32x1024xf32, #tpu.memory_space<vmem>> -> memref<1x32x1024xf32, #tpu.memory_space<vmem>>
        %gather3A_645 = tpu.memref_squeeze %gather3A_644 : memref<1x32x1024xf32, #tpu.memory_space<vmem>> -> memref<32x1024xf32, #tpu.memory_space<vmem>>
        %gather3A_646 = tpu.vector_load_idx %gather3A_645[%broadcast_in_dim3A_641, %min3A_355] : memref<32x1024xf32, #tpu.memory_space<vmem>>[vector<16xi32>, vector<16xi32>], vector<16xf32>,
        %scatter3A_647 = arith.constant 0 : i32
        %scatter3A_648 = arith.constant 0 : i32
        %scatter3A_649 = tpu.memref_slice %arg12[%rem3A_336, %scatter3A_647, %scatter3A_648] : memref<6x16x128xf32, #tpu.memory_space<vmem>> -> memref<1x16x128xf32, #tpu.memory_space<vmem>>
        %scatter3A_650 = tpu.memref_squeeze %scatter3A_649 : memref<1x16x128xf32, #tpu.memory_space<vmem>> -> memref<16x128xf32, #tpu.memory_space<vmem>>
        tpu.vector_store_idx %scatter3A_650[%iota3A, %broadcast_in_dim3A_641], %gather3A_646 : memref<16x128xf32, #tpu.memory_space<vmem>>[vector<16xi32>, vector<16xi32>], vector<16xf32>,
        %broadcast_in_dim3A_651 = arith.constant 27 : i32
        %broadcast_in_dim3A_652 = vector.broadcast %broadcast_in_dim3A_651 : i32 to vector<16xi32>
        %gather3A_653 = arith.constant 0 : i32
        %gather3A_654 = arith.constant 0 : i32
        %gather3A_655 = tpu.memref_slice %arg11[%and3A_206, %gather3A_653, %gather3A_654] : memref<2x32x1024xf32, #tpu.memory_space<vmem>> -> memref<1x32x1024xf32, #tpu.memory_space<vmem>>
        %gather3A_656 = tpu.memref_squeeze %gather3A_655 : memref<1x32x1024xf32, #tpu.memory_space<vmem>> -> memref<32x1024xf32, #tpu.memory_space<vmem>>
        %gather3A_657 = tpu.vector_load_idx %gather3A_656[%broadcast_in_dim3A_652, %min3A_355] : memref<32x1024xf32, #tpu.memory_space<vmem>>[vector<16xi32>, vector<16xi32>], vector<16xf32>,
        %scatter3A_658 = arith.constant 0 : i32
        %scatter3A_659 = arith.constant 0 : i32
        %scatter3A_660 = tpu.memref_slice %arg12[%rem3A_336, %scatter3A_658, %scatter3A_659] : memref<6x16x128xf32, #tpu.memory_space<vmem>> -> memref<1x16x128xf32, #tpu.memory_space<vmem>>
        %scatter3A_661 = tpu.memref_squeeze %scatter3A_660 : memref<1x16x128xf32, #tpu.memory_space<vmem>> -> memref<16x128xf32, #tpu.memory_space<vmem>>
        tpu.vector_store_idx %scatter3A_661[%iota3A, %broadcast_in_dim3A_652], %gather3A_657 : memref<16x128xf32, #tpu.memory_space<vmem>>[vector<16xi32>, vector<16xi32>], vector<16xf32>,
        %broadcast_in_dim3A_662 = arith.constant 28 : i32
        %broadcast_in_dim3A_663 = vector.broadcast %broadcast_in_dim3A_662 : i32 to vector<16xi32>
        %gather3A_664 = arith.constant 0 : i32
        %gather3A_665 = arith.constant 0 : i32
        %gather3A_666 = tpu.memref_slice %arg11[%and3A_206, %gather3A_664, %gather3A_665] : memref<2x32x1024xf32, #tpu.memory_space<vmem>> -> memref<1x32x1024xf32, #tpu.memory_space<vmem>>
        %gather3A_667 = tpu.memref_squeeze %gather3A_666 : memref<1x32x1024xf32, #tpu.memory_space<vmem>> -> memref<32x1024xf32, #tpu.memory_space<vmem>>
        %gather3A_668 = tpu.vector_load_idx %gather3A_667[%broadcast_in_dim3A_663, %min3A_355] : memref<32x1024xf32, #tpu.memory_space<vmem>>[vector<16xi32>, vector<16xi32>], vector<16xf32>,
        %scatter3A_669 = arith.constant 0 : i32
        %scatter3A_670 = arith.constant 0 : i32
        %scatter3A_671 = tpu.memref_slice %arg12[%rem3A_336, %scatter3A_669, %scatter3A_670] : memref<6x16x128xf32, #tpu.memory_space<vmem>> -> memref<1x16x128xf32, #tpu.memory_space<vmem>>
        %scatter3A_672 = tpu.memref_squeeze %scatter3A_671 : memref<1x16x128xf32, #tpu.memory_space<vmem>> -> memref<16x128xf32, #tpu.memory_space<vmem>>
        tpu.vector_store_idx %scatter3A_672[%iota3A, %broadcast_in_dim3A_663], %gather3A_668 : memref<16x128xf32, #tpu.memory_space<vmem>>[vector<16xi32>, vector<16xi32>], vector<16xf32>,
        %broadcast_in_dim3A_673 = arith.constant 29 : i32
        %broadcast_in_dim3A_674 = vector.broadcast %broadcast_in_dim3A_673 : i32 to vector<16xi32>
        %gather3A_675 = arith.constant 0 : i32
        %gather3A_676 = arith.constant 0 : i32
        %gather3A_677 = tpu.memref_slice %arg11[%and3A_206, %gather3A_675, %gather3A_676] : memref<2x32x1024xf32, #tpu.memory_space<vmem>> -> memref<1x32x1024xf32, #tpu.memory_space<vmem>>
        %gather3A_678 = tpu.memref_squeeze %gather3A_677 : memref<1x32x1024xf32, #tpu.memory_space<vmem>> -> memref<32x1024xf32, #tpu.memory_space<vmem>>
        %gather3A_679 = tpu.vector_load_idx %gather3A_678[%broadcast_in_dim3A_674, %min3A_355] : memref<32x1024xf32, #tpu.memory_space<vmem>>[vector<16xi32>, vector<16xi32>], vector<16xf32>,
        %scatter3A_680 = arith.constant 0 : i32
        %scatter3A_681 = arith.constant 0 : i32
        %scatter3A_682 = tpu.memref_slice %arg12[%rem3A_336, %scatter3A_680, %scatter3A_681] : memref<6x16x128xf32, #tpu.memory_space<vmem>> -> memref<1x16x128xf32, #tpu.memory_space<vmem>>
        %scatter3A_683 = tpu.memref_squeeze %scatter3A_682 : memref<1x16x128xf32, #tpu.memory_space<vmem>> -> memref<16x128xf32, #tpu.memory_space<vmem>>
        tpu.vector_store_idx %scatter3A_683[%iota3A, %broadcast_in_dim3A_674], %gather3A_679 : memref<16x128xf32, #tpu.memory_space<vmem>>[vector<16xi32>, vector<16xi32>], vector<16xf32>,
        %broadcast_in_dim3A_684 = arith.constant 30 : i32
        %broadcast_in_dim3A_685 = vector.broadcast %broadcast_in_dim3A_684 : i32 to vector<16xi32>
        %gather3A_686 = arith.constant 0 : i32
        %gather3A_687 = arith.constant 0 : i32
        %gather3A_688 = tpu.memref_slice %arg11[%and3A_206, %gather3A_686, %gather3A_687] : memref<2x32x1024xf32, #tpu.memory_space<vmem>> -> memref<1x32x1024xf32, #tpu.memory_space<vmem>>
        %gather3A_689 = tpu.memref_squeeze %gather3A_688 : memref<1x32x1024xf32, #tpu.memory_space<vmem>> -> memref<32x1024xf32, #tpu.memory_space<vmem>>
        %gather3A_690 = tpu.vector_load_idx %gather3A_689[%broadcast_in_dim3A_685, %min3A_355] : memref<32x1024xf32, #tpu.memory_space<vmem>>[vector<16xi32>, vector<16xi32>], vector<16xf32>,
        %scatter3A_691 = arith.constant 0 : i32
        %scatter3A_692 = arith.constant 0 : i32
        %scatter3A_693 = tpu.memref_slice %arg12[%rem3A_336, %scatter3A_691, %scatter3A_692] : memref<6x16x128xf32, #tpu.memory_space<vmem>> -> memref<1x16x128xf32, #tpu.memory_space<vmem>>
        %scatter3A_694 = tpu.memref_squeeze %scatter3A_693 : memref<1x16x128xf32, #tpu.memory_space<vmem>> -> memref<16x128xf32, #tpu.memory_space<vmem>>
        tpu.vector_store_idx %scatter3A_694[%iota3A, %broadcast_in_dim3A_685], %gather3A_690 : memref<16x128xf32, #tpu.memory_space<vmem>>[vector<16xi32>, vector<16xi32>], vector<16xf32>,
        %broadcast_in_dim3A_695 = arith.constant 31 : i32
        %broadcast_in_dim3A_696 = vector.broadcast %broadcast_in_dim3A_695 : i32 to vector<16xi32>
        %gather3A_697 = arith.constant 0 : i32
        %gather3A_698 = arith.constant 0 : i32
        %gather3A_699 = tpu.memref_slice %arg11[%and3A_206, %gather3A_697, %gather3A_698] : memref<2x32x1024xf32, #tpu.memory_space<vmem>> -> memref<1x32x1024xf32, #tpu.memory_space<vmem>>
        %gather3A_700 = tpu.memref_squeeze %gather3A_699 : memref<1x32x1024xf32, #tpu.memory_space<vmem>> -> memref<32x1024xf32, #tpu.memory_space<vmem>>
        %gather3A_701 = tpu.vector_load_idx %gather3A_700[%broadcast_in_dim3A_696, %min3A_355] : memref<32x1024xf32, #tpu.memory_space<vmem>>[vector<16xi32>, vector<16xi32>], vector<16xf32>,
        %scatter3A_702 = arith.constant 0 : i32
        %scatter3A_703 = arith.constant 0 : i32
        %scatter3A_704 = tpu.memref_slice %arg12[%rem3A_336, %scatter3A_702, %scatter3A_703] : memref<6x16x128xf32, #tpu.memory_space<vmem>> -> memref<1x16x128xf32, #tpu.memory_space<vmem>>
        %scatter3A_705 = tpu.memref_squeeze %scatter3A_704 : memref<1x16x128xf32, #tpu.memory_space<vmem>> -> memref<16x128xf32, #tpu.memory_space<vmem>>
        tpu.vector_store_idx %scatter3A_705[%iota3A, %broadcast_in_dim3A_696], %gather3A_701 : memref<16x128xf32, #tpu.memory_space<vmem>>[vector<16xi32>, vector<16xi32>], vector<16xf32>,
        %dma_start3A_706 = arith.constant 0 : i32
        %dma_start3A_707 = arith.constant 0 : i32
        %dma_start3A_708 = tpu.memref_slice %arg12[%rem3A_336, %dma_start3A_706, %dma_start3A_707] : memref<6x16x128xf32, #tpu.memory_space<vmem>> -> memref<1x16x128xf32, #tpu.memory_space<vmem>>
        %dma_start3A_709 = tpu.memref_squeeze %dma_start3A_708 : memref<1x16x128xf32, #tpu.memory_space<vmem>> -> memref<16x128xf32, #tpu.memory_space<vmem>>
        %dma_start3A_710 = arith.constant 0 : i32
        %dma_start3A_711 = arith.constant 0 : i32
        %dma_start3A_712 = tpu.memref_slice %arg5[%dma_start3A_710, %dma_start3A_711] : memref<32832x128xf32, #tpu.memory_space<hbm>> -> memref<32832x128xf32, #tpu.memory_space<hbm>>
        tpu.enqueue_indirect_dma source(%dma_start3A_709 : memref<16x128xf32, #tpu.memory_space<vmem>>) target(%dma_start3A_712 : memref<32832x128xf32, #tpu.memory_space<hbm>>) offsets(%get3A_348 : vector<16xi32>) semaphore(%arg16 : memref<!tpu.dma_semaphore, #tpu.memory_space<semaphore_mem>>)
      }
      %ge3A = arith.constant 1 : i32
      %ge3A_305 = arith.cmpi sge, %select_n3A_294, %ge3A : i32
      %convert_element_type3A_306 = arith.extui %ge3A_305 : i1 to i32
      %cond3A_307 = arith.constant 0 : i32
      %cond3A_308 = arith.cmpi ne, %convert_element_type3A_306, %cond3A_307 : i32
      scf.if %cond3A_308 {
        %dma_wait3A_334 = arith.constant 0 : i32
        %dma_wait3A_335 = arith.constant 0 : i32
        %dma_wait3A_336 = arith.constant 0 : i32
        %dma_wait3A_337 = tpu.memref_slice %arg12[%dma_wait3A_334, %dma_wait3A_335, %dma_wait3A_336] : memref<6x16x128xf32, #tpu.memory_space<vmem>> -> memref<1x16x128xf32, #tpu.memory_space<vmem>>
        %dma_wait3A_338 = tpu.memref_squeeze %dma_wait3A_337 : memref<1x16x128xf32, #tpu.memory_space<vmem>> -> memref<16x128xf32, #tpu.memory_space<vmem>>
        %dma_wait3A_339 = arith.constant 32768 : i32
        %dma_wait3A_340 = arith.constant 0 : i32
        %dma_wait3A_341 = tpu.memref_slice %arg5[%dma_wait3A_339, %dma_wait3A_340] : memref<32832x128xf32, #tpu.memory_space<hbm>> -> memref<16x128xf32, #tpu.memory_space<hbm>>
        %dma_wait3A_342 = arith.constant 32768 : i32
        %dma_wait3A_343 = arith.constant 0 : i32
        %dma_wait3A_344 = tpu.memref_slice %arg5[%dma_wait3A_342, %dma_wait3A_343] : memref<32832x128xf32, #tpu.memory_space<hbm>> -> memref<16x128xf32, #tpu.memory_space<hbm>>
        %dma_wait3A_345 = arith.constant 0 : i32
        %dma_wait3A_346 = arith.constant 0 : i32
        %dma_wait3A_347 = tpu.memref_slice %arg12[%dma_wait3A_334, %dma_wait3A_345, %dma_wait3A_346] : memref<6x16x128xf32, #tpu.memory_space<vmem>> -> memref<1x16x128xf32, #tpu.memory_space<vmem>>
        %dma_wait3A_348 = tpu.memref_squeeze %dma_wait3A_347 : memref<1x16x128xf32, #tpu.memory_space<vmem>> -> memref<16x128xf32, #tpu.memory_space<vmem>>
        tpu.wait_dma2 semaphore(%arg16 : memref<!tpu.dma_semaphore, #tpu.memory_space<semaphore_mem>>) src(%dma_wait3A_348 : memref<16x128xf32, #tpu.memory_space<vmem>>) dst(%dma_wait3A_344 : memref<16x128xf32, #tpu.memory_space<hbm>>)
      } else {
      }
      %ge3A_309 = arith.constant 2 : i32
      %ge3A_310 = arith.cmpi sge, %select_n3A_294, %ge3A_309 : i32
      %convert_element_type3A_311 = arith.extui %ge3A_310 : i1 to i32
      %cond3A_312 = arith.constant 0 : i32
      %cond3A_313 = arith.cmpi ne, %convert_element_type3A_311, %cond3A_312 : i32
      scf.if %cond3A_313 {
        %dma_wait3A_334 = arith.constant 0 : i32
        %dma_wait3A_335 = arith.constant 0 : i32
        %dma_wait3A_336 = arith.constant 0 : i32
        %dma_wait3A_337 = tpu.memref_slice %arg12[%dma_wait3A_334, %dma_wait3A_335, %dma_wait3A_336] : memref<6x16x128xf32, #tpu.memory_space<vmem>> -> memref<1x16x128xf32, #tpu.memory_space<vmem>>
        %dma_wait3A_338 = tpu.memref_squeeze %dma_wait3A_337 : memref<1x16x128xf32, #tpu.memory_space<vmem>> -> memref<16x128xf32, #tpu.memory_space<vmem>>
        %dma_wait3A_339 = arith.constant 32768 : i32
        %dma_wait3A_340 = arith.constant 0 : i32
        %dma_wait3A_341 = tpu.memref_slice %arg5[%dma_wait3A_339, %dma_wait3A_340] : memref<32832x128xf32, #tpu.memory_space<hbm>> -> memref<16x128xf32, #tpu.memory_space<hbm>>
        %dma_wait3A_342 = arith.constant 32768 : i32
        %dma_wait3A_343 = arith.constant 0 : i32
        %dma_wait3A_344 = tpu.memref_slice %arg5[%dma_wait3A_342, %dma_wait3A_343] : memref<32832x128xf32, #tpu.memory_space<hbm>> -> memref<16x128xf32, #tpu.memory_space<hbm>>
        %dma_wait3A_345 = arith.constant 0 : i32
        %dma_wait3A_346 = arith.constant 0 : i32
        %dma_wait3A_347 = tpu.memref_slice %arg12[%dma_wait3A_334, %dma_wait3A_345, %dma_wait3A_346] : memref<6x16x128xf32, #tpu.memory_space<vmem>> -> memref<1x16x128xf32, #tpu.memory_space<vmem>>
        %dma_wait3A_348 = tpu.memref_squeeze %dma_wait3A_347 : memref<1x16x128xf32, #tpu.memory_space<vmem>> -> memref<16x128xf32, #tpu.memory_space<vmem>>
        tpu.wait_dma2 semaphore(%arg16 : memref<!tpu.dma_semaphore, #tpu.memory_space<semaphore_mem>>) src(%dma_wait3A_348 : memref<16x128xf32, #tpu.memory_space<vmem>>) dst(%dma_wait3A_344 : memref<16x128xf32, #tpu.memory_space<hbm>>)
      } else {
      }
      %ge3A_314 = arith.constant 3 : i32
      %ge3A_315 = arith.cmpi sge, %select_n3A_294, %ge3A_314 : i32
      %convert_element_type3A_316 = arith.extui %ge3A_315 : i1 to i32
      %cond3A_317 = arith.constant 0 : i32
      %cond3A_318 = arith.cmpi ne, %convert_element_type3A_316, %cond3A_317 : i32
      scf.if %cond3A_318 {
        %dma_wait3A_334 = arith.constant 0 : i32
        %dma_wait3A_335 = arith.constant 0 : i32
        %dma_wait3A_336 = arith.constant 0 : i32
        %dma_wait3A_337 = tpu.memref_slice %arg12[%dma_wait3A_334, %dma_wait3A_335, %dma_wait3A_336] : memref<6x16x128xf32, #tpu.memory_space<vmem>> -> memref<1x16x128xf32, #tpu.memory_space<vmem>>
        %dma_wait3A_338 = tpu.memref_squeeze %dma_wait3A_337 : memref<1x16x128xf32, #tpu.memory_space<vmem>> -> memref<16x128xf32, #tpu.memory_space<vmem>>
        %dma_wait3A_339 = arith.constant 32768 : i32
        %dma_wait3A_340 = arith.constant 0 : i32
        %dma_wait3A_341 = tpu.memref_slice %arg5[%dma_wait3A_339, %dma_wait3A_340] : memref<32832x128xf32, #tpu.memory_space<hbm>> -> memref<16x128xf32, #tpu.memory_space<hbm>>
        %dma_wait3A_342 = arith.constant 32768 : i32
        %dma_wait3A_343 = arith.constant 0 : i32
        %dma_wait3A_344 = tpu.memref_slice %arg5[%dma_wait3A_342, %dma_wait3A_343] : memref<32832x128xf32, #tpu.memory_space<hbm>> -> memref<16x128xf32, #tpu.memory_space<hbm>>
        %dma_wait3A_345 = arith.constant 0 : i32
        %dma_wait3A_346 = arith.constant 0 : i32
        %dma_wait3A_347 = tpu.memref_slice %arg12[%dma_wait3A_334, %dma_wait3A_345, %dma_wait3A_346] : memref<6x16x128xf32, #tpu.memory_space<vmem>> -> memref<1x16x128xf32, #tpu.memory_space<vmem>>
        %dma_wait3A_348 = tpu.memref_squeeze %dma_wait3A_347 : memref<1x16x128xf32, #tpu.memory_space<vmem>> -> memref<16x128xf32, #tpu.memory_space<vmem>>
        tpu.wait_dma2 semaphore(%arg16 : memref<!tpu.dma_semaphore, #tpu.memory_space<semaphore_mem>>) src(%dma_wait3A_348 : memref<16x128xf32, #tpu.memory_space<vmem>>) dst(%dma_wait3A_344 : memref<16x128xf32, #tpu.memory_space<hbm>>)
      } else {
      }
      %ge3A_319 = arith.constant 4 : i32
      %ge3A_320 = arith.cmpi sge, %select_n3A_294, %ge3A_319 : i32
      %convert_element_type3A_321 = arith.extui %ge3A_320 : i1 to i32
      %cond3A_322 = arith.constant 0 : i32
      %cond3A_323 = arith.cmpi ne, %convert_element_type3A_321, %cond3A_322 : i32
      scf.if %cond3A_323 {
        %dma_wait3A_334 = arith.constant 0 : i32
        %dma_wait3A_335 = arith.constant 0 : i32
        %dma_wait3A_336 = arith.constant 0 : i32
        %dma_wait3A_337 = tpu.memref_slice %arg12[%dma_wait3A_334, %dma_wait3A_335, %dma_wait3A_336] : memref<6x16x128xf32, #tpu.memory_space<vmem>> -> memref<1x16x128xf32, #tpu.memory_space<vmem>>
        %dma_wait3A_338 = tpu.memref_squeeze %dma_wait3A_337 : memref<1x16x128xf32, #tpu.memory_space<vmem>> -> memref<16x128xf32, #tpu.memory_space<vmem>>
        %dma_wait3A_339 = arith.constant 32768 : i32
        %dma_wait3A_340 = arith.constant 0 : i32
        %dma_wait3A_341 = tpu.memref_slice %arg5[%dma_wait3A_339, %dma_wait3A_340] : memref<32832x128xf32, #tpu.memory_space<hbm>> -> memref<16x128xf32, #tpu.memory_space<hbm>>
        %dma_wait3A_342 = arith.constant 32768 : i32
        %dma_wait3A_343 = arith.constant 0 : i32
        %dma_wait3A_344 = tpu.memref_slice %arg5[%dma_wait3A_342, %dma_wait3A_343] : memref<32832x128xf32, #tpu.memory_space<hbm>> -> memref<16x128xf32, #tpu.memory_space<hbm>>
        %dma_wait3A_345 = arith.constant 0 : i32
        %dma_wait3A_346 = arith.constant 0 : i32
        %dma_wait3A_347 = tpu.memref_slice %arg12[%dma_wait3A_334, %dma_wait3A_345, %dma_wait3A_346] : memref<6x16x128xf32, #tpu.memory_space<vmem>> -> memref<1x16x128xf32, #tpu.memory_space<vmem>>
        %dma_wait3A_348 = tpu.memref_squeeze %dma_wait3A_347 : memref<1x16x128xf32, #tpu.memory_space<vmem>> -> memref<16x128xf32, #tpu.memory_space<vmem>>
        tpu.wait_dma2 semaphore(%arg16 : memref<!tpu.dma_semaphore, #tpu.memory_space<semaphore_mem>>) src(%dma_wait3A_348 : memref<16x128xf32, #tpu.memory_space<vmem>>) dst(%dma_wait3A_344 : memref<16x128xf32, #tpu.memory_space<hbm>>)
      } else {
      }
      %ge3A_324 = arith.constant 5 : i32
      %ge3A_325 = arith.cmpi sge, %select_n3A_294, %ge3A_324 : i32
      %convert_element_type3A_326 = arith.extui %ge3A_325 : i1 to i32
      %cond3A_327 = arith.constant 0 : i32
      %cond3A_328 = arith.cmpi ne, %convert_element_type3A_326, %cond3A_327 : i32
      scf.if %cond3A_328 {
        %dma_wait3A_334 = arith.constant 0 : i32
        %dma_wait3A_335 = arith.constant 0 : i32
        %dma_wait3A_336 = arith.constant 0 : i32
        %dma_wait3A_337 = tpu.memref_slice %arg12[%dma_wait3A_334, %dma_wait3A_335, %dma_wait3A_336] : memref<6x16x128xf32, #tpu.memory_space<vmem>> -> memref<1x16x128xf32, #tpu.memory_space<vmem>>
        %dma_wait3A_338 = tpu.memref_squeeze %dma_wait3A_337 : memref<1x16x128xf32, #tpu.memory_space<vmem>> -> memref<16x128xf32, #tpu.memory_space<vmem>>
        %dma_wait3A_339 = arith.constant 32768 : i32
        %dma_wait3A_340 = arith.constant 0 : i32
        %dma_wait3A_341 = tpu.memref_slice %arg5[%dma_wait3A_339, %dma_wait3A_340] : memref<32832x128xf32, #tpu.memory_space<hbm>> -> memref<16x128xf32, #tpu.memory_space<hbm>>
        %dma_wait3A_342 = arith.constant 32768 : i32
        %dma_wait3A_343 = arith.constant 0 : i32
        %dma_wait3A_344 = tpu.memref_slice %arg5[%dma_wait3A_342, %dma_wait3A_343] : memref<32832x128xf32, #tpu.memory_space<hbm>> -> memref<16x128xf32, #tpu.memory_space<hbm>>
        %dma_wait3A_345 = arith.constant 0 : i32
        %dma_wait3A_346 = arith.constant 0 : i32
        %dma_wait3A_347 = tpu.memref_slice %arg12[%dma_wait3A_334, %dma_wait3A_345, %dma_wait3A_346] : memref<6x16x128xf32, #tpu.memory_space<vmem>> -> memref<1x16x128xf32, #tpu.memory_space<vmem>>
        %dma_wait3A_348 = tpu.memref_squeeze %dma_wait3A_347 : memref<1x16x128xf32, #tpu.memory_space<vmem>> -> memref<16x128xf32, #tpu.memory_space<vmem>>
        tpu.wait_dma2 semaphore(%arg16 : memref<!tpu.dma_semaphore, #tpu.memory_space<semaphore_mem>>) src(%dma_wait3A_348 : memref<16x128xf32, #tpu.memory_space<vmem>>) dst(%dma_wait3A_344 : memref<16x128xf32, #tpu.memory_space<hbm>>)
      } else {
      }
      %ge3A_329 = arith.constant 6 : i32
      %ge3A_330 = arith.cmpi sge, %select_n3A_294, %ge3A_329 : i32
      %convert_element_type3A_331 = arith.extui %ge3A_330 : i1 to i32
      %cond3A_332 = arith.constant 0 : i32
      %cond3A_333 = arith.cmpi ne, %convert_element_type3A_331, %cond3A_332 : i32
      scf.if %cond3A_333 {
        %dma_wait3A_334 = arith.constant 0 : i32
        %dma_wait3A_335 = arith.constant 0 : i32
        %dma_wait3A_336 = arith.constant 0 : i32
        %dma_wait3A_337 = tpu.memref_slice %arg12[%dma_wait3A_334, %dma_wait3A_335, %dma_wait3A_336] : memref<6x16x128xf32, #tpu.memory_space<vmem>> -> memref<1x16x128xf32, #tpu.memory_space<vmem>>
        %dma_wait3A_338 = tpu.memref_squeeze %dma_wait3A_337 : memref<1x16x128xf32, #tpu.memory_space<vmem>> -> memref<16x128xf32, #tpu.memory_space<vmem>>
        %dma_wait3A_339 = arith.constant 32768 : i32
        %dma_wait3A_340 = arith.constant 0 : i32
        %dma_wait3A_341 = tpu.memref_slice %arg5[%dma_wait3A_339, %dma_wait3A_340] : memref<32832x128xf32, #tpu.memory_space<hbm>> -> memref<16x128xf32, #tpu.memory_space<hbm>>
        %dma_wait3A_342 = arith.constant 32768 : i32
        %dma_wait3A_343 = arith.constant 0 : i32
        %dma_wait3A_344 = tpu.memref_slice %arg5[%dma_wait3A_342, %dma_wait3A_343] : memref<32832x128xf32, #tpu.memory_space<hbm>> -> memref<16x128xf32, #tpu.memory_space<hbm>>
        %dma_wait3A_345 = arith.constant 0 : i32
        %dma_wait3A_346 = arith.constant 0 : i32
        %dma_wait3A_347 = tpu.memref_slice %arg12[%dma_wait3A_334, %dma_wait3A_345, %dma_wait3A_346] : memref<6x16x128xf32, #tpu.memory_space<vmem>> -> memref<1x16x128xf32, #tpu.memory_space<vmem>>
        %dma_wait3A_348 = tpu.memref_squeeze %dma_wait3A_347 : memref<1x16x128xf32, #tpu.memory_space<vmem>> -> memref<16x128xf32, #tpu.memory_space<vmem>>
        tpu.wait_dma2 semaphore(%arg16 : memref<!tpu.dma_semaphore, #tpu.memory_space<semaphore_mem>>) src(%dma_wait3A_348 : memref<16x128xf32, #tpu.memory_space<vmem>>) dst(%dma_wait3A_344 : memref<16x128xf32, #tpu.memory_space<hbm>>)
      } else {
      }
    }
    %scan3A_137 = arith.constant 31 : i32
    %broadcast_in_dim3A_138 = arith.constant 0 : i32
    %broadcast_in_dim3A_139 = vector.broadcast %broadcast_in_dim3A_138 : i32 to vector<16xi32>
    %while3A = arith.constant 999936 : i32
    %while3A_140 = arith.constant 1073741824 : i32
    %while3A_141 = arith.constant 0 : i32
    %while3A_142 = arith.subi %select_n3A_112, %while3A_141 : i32
    %while3A_143 = arith.addi %while3A_141, %while3A_142 : i32
    %while3A_144 = arith.constant 1 : i32
    %while3A_145 = arith.divsi %while3A_142, %while3A_144 : i32
    %while3A_146 = arith.muli %while3A_145, %while3A_144 : i32
    %while3A_147 = arith.addi %while3A_141, %while3A_146 : i32
    %while3A_148 = arith.constant 1 : i32
    %while3A_149 = scf.for %while3A_204 = %while3A_141 to %while3A_147 step %while3A_148 iter_args(%while3A_205 = %broadcast_in_dim3A_139) -> (vector<16xi32>)  : i32 {
      %mul3A_206 = arith.constant 2 : i32
      %mul3A_207 = arith.muli %mul3A_206, %while3A_204 : i32
      %add3A_208 = arith.constant 0 : i32
      %add3A_209 = arith.addi %mul3A_207, %add3A_208 : i32
      %mul3A_210 = arith.constant 16 : i32
      %mul3A_211 = arith.muli %add3A_209, %mul3A_210 : i32
      %get3A = arith.index_cast %mul3A_211 : i32 to index
      %get3A_212 = tpu.vector_load %arg7[%get3A] {strides = array<i32>} : memref<6176xi32, #tpu.memory_space<vmem>>, vector<16xi32>,
      %get3A_213 = arith.index_cast %mul3A_211 : i32 to index
      %get3A_214 = tpu.vector_load %arg8[%get3A_213] {strides = array<i32>} : memref<6176xi32, #tpu.memory_space<vmem>>, vector<16xi32>,
      %ge3A = vector.broadcast %while3A : i32 to vector<16xi32>
      %ge3A_215 = arith.cmpi sge, %get3A_212, %ge3A : vector<16xi32>
      %lt3A = vector.broadcast %while3A_140 : i32 to vector<16xi32>
      %lt3A_216 = arith.cmpi slt, %get3A_212, %lt3A : vector<16xi32>
      %and3A_217 = arith.andi %ge3A_215, %lt3A_216 : vector<16xi1>
      %convert_element_type3A = arith.extui %and3A_217 : vector<16xi1> to vector<16xi32>
      %broadcast_in_dim3A_218 = arith.constant true
      %broadcast_in_dim3A_219 = vector.broadcast %broadcast_in_dim3A_218 : i1 to vector<16xi1>
      %masked_cumsum3A = tpu.scan <sum>, %convert_element_type3A masked %broadcast_in_dim3A_219 : vector<16xi32>, vector<16xi1> -> vector<16xi32>
      %sub3A_220 = arith.subi %masked_cumsum3A, %convert_element_type3A : vector<16xi32>
      %add3A_221 = arith.addi %while3A_205, %sub3A_220 : vector<16xi32>
      %min3A_222 = arith.constant 2048 : i32
      %min3A_223 = vector.broadcast %min3A_222 : i32 to vector<16xi32>
      %min3A_224 = arith.minsi %add3A_221, %min3A_223 : vector<16xi32>
      tpu.vector_store_idx %arg9[%min3A_224], %get3A_212 masked %and3A_217 : memref<2080xi32, #tpu.memory_space<vmem>>[vector<16xi32>], vector<16xi32>, vector<16xi1>
      tpu.vector_store_idx %arg10[%min3A_224], %get3A_214 masked %and3A_217 : memref<2080xi32, #tpu.memory_space<vmem>>[vector<16xi32>], vector<16xi32>, vector<16xi1>
      %all_reduce_population_count3A = tpu.all_reduce %and3A_217 {dim = 0 : i64, kind = #tpu.reduction_kind<sum>} : vector<16xi1> -> vector<16xi32>
      %add3A_225 = arith.addi %while3A_205, %all_reduce_population_count3A : vector<16xi32>
      %mul3A_226 = arith.constant 2 : i32
      %mul3A_227 = arith.muli %mul3A_226, %while3A_204 : i32
      %add3A_228 = arith.constant 1 : i32
      %add3A_229 = arith.addi %mul3A_227, %add3A_228 : i32
      %mul3A_230 = arith.constant 16 : i32
      %mul3A_231 = arith.muli %add3A_229, %mul3A_230 : i32
      %get3A_232 = arith.index_cast %mul3A_231 : i32 to index
      %get3A_233 = tpu.vector_load %arg7[%get3A_232] {strides = array<i32>} : memref<6176xi32, #tpu.memory_space<vmem>>, vector<16xi32>,
      %get3A_234 = arith.index_cast %mul3A_231 : i32 to index
      %get3A_235 = tpu.vector_load %arg8[%get3A_234] {strides = array<i32>} : memref<6176xi32, #tpu.memory_space<vmem>>, vector<16xi32>,
      %ge3A_236 = vector.broadcast %while3A : i32 to vector<16xi32>
      %ge3A_237 = arith.cmpi sge, %get3A_233, %ge3A_236 : vector<16xi32>
      %lt3A_238 = vector.broadcast %while3A_140 : i32 to vector<16xi32>
      %lt3A_239 = arith.cmpi slt, %get3A_233, %lt3A_238 : vector<16xi32>
      %and3A_240 = arith.andi %ge3A_237, %lt3A_239 : vector<16xi1>
      %convert_element_type3A_241 = arith.extui %and3A_240 : vector<16xi1> to vector<16xi32>
      %broadcast_in_dim3A_242 = arith.constant true
      %broadcast_in_dim3A_243 = vector.broadcast %broadcast_in_dim3A_242 : i1 to vector<16xi1>
      %masked_cumsum3A_244 = tpu.scan <sum>, %convert_element_type3A_241 masked %broadcast_in_dim3A_243 : vector<16xi32>, vector<16xi1> -> vector<16xi32>
      %sub3A_245 = arith.subi %masked_cumsum3A_244, %convert_element_type3A_241 : vector<16xi32>
      %add3A_246 = arith.addi %add3A_225, %sub3A_245 : vector<16xi32>
      %min3A_247 = arith.constant 2048 : i32
      %min3A_248 = vector.broadcast %min3A_247 : i32 to vector<16xi32>
      %min3A_249 = arith.minsi %add3A_246, %min3A_248 : vector<16xi32>
      tpu.vector_store_idx %arg9[%min3A_249], %get3A_233 masked %and3A_240 : memref<2080xi32, #tpu.memory_space<vmem>>[vector<16xi32>], vector<16xi32>, vector<16xi1>
      tpu.vector_store_idx %arg10[%min3A_249], %get3A_235 masked %and3A_240 : memref<2080xi32, #tpu.memory_space<vmem>>[vector<16xi32>], vector<16xi32>, vector<16xi1>
      %all_reduce_population_count3A_250 = tpu.all_reduce %and3A_240 {dim = 0 : i64, kind = #tpu.reduction_kind<sum>} : vector<16xi1> -> vector<16xi32>
      %add3A_251 = arith.addi %add3A_225, %all_reduce_population_count3A_250 : vector<16xi32>
      scf.yield %add3A_251 : vector<16xi32>
    }
    %while3A_150 = arith.constant 1 : i32
    %while3A_151 = scf.for %while3A_204 = %while3A_147 to %while3A_143 step %while3A_150 iter_args(%while3A_205 = %while3A_149) -> (vector<16xi32>)  : i32 {
      %mul3A_206 = arith.constant 2 : i32
      %mul3A_207 = arith.muli %mul3A_206, %while3A_204 : i32
      %add3A_208 = arith.constant 0 : i32
      %add3A_209 = arith.addi %mul3A_207, %add3A_208 : i32
      %mul3A_210 = arith.constant 16 : i32
      %mul3A_211 = arith.muli %add3A_209, %mul3A_210 : i32
      %get3A = arith.index_cast %mul3A_211 : i32 to index
      %get3A_212 = tpu.vector_load %arg7[%get3A] {strides = array<i32>} : memref<6176xi32, #tpu.memory_space<vmem>>, vector<16xi32>,
      %get3A_213 = arith.index_cast %mul3A_211 : i32 to index
      %get3A_214 = tpu.vector_load %arg8[%get3A_213] {strides = array<i32>} : memref<6176xi32, #tpu.memory_space<vmem>>, vector<16xi32>,
      %ge3A = vector.broadcast %while3A : i32 to vector<16xi32>
      %ge3A_215 = arith.cmpi sge, %get3A_212, %ge3A : vector<16xi32>
      %lt3A = vector.broadcast %while3A_140 : i32 to vector<16xi32>
      %lt3A_216 = arith.cmpi slt, %get3A_212, %lt3A : vector<16xi32>
      %and3A_217 = arith.andi %ge3A_215, %lt3A_216 : vector<16xi1>
      %convert_element_type3A = arith.extui %and3A_217 : vector<16xi1> to vector<16xi32>
      %broadcast_in_dim3A_218 = arith.constant true
      %broadcast_in_dim3A_219 = vector.broadcast %broadcast_in_dim3A_218 : i1 to vector<16xi1>
      %masked_cumsum3A = tpu.scan <sum>, %convert_element_type3A masked %broadcast_in_dim3A_219 : vector<16xi32>, vector<16xi1> -> vector<16xi32>
      %sub3A_220 = arith.subi %masked_cumsum3A, %convert_element_type3A : vector<16xi32>
      %add3A_221 = arith.addi %while3A_205, %sub3A_220 : vector<16xi32>
      %min3A_222 = arith.constant 2048 : i32
      %min3A_223 = vector.broadcast %min3A_222 : i32 to vector<16xi32>
      %min3A_224 = arith.minsi %add3A_221, %min3A_223 : vector<16xi32>
      tpu.vector_store_idx %arg9[%min3A_224], %get3A_212 masked %and3A_217 : memref<2080xi32, #tpu.memory_space<vmem>>[vector<16xi32>], vector<16xi32>, vector<16xi1>
      tpu.vector_store_idx %arg10[%min3A_224], %get3A_214 masked %and3A_217 : memref<2080xi32, #tpu.memory_space<vmem>>[vector<16xi32>], vector<16xi32>, vector<16xi1>
      %all_reduce_population_count3A = tpu.all_reduce %and3A_217 {dim = 0 : i64, kind = #tpu.reduction_kind<sum>} : vector<16xi1> -> vector<16xi32>
      %add3A_225 = arith.addi %while3A_205, %all_reduce_population_count3A : vector<16xi32>
      %mul3A_226 = arith.constant 2 : i32
      %mul3A_227 = arith.muli %mul3A_226, %while3A_204 : i32
      %add3A_228 = arith.constant 1 : i32
      %add3A_229 = arith.addi %mul3A_227, %add3A_228 : i32
      %mul3A_230 = arith.constant 16 : i32
      %mul3A_231 = arith.muli %add3A_229, %mul3A_230 : i32
      %get3A_232 = arith.index_cast %mul3A_231 : i32 to index
      %get3A_233 = tpu.vector_load %arg7[%get3A_232] {strides = array<i32>} : memref<6176xi32, #tpu.memory_space<vmem>>, vector<16xi32>,
      %get3A_234 = arith.index_cast %mul3A_231 : i32 to index
      %get3A_235 = tpu.vector_load %arg8[%get3A_234] {strides = array<i32>} : memref<6176xi32, #tpu.memory_space<vmem>>, vector<16xi32>,
      %ge3A_236 = vector.broadcast %while3A : i32 to vector<16xi32>
      %ge3A_237 = arith.cmpi sge, %get3A_233, %ge3A_236 : vector<16xi32>
      %lt3A_238 = vector.broadcast %while3A_140 : i32 to vector<16xi32>
      %lt3A_239 = arith.cmpi slt, %get3A_233, %lt3A_238 : vector<16xi32>
      %and3A_240 = arith.andi %ge3A_237, %lt3A_239 : vector<16xi1>
      %convert_element_type3A_241 = arith.extui %and3A_240 : vector<16xi1> to vector<16xi32>
      %broadcast_in_dim3A_242 = arith.constant true
      %broadcast_in_dim3A_243 = vector.broadcast %broadcast_in_dim3A_242 : i1 to vector<16xi1>
      %masked_cumsum3A_244 = tpu.scan <sum>, %convert_element_type3A_241 masked %broadcast_in_dim3A_243 : vector<16xi32>, vector<16xi1> -> vector<16xi32>
      %sub3A_245 = arith.subi %masked_cumsum3A_244, %convert_element_type3A_241 : vector<16xi32>
      %add3A_246 = arith.addi %add3A_225, %sub3A_245 : vector<16xi32>
      %min3A_247 = arith.constant 2048 : i32
      %min3A_248 = vector.broadcast %min3A_247 : i32 to vector<16xi32>
      %min3A_249 = arith.minsi %add3A_246, %min3A_248 : vector<16xi32>
      tpu.vector_store_idx %arg9[%min3A_249], %get3A_233 masked %and3A_240 : memref<2080xi32, #tpu.memory_space<vmem>>[vector<16xi32>], vector<16xi32>, vector<16xi1>
      tpu.vector_store_idx %arg10[%min3A_249], %get3A_235 masked %and3A_240 : memref<2080xi32, #tpu.memory_space<vmem>>[vector<16xi32>], vector<16xi32>, vector<16xi1>
      %all_reduce_population_count3A_250 = tpu.all_reduce %and3A_240 {dim = 0 : i64, kind = #tpu.reduction_kind<sum>} : vector<16xi1> -> vector<16xi32>
      %add3A_251 = arith.addi %add3A_225, %all_reduce_population_count3A_250 : vector<16xi32>
      scf.yield %add3A_251 : vector<16xi32>
    }
    %reduce_max3A_152 = arith.constant true
    %reduce_max3A_153 = vector.broadcast %reduce_max3A_152 : i1 to vector<16xi1>
    %reduce_max3A_154 = arith.constant -2147483648 : i32
    %reduce_max3A_155 = vector.broadcast %reduce_max3A_154 : i32 to vector<16xi32>
    %reduce_max3A_156 = arith.xori %while3A_151, %reduce_max3A_155 : vector<16xi32>
    %reduce_max3A_157 = tpu.scan <max>, %reduce_max3A_156 masked %reduce_max3A_153 : vector<16xi32>, vector<16xi1> -> vector<16xi32>
    %reduce_max3A_158 = arith.xori %reduce_max3A_157, %reduce_max3A_155 : vector<16xi32>
    %reduce_max3A_159 = vector.extract %reduce_max3A_158[15] : i32 from vector<16xi32>
    %min3A_160 = arith.constant 2048 : i32
    %min3A_161 = arith.minsi %reduce_max3A_159, %min3A_160 : i32
    %swap3A_162 = arith.index_cast %min3A_161 : i32 to index
    %swap3A_163 = tpu.vector_load %arg9[%swap3A_162] {strides = array<i32>} : memref<2080xi32, #tpu.memory_space<vmem>>, vector<16xi32>,
    tpu.vector_store %arg9[%swap3A_162], %broadcast_in_dim3A_70 {strides = array<i32>} : memref<2080xi32, #tpu.memory_space<vmem>>, vector<16xi32>,
    %swap3A_164 = arith.index_cast %min3A_161 : i32 to index
    %swap3A_165 = tpu.vector_load %arg10[%swap3A_164] {strides = array<i32>} : memref<2080xi32, #tpu.memory_space<vmem>>, vector<16xi32>,
    tpu.vector_store %arg10[%swap3A_164], %add3A_73 {strides = array<i32>} : memref<2080xi32, #tpu.memory_space<vmem>>, vector<16xi32>,
    %add3A_166 = arith.constant 16 : i32
    %add3A_167 = arith.addi %min3A_161, %add3A_166 : i32
    %sub3A_168 = arith.constant 1 : i32
    %sub3A_169 = arith.subi %add3A_167, %sub3A_168 : i32
    %jit3A_170 = arith.constant 16 : i32
    %div3A_171 = arith.divsi %sub3A_169, %jit3A_170 : i32
    %sign3A_172 = arith.constant 0 : i32
    %sign3A_173 = arith.cmpi sgt, %sub3A_169, %sign3A_172 : i32
    %sign3A_174 = arith.extui %sign3A_173 : i1 to i32
    %sign3A_175 = arith.constant 0 : i32
    %sign3A_176 = arith.cmpi slt, %sub3A_169, %sign3A_175 : i32
    %sign3A_177 = arith.extui %sign3A_176 : i1 to i32
    %sign3A_178 = arith.subi %sign3A_174, %sign3A_177 : i32
    %sign3A_179 = arith.constant 0 : i32
    %sign3A_180 = arith.cmpi sgt, %jit3A_170, %sign3A_179 : i32
    %sign3A_181 = arith.extui %sign3A_180 : i1 to i32
    %sign3A_182 = arith.constant 0 : i32
    %sign3A_183 = arith.cmpi slt, %jit3A_170, %sign3A_182 : i32
    %sign3A_184 = arith.extui %sign3A_183 : i1 to i32
    %sign3A_185 = arith.subi %sign3A_181, %sign3A_184 : i32
    %ne3A_186 = arith.cmpi ne, %sign3A_178, %sign3A_185 : i32
    %rem3A_187 = arith.remsi %sub3A_169, %jit3A_170 : i32
    %ne3A_188 = arith.constant 0 : i32
    %ne3A_189 = arith.cmpi ne, %rem3A_187, %ne3A_188 : i32
    %and3A_190 = arith.andi %ne3A_186, %ne3A_189 : i1
    %sub3A_191 = arith.constant 1 : i32
    %sub3A_192 = arith.subi %div3A_171, %sub3A_191 : i32
    %select_n3A_193 = arith.select %and3A_190, %sub3A_192, %div3A_171 : i32
    %while3A_194 = arith.constant 0 : i32
    %while3A_195 = arith.constant 0 : i32
    %while3A_196 = arith.subi %select_n3A_193, %while3A_195 : i32
    %while3A_197 = arith.addi %while3A_195, %while3A_196 : i32
    %while3A_198 = arith.constant 1 : i32
    %while3A_199 = arith.divsi %while3A_196, %while3A_198 : i32
    %while3A_200 = arith.muli %while3A_199, %while3A_198 : i32
    %while3A_201 = arith.addi %while3A_195, %while3A_200 : i32
    %while3A_202 = arith.constant 1 : i32
    scf.for %while3A_204 = %while3A_195 to %while3A_201 step %while3A_202  : i32 {
      %mul3A_205 = arith.constant 16 : i32
      %mul3A_206 = arith.muli %while3A_204, %mul3A_205 : i32
      %get3A = arith.index_cast %mul3A_206 : i32 to index
      %get3A_207 = tpu.vector_load %arg9[%get3A] {strides = array<i32>} : memref<2080xi32, #tpu.memory_space<vmem>>, vector<16xi32>,
      %mul3A_208 = arith.constant 16 : i32
      %mul3A_209 = arith.muli %while3A_204, %mul3A_208 : i32
      %get3A_210 = arith.index_cast %mul3A_209 : i32 to index
      %get3A_211 = tpu.vector_load %arg10[%get3A_210] {strides = array<i32>} : memref<2080xi32, #tpu.memory_space<vmem>>, vector<16xi32>,
      %sub3A_212 = arith.constant 999936 : i32
      %sub3A_213 = vector.broadcast %sub3A_212 : i32 to vector<16xi32>
      %sub3A_214 = arith.subi %get3A_207, %sub3A_213 : vector<16xi32>
      %max3A = arith.constant 0 : i32
      %max3A_215 = vector.broadcast %max3A : i32 to vector<16xi32>
      %max3A_216 = arith.maxsi %sub3A_214, %max3A_215 : vector<16xi32>
      %min3A_217 = arith.constant 63 : i32
      %min3A_218 = vector.broadcast %min3A_217 : i32 to vector<16xi32>
      %min3A_219 = arith.minsi %max3A_216, %min3A_218 : vector<16xi32>
      %mul3A_220 = arith.constant 32 : i32
      %mul3A_221 = vector.broadcast %mul3A_220 : i32 to vector<16xi32>
      %mul3A_222 = arith.muli %min3A_219, %mul3A_221 : vector<16xi32>
      %broadcast_in_dim3A_223 = arith.constant 0 : i32
      %broadcast_in_dim3A_224 = vector.broadcast %broadcast_in_dim3A_223 : i32 to vector<16xi32>
      %add3A_225 = arith.constant 0 : i32
      %add3A_226 = vector.broadcast %add3A_225 : i32 to vector<16xi32>
      %add3A_227 = arith.addi %mul3A_222, %add3A_226 : vector<16xi32>
      %shift_right_logical3A = arith.constant 7 : i32
      %shift_right_logical3A_228 = vector.broadcast %shift_right_logical3A : i32 to vector<16xi32>
      %shift_right_logical3A_229 = arith.shrui %add3A_227, %shift_right_logical3A_228 : vector<16xi32>
      %and3A_230 = arith.constant 127 : i32
      %and3A_231 = vector.broadcast %and3A_230 : i32 to vector<16xi32>
      %and3A_232 = arith.andi %add3A_227, %and3A_231 : vector<16xi32>
      %gather3A = tpu.vector_load_idx %arg13[%shift_right_logical3A_229, %and3A_232] : memref<16x128xf32, #tpu.memory_space<vmem>>[vector<16xi32>, vector<16xi32>], vector<16xf32>,
      %scatter3A = arith.constant 0 : i32
      %scatter3A_233 = arith.constant 0 : i32
      %scatter3A_234 = arith.constant 0 : i32
      %scatter3A_235 = tpu.memref_slice %arg12[%scatter3A, %scatter3A_233, %scatter3A_234] : memref<6x16x128xf32, #tpu.memory_space<vmem>> -> memref<1x16x128xf32, #tpu.memory_space<vmem>>
      %scatter3A_236 = tpu.memref_squeeze %scatter3A_235 : memref<1x16x128xf32, #tpu.memory_space<vmem>> -> memref<16x128xf32, #tpu.memory_space<vmem>>
      tpu.vector_store_idx %scatter3A_236[%iota3A, %broadcast_in_dim3A_224], %gather3A : memref<16x128xf32, #tpu.memory_space<vmem>>[vector<16xi32>, vector<16xi32>], vector<16xf32>,
      %broadcast_in_dim3A_237 = arith.constant 1 : i32
      %broadcast_in_dim3A_238 = vector.broadcast %broadcast_in_dim3A_237 : i32 to vector<16xi32>
      %add3A_239 = arith.constant 1 : i32
      %add3A_240 = vector.broadcast %add3A_239 : i32 to vector<16xi32>
      %add3A_241 = arith.addi %mul3A_222, %add3A_240 : vector<16xi32>
      %shift_right_logical3A_242 = arith.constant 7 : i32
      %shift_right_logical3A_243 = vector.broadcast %shift_right_logical3A_242 : i32 to vector<16xi32>
      %shift_right_logical3A_244 = arith.shrui %add3A_241, %shift_right_logical3A_243 : vector<16xi32>
      %and3A_245 = arith.constant 127 : i32
      %and3A_246 = vector.broadcast %and3A_245 : i32 to vector<16xi32>
      %and3A_247 = arith.andi %add3A_241, %and3A_246 : vector<16xi32>
      %gather3A_248 = tpu.vector_load_idx %arg13[%shift_right_logical3A_244, %and3A_247] : memref<16x128xf32, #tpu.memory_space<vmem>>[vector<16xi32>, vector<16xi32>], vector<16xf32>,
      %scatter3A_249 = arith.constant 0 : i32
      %scatter3A_250 = arith.constant 0 : i32
      %scatter3A_251 = arith.constant 0 : i32
      %scatter3A_252 = tpu.memref_slice %arg12[%scatter3A_249, %scatter3A_250, %scatter3A_251] : memref<6x16x128xf32, #tpu.memory_space<vmem>> -> memref<1x16x128xf32, #tpu.memory_space<vmem>>
      %scatter3A_253 = tpu.memref_squeeze %scatter3A_252 : memref<1x16x128xf32, #tpu.memory_space<vmem>> -> memref<16x128xf32, #tpu.memory_space<vmem>>
      tpu.vector_store_idx %scatter3A_253[%iota3A, %broadcast_in_dim3A_238], %gather3A_248 : memref<16x128xf32, #tpu.memory_space<vmem>>[vector<16xi32>, vector<16xi32>], vector<16xf32>,
      %broadcast_in_dim3A_254 = arith.constant 2 : i32
      %broadcast_in_dim3A_255 = vector.broadcast %broadcast_in_dim3A_254 : i32 to vector<16xi32>
      %add3A_256 = arith.constant 2 : i32
      %add3A_257 = vector.broadcast %add3A_256 : i32 to vector<16xi32>
      %add3A_258 = arith.addi %mul3A_222, %add3A_257 : vector<16xi32>
      %shift_right_logical3A_259 = arith.constant 7 : i32
      %shift_right_logical3A_260 = vector.broadcast %shift_right_logical3A_259 : i32 to vector<16xi32>
      %shift_right_logical3A_261 = arith.shrui %add3A_258, %shift_right_logical3A_260 : vector<16xi32>
      %and3A_262 = arith.constant 127 : i32
      %and3A_263 = vector.broadcast %and3A_262 : i32 to vector<16xi32>
      %and3A_264 = arith.andi %add3A_258, %and3A_263 : vector<16xi32>
      %gather3A_265 = tpu.vector_load_idx %arg13[%shift_right_logical3A_261, %and3A_264] : memref<16x128xf32, #tpu.memory_space<vmem>>[vector<16xi32>, vector<16xi32>], vector<16xf32>,
      %scatter3A_266 = arith.constant 0 : i32
      %scatter3A_267 = arith.constant 0 : i32
      %scatter3A_268 = arith.constant 0 : i32
      %scatter3A_269 = tpu.memref_slice %arg12[%scatter3A_266, %scatter3A_267, %scatter3A_268] : memref<6x16x128xf32, #tpu.memory_space<vmem>> -> memref<1x16x128xf32, #tpu.memory_space<vmem>>
      %scatter3A_270 = tpu.memref_squeeze %scatter3A_269 : memref<1x16x128xf32, #tpu.memory_space<vmem>> -> memref<16x128xf32, #tpu.memory_space<vmem>>
      tpu.vector_store_idx %scatter3A_270[%iota3A, %broadcast_in_dim3A_255], %gather3A_265 : memref<16x128xf32, #tpu.memory_space<vmem>>[vector<16xi32>, vector<16xi32>], vector<16xf32>,
      %broadcast_in_dim3A_271 = arith.constant 3 : i32
      %broadcast_in_dim3A_272 = vector.broadcast %broadcast_in_dim3A_271 : i32 to vector<16xi32>
      %add3A_273 = arith.constant 3 : i32
      %add3A_274 = vector.broadcast %add3A_273 : i32 to vector<16xi32>
      %add3A_275 = arith.addi %mul3A_222, %add3A_274 : vector<16xi32>
      %shift_right_logical3A_276 = arith.constant 7 : i32
      %shift_right_logical3A_277 = vector.broadcast %shift_right_logical3A_276 : i32 to vector<16xi32>
      %shift_right_logical3A_278 = arith.shrui %add3A_275, %shift_right_logical3A_277 : vector<16xi32>
      %and3A_279 = arith.constant 127 : i32
      %and3A_280 = vector.broadcast %and3A_279 : i32 to vector<16xi32>
      %and3A_281 = arith.andi %add3A_275, %and3A_280 : vector<16xi32>
      %gather3A_282 = tpu.vector_load_idx %arg13[%shift_right_logical3A_278, %and3A_281] : memref<16x128xf32, #tpu.memory_space<vmem>>[vector<16xi32>, vector<16xi32>], vector<16xf32>,
      %scatter3A_283 = arith.constant 0 : i32
      %scatter3A_284 = arith.constant 0 : i32
      %scatter3A_285 = arith.constant 0 : i32
      %scatter3A_286 = tpu.memref_slice %arg12[%scatter3A_283, %scatter3A_284, %scatter3A_285] : memref<6x16x128xf32, #tpu.memory_space<vmem>> -> memref<1x16x128xf32, #tpu.memory_space<vmem>>
      %scatter3A_287 = tpu.memref_squeeze %scatter3A_286 : memref<1x16x128xf32, #tpu.memory_space<vmem>> -> memref<16x128xf32, #tpu.memory_space<vmem>>
      tpu.vector_store_idx %scatter3A_287[%iota3A, %broadcast_in_dim3A_272], %gather3A_282 : memref<16x128xf32, #tpu.memory_space<vmem>>[vector<16xi32>, vector<16xi32>], vector<16xf32>,
      %broadcast_in_dim3A_288 = arith.constant 4 : i32
      %broadcast_in_dim3A_289 = vector.broadcast %broadcast_in_dim3A_288 : i32 to vector<16xi32>
      %add3A_290 = arith.constant 4 : i32
      %add3A_291 = vector.broadcast %add3A_290 : i32 to vector<16xi32>
      %add3A_292 = arith.addi %mul3A_222, %add3A_291 : vector<16xi32>
      %shift_right_logical3A_293 = arith.constant 7 : i32
      %shift_right_logical3A_294 = vector.broadcast %shift_right_logical3A_293 : i32 to vector<16xi32>
      %shift_right_logical3A_295 = arith.shrui %add3A_292, %shift_right_logical3A_294 : vector<16xi32>
      %and3A_296 = arith.constant 127 : i32
      %and3A_297 = vector.broadcast %and3A_296 : i32 to vector<16xi32>
      %and3A_298 = arith.andi %add3A_292, %and3A_297 : vector<16xi32>
      %gather3A_299 = tpu.vector_load_idx %arg13[%shift_right_logical3A_295, %and3A_298] : memref<16x128xf32, #tpu.memory_space<vmem>>[vector<16xi32>, vector<16xi32>], vector<16xf32>,
      %scatter3A_300 = arith.constant 0 : i32
      %scatter3A_301 = arith.constant 0 : i32
      %scatter3A_302 = arith.constant 0 : i32
      %scatter3A_303 = tpu.memref_slice %arg12[%scatter3A_300, %scatter3A_301, %scatter3A_302] : memref<6x16x128xf32, #tpu.memory_space<vmem>> -> memref<1x16x128xf32, #tpu.memory_space<vmem>>
      %scatter3A_304 = tpu.memref_squeeze %scatter3A_303 : memref<1x16x128xf32, #tpu.memory_space<vmem>> -> memref<16x128xf32, #tpu.memory_space<vmem>>
      tpu.vector_store_idx %scatter3A_304[%iota3A, %broadcast_in_dim3A_289], %gather3A_299 : memref<16x128xf32, #tpu.memory_space<vmem>>[vector<16xi32>, vector<16xi32>], vector<16xf32>,
      %broadcast_in_dim3A_305 = arith.constant 5 : i32
      %broadcast_in_dim3A_306 = vector.broadcast %broadcast_in_dim3A_305 : i32 to vector<16xi32>
      %add3A_307 = arith.constant 5 : i32
      %add3A_308 = vector.broadcast %add3A_307 : i32 to vector<16xi32>
      %add3A_309 = arith.addi %mul3A_222, %add3A_308 : vector<16xi32>
      %shift_right_logical3A_310 = arith.constant 7 : i32
      %shift_right_logical3A_311 = vector.broadcast %shift_right_logical3A_310 : i32 to vector<16xi32>
      %shift_right_logical3A_312 = arith.shrui %add3A_309, %shift_right_logical3A_311 : vector<16xi32>
      %and3A_313 = arith.constant 127 : i32
      %and3A_314 = vector.broadcast %and3A_313 : i32 to vector<16xi32>
      %and3A_315 = arith.andi %add3A_309, %and3A_314 : vector<16xi32>
      %gather3A_316 = tpu.vector_load_idx %arg13[%shift_right_logical3A_312, %and3A_315] : memref<16x128xf32, #tpu.memory_space<vmem>>[vector<16xi32>, vector<16xi32>], vector<16xf32>,
      %scatter3A_317 = arith.constant 0 : i32
      %scatter3A_318 = arith.constant 0 : i32
      %scatter3A_319 = arith.constant 0 : i32
      %scatter3A_320 = tpu.memref_slice %arg12[%scatter3A_317, %scatter3A_318, %scatter3A_319] : memref<6x16x128xf32, #tpu.memory_space<vmem>> -> memref<1x16x128xf32, #tpu.memory_space<vmem>>
      %scatter3A_321 = tpu.memref_squeeze %scatter3A_320 : memref<1x16x128xf32, #tpu.memory_space<vmem>> -> memref<16x128xf32, #tpu.memory_space<vmem>>
      tpu.vector_store_idx %scatter3A_321[%iota3A, %broadcast_in_dim3A_306], %gather3A_316 : memref<16x128xf32, #tpu.memory_space<vmem>>[vector<16xi32>, vector<16xi32>], vector<16xf32>,
      %broadcast_in_dim3A_322 = arith.constant 6 : i32
      %broadcast_in_dim3A_323 = vector.broadcast %broadcast_in_dim3A_322 : i32 to vector<16xi32>
      %add3A_324 = arith.constant 6 : i32
      %add3A_325 = vector.broadcast %add3A_324 : i32 to vector<16xi32>
      %add3A_326 = arith.addi %mul3A_222, %add3A_325 : vector<16xi32>
      %shift_right_logical3A_327 = arith.constant 7 : i32
      %shift_right_logical3A_328 = vector.broadcast %shift_right_logical3A_327 : i32 to vector<16xi32>
      %shift_right_logical3A_329 = arith.shrui %add3A_326, %shift_right_logical3A_328 : vector<16xi32>
      %and3A_330 = arith.constant 127 : i32
      %and3A_331 = vector.broadcast %and3A_330 : i32 to vector<16xi32>
      %and3A_332 = arith.andi %add3A_326, %and3A_331 : vector<16xi32>
      %gather3A_333 = tpu.vector_load_idx %arg13[%shift_right_logical3A_329, %and3A_332] : memref<16x128xf32, #tpu.memory_space<vmem>>[vector<16xi32>, vector<16xi32>], vector<16xf32>,
      %scatter3A_334 = arith.constant 0 : i32
      %scatter3A_335 = arith.constant 0 : i32
      %scatter3A_336 = arith.constant 0 : i32
      %scatter3A_337 = tpu.memref_slice %arg12[%scatter3A_334, %scatter3A_335, %scatter3A_336] : memref<6x16x128xf32, #tpu.memory_space<vmem>> -> memref<1x16x128xf32, #tpu.memory_space<vmem>>
      %scatter3A_338 = tpu.memref_squeeze %scatter3A_337 : memref<1x16x128xf32, #tpu.memory_space<vmem>> -> memref<16x128xf32, #tpu.memory_space<vmem>>
      tpu.vector_store_idx %scatter3A_338[%iota3A, %broadcast_in_dim3A_323], %gather3A_333 : memref<16x128xf32, #tpu.memory_space<vmem>>[vector<16xi32>, vector<16xi32>], vector<16xf32>,
      %broadcast_in_dim3A_339 = arith.constant 7 : i32
      %broadcast_in_dim3A_340 = vector.broadcast %broadcast_in_dim3A_339 : i32 to vector<16xi32>
      %add3A_341 = arith.constant 7 : i32
      %add3A_342 = vector.broadcast %add3A_341 : i32 to vector<16xi32>
      %add3A_343 = arith.addi %mul3A_222, %add3A_342 : vector<16xi32>
      %shift_right_logical3A_344 = arith.constant 7 : i32
      %shift_right_logical3A_345 = vector.broadcast %shift_right_logical3A_344 : i32 to vector<16xi32>
      %shift_right_logical3A_346 = arith.shrui %add3A_343, %shift_right_logical3A_345 : vector<16xi32>
      %and3A_347 = arith.constant 127 : i32
      %and3A_348 = vector.broadcast %and3A_347 : i32 to vector<16xi32>
      %and3A_349 = arith.andi %add3A_343, %and3A_348 : vector<16xi32>
      %gather3A_350 = tpu.vector_load_idx %arg13[%shift_right_logical3A_346, %and3A_349] : memref<16x128xf32, #tpu.memory_space<vmem>>[vector<16xi32>, vector<16xi32>], vector<16xf32>,
      %scatter3A_351 = arith.constant 0 : i32
      %scatter3A_352 = arith.constant 0 : i32
      %scatter3A_353 = arith.constant 0 : i32
      %scatter3A_354 = tpu.memref_slice %arg12[%scatter3A_351, %scatter3A_352, %scatter3A_353] : memref<6x16x128xf32, #tpu.memory_space<vmem>> -> memref<1x16x128xf32, #tpu.memory_space<vmem>>
      %scatter3A_355 = tpu.memref_squeeze %scatter3A_354 : memref<1x16x128xf32, #tpu.memory_space<vmem>> -> memref<16x128xf32, #tpu.memory_space<vmem>>
      tpu.vector_store_idx %scatter3A_355[%iota3A, %broadcast_in_dim3A_340], %gather3A_350 : memref<16x128xf32, #tpu.memory_space<vmem>>[vector<16xi32>, vector<16xi32>], vector<16xf32>,
      %broadcast_in_dim3A_356 = arith.constant 8 : i32
      %broadcast_in_dim3A_357 = vector.broadcast %broadcast_in_dim3A_356 : i32 to vector<16xi32>
      %add3A_358 = arith.constant 8 : i32
      %add3A_359 = vector.broadcast %add3A_358 : i32 to vector<16xi32>
      %add3A_360 = arith.addi %mul3A_222, %add3A_359 : vector<16xi32>
      %shift_right_logical3A_361 = arith.constant 7 : i32
      %shift_right_logical3A_362 = vector.broadcast %shift_right_logical3A_361 : i32 to vector<16xi32>
      %shift_right_logical3A_363 = arith.shrui %add3A_360, %shift_right_logical3A_362 : vector<16xi32>
      %and3A_364 = arith.constant 127 : i32
      %and3A_365 = vector.broadcast %and3A_364 : i32 to vector<16xi32>
      %and3A_366 = arith.andi %add3A_360, %and3A_365 : vector<16xi32>
      %gather3A_367 = tpu.vector_load_idx %arg13[%shift_right_logical3A_363, %and3A_366] : memref<16x128xf32, #tpu.memory_space<vmem>>[vector<16xi32>, vector<16xi32>], vector<16xf32>,
      %scatter3A_368 = arith.constant 0 : i32
      %scatter3A_369 = arith.constant 0 : i32
      %scatter3A_370 = arith.constant 0 : i32
      %scatter3A_371 = tpu.memref_slice %arg12[%scatter3A_368, %scatter3A_369, %scatter3A_370] : memref<6x16x128xf32, #tpu.memory_space<vmem>> -> memref<1x16x128xf32, #tpu.memory_space<vmem>>
      %scatter3A_372 = tpu.memref_squeeze %scatter3A_371 : memref<1x16x128xf32, #tpu.memory_space<vmem>> -> memref<16x128xf32, #tpu.memory_space<vmem>>
      tpu.vector_store_idx %scatter3A_372[%iota3A, %broadcast_in_dim3A_357], %gather3A_367 : memref<16x128xf32, #tpu.memory_space<vmem>>[vector<16xi32>, vector<16xi32>], vector<16xf32>,
      %broadcast_in_dim3A_373 = arith.constant 9 : i32
      %broadcast_in_dim3A_374 = vector.broadcast %broadcast_in_dim3A_373 : i32 to vector<16xi32>
      %add3A_375 = arith.constant 9 : i32
      %add3A_376 = vector.broadcast %add3A_375 : i32 to vector<16xi32>
      %add3A_377 = arith.addi %mul3A_222, %add3A_376 : vector<16xi32>
      %shift_right_logical3A_378 = arith.constant 7 : i32
      %shift_right_logical3A_379 = vector.broadcast %shift_right_logical3A_378 : i32 to vector<16xi32>
      %shift_right_logical3A_380 = arith.shrui %add3A_377, %shift_right_logical3A_379 : vector<16xi32>
      %and3A_381 = arith.constant 127 : i32
      %and3A_382 = vector.broadcast %and3A_381 : i32 to vector<16xi32>
      %and3A_383 = arith.andi %add3A_377, %and3A_382 : vector<16xi32>
      %gather3A_384 = tpu.vector_load_idx %arg13[%shift_right_logical3A_380, %and3A_383] : memref<16x128xf32, #tpu.memory_space<vmem>>[vector<16xi32>, vector<16xi32>], vector<16xf32>,
      %scatter3A_385 = arith.constant 0 : i32
      %scatter3A_386 = arith.constant 0 : i32
      %scatter3A_387 = arith.constant 0 : i32
      %scatter3A_388 = tpu.memref_slice %arg12[%scatter3A_385, %scatter3A_386, %scatter3A_387] : memref<6x16x128xf32, #tpu.memory_space<vmem>> -> memref<1x16x128xf32, #tpu.memory_space<vmem>>
      %scatter3A_389 = tpu.memref_squeeze %scatter3A_388 : memref<1x16x128xf32, #tpu.memory_space<vmem>> -> memref<16x128xf32, #tpu.memory_space<vmem>>
      tpu.vector_store_idx %scatter3A_389[%iota3A, %broadcast_in_dim3A_374], %gather3A_384 : memref<16x128xf32, #tpu.memory_space<vmem>>[vector<16xi32>, vector<16xi32>], vector<16xf32>,
      %broadcast_in_dim3A_390 = arith.constant 10 : i32
      %broadcast_in_dim3A_391 = vector.broadcast %broadcast_in_dim3A_390 : i32 to vector<16xi32>
      %add3A_392 = arith.constant 10 : i32
      %add3A_393 = vector.broadcast %add3A_392 : i32 to vector<16xi32>
      %add3A_394 = arith.addi %mul3A_222, %add3A_393 : vector<16xi32>
      %shift_right_logical3A_395 = arith.constant 7 : i32
      %shift_right_logical3A_396 = vector.broadcast %shift_right_logical3A_395 : i32 to vector<16xi32>
      %shift_right_logical3A_397 = arith.shrui %add3A_394, %shift_right_logical3A_396 : vector<16xi32>
      %and3A_398 = arith.constant 127 : i32
      %and3A_399 = vector.broadcast %and3A_398 : i32 to vector<16xi32>
      %and3A_400 = arith.andi %add3A_394, %and3A_399 : vector<16xi32>
      %gather3A_401 = tpu.vector_load_idx %arg13[%shift_right_logical3A_397, %and3A_400] : memref<16x128xf32, #tpu.memory_space<vmem>>[vector<16xi32>, vector<16xi32>], vector<16xf32>,
      %scatter3A_402 = arith.constant 0 : i32
      %scatter3A_403 = arith.constant 0 : i32
      %scatter3A_404 = arith.constant 0 : i32
      %scatter3A_405 = tpu.memref_slice %arg12[%scatter3A_402, %scatter3A_403, %scatter3A_404] : memref<6x16x128xf32, #tpu.memory_space<vmem>> -> memref<1x16x128xf32, #tpu.memory_space<vmem>>
      %scatter3A_406 = tpu.memref_squeeze %scatter3A_405 : memref<1x16x128xf32, #tpu.memory_space<vmem>> -> memref<16x128xf32, #tpu.memory_space<vmem>>
      tpu.vector_store_idx %scatter3A_406[%iota3A, %broadcast_in_dim3A_391], %gather3A_401 : memref<16x128xf32, #tpu.memory_space<vmem>>[vector<16xi32>, vector<16xi32>], vector<16xf32>,
      %broadcast_in_dim3A_407 = arith.constant 11 : i32
      %broadcast_in_dim3A_408 = vector.broadcast %broadcast_in_dim3A_407 : i32 to vector<16xi32>
      %add3A_409 = arith.constant 11 : i32
      %add3A_410 = vector.broadcast %add3A_409 : i32 to vector<16xi32>
      %add3A_411 = arith.addi %mul3A_222, %add3A_410 : vector<16xi32>
      %shift_right_logical3A_412 = arith.constant 7 : i32
      %shift_right_logical3A_413 = vector.broadcast %shift_right_logical3A_412 : i32 to vector<16xi32>
      %shift_right_logical3A_414 = arith.shrui %add3A_411, %shift_right_logical3A_413 : vector<16xi32>
      %and3A_415 = arith.constant 127 : i32
      %and3A_416 = vector.broadcast %and3A_415 : i32 to vector<16xi32>
      %and3A_417 = arith.andi %add3A_411, %and3A_416 : vector<16xi32>
      %gather3A_418 = tpu.vector_load_idx %arg13[%shift_right_logical3A_414, %and3A_417] : memref<16x128xf32, #tpu.memory_space<vmem>>[vector<16xi32>, vector<16xi32>], vector<16xf32>,
      %scatter3A_419 = arith.constant 0 : i32
      %scatter3A_420 = arith.constant 0 : i32
      %scatter3A_421 = arith.constant 0 : i32
      %scatter3A_422 = tpu.memref_slice %arg12[%scatter3A_419, %scatter3A_420, %scatter3A_421] : memref<6x16x128xf32, #tpu.memory_space<vmem>> -> memref<1x16x128xf32, #tpu.memory_space<vmem>>
      %scatter3A_423 = tpu.memref_squeeze %scatter3A_422 : memref<1x16x128xf32, #tpu.memory_space<vmem>> -> memref<16x128xf32, #tpu.memory_space<vmem>>
      tpu.vector_store_idx %scatter3A_423[%iota3A, %broadcast_in_dim3A_408], %gather3A_418 : memref<16x128xf32, #tpu.memory_space<vmem>>[vector<16xi32>, vector<16xi32>], vector<16xf32>,
      %broadcast_in_dim3A_424 = arith.constant 12 : i32
      %broadcast_in_dim3A_425 = vector.broadcast %broadcast_in_dim3A_424 : i32 to vector<16xi32>
      %add3A_426 = arith.constant 12 : i32
      %add3A_427 = vector.broadcast %add3A_426 : i32 to vector<16xi32>
      %add3A_428 = arith.addi %mul3A_222, %add3A_427 : vector<16xi32>
      %shift_right_logical3A_429 = arith.constant 7 : i32
      %shift_right_logical3A_430 = vector.broadcast %shift_right_logical3A_429 : i32 to vector<16xi32>
      %shift_right_logical3A_431 = arith.shrui %add3A_428, %shift_right_logical3A_430 : vector<16xi32>
      %and3A_432 = arith.constant 127 : i32
      %and3A_433 = vector.broadcast %and3A_432 : i32 to vector<16xi32>
      %and3A_434 = arith.andi %add3A_428, %and3A_433 : vector<16xi32>
      %gather3A_435 = tpu.vector_load_idx %arg13[%shift_right_logical3A_431, %and3A_434] : memref<16x128xf32, #tpu.memory_space<vmem>>[vector<16xi32>, vector<16xi32>], vector<16xf32>,
      %scatter3A_436 = arith.constant 0 : i32
      %scatter3A_437 = arith.constant 0 : i32
      %scatter3A_438 = arith.constant 0 : i32
      %scatter3A_439 = tpu.memref_slice %arg12[%scatter3A_436, %scatter3A_437, %scatter3A_438] : memref<6x16x128xf32, #tpu.memory_space<vmem>> -> memref<1x16x128xf32, #tpu.memory_space<vmem>>
      %scatter3A_440 = tpu.memref_squeeze %scatter3A_439 : memref<1x16x128xf32, #tpu.memory_space<vmem>> -> memref<16x128xf32, #tpu.memory_space<vmem>>
      tpu.vector_store_idx %scatter3A_440[%iota3A, %broadcast_in_dim3A_425], %gather3A_435 : memref<16x128xf32, #tpu.memory_space<vmem>>[vector<16xi32>, vector<16xi32>], vector<16xf32>,
      %broadcast_in_dim3A_441 = arith.constant 13 : i32
      %broadcast_in_dim3A_442 = vector.broadcast %broadcast_in_dim3A_441 : i32 to vector<16xi32>
      %add3A_443 = arith.constant 13 : i32
      %add3A_444 = vector.broadcast %add3A_443 : i32 to vector<16xi32>
      %add3A_445 = arith.addi %mul3A_222, %add3A_444 : vector<16xi32>
      %shift_right_logical3A_446 = arith.constant 7 : i32
      %shift_right_logical3A_447 = vector.broadcast %shift_right_logical3A_446 : i32 to vector<16xi32>
      %shift_right_logical3A_448 = arith.shrui %add3A_445, %shift_right_logical3A_447 : vector<16xi32>
      %and3A_449 = arith.constant 127 : i32
      %and3A_450 = vector.broadcast %and3A_449 : i32 to vector<16xi32>
      %and3A_451 = arith.andi %add3A_445, %and3A_450 : vector<16xi32>
      %gather3A_452 = tpu.vector_load_idx %arg13[%shift_right_logical3A_448, %and3A_451] : memref<16x128xf32, #tpu.memory_space<vmem>>[vector<16xi32>, vector<16xi32>], vector<16xf32>,
      %scatter3A_453 = arith.constant 0 : i32
      %scatter3A_454 = arith.constant 0 : i32
      %scatter3A_455 = arith.constant 0 : i32
      %scatter3A_456 = tpu.memref_slice %arg12[%scatter3A_453, %scatter3A_454, %scatter3A_455] : memref<6x16x128xf32, #tpu.memory_space<vmem>> -> memref<1x16x128xf32, #tpu.memory_space<vmem>>
      %scatter3A_457 = tpu.memref_squeeze %scatter3A_456 : memref<1x16x128xf32, #tpu.memory_space<vmem>> -> memref<16x128xf32, #tpu.memory_space<vmem>>
      tpu.vector_store_idx %scatter3A_457[%iota3A, %broadcast_in_dim3A_442], %gather3A_452 : memref<16x128xf32, #tpu.memory_space<vmem>>[vector<16xi32>, vector<16xi32>], vector<16xf32>,
      %broadcast_in_dim3A_458 = arith.constant 14 : i32
      %broadcast_in_dim3A_459 = vector.broadcast %broadcast_in_dim3A_458 : i32 to vector<16xi32>
      %add3A_460 = arith.constant 14 : i32
      %add3A_461 = vector.broadcast %add3A_460 : i32 to vector<16xi32>
      %add3A_462 = arith.addi %mul3A_222, %add3A_461 : vector<16xi32>
      %shift_right_logical3A_463 = arith.constant 7 : i32
      %shift_right_logical3A_464 = vector.broadcast %shift_right_logical3A_463 : i32 to vector<16xi32>
      %shift_right_logical3A_465 = arith.shrui %add3A_462, %shift_right_logical3A_464 : vector<16xi32>
      %and3A_466 = arith.constant 127 : i32
      %and3A_467 = vector.broadcast %and3A_466 : i32 to vector<16xi32>
      %and3A_468 = arith.andi %add3A_462, %and3A_467 : vector<16xi32>
      %gather3A_469 = tpu.vector_load_idx %arg13[%shift_right_logical3A_465, %and3A_468] : memref<16x128xf32, #tpu.memory_space<vmem>>[vector<16xi32>, vector<16xi32>], vector<16xf32>,
      %scatter3A_470 = arith.constant 0 : i32
      %scatter3A_471 = arith.constant 0 : i32
      %scatter3A_472 = arith.constant 0 : i32
      %scatter3A_473 = tpu.memref_slice %arg12[%scatter3A_470, %scatter3A_471, %scatter3A_472] : memref<6x16x128xf32, #tpu.memory_space<vmem>> -> memref<1x16x128xf32, #tpu.memory_space<vmem>>
      %scatter3A_474 = tpu.memref_squeeze %scatter3A_473 : memref<1x16x128xf32, #tpu.memory_space<vmem>> -> memref<16x128xf32, #tpu.memory_space<vmem>>
      tpu.vector_store_idx %scatter3A_474[%iota3A, %broadcast_in_dim3A_459], %gather3A_469 : memref<16x128xf32, #tpu.memory_space<vmem>>[vector<16xi32>, vector<16xi32>], vector<16xf32>,
      %broadcast_in_dim3A_475 = arith.constant 15 : i32
      %broadcast_in_dim3A_476 = vector.broadcast %broadcast_in_dim3A_475 : i32 to vector<16xi32>
      %add3A_477 = arith.constant 15 : i32
      %add3A_478 = vector.broadcast %add3A_477 : i32 to vector<16xi32>
      %add3A_479 = arith.addi %mul3A_222, %add3A_478 : vector<16xi32>
      %shift_right_logical3A_480 = arith.constant 7 : i32
      %shift_right_logical3A_481 = vector.broadcast %shift_right_logical3A_480 : i32 to vector<16xi32>
      %shift_right_logical3A_482 = arith.shrui %add3A_479, %shift_right_logical3A_481 : vector<16xi32>
      %and3A_483 = arith.constant 127 : i32
      %and3A_484 = vector.broadcast %and3A_483 : i32 to vector<16xi32>
      %and3A_485 = arith.andi %add3A_479, %and3A_484 : vector<16xi32>
      %gather3A_486 = tpu.vector_load_idx %arg13[%shift_right_logical3A_482, %and3A_485] : memref<16x128xf32, #tpu.memory_space<vmem>>[vector<16xi32>, vector<16xi32>], vector<16xf32>,
      %scatter3A_487 = arith.constant 0 : i32
      %scatter3A_488 = arith.constant 0 : i32
      %scatter3A_489 = arith.constant 0 : i32
      %scatter3A_490 = tpu.memref_slice %arg12[%scatter3A_487, %scatter3A_488, %scatter3A_489] : memref<6x16x128xf32, #tpu.memory_space<vmem>> -> memref<1x16x128xf32, #tpu.memory_space<vmem>>
      %scatter3A_491 = tpu.memref_squeeze %scatter3A_490 : memref<1x16x128xf32, #tpu.memory_space<vmem>> -> memref<16x128xf32, #tpu.memory_space<vmem>>
      tpu.vector_store_idx %scatter3A_491[%iota3A, %broadcast_in_dim3A_476], %gather3A_486 : memref<16x128xf32, #tpu.memory_space<vmem>>[vector<16xi32>, vector<16xi32>], vector<16xf32>,
      %broadcast_in_dim3A_492 = arith.constant 16 : i32
      %broadcast_in_dim3A_493 = vector.broadcast %broadcast_in_dim3A_492 : i32 to vector<16xi32>
      %add3A_494 = arith.constant 16 : i32
      %add3A_495 = vector.broadcast %add3A_494 : i32 to vector<16xi32>
      %add3A_496 = arith.addi %mul3A_222, %add3A_495 : vector<16xi32>
      %shift_right_logical3A_497 = arith.constant 7 : i32
      %shift_right_logical3A_498 = vector.broadcast %shift_right_logical3A_497 : i32 to vector<16xi32>
      %shift_right_logical3A_499 = arith.shrui %add3A_496, %shift_right_logical3A_498 : vector<16xi32>
      %and3A_500 = arith.constant 127 : i32
      %and3A_501 = vector.broadcast %and3A_500 : i32 to vector<16xi32>
      %and3A_502 = arith.andi %add3A_496, %and3A_501 : vector<16xi32>
      %gather3A_503 = tpu.vector_load_idx %arg13[%shift_right_logical3A_499, %and3A_502] : memref<16x128xf32, #tpu.memory_space<vmem>>[vector<16xi32>, vector<16xi32>], vector<16xf32>,
      %scatter3A_504 = arith.constant 0 : i32
      %scatter3A_505 = arith.constant 0 : i32
      %scatter3A_506 = arith.constant 0 : i32
      %scatter3A_507 = tpu.memref_slice %arg12[%scatter3A_504, %scatter3A_505, %scatter3A_506] : memref<6x16x128xf32, #tpu.memory_space<vmem>> -> memref<1x16x128xf32, #tpu.memory_space<vmem>>
      %scatter3A_508 = tpu.memref_squeeze %scatter3A_507 : memref<1x16x128xf32, #tpu.memory_space<vmem>> -> memref<16x128xf32, #tpu.memory_space<vmem>>
      tpu.vector_store_idx %scatter3A_508[%iota3A, %broadcast_in_dim3A_493], %gather3A_503 : memref<16x128xf32, #tpu.memory_space<vmem>>[vector<16xi32>, vector<16xi32>], vector<16xf32>,
      %broadcast_in_dim3A_509 = arith.constant 17 : i32
      %broadcast_in_dim3A_510 = vector.broadcast %broadcast_in_dim3A_509 : i32 to vector<16xi32>
      %add3A_511 = arith.constant 17 : i32
      %add3A_512 = vector.broadcast %add3A_511 : i32 to vector<16xi32>
      %add3A_513 = arith.addi %mul3A_222, %add3A_512 : vector<16xi32>
      %shift_right_logical3A_514 = arith.constant 7 : i32
      %shift_right_logical3A_515 = vector.broadcast %shift_right_logical3A_514 : i32 to vector<16xi32>
      %shift_right_logical3A_516 = arith.shrui %add3A_513, %shift_right_logical3A_515 : vector<16xi32>
      %and3A_517 = arith.constant 127 : i32
      %and3A_518 = vector.broadcast %and3A_517 : i32 to vector<16xi32>
      %and3A_519 = arith.andi %add3A_513, %and3A_518 : vector<16xi32>
      %gather3A_520 = tpu.vector_load_idx %arg13[%shift_right_logical3A_516, %and3A_519] : memref<16x128xf32, #tpu.memory_space<vmem>>[vector<16xi32>, vector<16xi32>], vector<16xf32>,
      %scatter3A_521 = arith.constant 0 : i32
      %scatter3A_522 = arith.constant 0 : i32
      %scatter3A_523 = arith.constant 0 : i32
      %scatter3A_524 = tpu.memref_slice %arg12[%scatter3A_521, %scatter3A_522, %scatter3A_523] : memref<6x16x128xf32, #tpu.memory_space<vmem>> -> memref<1x16x128xf32, #tpu.memory_space<vmem>>
      %scatter3A_525 = tpu.memref_squeeze %scatter3A_524 : memref<1x16x128xf32, #tpu.memory_space<vmem>> -> memref<16x128xf32, #tpu.memory_space<vmem>>
      tpu.vector_store_idx %scatter3A_525[%iota3A, %broadcast_in_dim3A_510], %gather3A_520 : memref<16x128xf32, #tpu.memory_space<vmem>>[vector<16xi32>, vector<16xi32>], vector<16xf32>,
      %broadcast_in_dim3A_526 = arith.constant 18 : i32
      %broadcast_in_dim3A_527 = vector.broadcast %broadcast_in_dim3A_526 : i32 to vector<16xi32>
      %add3A_528 = arith.constant 18 : i32
      %add3A_529 = vector.broadcast %add3A_528 : i32 to vector<16xi32>
      %add3A_530 = arith.addi %mul3A_222, %add3A_529 : vector<16xi32>
      %shift_right_logical3A_531 = arith.constant 7 : i32
      %shift_right_logical3A_532 = vector.broadcast %shift_right_logical3A_531 : i32 to vector<16xi32>
      %shift_right_logical3A_533 = arith.shrui %add3A_530, %shift_right_logical3A_532 : vector<16xi32>
      %and3A_534 = arith.constant 127 : i32
      %and3A_535 = vector.broadcast %and3A_534 : i32 to vector<16xi32>
      %and3A_536 = arith.andi %add3A_530, %and3A_535 : vector<16xi32>
      %gather3A_537 = tpu.vector_load_idx %arg13[%shift_right_logical3A_533, %and3A_536] : memref<16x128xf32, #tpu.memory_space<vmem>>[vector<16xi32>, vector<16xi32>], vector<16xf32>,
      %scatter3A_538 = arith.constant 0 : i32
      %scatter3A_539 = arith.constant 0 : i32
      %scatter3A_540 = arith.constant 0 : i32
      %scatter3A_541 = tpu.memref_slice %arg12[%scatter3A_538, %scatter3A_539, %scatter3A_540] : memref<6x16x128xf32, #tpu.memory_space<vmem>> -> memref<1x16x128xf32, #tpu.memory_space<vmem>>
      %scatter3A_542 = tpu.memref_squeeze %scatter3A_541 : memref<1x16x128xf32, #tpu.memory_space<vmem>> -> memref<16x128xf32, #tpu.memory_space<vmem>>
      tpu.vector_store_idx %scatter3A_542[%iota3A, %broadcast_in_dim3A_527], %gather3A_537 : memref<16x128xf32, #tpu.memory_space<vmem>>[vector<16xi32>, vector<16xi32>], vector<16xf32>,
      %broadcast_in_dim3A_543 = arith.constant 19 : i32
      %broadcast_in_dim3A_544 = vector.broadcast %broadcast_in_dim3A_543 : i32 to vector<16xi32>
      %add3A_545 = arith.constant 19 : i32
      %add3A_546 = vector.broadcast %add3A_545 : i32 to vector<16xi32>
      %add3A_547 = arith.addi %mul3A_222, %add3A_546 : vector<16xi32>
      %shift_right_logical3A_548 = arith.constant 7 : i32
      %shift_right_logical3A_549 = vector.broadcast %shift_right_logical3A_548 : i32 to vector<16xi32>
      %shift_right_logical3A_550 = arith.shrui %add3A_547, %shift_right_logical3A_549 : vector<16xi32>
      %and3A_551 = arith.constant 127 : i32
      %and3A_552 = vector.broadcast %and3A_551 : i32 to vector<16xi32>
      %and3A_553 = arith.andi %add3A_547, %and3A_552 : vector<16xi32>
      %gather3A_554 = tpu.vector_load_idx %arg13[%shift_right_logical3A_550, %and3A_553] : memref<16x128xf32, #tpu.memory_space<vmem>>[vector<16xi32>, vector<16xi32>], vector<16xf32>,
      %scatter3A_555 = arith.constant 0 : i32
      %scatter3A_556 = arith.constant 0 : i32
      %scatter3A_557 = arith.constant 0 : i32
      %scatter3A_558 = tpu.memref_slice %arg12[%scatter3A_555, %scatter3A_556, %scatter3A_557] : memref<6x16x128xf32, #tpu.memory_space<vmem>> -> memref<1x16x128xf32, #tpu.memory_space<vmem>>
      %scatter3A_559 = tpu.memref_squeeze %scatter3A_558 : memref<1x16x128xf32, #tpu.memory_space<vmem>> -> memref<16x128xf32, #tpu.memory_space<vmem>>
      tpu.vector_store_idx %scatter3A_559[%iota3A, %broadcast_in_dim3A_544], %gather3A_554 : memref<16x128xf32, #tpu.memory_space<vmem>>[vector<16xi32>, vector<16xi32>], vector<16xf32>,
      %broadcast_in_dim3A_560 = arith.constant 20 : i32
      %broadcast_in_dim3A_561 = vector.broadcast %broadcast_in_dim3A_560 : i32 to vector<16xi32>
      %add3A_562 = arith.constant 20 : i32
      %add3A_563 = vector.broadcast %add3A_562 : i32 to vector<16xi32>
      %add3A_564 = arith.addi %mul3A_222, %add3A_563 : vector<16xi32>
      %shift_right_logical3A_565 = arith.constant 7 : i32
      %shift_right_logical3A_566 = vector.broadcast %shift_right_logical3A_565 : i32 to vector<16xi32>
      %shift_right_logical3A_567 = arith.shrui %add3A_564, %shift_right_logical3A_566 : vector<16xi32>
      %and3A_568 = arith.constant 127 : i32
      %and3A_569 = vector.broadcast %and3A_568 : i32 to vector<16xi32>
      %and3A_570 = arith.andi %add3A_564, %and3A_569 : vector<16xi32>
      %gather3A_571 = tpu.vector_load_idx %arg13[%shift_right_logical3A_567, %and3A_570] : memref<16x128xf32, #tpu.memory_space<vmem>>[vector<16xi32>, vector<16xi32>], vector<16xf32>,
      %scatter3A_572 = arith.constant 0 : i32
      %scatter3A_573 = arith.constant 0 : i32
      %scatter3A_574 = arith.constant 0 : i32
      %scatter3A_575 = tpu.memref_slice %arg12[%scatter3A_572, %scatter3A_573, %scatter3A_574] : memref<6x16x128xf32, #tpu.memory_space<vmem>> -> memref<1x16x128xf32, #tpu.memory_space<vmem>>
      %scatter3A_576 = tpu.memref_squeeze %scatter3A_575 : memref<1x16x128xf32, #tpu.memory_space<vmem>> -> memref<16x128xf32, #tpu.memory_space<vmem>>
      tpu.vector_store_idx %scatter3A_576[%iota3A, %broadcast_in_dim3A_561], %gather3A_571 : memref<16x128xf32, #tpu.memory_space<vmem>>[vector<16xi32>, vector<16xi32>], vector<16xf32>,
      %broadcast_in_dim3A_577 = arith.constant 21 : i32
      %broadcast_in_dim3A_578 = vector.broadcast %broadcast_in_dim3A_577 : i32 to vector<16xi32>
      %add3A_579 = arith.constant 21 : i32
      %add3A_580 = vector.broadcast %add3A_579 : i32 to vector<16xi32>
      %add3A_581 = arith.addi %mul3A_222, %add3A_580 : vector<16xi32>
      %shift_right_logical3A_582 = arith.constant 7 : i32
      %shift_right_logical3A_583 = vector.broadcast %shift_right_logical3A_582 : i32 to vector<16xi32>
      %shift_right_logical3A_584 = arith.shrui %add3A_581, %shift_right_logical3A_583 : vector<16xi32>
      %and3A_585 = arith.constant 127 : i32
      %and3A_586 = vector.broadcast %and3A_585 : i32 to vector<16xi32>
      %and3A_587 = arith.andi %add3A_581, %and3A_586 : vector<16xi32>
      %gather3A_588 = tpu.vector_load_idx %arg13[%shift_right_logical3A_584, %and3A_587] : memref<16x128xf32, #tpu.memory_space<vmem>>[vector<16xi32>, vector<16xi32>], vector<16xf32>,
      %scatter3A_589 = arith.constant 0 : i32
      %scatter3A_590 = arith.constant 0 : i32
      %scatter3A_591 = arith.constant 0 : i32
      %scatter3A_592 = tpu.memref_slice %arg12[%scatter3A_589, %scatter3A_590, %scatter3A_591] : memref<6x16x128xf32, #tpu.memory_space<vmem>> -> memref<1x16x128xf32, #tpu.memory_space<vmem>>
      %scatter3A_593 = tpu.memref_squeeze %scatter3A_592 : memref<1x16x128xf32, #tpu.memory_space<vmem>> -> memref<16x128xf32, #tpu.memory_space<vmem>>
      tpu.vector_store_idx %scatter3A_593[%iota3A, %broadcast_in_dim3A_578], %gather3A_588 : memref<16x128xf32, #tpu.memory_space<vmem>>[vector<16xi32>, vector<16xi32>], vector<16xf32>,
      %broadcast_in_dim3A_594 = arith.constant 22 : i32
      %broadcast_in_dim3A_595 = vector.broadcast %broadcast_in_dim3A_594 : i32 to vector<16xi32>
      %add3A_596 = arith.constant 22 : i32
      %add3A_597 = vector.broadcast %add3A_596 : i32 to vector<16xi32>
      %add3A_598 = arith.addi %mul3A_222, %add3A_597 : vector<16xi32>
      %shift_right_logical3A_599 = arith.constant 7 : i32
      %shift_right_logical3A_600 = vector.broadcast %shift_right_logical3A_599 : i32 to vector<16xi32>
      %shift_right_logical3A_601 = arith.shrui %add3A_598, %shift_right_logical3A_600 : vector<16xi32>
      %and3A_602 = arith.constant 127 : i32
      %and3A_603 = vector.broadcast %and3A_602 : i32 to vector<16xi32>
      %and3A_604 = arith.andi %add3A_598, %and3A_603 : vector<16xi32>
      %gather3A_605 = tpu.vector_load_idx %arg13[%shift_right_logical3A_601, %and3A_604] : memref<16x128xf32, #tpu.memory_space<vmem>>[vector<16xi32>, vector<16xi32>], vector<16xf32>,
      %scatter3A_606 = arith.constant 0 : i32
      %scatter3A_607 = arith.constant 0 : i32
      %scatter3A_608 = arith.constant 0 : i32
      %scatter3A_609 = tpu.memref_slice %arg12[%scatter3A_606, %scatter3A_607, %scatter3A_608] : memref<6x16x128xf32, #tpu.memory_space<vmem>> -> memref<1x16x128xf32, #tpu.memory_space<vmem>>
      %scatter3A_610 = tpu.memref_squeeze %scatter3A_609 : memref<1x16x128xf32, #tpu.memory_space<vmem>> -> memref<16x128xf32, #tpu.memory_space<vmem>>
      tpu.vector_store_idx %scatter3A_610[%iota3A, %broadcast_in_dim3A_595], %gather3A_605 : memref<16x128xf32, #tpu.memory_space<vmem>>[vector<16xi32>, vector<16xi32>], vector<16xf32>,
      %broadcast_in_dim3A_611 = arith.constant 23 : i32
      %broadcast_in_dim3A_612 = vector.broadcast %broadcast_in_dim3A_611 : i32 to vector<16xi32>
      %add3A_613 = arith.constant 23 : i32
      %add3A_614 = vector.broadcast %add3A_613 : i32 to vector<16xi32>
      %add3A_615 = arith.addi %mul3A_222, %add3A_614 : vector<16xi32>
      %shift_right_logical3A_616 = arith.constant 7 : i32
      %shift_right_logical3A_617 = vector.broadcast %shift_right_logical3A_616 : i32 to vector<16xi32>
      %shift_right_logical3A_618 = arith.shrui %add3A_615, %shift_right_logical3A_617 : vector<16xi32>
      %and3A_619 = arith.constant 127 : i32
      %and3A_620 = vector.broadcast %and3A_619 : i32 to vector<16xi32>
      %and3A_621 = arith.andi %add3A_615, %and3A_620 : vector<16xi32>
      %gather3A_622 = tpu.vector_load_idx %arg13[%shift_right_logical3A_618, %and3A_621] : memref<16x128xf32, #tpu.memory_space<vmem>>[vector<16xi32>, vector<16xi32>], vector<16xf32>,
      %scatter3A_623 = arith.constant 0 : i32
      %scatter3A_624 = arith.constant 0 : i32
      %scatter3A_625 = arith.constant 0 : i32
      %scatter3A_626 = tpu.memref_slice %arg12[%scatter3A_623, %scatter3A_624, %scatter3A_625] : memref<6x16x128xf32, #tpu.memory_space<vmem>> -> memref<1x16x128xf32, #tpu.memory_space<vmem>>
      %scatter3A_627 = tpu.memref_squeeze %scatter3A_626 : memref<1x16x128xf32, #tpu.memory_space<vmem>> -> memref<16x128xf32, #tpu.memory_space<vmem>>
      tpu.vector_store_idx %scatter3A_627[%iota3A, %broadcast_in_dim3A_612], %gather3A_622 : memref<16x128xf32, #tpu.memory_space<vmem>>[vector<16xi32>, vector<16xi32>], vector<16xf32>,
      %broadcast_in_dim3A_628 = arith.constant 24 : i32
      %broadcast_in_dim3A_629 = vector.broadcast %broadcast_in_dim3A_628 : i32 to vector<16xi32>
      %add3A_630 = arith.constant 24 : i32
      %add3A_631 = vector.broadcast %add3A_630 : i32 to vector<16xi32>
      %add3A_632 = arith.addi %mul3A_222, %add3A_631 : vector<16xi32>
      %shift_right_logical3A_633 = arith.constant 7 : i32
      %shift_right_logical3A_634 = vector.broadcast %shift_right_logical3A_633 : i32 to vector<16xi32>
      %shift_right_logical3A_635 = arith.shrui %add3A_632, %shift_right_logical3A_634 : vector<16xi32>
      %and3A_636 = arith.constant 127 : i32
      %and3A_637 = vector.broadcast %and3A_636 : i32 to vector<16xi32>
      %and3A_638 = arith.andi %add3A_632, %and3A_637 : vector<16xi32>
      %gather3A_639 = tpu.vector_load_idx %arg13[%shift_right_logical3A_635, %and3A_638] : memref<16x128xf32, #tpu.memory_space<vmem>>[vector<16xi32>, vector<16xi32>], vector<16xf32>,
      %scatter3A_640 = arith.constant 0 : i32
      %scatter3A_641 = arith.constant 0 : i32
      %scatter3A_642 = arith.constant 0 : i32
      %scatter3A_643 = tpu.memref_slice %arg12[%scatter3A_640, %scatter3A_641, %scatter3A_642] : memref<6x16x128xf32, #tpu.memory_space<vmem>> -> memref<1x16x128xf32, #tpu.memory_space<vmem>>
      %scatter3A_644 = tpu.memref_squeeze %scatter3A_643 : memref<1x16x128xf32, #tpu.memory_space<vmem>> -> memref<16x128xf32, #tpu.memory_space<vmem>>
      tpu.vector_store_idx %scatter3A_644[%iota3A, %broadcast_in_dim3A_629], %gather3A_639 : memref<16x128xf32, #tpu.memory_space<vmem>>[vector<16xi32>, vector<16xi32>], vector<16xf32>,
      %broadcast_in_dim3A_645 = arith.constant 25 : i32
      %broadcast_in_dim3A_646 = vector.broadcast %broadcast_in_dim3A_645 : i32 to vector<16xi32>
      %add3A_647 = arith.constant 25 : i32
      %add3A_648 = vector.broadcast %add3A_647 : i32 to vector<16xi32>
      %add3A_649 = arith.addi %mul3A_222, %add3A_648 : vector<16xi32>
      %shift_right_logical3A_650 = arith.constant 7 : i32
      %shift_right_logical3A_651 = vector.broadcast %shift_right_logical3A_650 : i32 to vector<16xi32>
      %shift_right_logical3A_652 = arith.shrui %add3A_649, %shift_right_logical3A_651 : vector<16xi32>
      %and3A_653 = arith.constant 127 : i32
      %and3A_654 = vector.broadcast %and3A_653 : i32 to vector<16xi32>
      %and3A_655 = arith.andi %add3A_649, %and3A_654 : vector<16xi32>
      %gather3A_656 = tpu.vector_load_idx %arg13[%shift_right_logical3A_652, %and3A_655] : memref<16x128xf32, #tpu.memory_space<vmem>>[vector<16xi32>, vector<16xi32>], vector<16xf32>,
      %scatter3A_657 = arith.constant 0 : i32
      %scatter3A_658 = arith.constant 0 : i32
      %scatter3A_659 = arith.constant 0 : i32
      %scatter3A_660 = tpu.memref_slice %arg12[%scatter3A_657, %scatter3A_658, %scatter3A_659] : memref<6x16x128xf32, #tpu.memory_space<vmem>> -> memref<1x16x128xf32, #tpu.memory_space<vmem>>
      %scatter3A_661 = tpu.memref_squeeze %scatter3A_660 : memref<1x16x128xf32, #tpu.memory_space<vmem>> -> memref<16x128xf32, #tpu.memory_space<vmem>>
      tpu.vector_store_idx %scatter3A_661[%iota3A, %broadcast_in_dim3A_646], %gather3A_656 : memref<16x128xf32, #tpu.memory_space<vmem>>[vector<16xi32>, vector<16xi32>], vector<16xf32>,
      %broadcast_in_dim3A_662 = arith.constant 26 : i32
      %broadcast_in_dim3A_663 = vector.broadcast %broadcast_in_dim3A_662 : i32 to vector<16xi32>
      %add3A_664 = arith.constant 26 : i32
      %add3A_665 = vector.broadcast %add3A_664 : i32 to vector<16xi32>
      %add3A_666 = arith.addi %mul3A_222, %add3A_665 : vector<16xi32>
      %shift_right_logical3A_667 = arith.constant 7 : i32
      %shift_right_logical3A_668 = vector.broadcast %shift_right_logical3A_667 : i32 to vector<16xi32>
      %shift_right_logical3A_669 = arith.shrui %add3A_666, %shift_right_logical3A_668 : vector<16xi32>
      %and3A_670 = arith.constant 127 : i32
      %and3A_671 = vector.broadcast %and3A_670 : i32 to vector<16xi32>
      %and3A_672 = arith.andi %add3A_666, %and3A_671 : vector<16xi32>
      %gather3A_673 = tpu.vector_load_idx %arg13[%shift_right_logical3A_669, %and3A_672] : memref<16x128xf32, #tpu.memory_space<vmem>>[vector<16xi32>, vector<16xi32>], vector<16xf32>,
      %scatter3A_674 = arith.constant 0 : i32
      %scatter3A_675 = arith.constant 0 : i32
      %scatter3A_676 = arith.constant 0 : i32
      %scatter3A_677 = tpu.memref_slice %arg12[%scatter3A_674, %scatter3A_675, %scatter3A_676] : memref<6x16x128xf32, #tpu.memory_space<vmem>> -> memref<1x16x128xf32, #tpu.memory_space<vmem>>
      %scatter3A_678 = tpu.memref_squeeze %scatter3A_677 : memref<1x16x128xf32, #tpu.memory_space<vmem>> -> memref<16x128xf32, #tpu.memory_space<vmem>>
      tpu.vector_store_idx %scatter3A_678[%iota3A, %broadcast_in_dim3A_663], %gather3A_673 : memref<16x128xf32, #tpu.memory_space<vmem>>[vector<16xi32>, vector<16xi32>], vector<16xf32>,
      %broadcast_in_dim3A_679 = arith.constant 27 : i32
      %broadcast_in_dim3A_680 = vector.broadcast %broadcast_in_dim3A_679 : i32 to vector<16xi32>
      %add3A_681 = arith.constant 27 : i32
      %add3A_682 = vector.broadcast %add3A_681 : i32 to vector<16xi32>
      %add3A_683 = arith.addi %mul3A_222, %add3A_682 : vector<16xi32>
      %shift_right_logical3A_684 = arith.constant 7 : i32
      %shift_right_logical3A_685 = vector.broadcast %shift_right_logical3A_684 : i32 to vector<16xi32>
      %shift_right_logical3A_686 = arith.shrui %add3A_683, %shift_right_logical3A_685 : vector<16xi32>
      %and3A_687 = arith.constant 127 : i32
      %and3A_688 = vector.broadcast %and3A_687 : i32 to vector<16xi32>
      %and3A_689 = arith.andi %add3A_683, %and3A_688 : vector<16xi32>
      %gather3A_690 = tpu.vector_load_idx %arg13[%shift_right_logical3A_686, %and3A_689] : memref<16x128xf32, #tpu.memory_space<vmem>>[vector<16xi32>, vector<16xi32>], vector<16xf32>,
      %scatter3A_691 = arith.constant 0 : i32
      %scatter3A_692 = arith.constant 0 : i32
      %scatter3A_693 = arith.constant 0 : i32
      %scatter3A_694 = tpu.memref_slice %arg12[%scatter3A_691, %scatter3A_692, %scatter3A_693] : memref<6x16x128xf32, #tpu.memory_space<vmem>> -> memref<1x16x128xf32, #tpu.memory_space<vmem>>
      %scatter3A_695 = tpu.memref_squeeze %scatter3A_694 : memref<1x16x128xf32, #tpu.memory_space<vmem>> -> memref<16x128xf32, #tpu.memory_space<vmem>>
      tpu.vector_store_idx %scatter3A_695[%iota3A, %broadcast_in_dim3A_680], %gather3A_690 : memref<16x128xf32, #tpu.memory_space<vmem>>[vector<16xi32>, vector<16xi32>], vector<16xf32>,
      %broadcast_in_dim3A_696 = arith.constant 28 : i32
      %broadcast_in_dim3A_697 = vector.broadcast %broadcast_in_dim3A_696 : i32 to vector<16xi32>
      %add3A_698 = arith.constant 28 : i32
      %add3A_699 = vector.broadcast %add3A_698 : i32 to vector<16xi32>
      %add3A_700 = arith.addi %mul3A_222, %add3A_699 : vector<16xi32>
      %shift_right_logical3A_701 = arith.constant 7 : i32
      %shift_right_logical3A_702 = vector.broadcast %shift_right_logical3A_701 : i32 to vector<16xi32>
      %shift_right_logical3A_703 = arith.shrui %add3A_700, %shift_right_logical3A_702 : vector<16xi32>
      %and3A_704 = arith.constant 127 : i32
      %and3A_705 = vector.broadcast %and3A_704 : i32 to vector<16xi32>
      %and3A_706 = arith.andi %add3A_700, %and3A_705 : vector<16xi32>
      %gather3A_707 = tpu.vector_load_idx %arg13[%shift_right_logical3A_703, %and3A_706] : memref<16x128xf32, #tpu.memory_space<vmem>>[vector<16xi32>, vector<16xi32>], vector<16xf32>,
      %scatter3A_708 = arith.constant 0 : i32
      %scatter3A_709 = arith.constant 0 : i32
      %scatter3A_710 = arith.constant 0 : i32
      %scatter3A_711 = tpu.memref_slice %arg12[%scatter3A_708, %scatter3A_709, %scatter3A_710] : memref<6x16x128xf32, #tpu.memory_space<vmem>> -> memref<1x16x128xf32, #tpu.memory_space<vmem>>
      %scatter3A_712 = tpu.memref_squeeze %scatter3A_711 : memref<1x16x128xf32, #tpu.memory_space<vmem>> -> memref<16x128xf32, #tpu.memory_space<vmem>>
      tpu.vector_store_idx %scatter3A_712[%iota3A, %broadcast_in_dim3A_697], %gather3A_707 : memref<16x128xf32, #tpu.memory_space<vmem>>[vector<16xi32>, vector<16xi32>], vector<16xf32>,
      %broadcast_in_dim3A_713 = arith.constant 29 : i32
      %broadcast_in_dim3A_714 = vector.broadcast %broadcast_in_dim3A_713 : i32 to vector<16xi32>
      %add3A_715 = arith.constant 29 : i32
      %add3A_716 = vector.broadcast %add3A_715 : i32 to vector<16xi32>
      %add3A_717 = arith.addi %mul3A_222, %add3A_716 : vector<16xi32>
      %shift_right_logical3A_718 = arith.constant 7 : i32
      %shift_right_logical3A_719 = vector.broadcast %shift_right_logical3A_718 : i32 to vector<16xi32>
      %shift_right_logical3A_720 = arith.shrui %add3A_717, %shift_right_logical3A_719 : vector<16xi32>
      %and3A_721 = arith.constant 127 : i32
      %and3A_722 = vector.broadcast %and3A_721 : i32 to vector<16xi32>
      %and3A_723 = arith.andi %add3A_717, %and3A_722 : vector<16xi32>
      %gather3A_724 = tpu.vector_load_idx %arg13[%shift_right_logical3A_720, %and3A_723] : memref<16x128xf32, #tpu.memory_space<vmem>>[vector<16xi32>, vector<16xi32>], vector<16xf32>,
      %scatter3A_725 = arith.constant 0 : i32
      %scatter3A_726 = arith.constant 0 : i32
      %scatter3A_727 = arith.constant 0 : i32
      %scatter3A_728 = tpu.memref_slice %arg12[%scatter3A_725, %scatter3A_726, %scatter3A_727] : memref<6x16x128xf32, #tpu.memory_space<vmem>> -> memref<1x16x128xf32, #tpu.memory_space<vmem>>
      %scatter3A_729 = tpu.memref_squeeze %scatter3A_728 : memref<1x16x128xf32, #tpu.memory_space<vmem>> -> memref<16x128xf32, #tpu.memory_space<vmem>>
      tpu.vector_store_idx %scatter3A_729[%iota3A, %broadcast_in_dim3A_714], %gather3A_724 : memref<16x128xf32, #tpu.memory_space<vmem>>[vector<16xi32>, vector<16xi32>], vector<16xf32>,
      %broadcast_in_dim3A_730 = arith.constant 30 : i32
      %broadcast_in_dim3A_731 = vector.broadcast %broadcast_in_dim3A_730 : i32 to vector<16xi32>
      %add3A_732 = arith.constant 30 : i32
      %add3A_733 = vector.broadcast %add3A_732 : i32 to vector<16xi32>
      %add3A_734 = arith.addi %mul3A_222, %add3A_733 : vector<16xi32>
      %shift_right_logical3A_735 = arith.constant 7 : i32
      %shift_right_logical3A_736 = vector.broadcast %shift_right_logical3A_735 : i32 to vector<16xi32>
      %shift_right_logical3A_737 = arith.shrui %add3A_734, %shift_right_logical3A_736 : vector<16xi32>
      %and3A_738 = arith.constant 127 : i32
      %and3A_739 = vector.broadcast %and3A_738 : i32 to vector<16xi32>
      %and3A_740 = arith.andi %add3A_734, %and3A_739 : vector<16xi32>
      %gather3A_741 = tpu.vector_load_idx %arg13[%shift_right_logical3A_737, %and3A_740] : memref<16x128xf32, #tpu.memory_space<vmem>>[vector<16xi32>, vector<16xi32>], vector<16xf32>,
      %scatter3A_742 = arith.constant 0 : i32
      %scatter3A_743 = arith.constant 0 : i32
      %scatter3A_744 = arith.constant 0 : i32
      %scatter3A_745 = tpu.memref_slice %arg12[%scatter3A_742, %scatter3A_743, %scatter3A_744] : memref<6x16x128xf32, #tpu.memory_space<vmem>> -> memref<1x16x128xf32, #tpu.memory_space<vmem>>
      %scatter3A_746 = tpu.memref_squeeze %scatter3A_745 : memref<1x16x128xf32, #tpu.memory_space<vmem>> -> memref<16x128xf32, #tpu.memory_space<vmem>>
      tpu.vector_store_idx %scatter3A_746[%iota3A, %broadcast_in_dim3A_731], %gather3A_741 : memref<16x128xf32, #tpu.memory_space<vmem>>[vector<16xi32>, vector<16xi32>], vector<16xf32>,
      %broadcast_in_dim3A_747 = arith.constant 31 : i32
      %broadcast_in_dim3A_748 = vector.broadcast %broadcast_in_dim3A_747 : i32 to vector<16xi32>
      %add3A_749 = arith.constant 31 : i32
      %add3A_750 = vector.broadcast %add3A_749 : i32 to vector<16xi32>
      %add3A_751 = arith.addi %mul3A_222, %add3A_750 : vector<16xi32>
      %shift_right_logical3A_752 = arith.constant 7 : i32
      %shift_right_logical3A_753 = vector.broadcast %shift_right_logical3A_752 : i32 to vector<16xi32>
      %shift_right_logical3A_754 = arith.shrui %add3A_751, %shift_right_logical3A_753 : vector<16xi32>
      %and3A_755 = arith.constant 127 : i32
      %and3A_756 = vector.broadcast %and3A_755 : i32 to vector<16xi32>
      %and3A_757 = arith.andi %add3A_751, %and3A_756 : vector<16xi32>
      %gather3A_758 = tpu.vector_load_idx %arg13[%shift_right_logical3A_754, %and3A_757] : memref<16x128xf32, #tpu.memory_space<vmem>>[vector<16xi32>, vector<16xi32>], vector<16xf32>,
      %scatter3A_759 = arith.constant 0 : i32
      %scatter3A_760 = arith.constant 0 : i32
      %scatter3A_761 = arith.constant 0 : i32
      %scatter3A_762 = tpu.memref_slice %arg12[%scatter3A_759, %scatter3A_760, %scatter3A_761] : memref<6x16x128xf32, #tpu.memory_space<vmem>> -> memref<1x16x128xf32, #tpu.memory_space<vmem>>
      %scatter3A_763 = tpu.memref_squeeze %scatter3A_762 : memref<1x16x128xf32, #tpu.memory_space<vmem>> -> memref<16x128xf32, #tpu.memory_space<vmem>>
      tpu.vector_store_idx %scatter3A_763[%iota3A, %broadcast_in_dim3A_748], %gather3A_758 : memref<16x128xf32, #tpu.memory_space<vmem>>[vector<16xi32>, vector<16xi32>], vector<16xf32>,
      %dma_start3A_764 = arith.constant 0 : i32
      %dma_start3A_765 = arith.constant 0 : i32
      %dma_start3A_766 = arith.constant 0 : i32
      %dma_start3A_767 = tpu.memref_slice %arg12[%dma_start3A_764, %dma_start3A_765, %dma_start3A_766] : memref<6x16x128xf32, #tpu.memory_space<vmem>> -> memref<1x16x128xf32, #tpu.memory_space<vmem>>
      %dma_start3A_768 = tpu.memref_squeeze %dma_start3A_767 : memref<1x16x128xf32, #tpu.memory_space<vmem>> -> memref<16x128xf32, #tpu.memory_space<vmem>>
      %dma_start3A_769 = arith.constant 0 : i32
      %dma_start3A_770 = arith.constant 0 : i32
      %dma_start3A_771 = tpu.memref_slice %arg5[%dma_start3A_769, %dma_start3A_770] : memref<32832x128xf32, #tpu.memory_space<hbm>> -> memref<32832x128xf32, #tpu.memory_space<hbm>>
      tpu.enqueue_indirect_dma source(%dma_start3A_768 : memref<16x128xf32, #tpu.memory_space<vmem>>) target(%dma_start3A_771 : memref<32832x128xf32, #tpu.memory_space<hbm>>) offsets(%get3A_211 : vector<16xi32>) semaphore(%arg16 : memref<!tpu.dma_semaphore, #tpu.memory_space<semaphore_mem>>)
      %dma_wait3A = arith.constant 0 : i32
      %dma_wait3A_772 = arith.constant 0 : i32
      %dma_wait3A_773 = arith.constant 0 : i32
      %dma_wait3A_774 = tpu.memref_slice %arg12[%dma_wait3A, %dma_wait3A_772, %dma_wait3A_773] : memref<6x16x128xf32, #tpu.memory_space<vmem>> -> memref<1x16x128xf32, #tpu.memory_space<vmem>>
      %dma_wait3A_775 = tpu.memref_squeeze %dma_wait3A_774 : memref<1x16x128xf32, #tpu.memory_space<vmem>> -> memref<16x128xf32, #tpu.memory_space<vmem>>
      %dma_wait3A_776 = arith.constant 0 : i32
      %dma_wait3A_777 = arith.constant 0 : i32
      %dma_wait3A_778 = tpu.memref_slice %arg5[%dma_wait3A_776, %dma_wait3A_777] : memref<32832x128xf32, #tpu.memory_space<hbm>> -> memref<32832x128xf32, #tpu.memory_space<hbm>>
      tpu.wait_indirect_dma semaphore(%arg16 : memref<!tpu.dma_semaphore, #tpu.memory_space<semaphore_mem>>) src(%dma_wait3A_775 : memref<16x128xf32, #tpu.memory_space<vmem>>) dst(%dma_wait3A_778 : memref<32832x128xf32, #tpu.memory_space<hbm>>)
    }
    %while3A_203 = arith.constant 1 : i32
    scf.for %while3A_204 = %while3A_201 to %while3A_197 step %while3A_203  : i32 {
      %mul3A_205 = arith.constant 16 : i32
      %mul3A_206 = arith.muli %while3A_204, %mul3A_205 : i32
      %get3A = arith.index_cast %mul3A_206 : i32 to index
      %get3A_207 = tpu.vector_load %arg9[%get3A] {strides = array<i32>} : memref<2080xi32, #tpu.memory_space<vmem>>, vector<16xi32>,
      %mul3A_208 = arith.constant 16 : i32
      %mul3A_209 = arith.muli %while3A_204, %mul3A_208 : i32
      %get3A_210 = arith.index_cast %mul3A_209 : i32 to index
      %get3A_211 = tpu.vector_load %arg10[%get3A_210] {strides = array<i32>} : memref<2080xi32, #tpu.memory_space<vmem>>, vector<16xi32>,
      %sub3A_212 = arith.constant 999936 : i32
      %sub3A_213 = vector.broadcast %sub3A_212 : i32 to vector<16xi32>
      %sub3A_214 = arith.subi %get3A_207, %sub3A_213 : vector<16xi32>
      %max3A = arith.constant 0 : i32
      %max3A_215 = vector.broadcast %max3A : i32 to vector<16xi32>
      %max3A_216 = arith.maxsi %sub3A_214, %max3A_215 : vector<16xi32>
      %min3A_217 = arith.constant 63 : i32
      %min3A_218 = vector.broadcast %min3A_217 : i32 to vector<16xi32>
      %min3A_219 = arith.minsi %max3A_216, %min3A_218 : vector<16xi32>
      %mul3A_220 = arith.constant 32 : i32
      %mul3A_221 = vector.broadcast %mul3A_220 : i32 to vector<16xi32>
      %mul3A_222 = arith.muli %min3A_219, %mul3A_221 : vector<16xi32>
      %broadcast_in_dim3A_223 = arith.constant 0 : i32
      %broadcast_in_dim3A_224 = vector.broadcast %broadcast_in_dim3A_223 : i32 to vector<16xi32>
      %add3A_225 = arith.constant 0 : i32
      %add3A_226 = vector.broadcast %add3A_225 : i32 to vector<16xi32>
      %add3A_227 = arith.addi %mul3A_222, %add3A_226 : vector<16xi32>
      %shift_right_logical3A = arith.constant 7 : i32
      %shift_right_logical3A_228 = vector.broadcast %shift_right_logical3A : i32 to vector<16xi32>
      %shift_right_logical3A_229 = arith.shrui %add3A_227, %shift_right_logical3A_228 : vector<16xi32>
      %and3A_230 = arith.constant 127 : i32
      %and3A_231 = vector.broadcast %and3A_230 : i32 to vector<16xi32>
      %and3A_232 = arith.andi %add3A_227, %and3A_231 : vector<16xi32>
      %gather3A = tpu.vector_load_idx %arg13[%shift_right_logical3A_229, %and3A_232] : memref<16x128xf32, #tpu.memory_space<vmem>>[vector<16xi32>, vector<16xi32>], vector<16xf32>,
      %scatter3A = arith.constant 0 : i32
      %scatter3A_233 = arith.constant 0 : i32
      %scatter3A_234 = arith.constant 0 : i32
      %scatter3A_235 = tpu.memref_slice %arg12[%scatter3A, %scatter3A_233, %scatter3A_234] : memref<6x16x128xf32, #tpu.memory_space<vmem>> -> memref<1x16x128xf32, #tpu.memory_space<vmem>>
      %scatter3A_236 = tpu.memref_squeeze %scatter3A_235 : memref<1x16x128xf32, #tpu.memory_space<vmem>> -> memref<16x128xf32, #tpu.memory_space<vmem>>
      tpu.vector_store_idx %scatter3A_236[%iota3A, %broadcast_in_dim3A_224], %gather3A : memref<16x128xf32, #tpu.memory_space<vmem>>[vector<16xi32>, vector<16xi32>], vector<16xf32>,
      %broadcast_in_dim3A_237 = arith.constant 1 : i32
      %broadcast_in_dim3A_238 = vector.broadcast %broadcast_in_dim3A_237 : i32 to vector<16xi32>
      %add3A_239 = arith.constant 1 : i32
      %add3A_240 = vector.broadcast %add3A_239 : i32 to vector<16xi32>
      %add3A_241 = arith.addi %mul3A_222, %add3A_240 : vector<16xi32>
      %shift_right_logical3A_242 = arith.constant 7 : i32
      %shift_right_logical3A_243 = vector.broadcast %shift_right_logical3A_242 : i32 to vector<16xi32>
      %shift_right_logical3A_244 = arith.shrui %add3A_241, %shift_right_logical3A_243 : vector<16xi32>
      %and3A_245 = arith.constant 127 : i32
      %and3A_246 = vector.broadcast %and3A_245 : i32 to vector<16xi32>
      %and3A_247 = arith.andi %add3A_241, %and3A_246 : vector<16xi32>
      %gather3A_248 = tpu.vector_load_idx %arg13[%shift_right_logical3A_244, %and3A_247] : memref<16x128xf32, #tpu.memory_space<vmem>>[vector<16xi32>, vector<16xi32>], vector<16xf32>,
      %scatter3A_249 = arith.constant 0 : i32
      %scatter3A_250 = arith.constant 0 : i32
      %scatter3A_251 = arith.constant 0 : i32
      %scatter3A_252 = tpu.memref_slice %arg12[%scatter3A_249, %scatter3A_250, %scatter3A_251] : memref<6x16x128xf32, #tpu.memory_space<vmem>> -> memref<1x16x128xf32, #tpu.memory_space<vmem>>
      %scatter3A_253 = tpu.memref_squeeze %scatter3A_252 : memref<1x16x128xf32, #tpu.memory_space<vmem>> -> memref<16x128xf32, #tpu.memory_space<vmem>>
      tpu.vector_store_idx %scatter3A_253[%iota3A, %broadcast_in_dim3A_238], %gather3A_248 : memref<16x128xf32, #tpu.memory_space<vmem>>[vector<16xi32>, vector<16xi32>], vector<16xf32>,
      %broadcast_in_dim3A_254 = arith.constant 2 : i32
      %broadcast_in_dim3A_255 = vector.broadcast %broadcast_in_dim3A_254 : i32 to vector<16xi32>
      %add3A_256 = arith.constant 2 : i32
      %add3A_257 = vector.broadcast %add3A_256 : i32 to vector<16xi32>
      %add3A_258 = arith.addi %mul3A_222, %add3A_257 : vector<16xi32>
      %shift_right_logical3A_259 = arith.constant 7 : i32
      %shift_right_logical3A_260 = vector.broadcast %shift_right_logical3A_259 : i32 to vector<16xi32>
      %shift_right_logical3A_261 = arith.shrui %add3A_258, %shift_right_logical3A_260 : vector<16xi32>
      %and3A_262 = arith.constant 127 : i32
      %and3A_263 = vector.broadcast %and3A_262 : i32 to vector<16xi32>
      %and3A_264 = arith.andi %add3A_258, %and3A_263 : vector<16xi32>
      %gather3A_265 = tpu.vector_load_idx %arg13[%shift_right_logical3A_261, %and3A_264] : memref<16x128xf32, #tpu.memory_space<vmem>>[vector<16xi32>, vector<16xi32>], vector<16xf32>,
      %scatter3A_266 = arith.constant 0 : i32
      %scatter3A_267 = arith.constant 0 : i32
      %scatter3A_268 = arith.constant 0 : i32
      %scatter3A_269 = tpu.memref_slice %arg12[%scatter3A_266, %scatter3A_267, %scatter3A_268] : memref<6x16x128xf32, #tpu.memory_space<vmem>> -> memref<1x16x128xf32, #tpu.memory_space<vmem>>
      %scatter3A_270 = tpu.memref_squeeze %scatter3A_269 : memref<1x16x128xf32, #tpu.memory_space<vmem>> -> memref<16x128xf32, #tpu.memory_space<vmem>>
      tpu.vector_store_idx %scatter3A_270[%iota3A, %broadcast_in_dim3A_255], %gather3A_265 : memref<16x128xf32, #tpu.memory_space<vmem>>[vector<16xi32>, vector<16xi32>], vector<16xf32>,
      %broadcast_in_dim3A_271 = arith.constant 3 : i32
      %broadcast_in_dim3A_272 = vector.broadcast %broadcast_in_dim3A_271 : i32 to vector<16xi32>
      %add3A_273 = arith.constant 3 : i32
      %add3A_274 = vector.broadcast %add3A_273 : i32 to vector<16xi32>
      %add3A_275 = arith.addi %mul3A_222, %add3A_274 : vector<16xi32>
      %shift_right_logical3A_276 = arith.constant 7 : i32
      %shift_right_logical3A_277 = vector.broadcast %shift_right_logical3A_276 : i32 to vector<16xi32>
      %shift_right_logical3A_278 = arith.shrui %add3A_275, %shift_right_logical3A_277 : vector<16xi32>
      %and3A_279 = arith.constant 127 : i32
      %and3A_280 = vector.broadcast %and3A_279 : i32 to vector<16xi32>
      %and3A_281 = arith.andi %add3A_275, %and3A_280 : vector<16xi32>
      %gather3A_282 = tpu.vector_load_idx %arg13[%shift_right_logical3A_278, %and3A_281] : memref<16x128xf32, #tpu.memory_space<vmem>>[vector<16xi32>, vector<16xi32>], vector<16xf32>,
      %scatter3A_283 = arith.constant 0 : i32
      %scatter3A_284 = arith.constant 0 : i32
      %scatter3A_285 = arith.constant 0 : i32
      %scatter3A_286 = tpu.memref_slice %arg12[%scatter3A_283, %scatter3A_284, %scatter3A_285] : memref<6x16x128xf32, #tpu.memory_space<vmem>> -> memref<1x16x128xf32, #tpu.memory_space<vmem>>
      %scatter3A_287 = tpu.memref_squeeze %scatter3A_286 : memref<1x16x128xf32, #tpu.memory_space<vmem>> -> memref<16x128xf32, #tpu.memory_space<vmem>>
      tpu.vector_store_idx %scatter3A_287[%iota3A, %broadcast_in_dim3A_272], %gather3A_282 : memref<16x128xf32, #tpu.memory_space<vmem>>[vector<16xi32>, vector<16xi32>], vector<16xf32>,
      %broadcast_in_dim3A_288 = arith.constant 4 : i32
      %broadcast_in_dim3A_289 = vector.broadcast %broadcast_in_dim3A_288 : i32 to vector<16xi32>
      %add3A_290 = arith.constant 4 : i32
      %add3A_291 = vector.broadcast %add3A_290 : i32 to vector<16xi32>
      %add3A_292 = arith.addi %mul3A_222, %add3A_291 : vector<16xi32>
      %shift_right_logical3A_293 = arith.constant 7 : i32
      %shift_right_logical3A_294 = vector.broadcast %shift_right_logical3A_293 : i32 to vector<16xi32>
      %shift_right_logical3A_295 = arith.shrui %add3A_292, %shift_right_logical3A_294 : vector<16xi32>
      %and3A_296 = arith.constant 127 : i32
      %and3A_297 = vector.broadcast %and3A_296 : i32 to vector<16xi32>
      %and3A_298 = arith.andi %add3A_292, %and3A_297 : vector<16xi32>
      %gather3A_299 = tpu.vector_load_idx %arg13[%shift_right_logical3A_295, %and3A_298] : memref<16x128xf32, #tpu.memory_space<vmem>>[vector<16xi32>, vector<16xi32>], vector<16xf32>,
      %scatter3A_300 = arith.constant 0 : i32
      %scatter3A_301 = arith.constant 0 : i32
      %scatter3A_302 = arith.constant 0 : i32
      %scatter3A_303 = tpu.memref_slice %arg12[%scatter3A_300, %scatter3A_301, %scatter3A_302] : memref<6x16x128xf32, #tpu.memory_space<vmem>> -> memref<1x16x128xf32, #tpu.memory_space<vmem>>
      %scatter3A_304 = tpu.memref_squeeze %scatter3A_303 : memref<1x16x128xf32, #tpu.memory_space<vmem>> -> memref<16x128xf32, #tpu.memory_space<vmem>>
      tpu.vector_store_idx %scatter3A_304[%iota3A, %broadcast_in_dim3A_289], %gather3A_299 : memref<16x128xf32, #tpu.memory_space<vmem>>[vector<16xi32>, vector<16xi32>], vector<16xf32>,
      %broadcast_in_dim3A_305 = arith.constant 5 : i32
      %broadcast_in_dim3A_306 = vector.broadcast %broadcast_in_dim3A_305 : i32 to vector<16xi32>
      %add3A_307 = arith.constant 5 : i32
      %add3A_308 = vector.broadcast %add3A_307 : i32 to vector<16xi32>
      %add3A_309 = arith.addi %mul3A_222, %add3A_308 : vector<16xi32>
      %shift_right_logical3A_310 = arith.constant 7 : i32
      %shift_right_logical3A_311 = vector.broadcast %shift_right_logical3A_310 : i32 to vector<16xi32>
      %shift_right_logical3A_312 = arith.shrui %add3A_309, %shift_right_logical3A_311 : vector<16xi32>
      %and3A_313 = arith.constant 127 : i32
      %and3A_314 = vector.broadcast %and3A_313 : i32 to vector<16xi32>
      %and3A_315 = arith.andi %add3A_309, %and3A_314 : vector<16xi32>
      %gather3A_316 = tpu.vector_load_idx %arg13[%shift_right_logical3A_312, %and3A_315] : memref<16x128xf32, #tpu.memory_space<vmem>>[vector<16xi32>, vector<16xi32>], vector<16xf32>,
      %scatter3A_317 = arith.constant 0 : i32
      %scatter3A_318 = arith.constant 0 : i32
      %scatter3A_319 = arith.constant 0 : i32
      %scatter3A_320 = tpu.memref_slice %arg12[%scatter3A_317, %scatter3A_318, %scatter3A_319] : memref<6x16x128xf32, #tpu.memory_space<vmem>> -> memref<1x16x128xf32, #tpu.memory_space<vmem>>
      %scatter3A_321 = tpu.memref_squeeze %scatter3A_320 : memref<1x16x128xf32, #tpu.memory_space<vmem>> -> memref<16x128xf32, #tpu.memory_space<vmem>>
      tpu.vector_store_idx %scatter3A_321[%iota3A, %broadcast_in_dim3A_306], %gather3A_316 : memref<16x128xf32, #tpu.memory_space<vmem>>[vector<16xi32>, vector<16xi32>], vector<16xf32>,
      %broadcast_in_dim3A_322 = arith.constant 6 : i32
      %broadcast_in_dim3A_323 = vector.broadcast %broadcast_in_dim3A_322 : i32 to vector<16xi32>
      %add3A_324 = arith.constant 6 : i32
      %add3A_325 = vector.broadcast %add3A_324 : i32 to vector<16xi32>
      %add3A_326 = arith.addi %mul3A_222, %add3A_325 : vector<16xi32>
      %shift_right_logical3A_327 = arith.constant 7 : i32
      %shift_right_logical3A_328 = vector.broadcast %shift_right_logical3A_327 : i32 to vector<16xi32>
      %shift_right_logical3A_329 = arith.shrui %add3A_326, %shift_right_logical3A_328 : vector<16xi32>
      %and3A_330 = arith.constant 127 : i32
      %and3A_331 = vector.broadcast %and3A_330 : i32 to vector<16xi32>
      %and3A_332 = arith.andi %add3A_326, %and3A_331 : vector<16xi32>
      %gather3A_333 = tpu.vector_load_idx %arg13[%shift_right_logical3A_329, %and3A_332] : memref<16x128xf32, #tpu.memory_space<vmem>>[vector<16xi32>, vector<16xi32>], vector<16xf32>,
      %scatter3A_334 = arith.constant 0 : i32
      %scatter3A_335 = arith.constant 0 : i32
      %scatter3A_336 = arith.constant 0 : i32
      %scatter3A_337 = tpu.memref_slice %arg12[%scatter3A_334, %scatter3A_335, %scatter3A_336] : memref<6x16x128xf32, #tpu.memory_space<vmem>> -> memref<1x16x128xf32, #tpu.memory_space<vmem>>
      %scatter3A_338 = tpu.memref_squeeze %scatter3A_337 : memref<1x16x128xf32, #tpu.memory_space<vmem>> -> memref<16x128xf32, #tpu.memory_space<vmem>>
      tpu.vector_store_idx %scatter3A_338[%iota3A, %broadcast_in_dim3A_323], %gather3A_333 : memref<16x128xf32, #tpu.memory_space<vmem>>[vector<16xi32>, vector<16xi32>], vector<16xf32>,
      %broadcast_in_dim3A_339 = arith.constant 7 : i32
      %broadcast_in_dim3A_340 = vector.broadcast %broadcast_in_dim3A_339 : i32 to vector<16xi32>
      %add3A_341 = arith.constant 7 : i32
      %add3A_342 = vector.broadcast %add3A_341 : i32 to vector<16xi32>
      %add3A_343 = arith.addi %mul3A_222, %add3A_342 : vector<16xi32>
      %shift_right_logical3A_344 = arith.constant 7 : i32
      %shift_right_logical3A_345 = vector.broadcast %shift_right_logical3A_344 : i32 to vector<16xi32>
      %shift_right_logical3A_346 = arith.shrui %add3A_343, %shift_right_logical3A_345 : vector<16xi32>
      %and3A_347 = arith.constant 127 : i32
      %and3A_348 = vector.broadcast %and3A_347 : i32 to vector<16xi32>
      %and3A_349 = arith.andi %add3A_343, %and3A_348 : vector<16xi32>
      %gather3A_350 = tpu.vector_load_idx %arg13[%shift_right_logical3A_346, %and3A_349] : memref<16x128xf32, #tpu.memory_space<vmem>>[vector<16xi32>, vector<16xi32>], vector<16xf32>,
      %scatter3A_351 = arith.constant 0 : i32
      %scatter3A_352 = arith.constant 0 : i32
      %scatter3A_353 = arith.constant 0 : i32
      %scatter3A_354 = tpu.memref_slice %arg12[%scatter3A_351, %scatter3A_352, %scatter3A_353] : memref<6x16x128xf32, #tpu.memory_space<vmem>> -> memref<1x16x128xf32, #tpu.memory_space<vmem>>
      %scatter3A_355 = tpu.memref_squeeze %scatter3A_354 : memref<1x16x128xf32, #tpu.memory_space<vmem>> -> memref<16x128xf32, #tpu.memory_space<vmem>>
      tpu.vector_store_idx %scatter3A_355[%iota3A, %broadcast_in_dim3A_340], %gather3A_350 : memref<16x128xf32, #tpu.memory_space<vmem>>[vector<16xi32>, vector<16xi32>], vector<16xf32>,
      %broadcast_in_dim3A_356 = arith.constant 8 : i32
      %broadcast_in_dim3A_357 = vector.broadcast %broadcast_in_dim3A_356 : i32 to vector<16xi32>
      %add3A_358 = arith.constant 8 : i32
      %add3A_359 = vector.broadcast %add3A_358 : i32 to vector<16xi32>
      %add3A_360 = arith.addi %mul3A_222, %add3A_359 : vector<16xi32>
      %shift_right_logical3A_361 = arith.constant 7 : i32
      %shift_right_logical3A_362 = vector.broadcast %shift_right_logical3A_361 : i32 to vector<16xi32>
      %shift_right_logical3A_363 = arith.shrui %add3A_360, %shift_right_logical3A_362 : vector<16xi32>
      %and3A_364 = arith.constant 127 : i32
      %and3A_365 = vector.broadcast %and3A_364 : i32 to vector<16xi32>
      %and3A_366 = arith.andi %add3A_360, %and3A_365 : vector<16xi32>
      %gather3A_367 = tpu.vector_load_idx %arg13[%shift_right_logical3A_363, %and3A_366] : memref<16x128xf32, #tpu.memory_space<vmem>>[vector<16xi32>, vector<16xi32>], vector<16xf32>,
      %scatter3A_368 = arith.constant 0 : i32
      %scatter3A_369 = arith.constant 0 : i32
      %scatter3A_370 = arith.constant 0 : i32
      %scatter3A_371 = tpu.memref_slice %arg12[%scatter3A_368, %scatter3A_369, %scatter3A_370] : memref<6x16x128xf32, #tpu.memory_space<vmem>> -> memref<1x16x128xf32, #tpu.memory_space<vmem>>
      %scatter3A_372 = tpu.memref_squeeze %scatter3A_371 : memref<1x16x128xf32, #tpu.memory_space<vmem>> -> memref<16x128xf32, #tpu.memory_space<vmem>>
      tpu.vector_store_idx %scatter3A_372[%iota3A, %broadcast_in_dim3A_357], %gather3A_367 : memref<16x128xf32, #tpu.memory_space<vmem>>[vector<16xi32>, vector<16xi32>], vector<16xf32>,
      %broadcast_in_dim3A_373 = arith.constant 9 : i32
      %broadcast_in_dim3A_374 = vector.broadcast %broadcast_in_dim3A_373 : i32 to vector<16xi32>
      %add3A_375 = arith.constant 9 : i32
      %add3A_376 = vector.broadcast %add3A_375 : i32 to vector<16xi32>
      %add3A_377 = arith.addi %mul3A_222, %add3A_376 : vector<16xi32>
      %shift_right_logical3A_378 = arith.constant 7 : i32
      %shift_right_logical3A_379 = vector.broadcast %shift_right_logical3A_378 : i32 to vector<16xi32>
      %shift_right_logical3A_380 = arith.shrui %add3A_377, %shift_right_logical3A_379 : vector<16xi32>
      %and3A_381 = arith.constant 127 : i32
      %and3A_382 = vector.broadcast %and3A_381 : i32 to vector<16xi32>
      %and3A_383 = arith.andi %add3A_377, %and3A_382 : vector<16xi32>
      %gather3A_384 = tpu.vector_load_idx %arg13[%shift_right_logical3A_380, %and3A_383] : memref<16x128xf32, #tpu.memory_space<vmem>>[vector<16xi32>, vector<16xi32>], vector<16xf32>,
      %scatter3A_385 = arith.constant 0 : i32
      %scatter3A_386 = arith.constant 0 : i32
      %scatter3A_387 = arith.constant 0 : i32
      %scatter3A_388 = tpu.memref_slice %arg12[%scatter3A_385, %scatter3A_386, %scatter3A_387] : memref<6x16x128xf32, #tpu.memory_space<vmem>> -> memref<1x16x128xf32, #tpu.memory_space<vmem>>
      %scatter3A_389 = tpu.memref_squeeze %scatter3A_388 : memref<1x16x128xf32, #tpu.memory_space<vmem>> -> memref<16x128xf32, #tpu.memory_space<vmem>>
      tpu.vector_store_idx %scatter3A_389[%iota3A, %broadcast_in_dim3A_374], %gather3A_384 : memref<16x128xf32, #tpu.memory_space<vmem>>[vector<16xi32>, vector<16xi32>], vector<16xf32>,
      %broadcast_in_dim3A_390 = arith.constant 10 : i32
      %broadcast_in_dim3A_391 = vector.broadcast %broadcast_in_dim3A_390 : i32 to vector<16xi32>
      %add3A_392 = arith.constant 10 : i32
      %add3A_393 = vector.broadcast %add3A_392 : i32 to vector<16xi32>
      %add3A_394 = arith.addi %mul3A_222, %add3A_393 : vector<16xi32>
      %shift_right_logical3A_395 = arith.constant 7 : i32
      %shift_right_logical3A_396 = vector.broadcast %shift_right_logical3A_395 : i32 to vector<16xi32>
      %shift_right_logical3A_397 = arith.shrui %add3A_394, %shift_right_logical3A_396 : vector<16xi32>
      %and3A_398 = arith.constant 127 : i32
      %and3A_399 = vector.broadcast %and3A_398 : i32 to vector<16xi32>
      %and3A_400 = arith.andi %add3A_394, %and3A_399 : vector<16xi32>
      %gather3A_401 = tpu.vector_load_idx %arg13[%shift_right_logical3A_397, %and3A_400] : memref<16x128xf32, #tpu.memory_space<vmem>>[vector<16xi32>, vector<16xi32>], vector<16xf32>,
      %scatter3A_402 = arith.constant 0 : i32
      %scatter3A_403 = arith.constant 0 : i32
      %scatter3A_404 = arith.constant 0 : i32
      %scatter3A_405 = tpu.memref_slice %arg12[%scatter3A_402, %scatter3A_403, %scatter3A_404] : memref<6x16x128xf32, #tpu.memory_space<vmem>> -> memref<1x16x128xf32, #tpu.memory_space<vmem>>
      %scatter3A_406 = tpu.memref_squeeze %scatter3A_405 : memref<1x16x128xf32, #tpu.memory_space<vmem>> -> memref<16x128xf32, #tpu.memory_space<vmem>>
      tpu.vector_store_idx %scatter3A_406[%iota3A, %broadcast_in_dim3A_391], %gather3A_401 : memref<16x128xf32, #tpu.memory_space<vmem>>[vector<16xi32>, vector<16xi32>], vector<16xf32>,
      %broadcast_in_dim3A_407 = arith.constant 11 : i32
      %broadcast_in_dim3A_408 = vector.broadcast %broadcast_in_dim3A_407 : i32 to vector<16xi32>
      %add3A_409 = arith.constant 11 : i32
      %add3A_410 = vector.broadcast %add3A_409 : i32 to vector<16xi32>
      %add3A_411 = arith.addi %mul3A_222, %add3A_410 : vector<16xi32>
      %shift_right_logical3A_412 = arith.constant 7 : i32
      %shift_right_logical3A_413 = vector.broadcast %shift_right_logical3A_412 : i32 to vector<16xi32>
      %shift_right_logical3A_414 = arith.shrui %add3A_411, %shift_right_logical3A_413 : vector<16xi32>
      %and3A_415 = arith.constant 127 : i32
      %and3A_416 = vector.broadcast %and3A_415 : i32 to vector<16xi32>
      %and3A_417 = arith.andi %add3A_411, %and3A_416 : vector<16xi32>
      %gather3A_418 = tpu.vector_load_idx %arg13[%shift_right_logical3A_414, %and3A_417] : memref<16x128xf32, #tpu.memory_space<vmem>>[vector<16xi32>, vector<16xi32>], vector<16xf32>,
      %scatter3A_419 = arith.constant 0 : i32
      %scatter3A_420 = arith.constant 0 : i32
      %scatter3A_421 = arith.constant 0 : i32
      %scatter3A_422 = tpu.memref_slice %arg12[%scatter3A_419, %scatter3A_420, %scatter3A_421] : memref<6x16x128xf32, #tpu.memory_space<vmem>> -> memref<1x16x128xf32, #tpu.memory_space<vmem>>
      %scatter3A_423 = tpu.memref_squeeze %scatter3A_422 : memref<1x16x128xf32, #tpu.memory_space<vmem>> -> memref<16x128xf32, #tpu.memory_space<vmem>>
      tpu.vector_store_idx %scatter3A_423[%iota3A, %broadcast_in_dim3A_408], %gather3A_418 : memref<16x128xf32, #tpu.memory_space<vmem>>[vector<16xi32>, vector<16xi32>], vector<16xf32>,
      %broadcast_in_dim3A_424 = arith.constant 12 : i32
      %broadcast_in_dim3A_425 = vector.broadcast %broadcast_in_dim3A_424 : i32 to vector<16xi32>
      %add3A_426 = arith.constant 12 : i32
      %add3A_427 = vector.broadcast %add3A_426 : i32 to vector<16xi32>
      %add3A_428 = arith.addi %mul3A_222, %add3A_427 : vector<16xi32>
      %shift_right_logical3A_429 = arith.constant 7 : i32
      %shift_right_logical3A_430 = vector.broadcast %shift_right_logical3A_429 : i32 to vector<16xi32>
      %shift_right_logical3A_431 = arith.shrui %add3A_428, %shift_right_logical3A_430 : vector<16xi32>
      %and3A_432 = arith.constant 127 : i32
      %and3A_433 = vector.broadcast %and3A_432 : i32 to vector<16xi32>
      %and3A_434 = arith.andi %add3A_428, %and3A_433 : vector<16xi32>
      %gather3A_435 = tpu.vector_load_idx %arg13[%shift_right_logical3A_431, %and3A_434] : memref<16x128xf32, #tpu.memory_space<vmem>>[vector<16xi32>, vector<16xi32>], vector<16xf32>,
      %scatter3A_436 = arith.constant 0 : i32
      %scatter3A_437 = arith.constant 0 : i32
      %scatter3A_438 = arith.constant 0 : i32
      %scatter3A_439 = tpu.memref_slice %arg12[%scatter3A_436, %scatter3A_437, %scatter3A_438] : memref<6x16x128xf32, #tpu.memory_space<vmem>> -> memref<1x16x128xf32, #tpu.memory_space<vmem>>
      %scatter3A_440 = tpu.memref_squeeze %scatter3A_439 : memref<1x16x128xf32, #tpu.memory_space<vmem>> -> memref<16x128xf32, #tpu.memory_space<vmem>>
      tpu.vector_store_idx %scatter3A_440[%iota3A, %broadcast_in_dim3A_425], %gather3A_435 : memref<16x128xf32, #tpu.memory_space<vmem>>[vector<16xi32>, vector<16xi32>], vector<16xf32>,
      %broadcast_in_dim3A_441 = arith.constant 13 : i32
      %broadcast_in_dim3A_442 = vector.broadcast %broadcast_in_dim3A_441 : i32 to vector<16xi32>
      %add3A_443 = arith.constant 13 : i32
      %add3A_444 = vector.broadcast %add3A_443 : i32 to vector<16xi32>
      %add3A_445 = arith.addi %mul3A_222, %add3A_444 : vector<16xi32>
      %shift_right_logical3A_446 = arith.constant 7 : i32
      %shift_right_logical3A_447 = vector.broadcast %shift_right_logical3A_446 : i32 to vector<16xi32>
      %shift_right_logical3A_448 = arith.shrui %add3A_445, %shift_right_logical3A_447 : vector<16xi32>
      %and3A_449 = arith.constant 127 : i32
      %and3A_450 = vector.broadcast %and3A_449 : i32 to vector<16xi32>
      %and3A_451 = arith.andi %add3A_445, %and3A_450 : vector<16xi32>
      %gather3A_452 = tpu.vector_load_idx %arg13[%shift_right_logical3A_448, %and3A_451] : memref<16x128xf32, #tpu.memory_space<vmem>>[vector<16xi32>, vector<16xi32>], vector<16xf32>,
      %scatter3A_453 = arith.constant 0 : i32
      %scatter3A_454 = arith.constant 0 : i32
      %scatter3A_455 = arith.constant 0 : i32
      %scatter3A_456 = tpu.memref_slice %arg12[%scatter3A_453, %scatter3A_454, %scatter3A_455] : memref<6x16x128xf32, #tpu.memory_space<vmem>> -> memref<1x16x128xf32, #tpu.memory_space<vmem>>
      %scatter3A_457 = tpu.memref_squeeze %scatter3A_456 : memref<1x16x128xf32, #tpu.memory_space<vmem>> -> memref<16x128xf32, #tpu.memory_space<vmem>>
      tpu.vector_store_idx %scatter3A_457[%iota3A, %broadcast_in_dim3A_442], %gather3A_452 : memref<16x128xf32, #tpu.memory_space<vmem>>[vector<16xi32>, vector<16xi32>], vector<16xf32>,
      %broadcast_in_dim3A_458 = arith.constant 14 : i32
      %broadcast_in_dim3A_459 = vector.broadcast %broadcast_in_dim3A_458 : i32 to vector<16xi32>
      %add3A_460 = arith.constant 14 : i32
      %add3A_461 = vector.broadcast %add3A_460 : i32 to vector<16xi32>
      %add3A_462 = arith.addi %mul3A_222, %add3A_461 : vector<16xi32>
      %shift_right_logical3A_463 = arith.constant 7 : i32
      %shift_right_logical3A_464 = vector.broadcast %shift_right_logical3A_463 : i32 to vector<16xi32>
      %shift_right_logical3A_465 = arith.shrui %add3A_462, %shift_right_logical3A_464 : vector<16xi32>
      %and3A_466 = arith.constant 127 : i32
      %and3A_467 = vector.broadcast %and3A_466 : i32 to vector<16xi32>
      %and3A_468 = arith.andi %add3A_462, %and3A_467 : vector<16xi32>
      %gather3A_469 = tpu.vector_load_idx %arg13[%shift_right_logical3A_465, %and3A_468] : memref<16x128xf32, #tpu.memory_space<vmem>>[vector<16xi32>, vector<16xi32>], vector<16xf32>,
      %scatter3A_470 = arith.constant 0 : i32
      %scatter3A_471 = arith.constant 0 : i32
      %scatter3A_472 = arith.constant 0 : i32
      %scatter3A_473 = tpu.memref_slice %arg12[%scatter3A_470, %scatter3A_471, %scatter3A_472] : memref<6x16x128xf32, #tpu.memory_space<vmem>> -> memref<1x16x128xf32, #tpu.memory_space<vmem>>
      %scatter3A_474 = tpu.memref_squeeze %scatter3A_473 : memref<1x16x128xf32, #tpu.memory_space<vmem>> -> memref<16x128xf32, #tpu.memory_space<vmem>>
      tpu.vector_store_idx %scatter3A_474[%iota3A, %broadcast_in_dim3A_459], %gather3A_469 : memref<16x128xf32, #tpu.memory_space<vmem>>[vector<16xi32>, vector<16xi32>], vector<16xf32>,
      %broadcast_in_dim3A_475 = arith.constant 15 : i32
      %broadcast_in_dim3A_476 = vector.broadcast %broadcast_in_dim3A_475 : i32 to vector<16xi32>
      %add3A_477 = arith.constant 15 : i32
      %add3A_478 = vector.broadcast %add3A_477 : i32 to vector<16xi32>
      %add3A_479 = arith.addi %mul3A_222, %add3A_478 : vector<16xi32>
      %shift_right_logical3A_480 = arith.constant 7 : i32
      %shift_right_logical3A_481 = vector.broadcast %shift_right_logical3A_480 : i32 to vector<16xi32>
      %shift_right_logical3A_482 = arith.shrui %add3A_479, %shift_right_logical3A_481 : vector<16xi32>
      %and3A_483 = arith.constant 127 : i32
      %and3A_484 = vector.broadcast %and3A_483 : i32 to vector<16xi32>
      %and3A_485 = arith.andi %add3A_479, %and3A_484 : vector<16xi32>
      %gather3A_486 = tpu.vector_load_idx %arg13[%shift_right_logical3A_482, %and3A_485] : memref<16x128xf32, #tpu.memory_space<vmem>>[vector<16xi32>, vector<16xi32>], vector<16xf32>,
      %scatter3A_487 = arith.constant 0 : i32
      %scatter3A_488 = arith.constant 0 : i32
      %scatter3A_489 = arith.constant 0 : i32
      %scatter3A_490 = tpu.memref_slice %arg12[%scatter3A_487, %scatter3A_488, %scatter3A_489] : memref<6x16x128xf32, #tpu.memory_space<vmem>> -> memref<1x16x128xf32, #tpu.memory_space<vmem>>
      %scatter3A_491 = tpu.memref_squeeze %scatter3A_490 : memref<1x16x128xf32, #tpu.memory_space<vmem>> -> memref<16x128xf32, #tpu.memory_space<vmem>>
      tpu.vector_store_idx %scatter3A_491[%iota3A, %broadcast_in_dim3A_476], %gather3A_486 : memref<16x128xf32, #tpu.memory_space<vmem>>[vector<16xi32>, vector<16xi32>], vector<16xf32>,
      %broadcast_in_dim3A_492 = arith.constant 16 : i32
      %broadcast_in_dim3A_493 = vector.broadcast %broadcast_in_dim3A_492 : i32 to vector<16xi32>
      %add3A_494 = arith.constant 16 : i32
      %add3A_495 = vector.broadcast %add3A_494 : i32 to vector<16xi32>
      %add3A_496 = arith.addi %mul3A_222, %add3A_495 : vector<16xi32>
      %shift_right_logical3A_497 = arith.constant 7 : i32
      %shift_right_logical3A_498 = vector.broadcast %shift_right_logical3A_497 : i32 to vector<16xi32>
      %shift_right_logical3A_499 = arith.shrui %add3A_496, %shift_right_logical3A_498 : vector<16xi32>
      %and3A_500 = arith.constant 127 : i32
      %and3A_501 = vector.broadcast %and3A_500 : i32 to vector<16xi32>
      %and3A_502 = arith.andi %add3A_496, %and3A_501 : vector<16xi32>
      %gather3A_503 = tpu.vector_load_idx %arg13[%shift_right_logical3A_499, %and3A_502] : memref<16x128xf32, #tpu.memory_space<vmem>>[vector<16xi32>, vector<16xi32>], vector<16xf32>,
      %scatter3A_504 = arith.constant 0 : i32
      %scatter3A_505 = arith.constant 0 : i32
      %scatter3A_506 = arith.constant 0 : i32
      %scatter3A_507 = tpu.memref_slice %arg12[%scatter3A_504, %scatter3A_505, %scatter3A_506] : memref<6x16x128xf32, #tpu.memory_space<vmem>> -> memref<1x16x128xf32, #tpu.memory_space<vmem>>
      %scatter3A_508 = tpu.memref_squeeze %scatter3A_507 : memref<1x16x128xf32, #tpu.memory_space<vmem>> -> memref<16x128xf32, #tpu.memory_space<vmem>>
      tpu.vector_store_idx %scatter3A_508[%iota3A, %broadcast_in_dim3A_493], %gather3A_503 : memref<16x128xf32, #tpu.memory_space<vmem>>[vector<16xi32>, vector<16xi32>], vector<16xf32>,
      %broadcast_in_dim3A_509 = arith.constant 17 : i32
      %broadcast_in_dim3A_510 = vector.broadcast %broadcast_in_dim3A_509 : i32 to vector<16xi32>
      %add3A_511 = arith.constant 17 : i32
      %add3A_512 = vector.broadcast %add3A_511 : i32 to vector<16xi32>
      %add3A_513 = arith.addi %mul3A_222, %add3A_512 : vector<16xi32>
      %shift_right_logical3A_514 = arith.constant 7 : i32
      %shift_right_logical3A_515 = vector.broadcast %shift_right_logical3A_514 : i32 to vector<16xi32>
      %shift_right_logical3A_516 = arith.shrui %add3A_513, %shift_right_logical3A_515 : vector<16xi32>
      %and3A_517 = arith.constant 127 : i32
      %and3A_518 = vector.broadcast %and3A_517 : i32 to vector<16xi32>
      %and3A_519 = arith.andi %add3A_513, %and3A_518 : vector<16xi32>
      %gather3A_520 = tpu.vector_load_idx %arg13[%shift_right_logical3A_516, %and3A_519] : memref<16x128xf32, #tpu.memory_space<vmem>>[vector<16xi32>, vector<16xi32>], vector<16xf32>,
      %scatter3A_521 = arith.constant 0 : i32
      %scatter3A_522 = arith.constant 0 : i32
      %scatter3A_523 = arith.constant 0 : i32
      %scatter3A_524 = tpu.memref_slice %arg12[%scatter3A_521, %scatter3A_522, %scatter3A_523] : memref<6x16x128xf32, #tpu.memory_space<vmem>> -> memref<1x16x128xf32, #tpu.memory_space<vmem>>
      %scatter3A_525 = tpu.memref_squeeze %scatter3A_524 : memref<1x16x128xf32, #tpu.memory_space<vmem>> -> memref<16x128xf32, #tpu.memory_space<vmem>>
      tpu.vector_store_idx %scatter3A_525[%iota3A, %broadcast_in_dim3A_510], %gather3A_520 : memref<16x128xf32, #tpu.memory_space<vmem>>[vector<16xi32>, vector<16xi32>], vector<16xf32>,
      %broadcast_in_dim3A_526 = arith.constant 18 : i32
      %broadcast_in_dim3A_527 = vector.broadcast %broadcast_in_dim3A_526 : i32 to vector<16xi32>
      %add3A_528 = arith.constant 18 : i32
      %add3A_529 = vector.broadcast %add3A_528 : i32 to vector<16xi32>
      %add3A_530 = arith.addi %mul3A_222, %add3A_529 : vector<16xi32>
      %shift_right_logical3A_531 = arith.constant 7 : i32
      %shift_right_logical3A_532 = vector.broadcast %shift_right_logical3A_531 : i32 to vector<16xi32>
      %shift_right_logical3A_533 = arith.shrui %add3A_530, %shift_right_logical3A_532 : vector<16xi32>
      %and3A_534 = arith.constant 127 : i32
      %and3A_535 = vector.broadcast %and3A_534 : i32 to vector<16xi32>
      %and3A_536 = arith.andi %add3A_530, %and3A_535 : vector<16xi32>
      %gather3A_537 = tpu.vector_load_idx %arg13[%shift_right_logical3A_533, %and3A_536] : memref<16x128xf32, #tpu.memory_space<vmem>>[vector<16xi32>, vector<16xi32>], vector<16xf32>,
      %scatter3A_538 = arith.constant 0 : i32
      %scatter3A_539 = arith.constant 0 : i32
      %scatter3A_540 = arith.constant 0 : i32
      %scatter3A_541 = tpu.memref_slice %arg12[%scatter3A_538, %scatter3A_539, %scatter3A_540] : memref<6x16x128xf32, #tpu.memory_space<vmem>> -> memref<1x16x128xf32, #tpu.memory_space<vmem>>
      %scatter3A_542 = tpu.memref_squeeze %scatter3A_541 : memref<1x16x128xf32, #tpu.memory_space<vmem>> -> memref<16x128xf32, #tpu.memory_space<vmem>>
      tpu.vector_store_idx %scatter3A_542[%iota3A, %broadcast_in_dim3A_527], %gather3A_537 : memref<16x128xf32, #tpu.memory_space<vmem>>[vector<16xi32>, vector<16xi32>], vector<16xf32>,
      %broadcast_in_dim3A_543 = arith.constant 19 : i32
      %broadcast_in_dim3A_544 = vector.broadcast %broadcast_in_dim3A_543 : i32 to vector<16xi32>
      %add3A_545 = arith.constant 19 : i32
      %add3A_546 = vector.broadcast %add3A_545 : i32 to vector<16xi32>
      %add3A_547 = arith.addi %mul3A_222, %add3A_546 : vector<16xi32>
      %shift_right_logical3A_548 = arith.constant 7 : i32
      %shift_right_logical3A_549 = vector.broadcast %shift_right_logical3A_548 : i32 to vector<16xi32>
      %shift_right_logical3A_550 = arith.shrui %add3A_547, %shift_right_logical3A_549 : vector<16xi32>
      %and3A_551 = arith.constant 127 : i32
      %and3A_552 = vector.broadcast %and3A_551 : i32 to vector<16xi32>
      %and3A_553 = arith.andi %add3A_547, %and3A_552 : vector<16xi32>
      %gather3A_554 = tpu.vector_load_idx %arg13[%shift_right_logical3A_550, %and3A_553] : memref<16x128xf32, #tpu.memory_space<vmem>>[vector<16xi32>, vector<16xi32>], vector<16xf32>,
      %scatter3A_555 = arith.constant 0 : i32
      %scatter3A_556 = arith.constant 0 : i32
      %scatter3A_557 = arith.constant 0 : i32
      %scatter3A_558 = tpu.memref_slice %arg12[%scatter3A_555, %scatter3A_556, %scatter3A_557] : memref<6x16x128xf32, #tpu.memory_space<vmem>> -> memref<1x16x128xf32, #tpu.memory_space<vmem>>
      %scatter3A_559 = tpu.memref_squeeze %scatter3A_558 : memref<1x16x128xf32, #tpu.memory_space<vmem>> -> memref<16x128xf32, #tpu.memory_space<vmem>>
      tpu.vector_store_idx %scatter3A_559[%iota3A, %broadcast_in_dim3A_544], %gather3A_554 : memref<16x128xf32, #tpu.memory_space<vmem>>[vector<16xi32>, vector<16xi32>], vector<16xf32>,
      %broadcast_in_dim3A_560 = arith.constant 20 : i32
      %broadcast_in_dim3A_561 = vector.broadcast %broadcast_in_dim3A_560 : i32 to vector<16xi32>
      %add3A_562 = arith.constant 20 : i32
      %add3A_563 = vector.broadcast %add3A_562 : i32 to vector<16xi32>
      %add3A_564 = arith.addi %mul3A_222, %add3A_563 : vector<16xi32>
      %shift_right_logical3A_565 = arith.constant 7 : i32
      %shift_right_logical3A_566 = vector.broadcast %shift_right_logical3A_565 : i32 to vector<16xi32>
      %shift_right_logical3A_567 = arith.shrui %add3A_564, %shift_right_logical3A_566 : vector<16xi32>
      %and3A_568 = arith.constant 127 : i32
      %and3A_569 = vector.broadcast %and3A_568 : i32 to vector<16xi32>
      %and3A_570 = arith.andi %add3A_564, %and3A_569 : vector<16xi32>
      %gather3A_571 = tpu.vector_load_idx %arg13[%shift_right_logical3A_567, %and3A_570] : memref<16x128xf32, #tpu.memory_space<vmem>>[vector<16xi32>, vector<16xi32>], vector<16xf32>,
      %scatter3A_572 = arith.constant 0 : i32
      %scatter3A_573 = arith.constant 0 : i32
      %scatter3A_574 = arith.constant 0 : i32
      %scatter3A_575 = tpu.memref_slice %arg12[%scatter3A_572, %scatter3A_573, %scatter3A_574] : memref<6x16x128xf32, #tpu.memory_space<vmem>> -> memref<1x16x128xf32, #tpu.memory_space<vmem>>
      %scatter3A_576 = tpu.memref_squeeze %scatter3A_575 : memref<1x16x128xf32, #tpu.memory_space<vmem>> -> memref<16x128xf32, #tpu.memory_space<vmem>>
      tpu.vector_store_idx %scatter3A_576[%iota3A, %broadcast_in_dim3A_561], %gather3A_571 : memref<16x128xf32, #tpu.memory_space<vmem>>[vector<16xi32>, vector<16xi32>], vector<16xf32>,
      %broadcast_in_dim3A_577 = arith.constant 21 : i32
      %broadcast_in_dim3A_578 = vector.broadcast %broadcast_in_dim3A_577 : i32 to vector<16xi32>
      %add3A_579 = arith.constant 21 : i32
      %add3A_580 = vector.broadcast %add3A_579 : i32 to vector<16xi32>
      %add3A_581 = arith.addi %mul3A_222, %add3A_580 : vector<16xi32>
      %shift_right_logical3A_582 = arith.constant 7 : i32
      %shift_right_logical3A_583 = vector.broadcast %shift_right_logical3A_582 : i32 to vector<16xi32>
      %shift_right_logical3A_584 = arith.shrui %add3A_581, %shift_right_logical3A_583 : vector<16xi32>
      %and3A_585 = arith.constant 127 : i32
      %and3A_586 = vector.broadcast %and3A_585 : i32 to vector<16xi32>
      %and3A_587 = arith.andi %add3A_581, %and3A_586 : vector<16xi32>
      %gather3A_588 = tpu.vector_load_idx %arg13[%shift_right_logical3A_584, %and3A_587] : memref<16x128xf32, #tpu.memory_space<vmem>>[vector<16xi32>, vector<16xi32>], vector<16xf32>,
      %scatter3A_589 = arith.constant 0 : i32
      %scatter3A_590 = arith.constant 0 : i32
      %scatter3A_591 = arith.constant 0 : i32
      %scatter3A_592 = tpu.memref_slice %arg12[%scatter3A_589, %scatter3A_590, %scatter3A_591] : memref<6x16x128xf32, #tpu.memory_space<vmem>> -> memref<1x16x128xf32, #tpu.memory_space<vmem>>
      %scatter3A_593 = tpu.memref_squeeze %scatter3A_592 : memref<1x16x128xf32, #tpu.memory_space<vmem>> -> memref<16x128xf32, #tpu.memory_space<vmem>>
      tpu.vector_store_idx %scatter3A_593[%iota3A, %broadcast_in_dim3A_578], %gather3A_588 : memref<16x128xf32, #tpu.memory_space<vmem>>[vector<16xi32>, vector<16xi32>], vector<16xf32>,
      %broadcast_in_dim3A_594 = arith.constant 22 : i32
      %broadcast_in_dim3A_595 = vector.broadcast %broadcast_in_dim3A_594 : i32 to vector<16xi32>
      %add3A_596 = arith.constant 22 : i32
      %add3A_597 = vector.broadcast %add3A_596 : i32 to vector<16xi32>
      %add3A_598 = arith.addi %mul3A_222, %add3A_597 : vector<16xi32>
      %shift_right_logical3A_599 = arith.constant 7 : i32
      %shift_right_logical3A_600 = vector.broadcast %shift_right_logical3A_599 : i32 to vector<16xi32>
      %shift_right_logical3A_601 = arith.shrui %add3A_598, %shift_right_logical3A_600 : vector<16xi32>
      %and3A_602 = arith.constant 127 : i32
      %and3A_603 = vector.broadcast %and3A_602 : i32 to vector<16xi32>
      %and3A_604 = arith.andi %add3A_598, %and3A_603 : vector<16xi32>
      %gather3A_605 = tpu.vector_load_idx %arg13[%shift_right_logical3A_601, %and3A_604] : memref<16x128xf32, #tpu.memory_space<vmem>>[vector<16xi32>, vector<16xi32>], vector<16xf32>,
      %scatter3A_606 = arith.constant 0 : i32
      %scatter3A_607 = arith.constant 0 : i32
      %scatter3A_608 = arith.constant 0 : i32
      %scatter3A_609 = tpu.memref_slice %arg12[%scatter3A_606, %scatter3A_607, %scatter3A_608] : memref<6x16x128xf32, #tpu.memory_space<vmem>> -> memref<1x16x128xf32, #tpu.memory_space<vmem>>
      %scatter3A_610 = tpu.memref_squeeze %scatter3A_609 : memref<1x16x128xf32, #tpu.memory_space<vmem>> -> memref<16x128xf32, #tpu.memory_space<vmem>>
      tpu.vector_store_idx %scatter3A_610[%iota3A, %broadcast_in_dim3A_595], %gather3A_605 : memref<16x128xf32, #tpu.memory_space<vmem>>[vector<16xi32>, vector<16xi32>], vector<16xf32>,
      %broadcast_in_dim3A_611 = arith.constant 23 : i32
      %broadcast_in_dim3A_612 = vector.broadcast %broadcast_in_dim3A_611 : i32 to vector<16xi32>
      %add3A_613 = arith.constant 23 : i32
      %add3A_614 = vector.broadcast %add3A_613 : i32 to vector<16xi32>
      %add3A_615 = arith.addi %mul3A_222, %add3A_614 : vector<16xi32>
      %shift_right_logical3A_616 = arith.constant 7 : i32
      %shift_right_logical3A_617 = vector.broadcast %shift_right_logical3A_616 : i32 to vector<16xi32>
      %shift_right_logical3A_618 = arith.shrui %add3A_615, %shift_right_logical3A_617 : vector<16xi32>
      %and3A_619 = arith.constant 127 : i32
      %and3A_620 = vector.broadcast %and3A_619 : i32 to vector<16xi32>
      %and3A_621 = arith.andi %add3A_615, %and3A_620 : vector<16xi32>
      %gather3A_622 = tpu.vector_load_idx %arg13[%shift_right_logical3A_618, %and3A_621] : memref<16x128xf32, #tpu.memory_space<vmem>>[vector<16xi32>, vector<16xi32>], vector<16xf32>,
      %scatter3A_623 = arith.constant 0 : i32
      %scatter3A_624 = arith.constant 0 : i32
      %scatter3A_625 = arith.constant 0 : i32
      %scatter3A_626 = tpu.memref_slice %arg12[%scatter3A_623, %scatter3A_624, %scatter3A_625] : memref<6x16x128xf32, #tpu.memory_space<vmem>> -> memref<1x16x128xf32, #tpu.memory_space<vmem>>
      %scatter3A_627 = tpu.memref_squeeze %scatter3A_626 : memref<1x16x128xf32, #tpu.memory_space<vmem>> -> memref<16x128xf32, #tpu.memory_space<vmem>>
      tpu.vector_store_idx %scatter3A_627[%iota3A, %broadcast_in_dim3A_612], %gather3A_622 : memref<16x128xf32, #tpu.memory_space<vmem>>[vector<16xi32>, vector<16xi32>], vector<16xf32>,
      %broadcast_in_dim3A_628 = arith.constant 24 : i32
      %broadcast_in_dim3A_629 = vector.broadcast %broadcast_in_dim3A_628 : i32 to vector<16xi32>
      %add3A_630 = arith.constant 24 : i32
      %add3A_631 = vector.broadcast %add3A_630 : i32 to vector<16xi32>
      %add3A_632 = arith.addi %mul3A_222, %add3A_631 : vector<16xi32>
      %shift_right_logical3A_633 = arith.constant 7 : i32
      %shift_right_logical3A_634 = vector.broadcast %shift_right_logical3A_633 : i32 to vector<16xi32>
      %shift_right_logical3A_635 = arith.shrui %add3A_632, %shift_right_logical3A_634 : vector<16xi32>
      %and3A_636 = arith.constant 127 : i32
      %and3A_637 = vector.broadcast %and3A_636 : i32 to vector<16xi32>
      %and3A_638 = arith.andi %add3A_632, %and3A_637 : vector<16xi32>
      %gather3A_639 = tpu.vector_load_idx %arg13[%shift_right_logical3A_635, %and3A_638] : memref<16x128xf32, #tpu.memory_space<vmem>>[vector<16xi32>, vector<16xi32>], vector<16xf32>,
      %scatter3A_640 = arith.constant 0 : i32
      %scatter3A_641 = arith.constant 0 : i32
      %scatter3A_642 = arith.constant 0 : i32
      %scatter3A_643 = tpu.memref_slice %arg12[%scatter3A_640, %scatter3A_641, %scatter3A_642] : memref<6x16x128xf32, #tpu.memory_space<vmem>> -> memref<1x16x128xf32, #tpu.memory_space<vmem>>
      %scatter3A_644 = tpu.memref_squeeze %scatter3A_643 : memref<1x16x128xf32, #tpu.memory_space<vmem>> -> memref<16x128xf32, #tpu.memory_space<vmem>>
      tpu.vector_store_idx %scatter3A_644[%iota3A, %broadcast_in_dim3A_629], %gather3A_639 : memref<16x128xf32, #tpu.memory_space<vmem>>[vector<16xi32>, vector<16xi32>], vector<16xf32>,
      %broadcast_in_dim3A_645 = arith.constant 25 : i32
      %broadcast_in_dim3A_646 = vector.broadcast %broadcast_in_dim3A_645 : i32 to vector<16xi32>
      %add3A_647 = arith.constant 25 : i32
      %add3A_648 = vector.broadcast %add3A_647 : i32 to vector<16xi32>
      %add3A_649 = arith.addi %mul3A_222, %add3A_648 : vector<16xi32>
      %shift_right_logical3A_650 = arith.constant 7 : i32
      %shift_right_logical3A_651 = vector.broadcast %shift_right_logical3A_650 : i32 to vector<16xi32>
      %shift_right_logical3A_652 = arith.shrui %add3A_649, %shift_right_logical3A_651 : vector<16xi32>
      %and3A_653 = arith.constant 127 : i32
      %and3A_654 = vector.broadcast %and3A_653 : i32 to vector<16xi32>
      %and3A_655 = arith.andi %add3A_649, %and3A_654 : vector<16xi32>
      %gather3A_656 = tpu.vector_load_idx %arg13[%shift_right_logical3A_652, %and3A_655] : memref<16x128xf32, #tpu.memory_space<vmem>>[vector<16xi32>, vector<16xi32>], vector<16xf32>,
      %scatter3A_657 = arith.constant 0 : i32
      %scatter3A_658 = arith.constant 0 : i32
      %scatter3A_659 = arith.constant 0 : i32
      %scatter3A_660 = tpu.memref_slice %arg12[%scatter3A_657, %scatter3A_658, %scatter3A_659] : memref<6x16x128xf32, #tpu.memory_space<vmem>> -> memref<1x16x128xf32, #tpu.memory_space<vmem>>
      %scatter3A_661 = tpu.memref_squeeze %scatter3A_660 : memref<1x16x128xf32, #tpu.memory_space<vmem>> -> memref<16x128xf32, #tpu.memory_space<vmem>>
      tpu.vector_store_idx %scatter3A_661[%iota3A, %broadcast_in_dim3A_646], %gather3A_656 : memref<16x128xf32, #tpu.memory_space<vmem>>[vector<16xi32>, vector<16xi32>], vector<16xf32>,
      %broadcast_in_dim3A_662 = arith.constant 26 : i32
      %broadcast_in_dim3A_663 = vector.broadcast %broadcast_in_dim3A_662 : i32 to vector<16xi32>
      %add3A_664 = arith.constant 26 : i32
      %add3A_665 = vector.broadcast %add3A_664 : i32 to vector<16xi32>
      %add3A_666 = arith.addi %mul3A_222, %add3A_665 : vector<16xi32>
      %shift_right_logical3A_667 = arith.constant 7 : i32
      %shift_right_logical3A_668 = vector.broadcast %shift_right_logical3A_667 : i32 to vector<16xi32>
      %shift_right_logical3A_669 = arith.shrui %add3A_666, %shift_right_logical3A_668 : vector<16xi32>
      %and3A_670 = arith.constant 127 : i32
      %and3A_671 = vector.broadcast %and3A_670 : i32 to vector<16xi32>
      %and3A_672 = arith.andi %add3A_666, %and3A_671 : vector<16xi32>
      %gather3A_673 = tpu.vector_load_idx %arg13[%shift_right_logical3A_669, %and3A_672] : memref<16x128xf32, #tpu.memory_space<vmem>>[vector<16xi32>, vector<16xi32>], vector<16xf32>,
      %scatter3A_674 = arith.constant 0 : i32
      %scatter3A_675 = arith.constant 0 : i32
      %scatter3A_676 = arith.constant 0 : i32
      %scatter3A_677 = tpu.memref_slice %arg12[%scatter3A_674, %scatter3A_675, %scatter3A_676] : memref<6x16x128xf32, #tpu.memory_space<vmem>> -> memref<1x16x128xf32, #tpu.memory_space<vmem>>
      %scatter3A_678 = tpu.memref_squeeze %scatter3A_677 : memref<1x16x128xf32, #tpu.memory_space<vmem>> -> memref<16x128xf32, #tpu.memory_space<vmem>>
      tpu.vector_store_idx %scatter3A_678[%iota3A, %broadcast_in_dim3A_663], %gather3A_673 : memref<16x128xf32, #tpu.memory_space<vmem>>[vector<16xi32>, vector<16xi32>], vector<16xf32>,
      %broadcast_in_dim3A_679 = arith.constant 27 : i32
      %broadcast_in_dim3A_680 = vector.broadcast %broadcast_in_dim3A_679 : i32 to vector<16xi32>
      %add3A_681 = arith.constant 27 : i32
      %add3A_682 = vector.broadcast %add3A_681 : i32 to vector<16xi32>
      %add3A_683 = arith.addi %mul3A_222, %add3A_682 : vector<16xi32>
      %shift_right_logical3A_684 = arith.constant 7 : i32
      %shift_right_logical3A_685 = vector.broadcast %shift_right_logical3A_684 : i32 to vector<16xi32>
      %shift_right_logical3A_686 = arith.shrui %add3A_683, %shift_right_logical3A_685 : vector<16xi32>
      %and3A_687 = arith.constant 127 : i32
      %and3A_688 = vector.broadcast %and3A_687 : i32 to vector<16xi32>
      %and3A_689 = arith.andi %add3A_683, %and3A_688 : vector<16xi32>
      %gather3A_690 = tpu.vector_load_idx %arg13[%shift_right_logical3A_686, %and3A_689] : memref<16x128xf32, #tpu.memory_space<vmem>>[vector<16xi32>, vector<16xi32>], vector<16xf32>,
      %scatter3A_691 = arith.constant 0 : i32
      %scatter3A_692 = arith.constant 0 : i32
      %scatter3A_693 = arith.constant 0 : i32
      %scatter3A_694 = tpu.memref_slice %arg12[%scatter3A_691, %scatter3A_692, %scatter3A_693] : memref<6x16x128xf32, #tpu.memory_space<vmem>> -> memref<1x16x128xf32, #tpu.memory_space<vmem>>
      %scatter3A_695 = tpu.memref_squeeze %scatter3A_694 : memref<1x16x128xf32, #tpu.memory_space<vmem>> -> memref<16x128xf32, #tpu.memory_space<vmem>>
      tpu.vector_store_idx %scatter3A_695[%iota3A, %broadcast_in_dim3A_680], %gather3A_690 : memref<16x128xf32, #tpu.memory_space<vmem>>[vector<16xi32>, vector<16xi32>], vector<16xf32>,
      %broadcast_in_dim3A_696 = arith.constant 28 : i32
      %broadcast_in_dim3A_697 = vector.broadcast %broadcast_in_dim3A_696 : i32 to vector<16xi32>
      %add3A_698 = arith.constant 28 : i32
      %add3A_699 = vector.broadcast %add3A_698 : i32 to vector<16xi32>
      %add3A_700 = arith.addi %mul3A_222, %add3A_699 : vector<16xi32>
      %shift_right_logical3A_701 = arith.constant 7 : i32
      %shift_right_logical3A_702 = vector.broadcast %shift_right_logical3A_701 : i32 to vector<16xi32>
      %shift_right_logical3A_703 = arith.shrui %add3A_700, %shift_right_logical3A_702 : vector<16xi32>
      %and3A_704 = arith.constant 127 : i32
      %and3A_705 = vector.broadcast %and3A_704 : i32 to vector<16xi32>
      %and3A_706 = arith.andi %add3A_700, %and3A_705 : vector<16xi32>
      %gather3A_707 = tpu.vector_load_idx %arg13[%shift_right_logical3A_703, %and3A_706] : memref<16x128xf32, #tpu.memory_space<vmem>>[vector<16xi32>, vector<16xi32>], vector<16xf32>,
      %scatter3A_708 = arith.constant 0 : i32
      %scatter3A_709 = arith.constant 0 : i32
      %scatter3A_710 = arith.constant 0 : i32
      %scatter3A_711 = tpu.memref_slice %arg12[%scatter3A_708, %scatter3A_709, %scatter3A_710] : memref<6x16x128xf32, #tpu.memory_space<vmem>> -> memref<1x16x128xf32, #tpu.memory_space<vmem>>
      %scatter3A_712 = tpu.memref_squeeze %scatter3A_711 : memref<1x16x128xf32, #tpu.memory_space<vmem>> -> memref<16x128xf32, #tpu.memory_space<vmem>>
      tpu.vector_store_idx %scatter3A_712[%iota3A, %broadcast_in_dim3A_697], %gather3A_707 : memref<16x128xf32, #tpu.memory_space<vmem>>[vector<16xi32>, vector<16xi32>], vector<16xf32>,
      %broadcast_in_dim3A_713 = arith.constant 29 : i32
      %broadcast_in_dim3A_714 = vector.broadcast %broadcast_in_dim3A_713 : i32 to vector<16xi32>
      %add3A_715 = arith.constant 29 : i32
      %add3A_716 = vector.broadcast %add3A_715 : i32 to vector<16xi32>
      %add3A_717 = arith.addi %mul3A_222, %add3A_716 : vector<16xi32>
      %shift_right_logical3A_718 = arith.constant 7 : i32
      %shift_right_logical3A_719 = vector.broadcast %shift_right_logical3A_718 : i32 to vector<16xi32>
      %shift_right_logical3A_720 = arith.shrui %add3A_717, %shift_right_logical3A_719 : vector<16xi32>
      %and3A_721 = arith.constant 127 : i32
      %and3A_722 = vector.broadcast %and3A_721 : i32 to vector<16xi32>
      %and3A_723 = arith.andi %add3A_717, %and3A_722 : vector<16xi32>
      %gather3A_724 = tpu.vector_load_idx %arg13[%shift_right_logical3A_720, %and3A_723] : memref<16x128xf32, #tpu.memory_space<vmem>>[vector<16xi32>, vector<16xi32>], vector<16xf32>,
      %scatter3A_725 = arith.constant 0 : i32
      %scatter3A_726 = arith.constant 0 : i32
      %scatter3A_727 = arith.constant 0 : i32
      %scatter3A_728 = tpu.memref_slice %arg12[%scatter3A_725, %scatter3A_726, %scatter3A_727] : memref<6x16x128xf32, #tpu.memory_space<vmem>> -> memref<1x16x128xf32, #tpu.memory_space<vmem>>
      %scatter3A_729 = tpu.memref_squeeze %scatter3A_728 : memref<1x16x128xf32, #tpu.memory_space<vmem>> -> memref<16x128xf32, #tpu.memory_space<vmem>>
      tpu.vector_store_idx %scatter3A_729[%iota3A, %broadcast_in_dim3A_714], %gather3A_724 : memref<16x128xf32, #tpu.memory_space<vmem>>[vector<16xi32>, vector<16xi32>], vector<16xf32>,
      %broadcast_in_dim3A_730 = arith.constant 30 : i32
      %broadcast_in_dim3A_731 = vector.broadcast %broadcast_in_dim3A_730 : i32 to vector<16xi32>
      %add3A_732 = arith.constant 30 : i32
      %add3A_733 = vector.broadcast %add3A_732 : i32 to vector<16xi32>
      %add3A_734 = arith.addi %mul3A_222, %add3A_733 : vector<16xi32>
      %shift_right_logical3A_735 = arith.constant 7 : i32
      %shift_right_logical3A_736 = vector.broadcast %shift_right_logical3A_735 : i32 to vector<16xi32>
      %shift_right_logical3A_737 = arith.shrui %add3A_734, %shift_right_logical3A_736 : vector<16xi32>
      %and3A_738 = arith.constant 127 : i32
      %and3A_739 = vector.broadcast %and3A_738 : i32 to vector<16xi32>
      %and3A_740 = arith.andi %add3A_734, %and3A_739 : vector<16xi32>
      %gather3A_741 = tpu.vector_load_idx %arg13[%shift_right_logical3A_737, %and3A_740] : memref<16x128xf32, #tpu.memory_space<vmem>>[vector<16xi32>, vector<16xi32>], vector<16xf32>,
      %scatter3A_742 = arith.constant 0 : i32
      %scatter3A_743 = arith.constant 0 : i32
      %scatter3A_744 = arith.constant 0 : i32
      %scatter3A_745 = tpu.memref_slice %arg12[%scatter3A_742, %scatter3A_743, %scatter3A_744] : memref<6x16x128xf32, #tpu.memory_space<vmem>> -> memref<1x16x128xf32, #tpu.memory_space<vmem>>
      %scatter3A_746 = tpu.memref_squeeze %scatter3A_745 : memref<1x16x128xf32, #tpu.memory_space<vmem>> -> memref<16x128xf32, #tpu.memory_space<vmem>>
      tpu.vector_store_idx %scatter3A_746[%iota3A, %broadcast_in_dim3A_731], %gather3A_741 : memref<16x128xf32, #tpu.memory_space<vmem>>[vector<16xi32>, vector<16xi32>], vector<16xf32>,
      %broadcast_in_dim3A_747 = arith.constant 31 : i32
      %broadcast_in_dim3A_748 = vector.broadcast %broadcast_in_dim3A_747 : i32 to vector<16xi32>
      %add3A_749 = arith.constant 31 : i32
      %add3A_750 = vector.broadcast %add3A_749 : i32 to vector<16xi32>
      %add3A_751 = arith.addi %mul3A_222, %add3A_750 : vector<16xi32>
      %shift_right_logical3A_752 = arith.constant 7 : i32
      %shift_right_logical3A_753 = vector.broadcast %shift_right_logical3A_752 : i32 to vector<16xi32>
      %shift_right_logical3A_754 = arith.shrui %add3A_751, %shift_right_logical3A_753 : vector<16xi32>
      %and3A_755 = arith.constant 127 : i32
      %and3A_756 = vector.broadcast %and3A_755 : i32 to vector<16xi32>
      %and3A_757 = arith.andi %add3A_751, %and3A_756 : vector<16xi32>
      %gather3A_758 = tpu.vector_load_idx %arg13[%shift_right_logical3A_754, %and3A_757] : memref<16x128xf32, #tpu.memory_space<vmem>>[vector<16xi32>, vector<16xi32>], vector<16xf32>,
      %scatter3A_759 = arith.constant 0 : i32
      %scatter3A_760 = arith.constant 0 : i32
      %scatter3A_761 = arith.constant 0 : i32
      %scatter3A_762 = tpu.memref_slice %arg12[%scatter3A_759, %scatter3A_760, %scatter3A_761] : memref<6x16x128xf32, #tpu.memory_space<vmem>> -> memref<1x16x128xf32, #tpu.memory_space<vmem>>
      %scatter3A_763 = tpu.memref_squeeze %scatter3A_762 : memref<1x16x128xf32, #tpu.memory_space<vmem>> -> memref<16x128xf32, #tpu.memory_space<vmem>>
      tpu.vector_store_idx %scatter3A_763[%iota3A, %broadcast_in_dim3A_748], %gather3A_758 : memref<16x128xf32, #tpu.memory_space<vmem>>[vector<16xi32>, vector<16xi32>], vector<16xf32>,
      %dma_start3A_764 = arith.constant 0 : i32
      %dma_start3A_765 = arith.constant 0 : i32
      %dma_start3A_766 = arith.constant 0 : i32
      %dma_start3A_767 = tpu.memref_slice %arg12[%dma_start3A_764, %dma_start3A_765, %dma_start3A_766] : memref<6x16x128xf32, #tpu.memory_space<vmem>> -> memref<1x16x128xf32, #tpu.memory_space<vmem>>
      %dma_start3A_768 = tpu.memref_squeeze %dma_start3A_767 : memref<1x16x128xf32, #tpu.memory_space<vmem>> -> memref<16x128xf32, #tpu.memory_space<vmem>>
      %dma_start3A_769 = arith.constant 0 : i32
      %dma_start3A_770 = arith.constant 0 : i32
      %dma_start3A_771 = tpu.memref_slice %arg5[%dma_start3A_769, %dma_start3A_770] : memref<32832x128xf32, #tpu.memory_space<hbm>> -> memref<32832x128xf32, #tpu.memory_space<hbm>>
      tpu.enqueue_indirect_dma source(%dma_start3A_768 : memref<16x128xf32, #tpu.memory_space<vmem>>) target(%dma_start3A_771 : memref<32832x128xf32, #tpu.memory_space<hbm>>) offsets(%get3A_211 : vector<16xi32>) semaphore(%arg16 : memref<!tpu.dma_semaphore, #tpu.memory_space<semaphore_mem>>)
      %dma_wait3A = arith.constant 0 : i32
      %dma_wait3A_772 = arith.constant 0 : i32
      %dma_wait3A_773 = arith.constant 0 : i32
      %dma_wait3A_774 = tpu.memref_slice %arg12[%dma_wait3A, %dma_wait3A_772, %dma_wait3A_773] : memref<6x16x128xf32, #tpu.memory_space<vmem>> -> memref<1x16x128xf32, #tpu.memory_space<vmem>>
      %dma_wait3A_775 = tpu.memref_squeeze %dma_wait3A_774 : memref<1x16x128xf32, #tpu.memory_space<vmem>> -> memref<16x128xf32, #tpu.memory_space<vmem>>
      %dma_wait3A_776 = arith.constant 0 : i32
      %dma_wait3A_777 = arith.constant 0 : i32
      %dma_wait3A_778 = tpu.memref_slice %arg5[%dma_wait3A_776, %dma_wait3A_777] : memref<32832x128xf32, #tpu.memory_space<hbm>> -> memref<32832x128xf32, #tpu.memory_space<hbm>>
      tpu.wait_indirect_dma semaphore(%arg16 : memref<!tpu.dma_semaphore, #tpu.memory_space<semaphore_mem>>) src(%dma_wait3A_775 : memref<16x128xf32, #tpu.memory_space<vmem>>) dst(%dma_wait3A_778 : memref<32832x128xf32, #tpu.memory_space<hbm>>)
    }
    return
  }
}

</mosaic_0001>

<sc_bundles>
// kernel: kernel.4.cloned.1.call-start
scs
__scs_entry_jumppad:
0x0: {  	(pc) =	sbr.rel $0x88, $3  }
0x1: {  	(tag) =	ssettag $0x0;
	lr =	simm.s32 $0x1  }
0x2: {  	[smem:$0x3F9F] =	sst lr;
	_ =	strace $0xD0000000  }
0x3: {  	_ = 	snop  }
0x4: {  	_ = 	snop  }
0x5: {  	_ = 	snop  }
0x6: {  	_ = 	snop  }
0x7: {  	_ = 	snop  }
__scs_overlays_trampoline_lowered:
0x8: {  	[smem:$0x3FAE] =	sst s0  }
0x9: {  	[smem:$0x3FAF] =	sst s1  }
0xa: {  	[smem:$0x3FB0] =	sst s2  }
0xb: {  	[smem:$0x3FB1] =	sst s3  }
0xc: {  	[smem:$0x3FB2] =	sst s4  }
0xd: {  	[smem:$0x3FB3] =	sst s5  }
0xe: {  	[smem:$0x3FB4] =	sst s6  }
0xf: {  	[smem:$0x3FB5] =	sst s7  }
0x10: {  	[smem:$0x3FB6] =	sst s8  }
0x11: {  	[smem:$0x3FB7] =	sst s9;
	s0 =	simm.s32 @!p0 $0x0  }
0x12: {  	s1 =	sld [smem:$0x3F9D];
	s0 =	simm.s32 @p0 $0x1  }
0x13: {  	[smem:$0x3FB8] =	sst s0;
	s0 =	simm.s32 @!p1 $0x0  }
0x14: {  	s2 =	sld [smem:$0x3F9C];
	s0 =	simm.s32 @p1 $0x1  }
0x15: {  	[smem:$0x3FB9] =	sst s0;
	s0 =	simm.s32 @!p2 $0x0  }
0x16: {  	s3 =	sld [smem:$0x3FDB];
	s0 =	simm.s32 @p2 $0x1  }
0x17: {  	s4 =	simm.s32 $0x1BF5;
	[smem:$0x3FBB] =	sst s0  }
0x18: {  	s0 =	sld [smem:$0x3F9E];
	_ =	swait.ge [sflag:s4], $0x0  }
0x19: {  	s7 =	sld [smem:$0x3F9F]  }
0x1a: {  	s8 =	sadd.s32 $0xFFFFE003, lr  }
0x1b: {  	s9 =	sadd.s32 $0xFFFFFEF7, lr;
	s5 =	simm.s32 $0xFFFFFFFF;
	p2 =	slt.u32 s8, $0xFFFFF086  }
0x1c: {  	p1 =	slt.u32 s9, $0xF7A;
	s5 =	simm.s32 @!p2 $0x0  }
0x1d: {  	s5 =	simm.s32 @p1 $0x1;
	p0 =	seq.s32 s7, s2  }
0x1e: {  	s7 =	smul.u32 @!p0 $0xF7A, s2;
	p2 =	seq.s32 @!p0 s5, $0x0  }
0x1f: {  	s9 =	smul.u32 $0xF7A, s1;
	s8 =	simm.s32 @!p0 $0x1BF5;
	p2 =	por !p2, p0  }
0x20: {  	[sflag:s8] =	ssyncset.s32 @!p0 $0xFFFFF086;
	s6 =	sadd.s32 @!p0 s3, s7;
	s7 =	simm.s32 @!p0 $0x108  }
0x21: {  	s3 =	sadd.s32 s3, s9;
	s6 =	sadd.s32 @!p0 $0x88, s6;
	s7 =	simm.s32 @p2 $0x1082  }
0x22: {  	[simem:s7], [sflag:s8] =	dma.local @!p0 [hbm:s6], $0xF7A  }
0x23: {  	s9 =	sor.u32 $0xD0000000, s2;
	s6 =	simm.s32 $0x108;
	_ =	swait.ge @!p0 [sflag:s8], $0x0  }
0x24: {  	s3 =	sadd.s32 $0x88, s3;
	s6 =	simm.s32 @!p1 $0x1082;
	[sflag:s4] =	ssyncset.s32 $0xFFFFF086  }
0x25: {  	[simem:s6], [sflag:s4] =	dma.local [hbm:s3], $0xF7A  }
0x26: {  	[smem:$0x3F9F] =	sst s1;
	(tag) =	ssettag s2;
	_ =	strace s9  }
0x27: {  	s1 =	sld [smem:$0x3FAF]  }
0x28: {  	s2 =	sld [smem:$0x3FB0]  }
0x29: {  	s4 =	sld [smem:$0x3FB2]  }
0x2a: {  	p0 =	seq.s32 s5, $0x0;
	s5 =	sld [smem:$0x3FB3]  }
0x2b: {  	s6 =	sld [smem:$0x3FB4]  }
0x2c: {  	s7 =	sld [smem:$0x3FB5]  }
0x2d: {  	s3 =	simm.s32 $0x108;
	s8 =	sld [smem:$0x3FB6]  }
0x2e: {  	s3 =	simm.s32 @!p0 $0x1082;
	s9 =	sld [smem:$0x3FB7]  }
0x2f: {  	lr =	sadd.s32 s0, s3;
	s0 =	sld [smem:$0x3FAE]  }
0x30: {  	s3 =	sld [smem:$0x3FB1]  }
0x31: {  	[smem:$0x3FBA] =	sst s10  }
0x32: {  	s10 =	sld [smem:$0x3FB8];
	_ =	sdelay $0x3  }
0x33: {  	p0 =	seq.s32 s10, $0x1;
	s10 =	sld [smem:$0x3FBA];
	_ =	sdelay $0x3  }
0x34: {  	[smem:$0x3FBA] =	sst s10  }
0x35: {  	s10 =	sld [smem:$0x3FB9];
	_ =	sdelay $0x3  }
0x36: {  	p1 =	seq.s32 s10, $0x1;
	s10 =	sld [smem:$0x3FBA];
	_ =	sdelay $0x3  }
0x37: {  	[smem:$0x3FBA] =	sst s10  }
0x38: {  	s10 =	sld [smem:$0x3FBB]  }
0x39: {  	_ = 	snop;
	(pc) =	sbr.ind lr, $3  }
0x3a: {  	_ = 	snop  }
0x3b: {  	_ = 	snop  }
0x3c: {  	p2 =	seq.s32 s10, $0x1;
	s10 =	sld [smem:$0x3FBA]  }
0x3d: {  	_ =	shalt  }
0x3e: {  	_ =	shalt  }
0x3f: {  	_ =	shalt  }
0x40: {  	_ =	shalt  }
0x41: {  	_ =	shalt  }
0x42: {  	_ =	shalt  }
0x43: {  	_ =	shalt  }
0x44: {  	_ =	shalt  }
0x45: {  	_ =	shalt  }
0x46: {  	_ =	shalt  }
0x47: {  	_ =	shalt  }
0x48: {  	_ =	shalt  }
0x49: {  	_ =	shalt  }
0x4a: {  	_ =	shalt  }
0x4b: {  	_ =	shalt  }
0x4c: {  	_ =	shalt  }
0x4d: {  	_ =	shalt  }
0x4e: {  	_ =	shalt  }
0x4f: {  	_ =	shalt  }
0x50: {  	_ =	shalt  }
0x51: {  	_ =	shalt  }
0x52: {  	_ =	shalt  }
0x53: {  	_ =	shalt  }
0x54: {  	_ =	shalt  }
0x55: {  	_ =	shalt  }
0x56: {  	_ =	shalt  }
0x57: {  	_ =	shalt  }
0x58: {  	_ =	shalt  }
0x59: {  	_ =	shalt  }
0x5a: {  	_ =	shalt  }
0x5b: {  	_ =	shalt  }
0x5c: {  	_ =	shalt  }
0x5d: {  	_ =	shalt  }
0x5e: {  	_ =	shalt  }
0x5f: {  	_ =	shalt  }
0x60: {  	_ =	shalt  }
0x61: {  	_ =	shalt  }
0x62: {  	_ =	shalt  }
0x63: {  	_ =	shalt  }
0x64: {  	_ =	shalt  }
0x65: {  	_ =	shalt  }
0x66: {  	_ =	shalt  }
0x67: {  	_ =	shalt  }
0x68: {  	_ =	shalt  }
0x69: {  	_ =	shalt  }
0x6a: {  	_ =	shalt  }
0x6b: {  	_ =	shalt  }
0x6c: {  	_ =	shalt  }
0x6d: {  	_ =	shalt  }
0x6e: {  	_ =	shalt  }
0x6f: {  	_ =	shalt  }
0x70: {  	_ =	shalt  }
0x71: {  	_ =	shalt  }
0x72: {  	_ =	shalt  }
0x73: {  	_ =	shalt  }
0x74: {  	_ =	shalt  }
0x75: {  	_ =	shalt  }
0x76: {  	_ =	shalt  }
0x77: {  	_ =	shalt  }
0x78: {  	_ =	shalt  }
0x79: {  	_ =	shalt  }
0x7a: {  	_ =	shalt  }
0x7b: {  	_ =	shalt  }
0x7c: {  	_ =	shalt  }
0x7d: {  	_ =	shalt  }
0x7e: {  	_ =	shalt  }
0x7f: {  	_ =	shalt  }
0x80: {  	_ =	shalt  }
0x81: {  	_ =	shalt  }
0x82: {  	_ =	shalt  }
0x83: {  	_ =	shalt  }
0x84: {  	_ =	shalt  }
0x85: {  	_ =	shalt  }
0x86: {  	_ =	shalt  }
0x87: {  	_ =	shalt  }
.Lfunc_end0:
.L_simem_size_0:
called_computation_lowered:
.L_overlay_start_0:
0x88: {  	s2 =	sld [smem:$0x3FD9]  }
0x89: {  	s3 =	sld [smem:$0x3FFE];
	_ =	sdelay $0x1  }
0x8a: {  	s1 =	srdreg.scid  }
0x8b: {  	s0 =	sand.u32 $0x1, s1  }
0x8c: {  	s17 =	sshll.u32 s0, $0xA;
	s2 =	sadd.s32 s3, s2  }
0x8d: {  	s2 =	sadd.s32 s2, s17  }
0x8e: {  	[smem:$0x3FC6] =	sst s2  }
0x8f: {  	_ = 	snop  }
0x90: {  	s2 =	sld [smem:$0x3FC9]  }
0x91: {  	s18 =	sld [smem:$0x3FC8];
	(tm) =	ssettm $0x1  }
0x92: {  	s4 =	sld [smem:$0x3FFB];
	_ =	sdelay $0x3  }
0x93: {  	_ =	strace s4  }
0x94: {  	s4 =	sld [smem:$0x3FFC];
	_ =	sdelay $0x3  }
0x95: {  	_ =	strace s4  }
0x96: {  	s4 =	sld [smem:$0x3FFD];
	_ =	sdelay $0x3  }
0x97: {  	_ =	strace s4  }
0x98: {  	_ =	strace $0x8FFFFFFF  }
0x99: {  	s19 =	sld [smem:$0x3FDB];
	_ =	sdelay $0x1  }
0x9a: {  	s5 =	simm.s32 $_scs_section_size  }
0x9b: {  	s6 =	simm.s32 $_size__tile_overlayer_lowered;
	s7 =	simm.s32 $_tile_overlayer_lowered  }
0x9c: {  	s22 =	simm.s32 $0x1BFF;
	s21 =	sshll.u32 s7, $0x1;
	s4 =	sadd.s32 s5, s19  }
0x9d: {  	s8 =	simm.s32 $0x0;
	s20 =	sshll.u32 s6, $0x1;
	s6 =	sadd.s32 s21, s4  }
0x9e: {  	[timem:s8], [sflag:s22] =	dma.local [hbm:s6], s20  }
0x9f: {  	_ =	swait.ge [sflag:s22], s20  }
0xa0: {  	s5 =	ssub.s32 $0x0, s20;
	[sflag:s22] =	ssyncset.done $0x0  }
0xa1: {  	[sflag:s22] =	ssyncadd.s32 s5;
	_ =	sdelay $0x1  }
0xa2: {  	s23 =	simm.s32 $0x1B8B  }
0xa3: {  	_ =	swait.ge [sflag:s23], $0x1  }
0xa4: {  	[sflag:s23] =	ssyncset.done $0x0  }
0xa5: {  	s25 =	simm.s32 $0x1B8E;
	s24 =	sld [smem:$0x3FFE];
	[sflag:s23] =	ssyncadd.s32 $0xFFFFFFFF  }
0xa6: {  	s26 =	simm.s32 $execute0_lowered;
	[smem:$0x3FD2] =	sst s25  }
0xa7: {  	s6 =	sshll.u32 s26, $0x1;
	_ =	strace $0x80000046;
	[dreg:$0x1] =	wrdreg $0xFFFFFFFF  }
0xa8: {  	s28 =	simm.s32 $_size_execute0_lowered;
	s4 =	sadd.s32 s4, s6;
	[dreg:$0x0] =	wrdreg $0x0  }
0xa9: {  	s6 =	sshll.u32 s28, $0x1;
	[dreg:$0x2] =	wrdreg s4  }
0xaa: {  	[dreg:$0x3] =	wrdreg s6  }
0xab: {  	[dreg:$0x4] =	wrdreg $0xC0  }
0xac: {  	_ =	task [dreg:s8], $0x5FFFF  }
0xad: {  	[dreg:$0x1] =	wrdreg $0xFFFFFFFF  }
0xae: {  	[dreg:$0x0] =	wrdreg $0x60  }
0xaf: {  	[dreg:$0x2] =	wrdreg s2  }
0xb0: {  	[dreg:$0x3] =	wrdreg s18  }
0xb1: {  	[dreg:$0x4] =	wrdreg s24  }
0xb2: {  	[dreg:$0x5] =	wrdreg $0x9  }
0xb3: {  	_ =	task.clear_ibuf [dreg:s8], $0x6FFFF;
	_ =	strace $0x90000046  }
0xb4: {  	s29 =	simm.s32 $0x9;
	_ =	strace $0x80000048  }
0xb5: {  	_ =	swait.ge [sflag:s29], $0x1  }
0xb6: {  	[sflag:s29] =	ssyncadd.s32 $0xFFFFFFFF  }
0xb7: {  	_ =	strace $0x90000048  }
0xb8: {  	_ =	sfence  }
0xb9: {  	s30 =	sld [smem:$0x0];
	_ =	sdelay $0x2  }
0xba: {  	s31 =	sshll.u32 s1, $0xD;
	s1 =	sshrl.u32 s1, $0x2  }
0xbb: {  	s3 =	sand.u32 $0x4000, s31;
	s1 =	sadd.s32 s1, s30  }
0xbc: {  	s0 =	sor.u32 s3, s0;
	s1 =	sshll.u32 s1, $0x11  }
0xbd: {  	s0 =	sor.u32 s1, s0  }
0xbe: {  	s0 =	sadd.s32 $0x8F2B, s0  }
0xbf: {  	[sflag:s0] =	ssyncadd.remote.s32 $0x1  }
0xc0: {  	_ =	sfence.sel $0xFFFF  }
0xc1: {  	[dreg:$0x0] =	wrdreg $0xFFFFFFFF;
	(pc) =	sbr.abs _section_cstart, $3  }
0xc2: {  	[dreg:$0x1] =	wrdreg $0xFFFFFFFF  }
0xc3: {  	_ =	task.clear_ibuf [dreg:s8], $0x2FFFF;
	_ =	strace $0x9FFFFFFF  }
0xc4: {  	(tm) =	ssettm $0x7FFFFFFF  }
0xc5: {  	_ =	shalt  }
tec
execute0_lowered:
.L_overlay_start_1:
0x0: {  	(tag) =	ssettag $0x1  }
0x1: {  	s0 =	srdreg.scid;
	s7 =	rddreg [dreg:$0x1]  }
0x2: {  	s1 =	stileid.u32;
	v0 =	vlaneseq.u32;
	s8 =	rddreg [dreg:$0x2]  }
0x3: {  	v4 =	vimm.s32 $0x0;
	s14 =	simm.s32 $0x3;
	s16 =	simm.s32 $0x1F200;
	s17 =	simm.s32 $0x8000;
	v2 =	vmul.u32 $0x80, v0  }
0x4: {  	v5 =	vimm.s32 $0x40000000;
	vm0 =	vmmov $0xffff;
	s18 =	simm.s32 $0x9880;
	s19 =	simm.s32 $0x1;
	s23 =	simm.s32 $0xB100;
	v6 =	vor.u32 $0x8000, v0  }
0x5: {  	s24 =	simm.s32 $0xB980;
	s0 =	sand.u32 $0x1, s0;
	s1 =	sshll.u32 s1, $0x1;
	v7 =	vor.u32 $0x1, v2;
	v8 =	vor.u32 $0x2, v2;
	v9 =	vor.u32 $0x3, v2  }
0x6: {  	s25 =	simm.s32 $0x2;
	s26 =	simm.s32 $0x1C200;
	s2 =	sor.u32 s0, s1;
	v10 =	vor.u32 $0x4, v2;
	v11 =	vor.u32 $0x5, v2;
	v12 =	vor.u32 $0x6, v2  }
0x7: {  	s28 =	simm.s32 $0x0;
	s29 =	sadd.s32 $0x400, s8;
	s3 =	smul.u32 $0x1E84, s2;
	v13 =	vor.u32 $0x7, v2;
	v14 =	vor.u32 $0x8, v2;
	v15 =	vor.u32 $0x9, v2  }
0x8: {  	s8 =	sadd.s32 $0x600, s8;
	s9 =	sadd.s32 $0x10, s7;
	s1 =	rddreg [dreg:$0x0];
	v16 =	vor.u32 $0xA, v2;
	v17 =	vor.u32 $0xB, v2;
	v18 =	vor.u32 $0xC, v2  }
0x9: {  	s0 =	ssub.s32 $0x2, s0;
	p0 =	seq.s32 s2, $0x1F;
	v19 =	vor.u32 $0xD, v2;
	v20 =	vor.u32 $0xE, v2;
	v21 =	vor.u32 $0xF, v2;
	s4 =	sadd.s32 $0x1E84, s3  }
0xa: {  	s31 =	sshrl.u32 s0, $0x1;
	v22 =	vor.u32 $0x10, v2;
	v23 =	vor.u32 $0x11, v2;
	v24 =	vor.u32 $0x12, v2;
	s3 =	sshrl.u32 s3, $0x5;
	s4 =	sshrl.u32 s4, $0x5  }
.Ltmp0:
0xb: {  	v25 =	vor.u32 $0x13, v2;
	v26 =	vor.u32 $0x14, v2;
	v27 =	vor.u32 $0x15, v2;
	s2 =	sshll.u32 s4, $0x7;
	s6 =	sadd.s32 $0xFFFFFFF8, s4;
	(pc) =	sbr.rel .LBB2_1-.Ltmp0, $4  }
0xc: {  	v28 =	vor.u32 $0x16, v2;
	v29 =	vor.u32 $0x17, v2;
	v37 =	vor.u32 $0x1F, v2;
	s5 =	sshll.u32 s3, $0x7;
	s2 =	simm.s32 @p0 $0x40000000;
	s30 =	smin.u32 s3, s6  }
0xd: {  	v30 =	vor.u32 $0x18, v2;
	s0 =	ssub.s32 s0, s31;
	v1 =	vmov s5;
	s5 =	simm.s32 $0x0;
	v3 =	vmov s2;
	s2 =	sshll.u32 s30, $0x7  }
0xe: {  	v31 =	vor.u32 $0x19, v2;
	v32 =	vor.u32 $0x1A, v2;
	v33 =	vor.u32 $0x1B, v2;
	s11 =	smax.u32 s0, $0x1;
	[smem:$0x7FF] =	sst s5;
	s2 =	sand.u32 $0x1FFFFF80, s2  }
0xf: {  	v34 =	vor.u32 $0x1C, v2;
	v35 =	vor.u32 $0x1D, v2;
	v36 =	vor.u32 $0x1E, v2;
	_ =	strace $0x80000047;
	[dreg:$0x4] =	wrdreg s29;
	s10 =	sadd.s32 s1, s2  }
.LBB2_26:
0x10: {  	[sflag:s25] =	ssyncadd.s32 $0xFFFFF800  }
.LBB2_27:
0x11: {  	s28 =	sadd.s32 $0x1, s28  }
0x12: {  	p0 =	sne.s32 s28, s11  }
.Ltmp1:
0x13: {  	_ = 	snop;
	(pc) =	sbr.rel @!p0 .LBB2_28-.Ltmp1, $1  }
0x14: {  	_ =	sdelay $0x3  }
.LBB2_1:
0x15: {  	s0 =	rddreg [dreg:$0x1];
	s2 =	simm.s32 $0x80;
	s4 =	simm.s32 $0x100  }
0x16: {  	[tilespmem:s5], [sflag:$0x3] =	stream.strided.gather [hbm4b:s0+s2], $0x4000, s4, s2, $0x38;
	[tilespmem:$0x1FA00] =	vst v63  }
0x17: {  	_ =	swait.ge [sflag:s14], $0x4000  }
0x18: {  	[sflag:s14] =	ssyncset.done $0x0  }
0x19: {  	s30 =	simm.s32 $0x4000;
	[sflag:s14] =	ssyncadd.s32 $0xFFFFC000  }
0x1a: {  	[tilespmem:s30], [sflag:$0x3] =	stream.strided.gather [hbm4b:s9+s2], $0x4000, s4, s2, $0x38;
	[tilespmem:$0x1FA00] =	vst v63  }
0x1b: {  	_ =	swait.ge [sflag:s14], $0x4000  }
0x1c: {  	[sflag:s14] =	ssyncset.done $0x0  }
0x1d: {  	s31 =	rddreg [dreg:$0x4];
	[sflag:s14] =	ssyncadd.s32 $0xFFFFC000  }
0x1e: {  	[tilespmem:s16], [sflag:$0x3] =	stream.linear.gather [hbm4b:s31+s5], $0x800, $0x38;
	[tilespmem:$0x1FA00] =	vst v63  }
0x1f: {  	_ =	swait.ge [sflag:s14], $0x800  }
0x20: {  	[sflag:s14] =	ssyncset.done $0x0  }
0x21: {  	[sflag:s14] =	ssyncadd.s32 $0xFFFFF800  }
0x22: {  	v38 =	vld [tilespmem:s5+$0x0]  }
0x23: {  	v40 =	vimm.s32 $0x0;
	v39 =	vimm.s32 $0x0;
	s0 =	simm.s32 $0x0;
	s2 =	simm.s32 $0x10;
	s4 =	simm.s32 $0x0  }
.LBB2_2:
0x24: {  	p0 =	sne.s32 s2, $0x7FF0;
	_ =	sdelay $0x2  }
0x25: {  	vm1 =	vge.s32 v38, v1;
	vm2 =	vlt.s32 v38, v3  }
0x26: {  	vm1 =	vmand vm1, vm2  }
0x27: {  	v41 =	vsel vm1, $0x1, v4;
	v42 =	vmpcnt.ones.xlane vm1  }
0x28: {  	(xrf0) =	vadd.scan.msk.s32 $0xffff, v41  }
0x29: {  	v40 =	vadd.s32 v40, v42;
	_ =	sdelay $0x3  }
0x2a: {  	v41 =	vsel vm1, $0xFFFFFFFF, v4  }
0x2b: {  	v41 =	vadd.s32 v41, v39;
	v39 =	vmov v40;
	v42, _, _ =	vpop (xrf0)  }
0x2c: {  	v41 =	vadd.s32 v42, v41  }
0x2d: {  	vm2 =	vlt.s32 v41, $0x1800  }
0x2e: {  	v41 =	vnsel vm2, $0x1800, v41;
	_ =	sdelay $0x3  }
.Ltmp2:
0x2f: {  	(pc) =	sbr.rel @p0 .LBB2_2-.Ltmp2, $4  }
0x30: {  	v42 =	vor.u32 s0, v0;
	s0 =	smov.u32 s2;
	[tilespmem:v41+s17+$0x0] =	vst.idx.msk vm1, v38  }
0x31: {  	s4 =	sadd.s32 $0x10, s4;
	[tilespmem:v41+s18+$0x0] =	vst.idx.msk vm1, v42  }
0x32: {  	v38 =	vld [tilespmem:s4+$0x0]  }
0x33: {  	s2 =	sadd.s32 $0x10, s2  }
0x34: {  	_ =	sdelay $0x2  }
0x35: {  	vm1 =	vge.s32 v38, v1;
	vm2 =	vlt.s32 v38, v3  }
0x36: {  	vm1 =	vmand vm1, vm2  }
0x37: {  	v41 =	vmpcnt.ones.xlane vm1;
	_ =	sdelay $0x1  }
0x38: {  	v42 =	vsel vm1, $0x1, v4;
	v40 =	vadd.s32 v40, v41  }
0x39: {  	(xrf0) =	vadd.scan.msk.s32 $0xffff, v42;
	v40 =	vxor.u32 $0x80000000, v40  }
0x3a: {  	(xrf0) =	vmax.scan.msk.u32 $0xffff, v40;
	_ =	sdelay $0x4  }
0x3b: {  	v60, _, _ =	vpop (xrf0)  }
0x3c: {  	v61, _, _ =	vpop (xrf0)  }
0x3d: {  	(v2sf) =	vpush v61, $0xF;
	_ =	sdelay $0x7  }
0x3e: {  	v62 =	vsel vm1, $0xFFFFFFFF, v4  }
0x3f: {  	v39 =	vadd.s32 v62, v39  }
0x40: {  	v39 =	vadd.s32 v60, v39  }
0x41: {  	vm2 =	vlt.s32 v39, $0x1800  }
0x42: {  	v39 =	vnsel vm2, $0x1800, v39;
	_ =	sdelay $0x2  }
0x43: {  	s2 =	spop (v2sf)  }
0x44: {  	s2 =	sxor.u32 $0x80000000, s2  }
0x45: {  	v63 =	vor.u32 s0, v0;
	[tilespmem:v39+s17+$0x0] =	vst.idx.msk vm1, v38;
	p0 =	slt.s32 s2, $0x1800  }
0x46: {  	[tilespmem:v39+s18+$0x0] =	vst.idx.msk vm1, v63;
	p1 =	slt.s32 s2, $0xFFFFFFE2;
	s2 =	simm.s32 @!p0 $0x1800  }
0x47: {  	[tilespmem:s2+$0x8000] =	vst v5  }
0x48: {  	[tilespmem:s2+$0x9880] =	vst v6  }
0x49: {  	s31 =	simm.s32 $0x2000;
	s21 =	sadd.s32 $0x1F, s2;
	[tilespmem:s2+$0x8010] =	vst v5  }
0x4a: {  	s7 =	simm.s32 $0x7A1400;
	s12 =	simm.s32 $0xC200;
	[tilespmem:s2+$0x9890] =	vst v6;
	s4 =	sand.u32 $0x1F, s21  }
0x4b: {  	[tilespmem:s12], [sflag:$0x1] =	stream.strided.gather [hbm4b:s10+s31], $0x8000, s7, s31, $0x38;
	[tilespmem:$0x1FA00] =	vst v63  }
0x4c: {  	s22 =	sshra.s32 s21, $0x1F;
	p6 =	sne.s32 s4, $0x0  }
0x4d: {  	s4 =	sshrl.u32 s22, $0x1B;
	p0 =	por !p1, !p6  }
0x4e: {  	s0 =	sadd.s32 s4, s21;
	s4 =	simm.s32 $0x1;
	p0 =	por !p0, !p0  }
0x4f: {  	s0 =	sshra.s32 s0, $0x5;
	s4 =	simm.s32 @!p0 $0x0  }
.Ltmp3:
0x50: {  	s29 =	ssub.s32 s0, s4;
	(pc) =	sbr.rel .LBB2_4-.Ltmp3, $4  }
0x51: {  	p0 =	slt.s32 s29, $0x1  }
0x52: {  	s0 =	simm.s32 @!p0 $0x0  }
0x53: {  	s0 =	simm.s32 @p0 $0x1  }
0x54: {  	s30 =	simm.s32 $0x0;
	[smem:$0x7FD] =	sst s0  }
.LBB2_13:
0x55: {  	s22 =	simm.s32 $0xB100  }
.LBB2_18:
0x56: {  	_ =	sdelay $0x3  }
0x57: {  	s2 =	simm.s32 @!p3 $0x2;
	[tilespmem:v37+s20+$0x0] =	vst.idx.msk @p1 $0xffff, v40  }
0x58: {  	[hbm4b:s8+s5] =	stream.indirect_vreg.scatter @p1 [tilespmem:s20], [sflag:$0x2], $0x80, v39, vm0, $0xb8;
	[tilespmem:$0x1FA00] =	vst v63  }
0x59: {  	_ =	swait.ge @!p3 [sflag:s2], $0x800  }
0x5a: {  	s7 =	sadd.s32 @p1 $0x10, s22;
	[sflag:s2] =	ssyncset.done @!p3 $0x0  }
0x5b: {  	s0 =	smov.u32 @p1 s7;
	[sflag:s2] =	ssyncadd.s32 @!p3 $0xFFFFF800  }
0x5c: {  	v52 =	vld [tilespmem:s0+$0x0];
	_ =	sdelay $0x4  }
0x5d: {  	v38 =	vsub.s32 v52, v38  }
0x5e: {  	vm1 =	vgt.s32 v38, $0x0  }
0x5f: {  	v38 =	vnsel vm1, $0x0, v38  }
0x60: {  	v38 =	vmin.u32 v38, $0x3FF  }
0x61: {  	v53 =	vshll.u32 v38, $0x3  }
0x62: {  	v54 =	vand.u32 $0x7F, v38;
	v39 =	vand.u32 $0x1C00, v53  }
0x63: {  	v40 =	vor.u32 v54, v39;
	_ =	sdelay $0x2  }
0x64: {  	s20 =	smulhi.u32 $0xAAAAAAAB, s12;
	_ =	sdelay $0x1  }
0x65: {  	s0 =	sshrl.u32 s20, $0x2;
	v41 =	vld.idx.msk [tilespmem:v40+s4+$0x0], $0xffff  }
0x66: {  	s0 =	smul.u32 $0xFFFF4000, s0;
	v42 =	vor.u32 $0x80, v40;
	_ =	sdelay $0x1  }
0x67: {  	s0 =	sshra.s32 s0, $0x2  }
0x68: {  	s0 =	sadd.s32 s0, s21  }
0x69: {  	v43 =	vld [tilespmem:s15+$0x0];
	[tilespmem:v2+s0+$0x0] =	vst.idx.msk $0xffff, v41  }
0x6a: {  	v41 =	vld.idx.msk [tilespmem:v42+s4+$0x0], $0xffff  }
0x6b: {  	v55 =	vor.u32 $0x100, v40;
	_ =	sdelay $0x3  }
0x6c: {  	[tilespmem:v7+s0+$0x0] =	vst.idx.msk $0xffff, v41  }
0x6d: {  	v41 =	vld.idx.msk [tilespmem:v55+s4+$0x0], $0xffff  }
0x6e: {  	v56 =	vor.u32 $0x180, v40;
	_ =	sdelay $0x3  }
0x6f: {  	[tilespmem:v8+s0+$0x0] =	vst.idx.msk $0xffff, v41  }
0x70: {  	v41 =	vld.idx.msk [tilespmem:v56+s4+$0x0], $0xffff  }
0x71: {  	v57 =	vor.u32 $0x200, v40;
	_ =	sdelay $0x3  }
0x72: {  	[tilespmem:v9+s0+$0x0] =	vst.idx.msk $0xffff, v41  }
0x73: {  	v41 =	vld.idx.msk [tilespmem:v57+s4+$0x0], $0xffff  }
0x74: {  	v58 =	vor.u32 $0x280, v40;
	_ =	sdelay $0x3  }
0x75: {  	[tilespmem:v10+s0+$0x0] =	vst.idx.msk $0xffff, v41  }
0x76: {  	v41 =	vld.idx.msk [tilespmem:v58+s4+$0x0], $0xffff  }
0x77: {  	v59 =	vor.u32 $0x300, v40;
	_ =	sdelay $0x3  }
0x78: {  	[tilespmem:v11+s0+$0x0] =	vst.idx.msk $0xffff, v41  }
0x79: {  	v38 =	vor.u32 v38, v39;
	v60 =	vld.idx.msk [tilespmem:v59+s4+$0x0], $0xffff  }
0x7a: {  	v61 =	vor.u32 $0x380, v38;
	_ =	sdelay $0x3  }
0x7b: {  	[tilespmem:v12+s0+$0x0] =	vst.idx.msk $0xffff, v60  }
0x7c: {  	v39 =	vld.idx.msk [tilespmem:v61+s4+$0x0], $0xffff  }
0x7d: {  	v62 =	vor.u32 $0x2000, v40;
	_ =	sdelay $0x3  }
0x7e: {  	[tilespmem:v13+s0+$0x0] =	vst.idx.msk $0xffff, v39  }
0x7f: {  	v39 =	vld.idx.msk [tilespmem:v62+s4+$0x0], $0xffff  }
0x80: {  	v63 =	vor.u32 $0x2080, v40;
	_ =	sdelay $0x3  }
0x81: {  	[tilespmem:v14+s0+$0x0] =	vst.idx.msk $0xffff, v39  }
0x82: {  	v39 =	vld.idx.msk [tilespmem:v63+s4+$0x0], $0xffff  }
0x83: {  	v44 =	vor.u32 $0x2100, v40;
	_ =	sdelay $0x3  }
0x84: {  	[tilespmem:v15+s0+$0x0] =	vst.idx.msk $0xffff, v39  }
0x85: {  	v39 =	vld.idx.msk [tilespmem:v44+s4+$0x0], $0xffff  }
0x86: {  	v45 =	vor.u32 $0x2180, v40;
	_ =	sdelay $0x3  }
0x87: {  	[tilespmem:v16+s0+$0x0] =	vst.idx.msk $0xffff, v39  }
0x88: {  	v39 =	vld.idx.msk [tilespmem:v45+s4+$0x0], $0xffff  }
0x89: {  	v46 =	vor.u32 $0x2200, v40;
	_ =	sdelay $0x3  }
0x8a: {  	[tilespmem:v17+s0+$0x0] =	vst.idx.msk $0xffff, v39  }
0x8b: {  	v39 =	vld.idx.msk [tilespmem:v46+s4+$0x0], $0xffff  }
0x8c: {  	v47 =	vor.u32 $0x2280, v40;
	_ =	sdelay $0x3  }
0x8d: {  	[tilespmem:v18+s0+$0x0] =	vst.idx.msk $0xffff, v39  }
0x8e: {  	v39 =	vld.idx.msk [tilespmem:v47+s4+$0x0], $0xffff  }
0x8f: {  	v48 =	vor.u32 $0x2300, v40;
	_ =	sdelay $0x3  }
0x90: {  	[tilespmem:v19+s0+$0x0] =	vst.idx.msk $0xffff, v39  }
0x91: {  	v39 =	vld.idx.msk [tilespmem:v48+s4+$0x0], $0xffff  }
0x92: {  	v49 =	vor.u32 $0x2380, v38;
	_ =	sdelay $0x3  }
0x93: {  	[tilespmem:v20+s0+$0x0] =	vst.idx.msk $0xffff, v39  }
0x94: {  	v39 =	vld.idx.msk [tilespmem:v49+s4+$0x0], $0xffff  }
0x95: {  	v50 =	vor.u32 $0x4000, v40;
	_ =	sdelay $0x3  }
0x96: {  	[tilespmem:v21+s0+$0x0] =	vst.idx.msk $0xffff, v39  }
0x97: {  	v39 =	vld.idx.msk [tilespmem:v50+s4+$0x0], $0xffff  }
0x98: {  	v51 =	vor.u32 $0x4080, v40;
	_ =	sdelay $0x3  }
0x99: {  	[tilespmem:v22+s0+$0x0] =	vst.idx.msk $0xffff, v39  }
0x9a: {  	v39 =	vld.idx.msk [tilespmem:v51+s4+$0x0], $0xffff  }
0x9b: {  	v52 =	vor.u32 $0x4100, v40;
	_ =	sdelay $0x3  }
0x9c: {  	[tilespmem:v23+s0+$0x0] =	vst.idx.msk $0xffff, v39  }
0x9d: {  	v39 =	vld.idx.msk [tilespmem:v52+s4+$0x0], $0xffff  }
0x9e: {  	v53 =	vor.u32 $0x4180, v40;
	_ =	sdelay $0x3  }
0x9f: {  	[tilespmem:v24+s0+$0x0] =	vst.idx.msk $0xffff, v39  }
0xa0: {  	v39 =	vld.idx.msk [tilespmem:v53+s4+$0x0], $0xffff  }
0xa1: {  	v54 =	vor.u32 $0x4200, v40;
	_ =	sdelay $0x3  }
0xa2: {  	[tilespmem:v25+s0+$0x0] =	vst.idx.msk $0xffff, v39  }
0xa3: {  	v39 =	vld.idx.msk [tilespmem:v54+s4+$0x0], $0xffff  }
0xa4: {  	v55 =	vor.u32 $0x4280, v40;
	_ =	sdelay $0x3  }
0xa5: {  	[tilespmem:v26+s0+$0x0] =	vst.idx.msk $0xffff, v39  }
0xa6: {  	v39 =	vld.idx.msk [tilespmem:v55+s4+$0x0], $0xffff  }
0xa7: {  	v56 =	vor.u32 $0x4300, v40;
	_ =	sdelay $0x3  }
0xa8: {  	[tilespmem:v27+s0+$0x0] =	vst.idx.msk $0xffff, v39  }
0xa9: {  	v39 =	vld.idx.msk [tilespmem:v56+s4+$0x0], $0xffff  }
0xaa: {  	v57 =	vor.u32 $0x4380, v38;
	_ =	sdelay $0x3  }
0xab: {  	[tilespmem:v28+s0+$0x0] =	vst.idx.msk $0xffff, v39  }
0xac: {  	v39 =	vld.idx.msk [tilespmem:v57+s4+$0x0], $0xffff  }
0xad: {  	v58 =	vor.u32 $0x6000, v40;
	_ =	sdelay $0x3  }
0xae: {  	[tilespmem:v29+s0+$0x0] =	vst.idx.msk $0xffff, v39  }
0xaf: {  	v39 =	vld.idx.msk [tilespmem:v58+s4+$0x0], $0xffff  }
0xb0: {  	v59 =	vor.u32 $0x6080, v40;
	_ =	sdelay $0x3  }
0xb1: {  	[tilespmem:v30+s0+$0x0] =	vst.idx.msk $0xffff, v39  }
0xb2: {  	v39 =	vld.idx.msk [tilespmem:v59+s4+$0x0], $0xffff  }
0xb3: {  	v60 =	vor.u32 $0x6100, v40;
	_ =	sdelay $0x3  }
0xb4: {  	[tilespmem:v31+s0+$0x0] =	vst.idx.msk $0xffff, v39  }
0xb5: {  	v39 =	vld.idx.msk [tilespmem:v60+s4+$0x0], $0xffff  }
0xb6: {  	v61 =	vor.u32 $0x6180, v40;
	_ =	sdelay $0x3  }
0xb7: {  	[tilespmem:v32+s0+$0x0] =	vst.idx.msk $0xffff, v39  }
0xb8: {  	v39 =	vld.idx.msk [tilespmem:v61+s4+$0x0], $0xffff  }
0xb9: {  	v62 =	vor.u32 $0x6200, v40;
	_ =	sdelay $0x3  }
0xba: {  	[tilespmem:v33+s0+$0x0] =	vst.idx.msk $0xffff, v39  }
0xbb: {  	v39 =	vld.idx.msk [tilespmem:v62+s4+$0x0], $0xffff  }
0xbc: {  	v63 =	vor.u32 $0x6280, v40;
	_ =	sdelay $0x3  }
0xbd: {  	[tilespmem:v34+s0+$0x0] =	vst.idx.msk $0xffff, v39  }
0xbe: {  	v39 =	vld.idx.msk [tilespmem:v63+s4+$0x0], $0xffff  }
0xbf: {  	v40 =	vor.u32 $0x6300, v40;
	_ =	sdelay $0x3  }
0xc0: {  	[tilespmem:v35+s0+$0x0] =	vst.idx.msk $0xffff, v39  }
0xc1: {  	v39 =	vld.idx.msk [tilespmem:v40+s4+$0x0], $0xffff  }
0xc2: {  	v38 =	vor.u32 $0x6380, v38;
	_ =	sdelay $0x3  }
0xc3: {  	[tilespmem:v36+s0+$0x0] =	vst.idx.msk $0xffff, v39  }
0xc4: {  	v38 =	vld.idx.msk [tilespmem:v38+s4+$0x0], $0xffff  }
0xc5: {  	p1 =	seq.s32 s31, $0x1  }
0xc6: {  	p2 =	slt.u32 @!p1 s31, $0x3  }
0xc7: {  	p3 =	por p2, p1  }
0xc8: {  	p4 =	seq.s32 @!p3 s31, $0x3  }
0xc9: {  	p5 =	por @!p1 p4, p2;
	[tilespmem:v37+s0+$0x0] =	vst.idx.msk $0xffff, v38  }
0xca: {  	[hbm4b:s8+s5] =	stream.indirect_vreg.scatter [tilespmem:s0], [sflag:$0x2], $0x80, v43, vm0, $0xb8;
	[tilespmem:$0x1FA00] =	vst v63  }
0xcb: {  	s2 =	simm.s32 @!p4 $0x0;
	p5 =	por p5, p1;
	_ =	swait.ge [sflag:s25], $0x800  }
0xcc: {  	s2 =	simm.s32 @p4 $0x1;
	p0 =	slt.u32 @!p5 s31, $0x5;
	[sflag:s25] =	ssyncset.done $0x0  }
0xcd: {  	s0 =	simm.s32 @!p1 $0x2;
	[smem:$0x7FC] =	sst s2;
	[sflag:s25] =	ssyncadd.s32 $0xFFFFF800  }
0xce: {  	s2 =	simm.s32 @!p0 $0x0;
	_ =	swait.ge @!p1 [sflag:s0], $0x800  }
0xcf: {  	s2 =	simm.s32 @p0 $0x1;
	[sflag:s0] =	ssyncset.done @!p1 $0x0  }
0xd0: {  	[smem:$0x7FB] =	sst s2;
	[sflag:s0] =	ssyncadd.s32 @!p1 $0xFFFFF800;
	s0 =	simm.s32 @!p3 $0x2  }
0xd1: {  	_ =	swait.ge @!p3 [sflag:s0], $0x800  }
0xd2: {  	[sflag:s0] =	ssyncset.done @!p3 $0x0  }
0xd3: {  	p0 =	por @!p3 p0, p4;
	[sflag:s0] =	ssyncadd.s32 @!p3 $0xFFFFF800;
	s0 =	simm.s32 @!p5 $0x2  }
0xd4: {  	p0 =	por @!p1 p0, p2;
	_ =	swait.ge @!p5 [sflag:s0], $0x800  }
0xd5: {  	p0 =	por p0, p1;
	s22 =	sld [smem:$0x7FB]  }
0xd6: {  	p6 =	seq.s32 @!p0 s31, $0x5;
	s31 =	sld [smem:$0x7FC];
	_ =	sdelay $0x1  }
0xd7: {  	p4 =	seq.s32 s22, $0x1  }
0xd8: {  	[sflag:s0] =	ssyncset.done @!p5 $0x0;
	p6 =	por @!p5 p6, p4;
	p4 =	seq.s32 s31, $0x1  }
0xd9: {  	[sflag:s0] =	ssyncadd.s32 @!p5 $0xFFFFF800;
	s0 =	simm.s32 @!p0 $0x2;
	p3 =	por @!p3 p6, p4  }
0xda: {  	_ =	swait.ge @!p0 [sflag:s0], $0x800;
	p2 =	por @!p1 p3, p2  }
0xdb: {  	[sflag:s0] =	ssyncset.done @!p0 $0x0;
	p1 =	por p2, p1  }
0xdc: {  	[sflag:s0] =	ssyncadd.s32 @!p0 $0xFFFFF800;
	s0 =	simm.s32 @!p1 $0x2  }
0xdd: {  	_ =	swait.ge @!p1 [sflag:s0], $0x800  }
0xde: {  	[sflag:s0] =	ssyncset.done @!p1 $0x0  }
0xdf: {  	[sflag:s0] =	ssyncadd.s32 @!p1 $0xFFFFF800  }
.LBB2_19:
0xe0: {  	p0 =	seq.s32 s30, $0x1F  }
.Ltmp4:
0xe1: {  	_ = 	snop;
	(pc) =	sbr.rel @p0 .LBB2_6-.Ltmp4, $1  }
0xe2: {  	_ =	sdelay $0x3  }
.LBB2_4:
0xe3: {  	s2 =	smov.u32 s30  }
0xe4: {  	s30 =	sadd.s32 $0x1, s30;
	p1 =	seq.s32 s2, $0x1E  }
0xe5: {  	s0 =	sshll.u32 @!p1 s30, $0x3  }
0xe6: {  	s4 =	sadd.s32 @!p1 s3, s0  }
0xe7: {  	p2 =	slt.s32 @!p1 s4, s6  }
0xe8: {  	p2 =	por !p2, p1  }
0xe9: {  	s0 =	sand.u32 $0x1, s2;
	s4 =	smov.u32 @p2 s6  }
0xea: {  	s12 =	sshll.u32 @!p1 s0, $0xF;
	s4 =	sshll.u32 @!p1 s4, $0x7  }
0xeb: {  	s15 =	simm.s32 @!p1 $0x2000;
	s12 =	sxor.u32 @!p1 $0x8000, s12;
	s4 =	sand.u32 @!p1 $0x1FFFFF80, s4  }
0xec: {  	s20 =	simm.s32 @!p1 $0x7A1400;
	s12 =	sadd.s32 @!p1 $0xC200, s12;
	s4 =	sadd.s32 @!p1 s1, s4  }
0xed: {  	[tilespmem:s12], [sflag:$0x1] =	stream.strided.gather @!p1 [hbm4b:s4+s15], $0x8000, s20, s15, $0x38;
	[tilespmem:$0x1FA00] =	vst v63  }
0xee: {  	_ =	swait.ge [sflag:s19], $0x8000  }
0xef: {  	s31 =	sld [smem:$0x7FD];
	_ =	sdelay $0x2  }
0xf0: {  	s2 =	sshll.u32 s2, $0x3;
	p0 =	seq.s32 s31, $0x1  }
.Ltmp5:
0xf1: {  	s2 =	sadd.s32 s3, s2;
	(pc) =	sbr.rel @p0 .LBB2_5-.Ltmp5, $4  }
0xf2: {  	p2 =	slt.s32 s2, s6;
	s4 =	smov.u32 s6  }
0xf3: {  	s4 =	smov.u32 @p2 s2  }
0xf4: {  	s2 =	sshll.u32 s4, $0x7;
	[sflag:s19] =	ssyncset.done $0x0  }
0xf5: {  	[sflag:s19] =	ssyncadd.s32 $0xFFFF8000;
	v38 =	vmov s2  }
0xf6: {  	s2 =	sadd.s32 $0x400, s2  }
0xf7: {  	v40 =	vimm.s32 $0x0;
	s4 =	simm.s32 $0x8010;
	s12 =	smov.u32 s29;
	v39 =	vmov s2;
	s2 =	simm.s32 $0x9890  }
.LBB2_9:
0xf8: {  	v41 =	vld [tilespmem:s4+$0xFFFFFFF0];
	_ =	sdelay $0x4  }
0xf9: {  	vm1 =	vge.s32 v41, v38;
	vm2 =	vlt.s32 v41, v39  }
0xfa: {  	vm1 =	vmand vm1, vm2  }
0xfb: {  	v42 =	vsel vm1, $0x1, v4  }
0xfc: {  	(xrf0) =	vadd.scan.msk.s32 $0xffff, v42;
	_ =	sdelay $0x4  }
0xfd: {  	v56 =	vsel vm1, $0xFFFFFFFF, v4  }
0xfe: {  	v42 =	vadd.s32 v56, v40;
	v43, _, _ =	vpop (xrf0)  }
0xff: {  	v42 =	vadd.s32 v43, v42  }
0x100: {  	vm2 =	vlt.s32 v42, $0x800  }
0x101: {  	v42 =	vnsel vm2, $0x800, v42  }
0x102: {  	v57 =	vld [tilespmem:s2+$0xFFFFFFF0];
	_ =	sdelay $0x3  }
0x103: {  	[tilespmem:v42+s23+$0x0] =	vst.idx.msk vm1, v41  }
0x104: {  	[tilespmem:v42+s24+$0x0] =	vst.idx.msk vm1, v57  }
0x105: {  	v41 =	vld [tilespmem:s4+$0x0];
	_ =	sdelay $0x4  }
0x106: {  	vm2 =	vge.s32 v41, v38;
	vm3 =	vlt.s32 v41, v39  }
0x107: {  	vm2 =	vmand vm2, vm3  }
0x108: {  	v58 =	vsel vm2, $0x1, v4  }
0x109: {  	(xrf0) =	vadd.scan.msk.s32 $0xffff, v58;
	_ =	sdelay $0x2  }
0x10a: {  	v59 =	vmpcnt.ones.xlane vm1;
	_ =	sdelay $0x1  }
0x10b: {  	v60 =	vadd.s32 v40, v59;
	v61 =	vsel vm2, $0xFFFFFFFF, v4  }
0x10c: {  	v42 =	vadd.s32 v61, v60;
	v62, _, _ =	vpop (xrf0)  }
0x10d: {  	v42 =	vadd.s32 v62, v42  }
0x10e: {  	vm1 =	vlt.s32 v42, $0x800  }
0x10f: {  	v42 =	vnsel vm1, $0x800, v42  }
0x110: {  	p1 =	sne.s32 s12, $0x1;
	v63 =	vld [tilespmem:s2+$0x0]  }
.Ltmp6:
0x111: {  	_ = 	snop;
	(pc) =	sbr.rel @p1 .LBB2_9-.Ltmp6, $4  }
0x112: {  	_ = 	snop  }
0x113: {  	v44 =	vmpcnt.ones.xlane vm2  }
0x114: {  	[tilespmem:v42+s23+$0x0] =	vst.idx.msk vm2, v41  }
0x115: {  	s12 =	sadd.s32 $0xFFFFFFFF, s12;
	s2 =	sadd.s32 $0x20, s2;
	s4 =	sadd.s32 $0x20, s4;
	v40 =	vadd.s32 v60, v44;
	[tilespmem:v42+s24+$0x0] =	vst.idx.msk vm2, v63  }
.Ltmp7:
0x116: {  	(pc) =	sbr.rel .LBB2_11-.Ltmp7, $2  }
0x117: {  	_ =	sdelay $0x2  }
0x118: {  	v39 =	vxor.u32 $0x80000000, v40  }
.LBB2_5:
0x119: {  	v39 =	vimm.s32 $0x80000000  }
.LBB2_11:
0x11a: {  	(xrf0) =	vmax.scan.msk.u32 $0xffff, v39;
	_ =	sdelay $0x5  }
0x11b: {  	v39, _, _ =	vpop (xrf0)  }
0x11c: {  	(v2sf) =	vpush v39, $0xF;
	_ =	sdelay $0xe  }
0x11d: {  	s2 =	spop (v2sf)  }
0x11e: {  	s2 =	sxor.u32 $0x80000000, s2  }
0x11f: {  	p1 =	slt.s32 s2, $0x800  }
0x120: {  	p2 =	slt.s32 s2, $0xFFFFFFF2;
	s2 =	simm.s32 @!p1 $0x800  }
0x121: {  	s4 =	sadd.s32 $0xF, s2  }
0x122: {  	s12 =	sand.u32 $0xF, s4  }
0x123: {  	s22 =	sshra.s32 s4, $0x1F;
	p6 =	sne.s32 s12, $0x0  }
0x124: {  	s12 =	sshrl.u32 s22, $0x1C;
	p1 =	por !p2, !p6  }
0x125: {  	s4 =	sadd.s32 s12, s4;
	s12 =	simm.s32 $0x1;
	p1 =	por !p1, !p1  }
0x126: {  	s4 =	sshra.s32 s4, $0x4;
	s12 =	simm.s32 @!p1 $0x0  }
0x127: {  	s31 =	ssub.s32 s4, s12  }
0x128: {  	p1 =	slt.s32 s31, $0x1  }
.Ltmp8:
0x129: {  	_ = 	snop;
	(pc) =	sbr.rel @p1 .LBB2_19-.Ltmp8, $3  }
0x12a: {  	_ =	sdelay $0x1  }
0x12b: {  	[tilespmem:s2+$0xB100] =	vst v5  }
0x12c: {  	[tilespmem:s2+$0xB980] =	vst v6  }
0x12d: {  	p2 =	sne.s32 s31, $0x1  }
.Ltmp9:
0x12e: {  	_ = 	snop;
	(pc) =	sbr.rel @!p2 .LBB2_13-.Ltmp9, $4  }
0x12f: {  	_ = 	snop  }
0x130: {  	s0 =	sshll.u32 s0, $0xF;
	s12 =	simm.s32 $0x0;
	s15 =	simm.s32 $0xB980  }
0x131: {  	s21 =	simm.s32 $0x1C200;
	s2 =	simm.s32 $0x1;
	p3 =	por $0x1, $0x1  }
0x132: {  	p1 =	por $0x0, $0x0;
	s4 =	sadd.s32 $0xC200, s0;
	s0 =	simm.s32 $0xB100  }
0x133: {  	s20 =	simm.s32 @!p3 $0x2  }
0x134: {  	_ =	swait.ge @!p3 [sflag:s20], $0x800  }
0x135: {  	[sflag:s20] =	ssyncset.done @!p3 $0x0  }
0x136: {  	[sflag:s20] =	ssyncadd.s32 @!p3 $0xFFFFF800  }
0x137: {  	v39 =	vld [tilespmem:s0+$0x0];
	_ =	sdelay $0x4  }
0x138: {  	v39 =	vsub.s32 v39, v38  }
0x139: {  	vm1 =	vgt.s32 v39, $0x0  }
0x13a: {  	v39 =	vnsel vm1, $0x0, v39  }
0x13b: {  	v40 =	vmin.u32 v39, $0x3FF  }
0x13c: {  	v39 =	vshll.u32 v40, $0x3  }
0x13d: {  	v41 =	vand.u32 $0x7F, v40;
	v42 =	vand.u32 $0x1C00, v39  }
0x13e: {  	v41 =	vor.u32 v41, v42;
	_ =	sdelay $0x2  }
0x13f: {  	s12 =	smulhi.u32 $0xAAAAAAAB, s12;
	_ =	sdelay $0x1  }
0x140: {  	s12 =	sshrl.u32 s12, $0x2;
	v43 =	vld.idx.msk [tilespmem:v41+s4+$0x0], $0xffff  }
0x141: {  	s12 =	smul.u32 $0xFFFF4000, s12;
	v44 =	vor.u32 $0x80, v41;
	_ =	sdelay $0x1  }
0x142: {  	s12 =	sshra.s32 s12, $0x2  }
0x143: {  	s20 =	sadd.s32 $0x1C200, s12  }
0x144: {  	v39 =	vld [tilespmem:s15+$0x0];
	[tilespmem:v2+s20+$0x0] =	vst.idx.msk $0xffff, v43  }
0x145: {  	v43 =	vld.idx.msk [tilespmem:v44+s4+$0x0], $0xffff  }
0x146: {  	v54 =	vor.u32 $0x100, v41;
	_ =	sdelay $0x3  }
0x147: {  	[tilespmem:v7+s20+$0x0] =	vst.idx.msk $0xffff, v43  }
0x148: {  	v43 =	vld.idx.msk [tilespmem:v54+s4+$0x0], $0xffff  }
0x149: {  	v55 =	vor.u32 $0x180, v41;
	_ =	sdelay $0x3  }
0x14a: {  	[tilespmem:v8+s20+$0x0] =	vst.idx.msk $0xffff, v43  }
0x14b: {  	v43 =	vld.idx.msk [tilespmem:v55+s4+$0x0], $0xffff  }
0x14c: {  	v56 =	vor.u32 $0x200, v41;
	_ =	sdelay $0x3  }
0x14d: {  	[tilespmem:v9+s20+$0x0] =	vst.idx.msk $0xffff, v43  }
0x14e: {  	v43 =	vld.idx.msk [tilespmem:v56+s4+$0x0], $0xffff  }
0x14f: {  	v57 =	vor.u32 $0x280, v41;
	_ =	sdelay $0x3  }
0x150: {  	[tilespmem:v10+s20+$0x0] =	vst.idx.msk $0xffff, v43  }
0x151: {  	v43 =	vld.idx.msk [tilespmem:v57+s4+$0x0], $0xffff  }
0x152: {  	v58 =	vor.u32 $0x300, v41;
	_ =	sdelay $0x3  }
0x153: {  	[tilespmem:v11+s20+$0x0] =	vst.idx.msk $0xffff, v43  }
0x154: {  	v40 =	vor.u32 v40, v42;
	v59 =	vld.idx.msk [tilespmem:v58+s4+$0x0], $0xffff  }
0x155: {  	v60 =	vor.u32 $0x380, v40;
	_ =	sdelay $0x3  }
0x156: {  	[tilespmem:v12+s20+$0x0] =	vst.idx.msk $0xffff, v59  }
0x157: {  	v42 =	vld.idx.msk [tilespmem:v60+s4+$0x0], $0xffff  }
0x158: {  	v61 =	vor.u32 $0x2000, v41;
	_ =	sdelay $0x3  }
0x159: {  	[tilespmem:v13+s20+$0x0] =	vst.idx.msk $0xffff, v42  }
0x15a: {  	v42 =	vld.idx.msk [tilespmem:v61+s4+$0x0], $0xffff  }
0x15b: {  	v62 =	vor.u32 $0x2080, v41;
	_ =	sdelay $0x3  }
0x15c: {  	[tilespmem:v14+s20+$0x0] =	vst.idx.msk $0xffff, v42  }
0x15d: {  	v42 =	vld.idx.msk [tilespmem:v62+s4+$0x0], $0xffff  }
0x15e: {  	v63 =	vor.u32 $0x2100, v41;
	_ =	sdelay $0x3  }
0x15f: {  	[tilespmem:v15+s20+$0x0] =	vst.idx.msk $0xffff, v42  }
0x160: {  	v42 =	vld.idx.msk [tilespmem:v63+s4+$0x0], $0xffff  }
0x161: {  	v45 =	vor.u32 $0x2180, v41;
	_ =	sdelay $0x3  }
0x162: {  	[tilespmem:v16+s20+$0x0] =	vst.idx.msk $0xffff, v42  }
0x163: {  	v42 =	vld.idx.msk [tilespmem:v45+s4+$0x0], $0xffff  }
0x164: {  	v46 =	vor.u32 $0x2200, v41;
	_ =	sdelay $0x3  }
0x165: {  	[tilespmem:v17+s20+$0x0] =	vst.idx.msk $0xffff, v42  }
0x166: {  	v42 =	vld.idx.msk [tilespmem:v46+s4+$0x0], $0xffff  }
0x167: {  	v47 =	vor.u32 $0x2280, v41;
	_ =	sdelay $0x3  }
0x168: {  	[tilespmem:v18+s20+$0x0] =	vst.idx.msk $0xffff, v42  }
0x169: {  	v42 =	vld.idx.msk [tilespmem:v47+s4+$0x0], $0xffff  }
0x16a: {  	v48 =	vor.u32 $0x2300, v41;
	_ =	sdelay $0x3  }
0x16b: {  	[tilespmem:v19+s20+$0x0] =	vst.idx.msk $0xffff, v42  }
0x16c: {  	v42 =	vld.idx.msk [tilespmem:v48+s4+$0x0], $0xffff  }
0x16d: {  	v49 =	vor.u32 $0x2380, v40;
	_ =	sdelay $0x3  }
0x16e: {  	[tilespmem:v20+s20+$0x0] =	vst.idx.msk $0xffff, v42  }
0x16f: {  	v42 =	vld.idx.msk [tilespmem:v49+s4+$0x0], $0xffff  }
0x170: {  	v50 =	vor.u32 $0x4000, v41;
	_ =	sdelay $0x3  }
0x171: {  	[tilespmem:v21+s20+$0x0] =	vst.idx.msk $0xffff, v42  }
0x172: {  	v42 =	vld.idx.msk [tilespmem:v50+s4+$0x0], $0xffff  }
0x173: {  	v51 =	vor.u32 $0x4080, v41;
	_ =	sdelay $0x3  }
0x174: {  	[tilespmem:v22+s20+$0x0] =	vst.idx.msk $0xffff, v42  }
0x175: {  	v42 =	vld.idx.msk [tilespmem:v51+s4+$0x0], $0xffff  }
0x176: {  	v52 =	vor.u32 $0x4100, v41;
	_ =	sdelay $0x3  }
0x177: {  	[tilespmem:v23+s20+$0x0] =	vst.idx.msk $0xffff, v42  }
0x178: {  	v42 =	vld.idx.msk [tilespmem:v52+s4+$0x0], $0xffff  }
0x179: {  	v53 =	vor.u32 $0x4180, v41;
	_ =	sdelay $0x3  }
0x17a: {  	[tilespmem:v24+s20+$0x0] =	vst.idx.msk $0xffff, v42  }
0x17b: {  	v42 =	vld.idx.msk [tilespmem:v53+s4+$0x0], $0xffff  }
0x17c: {  	v54 =	vor.u32 $0x4200, v41;
	_ =	sdelay $0x3  }
0x17d: {  	[tilespmem:v25+s20+$0x0] =	vst.idx.msk $0xffff, v42  }
0x17e: {  	v42 =	vld.idx.msk [tilespmem:v54+s4+$0x0], $0xffff  }
0x17f: {  	v55 =	vor.u32 $0x4280, v41;
	_ =	sdelay $0x3  }
0x180: {  	[tilespmem:v26+s20+$0x0] =	vst.idx.msk $0xffff, v42  }
0x181: {  	v42 =	vld.idx.msk [tilespmem:v55+s4+$0x0], $0xffff  }
0x182: {  	v56 =	vor.u32 $0x4300, v41;
	_ =	sdelay $0x3  }
0x183: {  	[tilespmem:v27+s20+$0x0] =	vst.idx.msk $0xffff, v42  }
0x184: {  	v42 =	vld.idx.msk [tilespmem:v56+s4+$0x0], $0xffff  }
0x185: {  	v57 =	vor.u32 $0x4380, v40;
	_ =	sdelay $0x3  }
0x186: {  	[tilespmem:v28+s20+$0x0] =	vst.idx.msk $0xffff, v42  }
0x187: {  	v42 =	vld.idx.msk [tilespmem:v57+s4+$0x0], $0xffff  }
0x188: {  	v58 =	vor.u32 $0x6000, v41;
	_ =	sdelay $0x3  }
0x189: {  	[tilespmem:v29+s20+$0x0] =	vst.idx.msk $0xffff, v42  }
0x18a: {  	v42 =	vld.idx.msk [tilespmem:v58+s4+$0x0], $0xffff  }
0x18b: {  	v59 =	vor.u32 $0x6080, v41;
	_ =	sdelay $0x3  }
0x18c: {  	[tilespmem:v30+s20+$0x0] =	vst.idx.msk $0xffff, v42  }
0x18d: {  	v42 =	vld.idx.msk [tilespmem:v59+s4+$0x0], $0xffff  }
0x18e: {  	v60 =	vor.u32 $0x6100, v41;
	_ =	sdelay $0x3  }
0x18f: {  	[tilespmem:v31+s20+$0x0] =	vst.idx.msk $0xffff, v42  }
0x190: {  	v42 =	vld.idx.msk [tilespmem:v60+s4+$0x0], $0xffff  }
0x191: {  	v61 =	vor.u32 $0x6180, v41;
	_ =	sdelay $0x3  }
0x192: {  	[tilespmem:v32+s20+$0x0] =	vst.idx.msk $0xffff, v42  }
0x193: {  	v42 =	vld.idx.msk [tilespmem:v61+s4+$0x0], $0xffff  }
0x194: {  	v62 =	vor.u32 $0x6200, v41;
	_ =	sdelay $0x3  }
0x195: {  	[tilespmem:v33+s20+$0x0] =	vst.idx.msk $0xffff, v42  }
0x196: {  	v42 =	vld.idx.msk [tilespmem:v62+s4+$0x0], $0xffff  }
0x197: {  	v63 =	vor.u32 $0x6280, v41;
	_ =	sdelay $0x3  }
0x198: {  	[tilespmem:v34+s20+$0x0] =	vst.idx.msk $0xffff, v42  }
0x199: {  	v42 =	vld.idx.msk [tilespmem:v63+s4+$0x0], $0xffff  }
0x19a: {  	v41 =	vor.u32 $0x6300, v41;
	_ =	sdelay $0x3  }
0x19b: {  	[tilespmem:v35+s20+$0x0] =	vst.idx.msk $0xffff, v42  }
0x19c: {  	v41 =	vld.idx.msk [tilespmem:v41+s4+$0x0], $0xffff  }
0x19d: {  	v40 =	vor.u32 $0x6380, v40;
	_ =	sdelay $0x2  }
0x19e: {  	p2 =	sne.s32 s31, $0x2  }
.Ltmp10:
0x19f: {  	[tilespmem:v36+s20+$0x0] =	vst.idx.msk $0xffff, v41;
	(pc) =	sbr.rel @!p2 .LBB2_15-.Ltmp10, $3  }
0x1a0: {  	v40 =	vld.idx.msk [tilespmem:v40+s4+$0x0], $0xffff;
	_ =	sdelay $0x1  }
0x1a1: {  	s21 =	simm.s32 $0x1CA00;
	p1 =	por $0x1, $0x1;
	s22 =	simm.s32 $0xB100  }
0x1a2: {  	p3 =	por $0x1, $0x1;
	s12 =	simm.s32 $0x2;
	s15 =	simm.s32 $0xB990  }
.LBB2_16:
0x1a3: {  	s7 =	simm.s32 @!p3 $0x2  }
0x1a4: {  	[tilespmem:v37+s20+$0x0] =	vst.idx.msk $0xffff, v40;
	s22 =	sadd.s32 $0x10, s22;
	s13 =	smov.u32 s12;
	s12 =	sadd.s32 $0x1, s12  }
0x1a5: {  	[hbm4b:s8+s5] =	stream.indirect_vreg.scatter [tilespmem:s20], [sflag:$0x2], $0x80, v39, vm0, $0xb8;
	[tilespmem:$0x1FA00] =	vst v63  }
0x1a6: {  	p2 =	sne.s32 s31, s12;
	_ =	swait.ge @!p3 [sflag:s7], $0x800  }
0x1a7: {  	[sflag:s7] =	ssyncset.done @!p3 $0x0  }
0x1a8: {  	[sflag:s7] =	ssyncadd.s32 @!p3 $0xFFFFF800  }
0x1a9: {  	v39 =	vld [tilespmem:s22+$0x0];
	_ =	sdelay $0x4  }
0x1aa: {  	v39 =	vsub.s32 v39, v38  }
0x1ab: {  	vm1 =	vgt.s32 v39, $0x0  }
0x1ac: {  	v39 =	vnsel vm1, $0x0, v39  }
0x1ad: {  	v39 =	vmin.u32 v39, $0x3FF  }
0x1ae: {  	v40 =	vshll.u32 v39, $0x3  }
0x1af: {  	v41 =	vand.u32 $0x7F, v39;
	v40 =	vand.u32 $0x1C00, v40  }
0x1b0: {  	v41 =	vor.u32 v41, v40;
	v40 =	vor.u32 v39, v40;
	_ =	sdelay $0x3  }
0x1b1: {  	s7 =	smulhi.u32 $0xAAAAAAAB, s2;
	s2 =	smov.u32 s13  }
0x1b2: {  	v42 =	vld.idx.msk [tilespmem:v41+s4+$0x0], $0xffff  }
0x1b3: {  	s7 =	sshrl.u32 s7, $0x2  }
0x1b4: {  	s7 =	smul.u32 $0xFFFF4000, s7;
	v43 =	vor.u32 $0x80, v41;
	_ =	sdelay $0x1  }
0x1b5: {  	s7 =	sshra.s32 s7, $0x2  }
0x1b6: {  	s20 =	sadd.s32 s7, s21;
	v39 =	vld [tilespmem:s15+$0x0]  }
0x1b7: {  	[tilespmem:v2+s20+$0x0] =	vst.idx.msk $0xffff, v42  }
0x1b8: {  	v42 =	vld.idx.msk [tilespmem:v43+s4+$0x0], $0xffff;
	_ =	sdelay $0x1  }
0x1b9: {  	v43 =	vor.u32 $0x100, v41;
	_ =	sdelay $0x3  }
0x1ba: {  	[tilespmem:v7+s20+$0x0] =	vst.idx.msk $0xffff, v42  }
0x1bb: {  	v42 =	vld.idx.msk [tilespmem:v43+s4+$0x0], $0xffff;
	_ =	sdelay $0x1  }
0x1bc: {  	v43 =	vor.u32 $0x180, v41;
	_ =	sdelay $0x3  }
0x1bd: {  	[tilespmem:v8+s20+$0x0] =	vst.idx.msk $0xffff, v42  }
0x1be: {  	v42 =	vld.idx.msk [tilespmem:v43+s4+$0x0], $0xffff;
	_ =	sdelay $0x1  }
0x1bf: {  	v43 =	vor.u32 $0x200, v41;
	_ =	sdelay $0x3  }
0x1c0: {  	[tilespmem:v9+s20+$0x0] =	vst.idx.msk $0xffff, v42  }
0x1c1: {  	v42 =	vld.idx.msk [tilespmem:v43+s4+$0x0], $0xffff;
	_ =	sdelay $0x1  }
0x1c2: {  	v43 =	vor.u32 $0x280, v41;
	_ =	sdelay $0x3  }
0x1c3: {  	[tilespmem:v10+s20+$0x0] =	vst.idx.msk $0xffff, v42  }
0x1c4: {  	v42 =	vld.idx.msk [tilespmem:v43+s4+$0x0], $0xffff;
	_ =	sdelay $0x1  }
0x1c5: {  	v43 =	vor.u32 $0x300, v41;
	_ =	sdelay $0x3  }
0x1c6: {  	[tilespmem:v11+s20+$0x0] =	vst.idx.msk $0xffff, v42  }
0x1c7: {  	v42 =	vld.idx.msk [tilespmem:v43+s4+$0x0], $0xffff;
	_ =	sdelay $0x1  }
0x1c8: {  	v43 =	vor.u32 $0x380, v40;
	_ =	sdelay $0x3  }
0x1c9: {  	[tilespmem:v12+s20+$0x0] =	vst.idx.msk $0xffff, v42  }
0x1ca: {  	v42 =	vld.idx.msk [tilespmem:v43+s4+$0x0], $0xffff;
	_ =	sdelay $0x1  }
0x1cb: {  	v43 =	vor.u32 $0x2000, v41;
	_ =	sdelay $0x3  }
0x1cc: {  	[tilespmem:v13+s20+$0x0] =	vst.idx.msk $0xffff, v42  }
0x1cd: {  	v42 =	vld.idx.msk [tilespmem:v43+s4+$0x0], $0xffff;
	_ =	sdelay $0x1  }
0x1ce: {  	v43 =	vor.u32 $0x2080, v41;
	_ =	sdelay $0x3  }
0x1cf: {  	[tilespmem:v14+s20+$0x0] =	vst.idx.msk $0xffff, v42  }
0x1d0: {  	v42 =	vld.idx.msk [tilespmem:v43+s4+$0x0], $0xffff;
	_ =	sdelay $0x1  }
0x1d1: {  	v43 =	vor.u32 $0x2100, v41;
	_ =	sdelay $0x3  }
0x1d2: {  	[tilespmem:v15+s20+$0x0] =	vst.idx.msk $0xffff, v42  }
0x1d3: {  	v42 =	vld.idx.msk [tilespmem:v43+s4+$0x0], $0xffff;
	_ =	sdelay $0x1  }
0x1d4: {  	v43 =	vor.u32 $0x2180, v41;
	_ =	sdelay $0x3  }
0x1d5: {  	[tilespmem:v16+s20+$0x0] =	vst.idx.msk $0xffff, v42  }
0x1d6: {  	v42 =	vld.idx.msk [tilespmem:v43+s4+$0x0], $0xffff;
	_ =	sdelay $0x1  }
0x1d7: {  	v43 =	vor.u32 $0x2200, v41;
	_ =	sdelay $0x3  }
0x1d8: {  	[tilespmem:v17+s20+$0x0] =	vst.idx.msk $0xffff, v42  }
0x1d9: {  	v42 =	vld.idx.msk [tilespmem:v43+s4+$0x0], $0xffff;
	_ =	sdelay $0x1  }
0x1da: {  	v43 =	vor.u32 $0x2280, v41;
	_ =	sdelay $0x3  }
0x1db: {  	[tilespmem:v18+s20+$0x0] =	vst.idx.msk $0xffff, v42  }
0x1dc: {  	v42 =	vld.idx.msk [tilespmem:v43+s4+$0x0], $0xffff;
	_ =	sdelay $0x1  }
0x1dd: {  	v43 =	vor.u32 $0x2300, v41;
	_ =	sdelay $0x3  }
0x1de: {  	[tilespmem:v19+s20+$0x0] =	vst.idx.msk $0xffff, v42  }
0x1df: {  	v42 =	vld.idx.msk [tilespmem:v43+s4+$0x0], $0xffff;
	_ =	sdelay $0x1  }
0x1e0: {  	v43 =	vor.u32 $0x2380, v40;
	_ =	sdelay $0x3  }
0x1e1: {  	[tilespmem:v20+s20+$0x0] =	vst.idx.msk $0xffff, v42  }
0x1e2: {  	v42 =	vld.idx.msk [tilespmem:v43+s4+$0x0], $0xffff;
	_ =	sdelay $0x1  }
0x1e3: {  	v43 =	vor.u32 $0x4000, v41;
	_ =	sdelay $0x3  }
0x1e4: {  	[tilespmem:v21+s20+$0x0] =	vst.idx.msk $0xffff, v42  }
0x1e5: {  	v42 =	vld.idx.msk [tilespmem:v43+s4+$0x0], $0xffff;
	_ =	sdelay $0x1  }
0x1e6: {  	v43 =	vor.u32 $0x4080, v41;
	_ =	sdelay $0x3  }
0x1e7: {  	[tilespmem:v22+s20+$0x0] =	vst.idx.msk $0xffff, v42  }
0x1e8: {  	v42 =	vld.idx.msk [tilespmem:v43+s4+$0x0], $0xffff;
	_ =	sdelay $0x1  }
0x1e9: {  	v43 =	vor.u32 $0x4100, v41;
	_ =	sdelay $0x3  }
0x1ea: {  	[tilespmem:v23+s20+$0x0] =	vst.idx.msk $0xffff, v42  }
0x1eb: {  	v42 =	vld.idx.msk [tilespmem:v43+s4+$0x0], $0xffff;
	_ =	sdelay $0x1  }
0x1ec: {  	v43 =	vor.u32 $0x4180, v41;
	_ =	sdelay $0x3  }
0x1ed: {  	[tilespmem:v24+s20+$0x0] =	vst.idx.msk $0xffff, v42  }
0x1ee: {  	v42 =	vld.idx.msk [tilespmem:v43+s4+$0x0], $0xffff;
	_ =	sdelay $0x1  }
0x1ef: {  	v43 =	vor.u32 $0x4200, v41;
	_ =	sdelay $0x3  }
0x1f0: {  	[tilespmem:v25+s20+$0x0] =	vst.idx.msk $0xffff, v42  }
0x1f1: {  	v42 =	vld.idx.msk [tilespmem:v43+s4+$0x0], $0xffff;
	_ =	sdelay $0x1  }
0x1f2: {  	v43 =	vor.u32 $0x4280, v41;
	_ =	sdelay $0x3  }
0x1f3: {  	[tilespmem:v26+s20+$0x0] =	vst.idx.msk $0xffff, v42  }
0x1f4: {  	v42 =	vld.idx.msk [tilespmem:v43+s4+$0x0], $0xffff;
	_ =	sdelay $0x1  }
0x1f5: {  	v43 =	vor.u32 $0x4300, v41;
	_ =	sdelay $0x3  }
0x1f6: {  	[tilespmem:v27+s20+$0x0] =	vst.idx.msk $0xffff, v42  }
0x1f7: {  	v42 =	vld.idx.msk [tilespmem:v43+s4+$0x0], $0xffff;
	_ =	sdelay $0x1  }
0x1f8: {  	v43 =	vor.u32 $0x4380, v40;
	_ =	sdelay $0x3  }
0x1f9: {  	[tilespmem:v28+s20+$0x0] =	vst.idx.msk $0xffff, v42  }
0x1fa: {  	v42 =	vld.idx.msk [tilespmem:v43+s4+$0x0], $0xffff;
	_ =	sdelay $0x1  }
0x1fb: {  	v43 =	vor.u32 $0x6000, v41;
	_ =	sdelay $0x3  }
0x1fc: {  	[tilespmem:v29+s20+$0x0] =	vst.idx.msk $0xffff, v42  }
0x1fd: {  	v42 =	vld.idx.msk [tilespmem:v43+s4+$0x0], $0xffff;
	_ =	sdelay $0x1  }
0x1fe: {  	v43 =	vor.u32 $0x6080, v41;
	_ =	sdelay $0x3  }
0x1ff: {  	[tilespmem:v30+s20+$0x0] =	vst.idx.msk $0xffff, v42  }
0x200: {  	v42 =	vld.idx.msk [tilespmem:v43+s4+$0x0], $0xffff;
	_ =	sdelay $0x1  }
0x201: {  	v43 =	vor.u32 $0x6100, v41;
	_ =	sdelay $0x3  }
0x202: {  	[tilespmem:v31+s20+$0x0] =	vst.idx.msk $0xffff, v42  }
0x203: {  	v42 =	vld.idx.msk [tilespmem:v43+s4+$0x0], $0xffff;
	_ =	sdelay $0x1  }
0x204: {  	v43 =	vor.u32 $0x6180, v41;
	_ =	sdelay $0x3  }
0x205: {  	[tilespmem:v32+s20+$0x0] =	vst.idx.msk $0xffff, v42  }
0x206: {  	v42 =	vld.idx.msk [tilespmem:v43+s4+$0x0], $0xffff;
	_ =	sdelay $0x1  }
0x207: {  	v43 =	vor.u32 $0x6200, v41;
	_ =	sdelay $0x3  }
0x208: {  	[tilespmem:v33+s20+$0x0] =	vst.idx.msk $0xffff, v42  }
0x209: {  	v42 =	vld.idx.msk [tilespmem:v43+s4+$0x0], $0xffff;
	_ =	sdelay $0x1  }
0x20a: {  	v43 =	vor.u32 $0x6280, v41;
	_ =	sdelay $0x3  }
0x20b: {  	[tilespmem:v34+s20+$0x0] =	vst.idx.msk $0xffff, v42  }
0x20c: {  	v42 =	vld.idx.msk [tilespmem:v43+s4+$0x0], $0xffff;
	_ =	sdelay $0x1  }
0x20d: {  	v41 =	vor.u32 $0x6300, v41;
	_ =	sdelay $0x3  }
0x20e: {  	[tilespmem:v35+s20+$0x0] =	vst.idx.msk $0xffff, v42  }
0x20f: {  	v41 =	vld.idx.msk [tilespmem:v41+s4+$0x0], $0xffff;
	_ =	sdelay $0x1  }
0x210: {  	v40 =	vor.u32 $0x6380, v40;
	_ =	sdelay $0x3  }
0x211: {  	[tilespmem:v36+s20+$0x0] =	vst.idx.msk $0xffff, v41  }
0x212: {  	v40 =	vld.idx.msk [tilespmem:v40+s4+$0x0], $0xffff  }
.Ltmp11:
0x213: {  	(pc) =	sbr.rel @p2 .LBB2_16-.Ltmp11, $2  }
0x214: {  	_ =	sdelay $0x2  }
0x215: {  	p3 =	slt.u32 s2, $0x6;
	s21 =	sadd.s32 $0x800, s21;
	s15 =	sadd.s32 $0x10, s15  }
.Ltmp12:
0x216: {  	(pc) =	sbr.rel .LBB2_18-.Ltmp12, $2  }
0x217: {  	_ =	sdelay $0x2  }
0x218: {  	s12 =	smov.u32 s2  }
.LBB2_15:
.Ltmp13:
0x219: {  	(pc) =	sbr.rel .LBB2_18-.Ltmp13, $2  }
0x21a: {  	_ =	sdelay $0x2  }
0x21b: {  	s22 =	simm.s32 $0xB100;
	s12 =	simm.s32 $0x1  }
.LBB2_6:
0x21c: {  	p0 =	sgt.s32 s29, $0x0  }
.Ltmp14:
0x21d: {  	_ = 	snop;
	(pc) =	sbr.rel @!p0 .LBB2_7-.Ltmp14, $1  }
0x21e: {  	_ =	sdelay $0x3  }
0x21f: {  	v38 =	vimm.s32 $0x0;
	s0 =	simm.s32 $0x9890;
	s2 =	simm.s32 $0x8010  }
.LBB2_21:
0x220: {  	v39 =	vld [tilespmem:s2+$0xFFFFFFF0];
	_ =	sdelay $0x4  }
0x221: {  	v40 =	vadd.s32 $0xFFF0BE00, v39  }
0x222: {  	vm1 =	vlt.u32 v40, $0x3FF0BE00  }
0x223: {  	v40 =	vsel vm1, $0x1, v4  }
0x224: {  	(xrf0) =	vadd.scan.msk.s32 $0xffff, v40;
	_ =	sdelay $0x4  }
0x225: {  	v56 =	vsel vm1, $0xFFFFFFFF, v4  }
0x226: {  	v40 =	vadd.s32 v56, v38;
	v41, _, _ =	vpop (xrf0)  }
0x227: {  	v40 =	vadd.s32 v41, v40  }
0x228: {  	vm2 =	vlt.s32 v40, $0x800  }
0x229: {  	v40 =	vnsel vm2, $0x800, v40  }
0x22a: {  	v57 =	vld [tilespmem:s0+$0xFFFFFFF0];
	_ =	sdelay $0x3  }
0x22b: {  	[tilespmem:v40+s23+$0x0] =	vst.idx.msk vm1, v39  }
0x22c: {  	[tilespmem:v40+s24+$0x0] =	vst.idx.msk vm1, v57  }
0x22d: {  	v39 =	vld [tilespmem:s2+$0x0];
	_ =	sdelay $0x4  }
0x22e: {  	v58 =	vadd.s32 $0xFFF0BE00, v39  }
0x22f: {  	vm2 =	vlt.u32 v58, $0x3FF0BE00  }
0x230: {  	v40 =	vsel vm2, $0x1, v4  }
0x231: {  	(xrf0) =	vadd.scan.msk.s32 $0xffff, v40;
	_ =	sdelay $0x2  }
0x232: {  	v59 =	vmpcnt.ones.xlane vm1;
	_ =	sdelay $0x1  }
0x233: {  	v60 =	vadd.s32 v38, v59;
	v61 =	vsel vm2, $0xFFFFFFFF, v4  }
0x234: {  	v40 =	vadd.s32 v61, v60;
	v62, _, _ =	vpop (xrf0)  }
0x235: {  	v40 =	vadd.s32 v62, v40  }
0x236: {  	vm1 =	vlt.s32 v40, $0x800  }
0x237: {  	v40 =	vnsel vm1, $0x800, v40  }
0x238: {  	p0 =	sne.s32 s29, $0x1;
	v63 =	vld [tilespmem:s0+$0x0]  }
.Ltmp15:
0x239: {  	_ = 	snop;
	(pc) =	sbr.rel @p0 .LBB2_21-.Ltmp15, $4  }
0x23a: {  	_ = 	snop  }
0x23b: {  	v42 =	vmpcnt.ones.xlane vm2  }
0x23c: {  	[tilespmem:v40+s23+$0x0] =	vst.idx.msk vm2, v39  }
0x23d: {  	s29 =	sadd.s32 $0xFFFFFFFF, s29;
	s0 =	sadd.s32 $0x20, s0;
	s2 =	sadd.s32 $0x20, s2;
	v38 =	vadd.s32 v60, v42;
	[tilespmem:v40+s24+$0x0] =	vst.idx.msk vm2, v63  }
.Ltmp16:
0x23e: {  	(pc) =	sbr.rel .LBB2_23-.Ltmp16, $2  }
0x23f: {  	_ =	sdelay $0x2  }
0x240: {  	v38 =	vxor.u32 $0x80000000, v38  }
.LBB2_7:
0x241: {  	v38 =	vimm.s32 $0x80000000  }
.LBB2_23:
0x242: {  	(xrf0) =	vmax.scan.msk.u32 $0xffff, v38;
	_ =	sdelay $0x5  }
0x243: {  	v38, _, _ =	vpop (xrf0)  }
0x244: {  	(v2sf) =	vpush v38, $0xF;
	_ =	sdelay $0xe  }
0x245: {  	s0 =	spop (v2sf)  }
0x246: {  	s0 =	sxor.u32 $0x80000000, s0  }
0x247: {  	p0 =	slt.s32 s0, $0x800  }
0x248: {  	p1 =	slt.s32 s0, $0xFFFFFFF2;
	s0 =	simm.s32 @!p0 $0x800  }
0x249: {  	s2 =	sadd.s32 $0xF, s0  }
0x24a: {  	s4 =	sand.u32 $0xF, s2  }
0x24b: {  	s31 =	sshra.s32 s2, $0x1F;
	p6 =	sne.s32 s4, $0x0  }
0x24c: {  	s4 =	sshrl.u32 s31, $0x1C;
	p0 =	por !p1, !p6  }
0x24d: {  	s2 =	sadd.s32 s4, s2;
	s4 =	simm.s32 $0x1;
	p0 =	por !p0, !p0  }
0x24e: {  	s2 =	sshra.s32 s2, $0x4;
	s4 =	simm.s32 @!p0 $0x0  }
0x24f: {  	s4 =	ssub.s32 s2, s4  }
0x250: {  	p0 =	slt.s32 s4, $0x1  }
.Ltmp17:
0x251: {  	_ = 	snop;
	(pc) =	sbr.rel @p0 .LBB2_27-.Ltmp17, $3  }
0x252: {  	_ =	sdelay $0x1  }
0x253: {  	[tilespmem:s0+$0xB100] =	vst v5  }
0x254: {  	[tilespmem:s0+$0xB980] =	vst v6  }
0x255: {  	s0 =	simm.s32 $0xB100  }
0x256: {  	v38 =	vld [tilespmem:s0+$0x0];
	_ =	sdelay $0x4  }
0x257: {  	v38 =	vadd.s32 $0xFFF0BE00, v38  }
0x258: {  	vm1 =	vgt.s32 v38, $0x0  }
0x259: {  	v38 =	vnsel vm1, $0x0, v38  }
0x25a: {  	v38 =	vmin.u32 v38, $0x3F  }
0x25b: {  	v38 =	vshll.u32 v38, $0x5;
	_ =	sdelay $0x4  }
0x25c: {  	v39 =	vld.idx.msk [tilespmem:v38+s16+$0x0], $0xffff  }
0x25d: {  	v40 =	vor.u32 $0x1, v38;
	_ =	sdelay $0x2  }
0x25e: {  	s2 =	simm.s32 $0xB980  }
0x25f: {  	v41 =	vld [tilespmem:s2+$0x0];
	[tilespmem:v2+s26+$0x0] =	vst.idx.msk $0xffff, v39  }
0x260: {  	v39 =	vld.idx.msk [tilespmem:v40+s16+$0x0], $0xffff  }
0x261: {  	v55 =	vor.u32 $0x2, v38;
	_ =	sdelay $0x3  }
0x262: {  	[tilespmem:v7+s26+$0x0] =	vst.idx.msk $0xffff, v39  }
0x263: {  	v39 =	vld.idx.msk [tilespmem:v55+s16+$0x0], $0xffff  }
0x264: {  	v56 =	vor.u32 $0x3, v38;
	_ =	sdelay $0x3  }
0x265: {  	[tilespmem:v8+s26+$0x0] =	vst.idx.msk $0xffff, v39  }
0x266: {  	v39 =	vld.idx.msk [tilespmem:v56+s16+$0x0], $0xffff  }
0x267: {  	v57 =	vor.u32 $0x4, v38;
	_ =	sdelay $0x3  }
0x268: {  	[tilespmem:v9+s26+$0x0] =	vst.idx.msk $0xffff, v39  }
0x269: {  	v39 =	vld.idx.msk [tilespmem:v57+s16+$0x0], $0xffff  }
0x26a: {  	v58 =	vor.u32 $0x5, v38;
	_ =	sdelay $0x3  }
0x26b: {  	[tilespmem:v10+s26+$0x0] =	vst.idx.msk $0xffff, v39  }
0x26c: {  	v39 =	vld.idx.msk [tilespmem:v58+s16+$0x0], $0xffff  }
0x26d: {  	v59 =	vor.u32 $0x6, v38;
	_ =	sdelay $0x3  }
0x26e: {  	[tilespmem:v11+s26+$0x0] =	vst.idx.msk $0xffff, v39  }
0x26f: {  	v39 =	vld.idx.msk [tilespmem:v59+s16+$0x0], $0xffff  }
0x270: {  	v60 =	vor.u32 $0x7, v38;
	_ =	sdelay $0x3  }
0x271: {  	[tilespmem:v12+s26+$0x0] =	vst.idx.msk $0xffff, v39  }
0x272: {  	v39 =	vld.idx.msk [tilespmem:v60+s16+$0x0], $0xffff  }
0x273: {  	v61 =	vor.u32 $0x8, v38;
	_ =	sdelay $0x3  }
0x274: {  	[tilespmem:v13+s26+$0x0] =	vst.idx.msk $0xffff, v39  }
0x275: {  	v39 =	vld.idx.msk [tilespmem:v61+s16+$0x0], $0xffff  }
0x276: {  	v62 =	vor.u32 $0x9, v38;
	_ =	sdelay $0x3  }
0x277: {  	[tilespmem:v14+s26+$0x0] =	vst.idx.msk $0xffff, v39  }
0x278: {  	v39 =	vld.idx.msk [tilespmem:v62+s16+$0x0], $0xffff  }
0x279: {  	v63 =	vor.u32 $0xA, v38;
	_ =	sdelay $0x3  }
0x27a: {  	[tilespmem:v15+s26+$0x0] =	vst.idx.msk $0xffff, v39  }
0x27b: {  	v39 =	vld.idx.msk [tilespmem:v63+s16+$0x0], $0xffff  }
0x27c: {  	v44 =	vor.u32 $0xB, v38;
	_ =	sdelay $0x3  }
0x27d: {  	[tilespmem:v16+s26+$0x0] =	vst.idx.msk $0xffff, v39  }
0x27e: {  	v39 =	vld.idx.msk [tilespmem:v44+s16+$0x0], $0xffff  }
0x27f: {  	v45 =	vor.u32 $0xC, v38;
	_ =	sdelay $0x3  }
0x280: {  	[tilespmem:v17+s26+$0x0] =	vst.idx.msk $0xffff, v39  }
0x281: {  	v39 =	vld.idx.msk [tilespmem:v45+s16+$0x0], $0xffff  }
0x282: {  	v46 =	vor.u32 $0xD, v38;
	_ =	sdelay $0x3  }
0x283: {  	[tilespmem:v18+s26+$0x0] =	vst.idx.msk $0xffff, v39  }
0x284: {  	v39 =	vld.idx.msk [tilespmem:v46+s16+$0x0], $0xffff  }
0x285: {  	v47 =	vor.u32 $0xE, v38;
	_ =	sdelay $0x3  }
0x286: {  	[tilespmem:v19+s26+$0x0] =	vst.idx.msk $0xffff, v39  }
0x287: {  	v39 =	vld.idx.msk [tilespmem:v47+s16+$0x0], $0xffff  }
0x288: {  	v48 =	vor.u32 $0xF, v38;
	_ =	sdelay $0x3  }
0x289: {  	[tilespmem:v20+s26+$0x0] =	vst.idx.msk $0xffff, v39  }
0x28a: {  	v39 =	vld.idx.msk [tilespmem:v48+s16+$0x0], $0xffff  }
0x28b: {  	v49 =	vor.u32 $0x10, v38;
	_ =	sdelay $0x3  }
0x28c: {  	[tilespmem:v21+s26+$0x0] =	vst.idx.msk $0xffff, v39  }
0x28d: {  	v39 =	vld.idx.msk [tilespmem:v49+s16+$0x0], $0xffff  }
0x28e: {  	v50 =	vor.u32 $0x11, v38;
	_ =	sdelay $0x3  }
0x28f: {  	[tilespmem:v22+s26+$0x0] =	vst.idx.msk $0xffff, v39  }
0x290: {  	v39 =	vld.idx.msk [tilespmem:v50+s16+$0x0], $0xffff  }
0x291: {  	v51 =	vor.u32 $0x12, v38;
	_ =	sdelay $0x3  }
0x292: {  	[tilespmem:v23+s26+$0x0] =	vst.idx.msk $0xffff, v39  }
0x293: {  	v39 =	vld.idx.msk [tilespmem:v51+s16+$0x0], $0xffff  }
0x294: {  	v52 =	vor.u32 $0x13, v38;
	_ =	sdelay $0x3  }
0x295: {  	[tilespmem:v24+s26+$0x0] =	vst.idx.msk $0xffff, v39  }
0x296: {  	v39 =	vld.idx.msk [tilespmem:v52+s16+$0x0], $0xffff  }
0x297: {  	v53 =	vor.u32 $0x14, v38;
	_ =	sdelay $0x3  }
0x298: {  	[tilespmem:v25+s26+$0x0] =	vst.idx.msk $0xffff, v39  }
0x299: {  	v39 =	vld.idx.msk [tilespmem:v53+s16+$0x0], $0xffff  }
0x29a: {  	v54 =	vor.u32 $0x15, v38;
	_ =	sdelay $0x3  }
0x29b: {  	[tilespmem:v26+s26+$0x0] =	vst.idx.msk $0xffff, v39  }
0x29c: {  	v39 =	vld.idx.msk [tilespmem:v54+s16+$0x0], $0xffff  }
0x29d: {  	v55 =	vor.u32 $0x16, v38;
	_ =	sdelay $0x3  }
0x29e: {  	[tilespmem:v27+s26+$0x0] =	vst.idx.msk $0xffff, v39  }
0x29f: {  	v39 =	vld.idx.msk [tilespmem:v55+s16+$0x0], $0xffff  }
0x2a0: {  	v56 =	vor.u32 $0x17, v38;
	_ =	sdelay $0x3  }
0x2a1: {  	[tilespmem:v28+s26+$0x0] =	vst.idx.msk $0xffff, v39  }
0x2a2: {  	v39 =	vld.idx.msk [tilespmem:v56+s16+$0x0], $0xffff  }
0x2a3: {  	v57 =	vor.u32 $0x18, v38;
	_ =	sdelay $0x3  }
0x2a4: {  	[tilespmem:v29+s26+$0x0] =	vst.idx.msk $0xffff, v39  }
0x2a5: {  	v39 =	vld.idx.msk [tilespmem:v57+s16+$0x0], $0xffff  }
0x2a6: {  	v58 =	vor.u32 $0x19, v38;
	_ =	sdelay $0x3  }
0x2a7: {  	[tilespmem:v30+s26+$0x0] =	vst.idx.msk $0xffff, v39  }
0x2a8: {  	v39 =	vld.idx.msk [tilespmem:v58+s16+$0x0], $0xffff  }
0x2a9: {  	v59 =	vor.u32 $0x1A, v38;
	_ =	sdelay $0x3  }
0x2aa: {  	[tilespmem:v31+s26+$0x0] =	vst.idx.msk $0xffff, v39  }
0x2ab: {  	v39 =	vld.idx.msk [tilespmem:v59+s16+$0x0], $0xffff  }
0x2ac: {  	v60 =	vor.u32 $0x1B, v38;
	_ =	sdelay $0x3  }
0x2ad: {  	[tilespmem:v32+s26+$0x0] =	vst.idx.msk $0xffff, v39  }
0x2ae: {  	v39 =	vld.idx.msk [tilespmem:v60+s16+$0x0], $0xffff  }
0x2af: {  	v61 =	vor.u32 $0x1C, v38;
	_ =	sdelay $0x3  }
0x2b0: {  	[tilespmem:v33+s26+$0x0] =	vst.idx.msk $0xffff, v39  }
0x2b1: {  	v39 =	vld.idx.msk [tilespmem:v61+s16+$0x0], $0xffff  }
0x2b2: {  	v62 =	vor.u32 $0x1D, v38;
	_ =	sdelay $0x3  }
0x2b3: {  	[tilespmem:v34+s26+$0x0] =	vst.idx.msk $0xffff, v39  }
0x2b4: {  	v39 =	vld.idx.msk [tilespmem:v62+s16+$0x0], $0xffff  }
0x2b5: {  	v63 =	vor.u32 $0x1E, v38;
	_ =	sdelay $0x3  }
0x2b6: {  	[tilespmem:v35+s26+$0x0] =	vst.idx.msk $0xffff, v39  }
0x2b7: {  	v39 =	vld.idx.msk [tilespmem:v63+s16+$0x0], $0xffff  }
0x2b8: {  	v38 =	vor.u32 $0x1F, v38;
	_ =	sdelay $0x3  }
0x2b9: {  	[tilespmem:v36+s26+$0x0] =	vst.idx.msk $0xffff, v39  }
0x2ba: {  	v38 =	vld.idx.msk [tilespmem:v38+s16+$0x0], $0xffff;
	_ =	sdelay $0x2  }
0x2bb: {  	p0 =	sne.s32 s4, $0x1  }
.Ltmp18:
0x2bc: {  	_ = 	snop;
	(pc) =	sbr.rel @!p0 .LBB2_26-.Ltmp18, $4  }
0x2bd: {  	[tilespmem:v37+s26+$0x0] =	vst.idx.msk $0xffff, v38  }
0x2be: {  	[hbm4b:s8+s5] =	stream.indirect_vreg.scatter [tilespmem:s26], [sflag:$0x2], $0x80, v41, vm0, $0xb8;
	[tilespmem:$0x1FA00] =	vst v63  }
0x2bf: {  	_ =	swait.ge [sflag:s25], $0x800  }
0x2c0: {  	s4 =	sadd.s32 $0xFFFFFFFF, s4;
	[sflag:s25] =	ssyncset.done $0x0  }
.LBB2_25:
0x2c1: {  	[sflag:s25] =	ssyncadd.s32 $0xFFFFF800;
	s0 =	sadd.s32 $0x10, s0;
	s2 =	sadd.s32 $0x10, s2  }
0x2c2: {  	p0 =	sne.s32 s4, $0x1;
	s4 =	sadd.s32 $0xFFFFFFFF, s4;
	v38 =	vld [tilespmem:s0+$0x0];
	_ =	sdelay $0x4  }
0x2c3: {  	v38 =	vadd.s32 $0xFFF0BE00, v38  }
0x2c4: {  	vm1 =	vgt.s32 v38, $0x0  }
0x2c5: {  	v38 =	vnsel vm1, $0x0, v38  }
0x2c6: {  	v38 =	vmin.u32 v38, $0x3F  }
0x2c7: {  	v39 =	vshll.u32 v38, $0x5;
	_ =	sdelay $0x4  }
0x2c8: {  	v40 =	vld.idx.msk [tilespmem:v39+s16+$0x0], $0xffff;
	_ =	sdelay $0x1  }
0x2c9: {  	v41 =	vor.u32 $0x1, v39;
	_ =	sdelay $0x2  }
0x2ca: {  	v38 =	vld [tilespmem:s2+$0x0]  }
0x2cb: {  	[tilespmem:v2+s26+$0x0] =	vst.idx.msk $0xffff, v40  }
0x2cc: {  	v40 =	vld.idx.msk [tilespmem:v41+s16+$0x0], $0xffff;
	_ =	sdelay $0x1  }
0x2cd: {  	v41 =	vor.u32 $0x2, v39;
	_ =	sdelay $0x3  }
0x2ce: {  	[tilespmem:v7+s26+$0x0] =	vst.idx.msk $0xffff, v40  }
0x2cf: {  	v40 =	vld.idx.msk [tilespmem:v41+s16+$0x0], $0xffff;
	_ =	sdelay $0x1  }
0x2d0: {  	v41 =	vor.u32 $0x3, v39;
	_ =	sdelay $0x3  }
0x2d1: {  	[tilespmem:v8+s26+$0x0] =	vst.idx.msk $0xffff, v40  }
0x2d2: {  	v40 =	vld.idx.msk [tilespmem:v41+s16+$0x0], $0xffff;
	_ =	sdelay $0x1  }
0x2d3: {  	v41 =	vor.u32 $0x4, v39;
	_ =	sdelay $0x3  }
0x2d4: {  	[tilespmem:v9+s26+$0x0] =	vst.idx.msk $0xffff, v40  }
0x2d5: {  	v40 =	vld.idx.msk [tilespmem:v41+s16+$0x0], $0xffff;
	_ =	sdelay $0x1  }
0x2d6: {  	v41 =	vor.u32 $0x5, v39;
	_ =	sdelay $0x3  }
0x2d7: {  	[tilespmem:v10+s26+$0x0] =	vst.idx.msk $0xffff, v40  }
0x2d8: {  	v40 =	vld.idx.msk [tilespmem:v41+s16+$0x0], $0xffff;
	_ =	sdelay $0x1  }
0x2d9: {  	v41 =	vor.u32 $0x6, v39;
	_ =	sdelay $0x3  }
0x2da: {  	[tilespmem:v11+s26+$0x0] =	vst.idx.msk $0xffff, v40  }
0x2db: {  	v40 =	vld.idx.msk [tilespmem:v41+s16+$0x0], $0xffff;
	_ =	sdelay $0x1  }
0x2dc: {  	v41 =	vor.u32 $0x7, v39;
	_ =	sdelay $0x3  }
0x2dd: {  	[tilespmem:v12+s26+$0x0] =	vst.idx.msk $0xffff, v40  }
0x2de: {  	v40 =	vld.idx.msk [tilespmem:v41+s16+$0x0], $0xffff;
	_ =	sdelay $0x1  }
0x2df: {  	v41 =	vor.u32 $0x8, v39;
	_ =	sdelay $0x3  }
0x2e0: {  	[tilespmem:v13+s26+$0x0] =	vst.idx.msk $0xffff, v40  }
0x2e1: {  	v40 =	vld.idx.msk [tilespmem:v41+s16+$0x0], $0xffff;
	_ =	sdelay $0x1  }
0x2e2: {  	v41 =	vor.u32 $0x9, v39;
	_ =	sdelay $0x3  }
0x2e3: {  	[tilespmem:v14+s26+$0x0] =	vst.idx.msk $0xffff, v40  }
0x2e4: {  	v40 =	vld.idx.msk [tilespmem:v41+s16+$0x0], $0xffff;
	_ =	sdelay $0x1  }
0x2e5: {  	v41 =	vor.u32 $0xA, v39;
	_ =	sdelay $0x3  }
0x2e6: {  	[tilespmem:v15+s26+$0x0] =	vst.idx.msk $0xffff, v40  }
0x2e7: {  	v40 =	vld.idx.msk [tilespmem:v41+s16+$0x0], $0xffff;
	_ =	sdelay $0x1  }
0x2e8: {  	v41 =	vor.u32 $0xB, v39;
	_ =	sdelay $0x3  }
0x2e9: {  	[tilespmem:v16+s26+$0x0] =	vst.idx.msk $0xffff, v40  }
0x2ea: {  	v40 =	vld.idx.msk [tilespmem:v41+s16+$0x0], $0xffff;
	_ =	sdelay $0x1  }
0x2eb: {  	v41 =	vor.u32 $0xC, v39;
	_ =	sdelay $0x3  }
0x2ec: {  	[tilespmem:v17+s26+$0x0] =	vst.idx.msk $0xffff, v40  }
0x2ed: {  	v40 =	vld.idx.msk [tilespmem:v41+s16+$0x0], $0xffff;
	_ =	sdelay $0x1  }
0x2ee: {  	v41 =	vor.u32 $0xD, v39;
	_ =	sdelay $0x3  }
0x2ef: {  	[tilespmem:v18+s26+$0x0] =	vst.idx.msk $0xffff, v40  }
0x2f0: {  	v40 =	vld.idx.msk [tilespmem:v41+s16+$0x0], $0xffff;
	_ =	sdelay $0x1  }
0x2f1: {  	v41 =	vor.u32 $0xE, v39;
	_ =	sdelay $0x3  }
0x2f2: {  	[tilespmem:v19+s26+$0x0] =	vst.idx.msk $0xffff, v40  }
0x2f3: {  	v40 =	vld.idx.msk [tilespmem:v41+s16+$0x0], $0xffff;
	_ =	sdelay $0x1  }
0x2f4: {  	v41 =	vor.u32 $0xF, v39;
	_ =	sdelay $0x3  }
0x2f5: {  	[tilespmem:v20+s26+$0x0] =	vst.idx.msk $0xffff, v40  }
0x2f6: {  	v40 =	vld.idx.msk [tilespmem:v41+s16+$0x0], $0xffff;
	_ =	sdelay $0x1  }
0x2f7: {  	v41 =	vor.u32 $0x10, v39;
	_ =	sdelay $0x3  }
0x2f8: {  	[tilespmem:v21+s26+$0x0] =	vst.idx.msk $0xffff, v40  }
0x2f9: {  	v40 =	vld.idx.msk [tilespmem:v41+s16+$0x0], $0xffff;
	_ =	sdelay $0x1  }
0x2fa: {  	v41 =	vor.u32 $0x11, v39;
	_ =	sdelay $0x3  }
0x2fb: {  	[tilespmem:v22+s26+$0x0] =	vst.idx.msk $0xffff, v40  }
0x2fc: {  	v40 =	vld.idx.msk [tilespmem:v41+s16+$0x0], $0xffff;
	_ =	sdelay $0x1  }
0x2fd: {  	v41 =	vor.u32 $0x12, v39;
	_ =	sdelay $0x3  }
0x2fe: {  	[tilespmem:v23+s26+$0x0] =	vst.idx.msk $0xffff, v40  }
0x2ff: {  	v40 =	vld.idx.msk [tilespmem:v41+s16+$0x0], $0xffff;
	_ =	sdelay $0x1  }
0x300: {  	v41 =	vor.u32 $0x13, v39;
	_ =	sdelay $0x3  }
0x301: {  	[tilespmem:v24+s26+$0x0] =	vst.idx.msk $0xffff, v40  }
0x302: {  	v40 =	vld.idx.msk [tilespmem:v41+s16+$0x0], $0xffff;
	_ =	sdelay $0x1  }
0x303: {  	v41 =	vor.u32 $0x14, v39;
	_ =	sdelay $0x3  }
0x304: {  	[tilespmem:v25+s26+$0x0] =	vst.idx.msk $0xffff, v40  }
0x305: {  	v40 =	vld.idx.msk [tilespmem:v41+s16+$0x0], $0xffff;
	_ =	sdelay $0x1  }
0x306: {  	v41 =	vor.u32 $0x15, v39;
	_ =	sdelay $0x3  }
0x307: {  	[tilespmem:v26+s26+$0x0] =	vst.idx.msk $0xffff, v40  }
0x308: {  	v40 =	vld.idx.msk [tilespmem:v41+s16+$0x0], $0xffff;
	_ =	sdelay $0x1  }
0x309: {  	v41 =	vor.u32 $0x16, v39;
	_ =	sdelay $0x3  }
0x30a: {  	[tilespmem:v27+s26+$0x0] =	vst.idx.msk $0xffff, v40  }
0x30b: {  	v40 =	vld.idx.msk [tilespmem:v41+s16+$0x0], $0xffff;
	_ =	sdelay $0x1  }
0x30c: {  	v41 =	vor.u32 $0x17, v39;
	_ =	sdelay $0x3  }
0x30d: {  	[tilespmem:v28+s26+$0x0] =	vst.idx.msk $0xffff, v40  }
0x30e: {  	v40 =	vld.idx.msk [tilespmem:v41+s16+$0x0], $0xffff;
	_ =	sdelay $0x1  }
0x30f: {  	v41 =	vor.u32 $0x18, v39;
	_ =	sdelay $0x3  }
0x310: {  	[tilespmem:v29+s26+$0x0] =	vst.idx.msk $0xffff, v40  }
0x311: {  	v40 =	vld.idx.msk [tilespmem:v41+s16+$0x0], $0xffff;
	_ =	sdelay $0x1  }
0x312: {  	v41 =	vor.u32 $0x19, v39;
	_ =	sdelay $0x3  }
0x313: {  	[tilespmem:v30+s26+$0x0] =	vst.idx.msk $0xffff, v40  }
0x314: {  	v40 =	vld.idx.msk [tilespmem:v41+s16+$0x0], $0xffff;
	_ =	sdelay $0x1  }
0x315: {  	v41 =	vor.u32 $0x1A, v39;
	_ =	sdelay $0x3  }
0x316: {  	[tilespmem:v31+s26+$0x0] =	vst.idx.msk $0xffff, v40  }
0x317: {  	v40 =	vld.idx.msk [tilespmem:v41+s16+$0x0], $0xffff;
	_ =	sdelay $0x1  }
0x318: {  	v41 =	vor.u32 $0x1B, v39;
	_ =	sdelay $0x3  }
0x319: {  	[tilespmem:v32+s26+$0x0] =	vst.idx.msk $0xffff, v40  }
0x31a: {  	v40 =	vld.idx.msk [tilespmem:v41+s16+$0x0], $0xffff;
	_ =	sdelay $0x1  }
0x31b: {  	v41 =	vor.u32 $0x1C, v39;
	_ =	sdelay $0x3  }
0x31c: {  	[tilespmem:v33+s26+$0x0] =	vst.idx.msk $0xffff, v40  }
0x31d: {  	v40 =	vld.idx.msk [tilespmem:v41+s16+$0x0], $0xffff;
	_ =	sdelay $0x1  }
0x31e: {  	v41 =	vor.u32 $0x1D, v39;
	_ =	sdelay $0x3  }
0x31f: {  	[tilespmem:v34+s26+$0x0] =	vst.idx.msk $0xffff, v40  }
0x320: {  	v40 =	vld.idx.msk [tilespmem:v41+s16+$0x0], $0xffff;
	_ =	sdelay $0x1  }
0x321: {  	v41 =	vor.u32 $0x1E, v39;
	_ =	sdelay $0x3  }
0x322: {  	[tilespmem:v35+s26+$0x0] =	vst.idx.msk $0xffff, v40  }
0x323: {  	v40 =	vld.idx.msk [tilespmem:v41+s16+$0x0], $0xffff;
	_ =	sdelay $0x1  }
0x324: {  	v39 =	vor.u32 $0x1F, v39;
	_ =	sdelay $0x3  }
0x325: {  	[tilespmem:v36+s26+$0x0] =	vst.idx.msk $0xffff, v40  }
0x326: {  	v39 =	vld.idx.msk [tilespmem:v39+s16+$0x0], $0xffff;
	_ =	sdelay $0x4  }
.Ltmp19:
0x327: {  	(pc) =	sbr.rel @p0 .LBB2_25-.Ltmp19, $4  }
0x328: {  	[tilespmem:v37+s26+$0x0] =	vst.idx.msk $0xffff, v39  }
0x329: {  	[hbm4b:s8+s5] =	stream.indirect_vreg.scatter [tilespmem:s26], [sflag:$0x2], $0x80, v38, vm0, $0xb8;
	[tilespmem:$0x1FA00] =	vst v63  }
0x32a: {  	_ =	swait.ge [sflag:s25], $0x800  }
0x32b: {  	[sflag:s25] =	ssyncset.done $0x0  }
.Ltmp20:
0x32c: {  	_ = 	snop;
	(pc) =	sbr.rel .LBB2_26-.Ltmp20, $1  }
0x32d: {  	_ =	sdelay $0x3  }
.LBB2_28:
0x32e: {  	_ =	sfence.sel $0x180000  }
0x32f: {  	[bflag:$0x0] =	sbarrier.arrive $0xFFFF  }
0x330: {  	_ =	strace $0x90000047  }
0x331: {  	s0 =	stileid.u32;
	[bflag:$0x2] =	sbarrier.arrive $0xFFFF  }
0x332: {  	p0 =	sne.s32 s0, $0x0;
	s0 =	rddreg [dreg:$0x3]  }
0x333: {  	s0 =	sadd.s32 @!p0 $0x100000, s0  }
0x334: {  	[sflag:s0] =	ssyncadd.tile.s32 @!p0 $0x1;
	_ =	shalt  }
.Lfunc_end2:
_tile_overlayer_lowered:
.L_overlay_start_2:
0x335: {  	(tag) =	ssettag $0x2  }
0x336: {  	s0 =	rddreg [dreg:$0x0];
	s2 =	stileid.u32  }
0x337: {  	s1 =	rddreg [dreg:$0x1];
	p0 =	sne.s32 s2, $0x0  }
0x338: {  	s3 =	rddreg [dreg:$0x2];
	[bflag:$0x3] =	sbarrier.arrive $0xFFFF;
	s2 =	simm.s32 @!p0 $0x1C03  }
0x339: {  	[timem:s3], [sflag:s2] =	dma.local @!p0 [hbm:s0], s1  }
0x33a: {  	s0 =	simm.s32 @!p0 $0x3  }
0x33b: {  	_ =	swait.ge @!p0 [sflag:s0], s1  }
0x33c: {  	s1 =	ssub.s32 @!p0 $0x0, s1;
	[sflag:s0] =	ssyncset.done @!p0 $0x0  }
0x33d: {  	[sflag:s0] =	ssyncadd.s32 @!p0 s1  }
0x33e: {  	[bflag:$0x3] =	sbarrier.arrive $0xFFFF  }
0x33f: {  	_ =	shalt  }

// kernel: kernel.7.cloned.1.call-start
scs
__scs_entry_jumppad:
0x0: {  	(pc) =	sbr.rel $0x88, $3  }
0x1: {  	(tag) =	ssettag $0x0;
	lr =	simm.s32 $0x1  }
0x2: {  	[smem:$0x3F9F] =	sst lr;
	_ =	strace $0xD0000000  }
0x3: {  	_ = 	snop  }
0x4: {  	_ = 	snop  }
0x5: {  	_ = 	snop  }
0x6: {  	_ = 	snop  }
0x7: {  	_ = 	snop  }
__scs_overlays_trampoline_lowered:
0x8: {  	[smem:$0x3FAE] =	sst s0  }
0x9: {  	[smem:$0x3FAF] =	sst s1  }
0xa: {  	[smem:$0x3FB0] =	sst s2  }
0xb: {  	[smem:$0x3FB1] =	sst s3  }
0xc: {  	[smem:$0x3FB2] =	sst s4  }
0xd: {  	[smem:$0x3FB3] =	sst s5  }
0xe: {  	[smem:$0x3FB4] =	sst s6  }
0xf: {  	[smem:$0x3FB5] =	sst s7  }
0x10: {  	[smem:$0x3FB6] =	sst s8  }
0x11: {  	[smem:$0x3FB7] =	sst s9;
	s0 =	simm.s32 @!p0 $0x0  }
0x12: {  	s1 =	sld [smem:$0x3F9D];
	s0 =	simm.s32 @p0 $0x1  }
0x13: {  	[smem:$0x3FB8] =	sst s0;
	s0 =	simm.s32 @!p1 $0x0  }
0x14: {  	s2 =	sld [smem:$0x3F9C];
	s0 =	simm.s32 @p1 $0x1  }
0x15: {  	[smem:$0x3FB9] =	sst s0;
	s0 =	simm.s32 @!p2 $0x0  }
0x16: {  	s3 =	sld [smem:$0x3FDB];
	s0 =	simm.s32 @p2 $0x1  }
0x17: {  	s4 =	simm.s32 $0x1BF5;
	[smem:$0x3FBB] =	sst s0  }
0x18: {  	s0 =	sld [smem:$0x3F9E];
	_ =	swait.ge [sflag:s4], $0x0  }
0x19: {  	s7 =	sld [smem:$0x3F9F]  }
0x1a: {  	s8 =	sadd.s32 $0xFFFFE003, lr  }
0x1b: {  	s9 =	sadd.s32 $0xFFFFFEF7, lr;
	s5 =	simm.s32 $0xFFFFFFFF;
	p2 =	slt.u32 s8, $0xFFFFF086  }
0x1c: {  	p1 =	slt.u32 s9, $0xF7A;
	s5 =	simm.s32 @!p2 $0x0  }
0x1d: {  	s5 =	simm.s32 @p1 $0x1;
	p0 =	seq.s32 s7, s2  }
0x1e: {  	s7 =	smul.u32 @!p0 $0xF7A, s2;
	p2 =	seq.s32 @!p0 s5, $0x0  }
0x1f: {  	s9 =	smul.u32 $0xF7A, s1;
	s8 =	simm.s32 @!p0 $0x1BF5;
	p2 =	por !p2, p0  }
0x20: {  	[sflag:s8] =	ssyncset.s32 @!p0 $0xFFFFF086;
	s6 =	sadd.s32 @!p0 s3, s7;
	s7 =	simm.s32 @!p0 $0x108  }
0x21: {  	s3 =	sadd.s32 s3, s9;
	s6 =	sadd.s32 @!p0 $0x88, s6;
	s7 =	simm.s32 @p2 $0x1082  }
0x22: {  	[simem:s7], [sflag:s8] =	dma.local @!p0 [hbm:s6], $0xF7A  }
0x23: {  	s9 =	sor.u32 $0xD0000000, s2;
	s6 =	simm.s32 $0x108;
	_ =	swait.ge @!p0 [sflag:s8], $0x0  }
0x24: {  	s3 =	sadd.s32 $0x88, s3;
	s6 =	simm.s32 @!p1 $0x1082;
	[sflag:s4] =	ssyncset.s32 $0xFFFFF086  }
0x25: {  	[simem:s6], [sflag:s4] =	dma.local [hbm:s3], $0xF7A  }
0x26: {  	[smem:$0x3F9F] =	sst s1;
	(tag) =	ssettag s2;
	_ =	strace s9  }
0x27: {  	s1 =	sld [smem:$0x3FAF]  }
0x28: {  	s2 =	sld [smem:$0x3FB0]  }
0x29: {  	s4 =	sld [smem:$0x3FB2]  }
0x2a: {  	p0 =	seq.s32 s5, $0x0;
	s5 =	sld [smem:$0x3FB3]  }
0x2b: {  	s6 =	sld [smem:$0x3FB4]  }
0x2c: {  	s7 =	sld [smem:$0x3FB5]  }
0x2d: {  	s3 =	simm.s32 $0x108;
	s8 =	sld [smem:$0x3FB6]  }
0x2e: {  	s3 =	simm.s32 @!p0 $0x1082;
	s9 =	sld [smem:$0x3FB7]  }
0x2f: {  	lr =	sadd.s32 s0, s3;
	s0 =	sld [smem:$0x3FAE]  }
0x30: {  	s3 =	sld [smem:$0x3FB1]  }
0x31: {  	[smem:$0x3FBA] =	sst s10  }
0x32: {  	s10 =	sld [smem:$0x3FB8];
	_ =	sdelay $0x3  }
0x33: {  	p0 =	seq.s32 s10, $0x1;
	s10 =	sld [smem:$0x3FBA];
	_ =	sdelay $0x3  }
0x34: {  	[smem:$0x3FBA] =	sst s10  }
0x35: {  	s10 =	sld [smem:$0x3FB9];
	_ =	sdelay $0x3  }
0x36: {  	p1 =	seq.s32 s10, $0x1;
	s10 =	sld [smem:$0x3FBA];
	_ =	sdelay $0x3  }
0x37: {  	[smem:$0x3FBA] =	sst s10  }
0x38: {  	s10 =	sld [smem:$0x3FBB]  }
0x39: {  	_ = 	snop;
	(pc) =	sbr.ind lr, $3  }
0x3a: {  	_ = 	snop  }
0x3b: {  	_ = 	snop  }
0x3c: {  	p2 =	seq.s32 s10, $0x1;
	s10 =	sld [smem:$0x3FBA]  }
0x3d: {  	_ =	shalt  }
0x3e: {  	_ =	shalt  }
0x3f: {  	_ =	shalt  }
0x40: {  	_ =	shalt  }
0x41: {  	_ =	shalt  }
0x42: {  	_ =	shalt  }
0x43: {  	_ =	shalt  }
0x44: {  	_ =	shalt  }
0x45: {  	_ =	shalt  }
0x46: {  	_ =	shalt  }
0x47: {  	_ =	shalt  }
0x48: {  	_ =	shalt  }
0x49: {  	_ =	shalt  }
0x4a: {  	_ =	shalt  }
0x4b: {  	_ =	shalt  }
0x4c: {  	_ =	shalt  }
0x4d: {  	_ =	shalt  }
0x4e: {  	_ =	shalt  }
0x4f: {  	_ =	shalt  }
0x50: {  	_ =	shalt  }
0x51: {  	_ =	shalt  }
0x52: {  	_ =	shalt  }
0x53: {  	_ =	shalt  }
0x54: {  	_ =	shalt  }
0x55: {  	_ =	shalt  }
0x56: {  	_ =	shalt  }
0x57: {  	_ =	shalt  }
0x58: {  	_ =	shalt  }
0x59: {  	_ =	shalt  }
0x5a: {  	_ =	shalt  }
0x5b: {  	_ =	shalt  }
0x5c: {  	_ =	shalt  }
0x5d: {  	_ =	shalt  }
0x5e: {  	_ =	shalt  }
0x5f: {  	_ =	shalt  }
0x60: {  	_ =	shalt  }
0x61: {  	_ =	shalt  }
0x62: {  	_ =	shalt  }
0x63: {  	_ =	shalt  }
0x64: {  	_ =	shalt  }
0x65: {  	_ =	shalt  }
0x66: {  	_ =	shalt  }
0x67: {  	_ =	shalt  }
0x68: {  	_ =	shalt  }
0x69: {  	_ =	shalt  }
0x6a: {  	_ =	shalt  }
0x6b: {  	_ =	shalt  }
0x6c: {  	_ =	shalt  }
0x6d: {  	_ =	shalt  }
0x6e: {  	_ =	shalt  }
0x6f: {  	_ =	shalt  }
0x70: {  	_ =	shalt  }
0x71: {  	_ =	shalt  }
0x72: {  	_ =	shalt  }
0x73: {  	_ =	shalt  }
0x74: {  	_ =	shalt  }
0x75: {  	_ =	shalt  }
0x76: {  	_ =	shalt  }
0x77: {  	_ =	shalt  }
0x78: {  	_ =	shalt  }
0x79: {  	_ =	shalt  }
0x7a: {  	_ =	shalt  }
0x7b: {  	_ =	shalt  }
0x7c: {  	_ =	shalt  }
0x7d: {  	_ =	shalt  }
0x7e: {  	_ =	shalt  }
0x7f: {  	_ =	shalt  }
0x80: {  	_ =	shalt  }
0x81: {  	_ =	shalt  }
0x82: {  	_ =	shalt  }
0x83: {  	_ =	shalt  }
0x84: {  	_ =	shalt  }
0x85: {  	_ =	shalt  }
0x86: {  	_ =	shalt  }
0x87: {  	_ =	shalt  }
.Lfunc_end0:
.L_simem_size_0:
called_computation.1_lowered:
.L_overlay_start_0:
0x88: {  	s2 =	sld [smem:$0x3FD9]  }
0x89: {  	s3 =	sld [smem:$0x3FFE];
	_ =	sdelay $0x1  }
0x8a: {  	s1 =	srdreg.scid  }
0x8b: {  	s0 =	sand.u32 $0x1, s1  }
0x8c: {  	s16 =	sshll.u32 s0, $0xA;
	s2 =	sadd.s32 s3, s2  }
0x8d: {  	s2 =	sadd.s32 s2, s16  }
0x8e: {  	[smem:$0x3FC6] =	sst s2  }
0x8f: {  	_ = 	snop  }
0x90: {  	(tm) =	ssettm $0x1  }
0x91: {  	s17 =	sld [smem:$0x3FFB];
	_ =	sdelay $0x3  }
0x92: {  	_ =	strace s17  }
0x93: {  	s2 =	sld [smem:$0x3FFC];
	_ =	sdelay $0x3  }
0x94: {  	_ =	strace s2  }
0x95: {  	s2 =	sld [smem:$0x3FFD];
	_ =	sdelay $0x3  }
0x96: {  	_ =	strace s2  }
0x97: {  	_ =	strace $0x8FFFFFFF  }
0x98: {  	s18 =	sld [smem:$0x3FDB];
	_ =	sdelay $0x1  }
0x99: {  	s19 =	simm.s32 $_scs_section_size  }
0x9a: {  	s4 =	simm.s32 $_size__tile_overlayer_lowered;
	s5 =	simm.s32 $_tile_overlayer_lowered  }
0x9b: {  	s22 =	simm.s32 $0x1BFF;
	s21 =	sshll.u32 s5, $0x1;
	s2 =	sadd.s32 s19, s18  }
0x9c: {  	s6 =	simm.s32 $0x0;
	s20 =	sshll.u32 s4, $0x1;
	s4 =	sadd.s32 s21, s2  }
0x9d: {  	[timem:s6], [sflag:s22] =	dma.local [hbm:s4], s20  }
0x9e: {  	_ =	swait.ge [sflag:s22], s20  }
0x9f: {  	s3 =	ssub.s32 $0x0, s20;
	[sflag:s22] =	ssyncset.done $0x0  }
0xa0: {  	[sflag:s22] =	ssyncadd.s32 s3;
	_ =	sdelay $0x1  }
0xa1: {  	s23 =	simm.s32 $0x1B8B  }
0xa2: {  	_ =	swait.ge [sflag:s23], $0x1  }
0xa3: {  	[sflag:s23] =	ssyncset.done $0x0  }
0xa4: {  	s25 =	simm.s32 $0x1B8E;
	s24 =	sld [smem:$0x3FFE];
	[sflag:s23] =	ssyncadd.s32 $0xFFFFFFFF  }
0xa5: {  	s26 =	simm.s32 $execute0_lowered;
	[smem:$0x3FD2] =	sst s25  }
0xa6: {  	s4 =	sshll.u32 s26, $0x1;
	_ =	strace $0x80000049;
	[dreg:$0x1] =	wrdreg $0xFFFFFFFF  }
0xa7: {  	s28 =	simm.s32 $_size_execute0_lowered;
	s2 =	sadd.s32 s2, s4;
	[dreg:$0x0] =	wrdreg $0x0  }
0xa8: {  	s4 =	sshll.u32 s28, $0x1;
	[dreg:$0x2] =	wrdreg s2  }
0xa9: {  	[dreg:$0x3] =	wrdreg s4  }
0xaa: {  	[dreg:$0x4] =	wrdreg $0xC0  }
0xab: {  	_ =	task [dreg:s6], $0x5FFFF  }
0xac: {  	[dreg:$0x1] =	wrdreg $0xFFFFFFFF  }
0xad: {  	[dreg:$0x0] =	wrdreg $0x60  }
0xae: {  	[dreg:$0x2] =	wrdreg s24  }
0xaf: {  	[dreg:$0x3] =	wrdreg $0x9  }
0xb0: {  	_ =	task.clear_ibuf [dreg:s6], $0x4FFFF;
	_ =	strace $0x90000049  }
0xb1: {  	s29 =	simm.s32 $0x9;
	_ =	strace $0x8000004B  }
0xb2: {  	_ =	swait.ge [sflag:s29], $0x1  }
0xb3: {  	[sflag:s29] =	ssyncadd.s32 $0xFFFFFFFF  }
0xb4: {  	_ =	strace $0x9000004B  }
0xb5: {  	_ =	sfence  }
0xb6: {  	s30 =	sld [smem:$0x0];
	_ =	sdelay $0x2  }
0xb7: {  	s31 =	sshll.u32 s1, $0xD;
	s1 =	sshrl.u32 s1, $0x2  }
0xb8: {  	s3 =	sand.u32 $0x4000, s31;
	s1 =	sadd.s32 s1, s30  }
0xb9: {  	s0 =	sor.u32 s3, s0;
	s1 =	sshll.u32 s1, $0x11  }
0xba: {  	s0 =	sor.u32 s1, s0  }
0xbb: {  	s0 =	sadd.s32 $0x8F2B, s0  }
0xbc: {  	[sflag:s0] =	ssyncadd.remote.s32 $0x1  }
0xbd: {  	_ =	sfence.sel $0xFFFF  }
0xbe: {  	[dreg:$0x0] =	wrdreg $0xFFFFFFFF;
	(pc) =	sbr.abs _section_cstart, $3  }
0xbf: {  	[dreg:$0x1] =	wrdreg $0xFFFFFFFF  }
0xc0: {  	_ =	task.clear_ibuf [dreg:s6], $0x2FFFF;
	_ =	strace $0x9FFFFFFF  }
0xc1: {  	(tm) =	ssettm $0x7FFFFFFF  }
tec
execute0_lowered:
.L_overlay_start_1:
0x0: {  	(tag) =	ssettag $0x1  }
0x1: {  	s5 =	rddreg [dreg:$0x0]  }
0x2: {  	s0 =	rddreg [dreg:$0x1]  }
0x3: {  	s3 =	srdreg.scid;
	s1 =	stileid.u32  }
0x4: {  	s2 =	simm.s32 $0x0;
	s9 =	simm.s32 $0x4000;
	s10 =	simm.s32 $0x8000  }
0x5: {  	s11 =	simm.s32 $0x0;
	s3 =	sand.u32 $0x1, s3;
	s4 =	sshll.u32 s1, $0x1  }
0x6: {  	s15 =	simm.s32 $0x0;
	[smem:$0x7FF] =	sst s2;
	s4 =	sor.u32 s3, s4  }
0x7: {  	_ =	strace $0x8000004A;
	s7 =	ssub.s32 $0x2, s3;
	s3 =	sadd.s32 $0x600, s5  }
0x8: {  	s6 =	sshll.u32 s4, $0x4;
	s8 =	sshrl.u32 s7, $0x1;
	s4 =	sshll.u32 s4, $0xD  }
0x9: {  	v0 =	vlaneseq.u32;
	s6 =	sadd.s32 s6, s5;
	s7 =	ssub.s32 s7, s8;
	s5 =	sadd.s32 $0x40600, s5  }
0xa: {  	v0 =	vmul.u32 $0x80, v0;
	s8 =	simm.s32 $0x1;
	s6 =	sadd.s32 $0x80A00, s6;
	s7 =	smax.u32 s7, $0x1  }
.LBB2_1:
0xb: {  	v2 =	vimm.f32 $0.0e+00;
	s12 =	simm.s32 $0x0  }
.LBB2_2:
0xc: {  	s13 =	sshll.u32 s12, $0xB  }
0xd: {  	s13 =	sadd.s32 s4, s13  }
0xe: {  	s14 =	sadd.s32 s3, s13  }
0xf: {  	[tilespmem:s15], [sflag:$0x1] =	stream.linear.gather [hbm4b:s14+s15], $0x4000, $0x38;
	[tilespmem:$0x8080] =	vst v63  }
0x10: {  	v3 =	vmov s15;
	_ =	swait.ge [sflag:s8], $0x4000  }
0x11: {  	v3 =	vshll.u32 v3, $0x7;
	[sflag:s8] =	ssyncset.done $0x0  }
0x12: {  	s13 =	sadd.s32 s13, s5;
	v17 =	vor.u32 v0, v3;
	[sflag:s8] =	ssyncadd.s32 $0xFFFFC000  }
0x13: {  	[tilespmem:s9], [sflag:$0x1] =	stream.linear.gather [hbm4b:s13+s15], $0x4000, $0x38;
	[tilespmem:$0x8080] =	vst v63  }
0x14: {  	v3 =	vor.u32 $0x1, v17;
	_ =	swait.ge [sflag:s8], $0x4000  }
0x15: {  	[sflag:s8] =	ssyncset.done $0x0  }
0x16: {  	v4 =	vor.u32 $0x2, v17;
	[sflag:s8] =	ssyncadd.s32 $0xFFFFC000  }
0x17: {  	v18 =	vld.idx.msk [tilespmem:v17+s9+$0x0], $0xffff  }
0x18: {  	v5 =	vor.u32 $0x3, v17;
	v19 =	vld.idx.msk [tilespmem:v17+s2+$0x0], $0xffff  }
0x19: {  	v20 =	vld.idx.msk [tilespmem:v3+s2+$0x0], $0xffff  }
0x1a: {  	v6 =	vor.u32 $0x4, v17;
	v24 =	vld.idx.msk [tilespmem:v3+s9+$0x0], $0xffff  }
0x1b: {  	v25 =	vld.idx.msk [tilespmem:v4+s2+$0x0], $0xffff  }
0x1c: {  	v7 =	vor.u32 $0x5, v17;
	v26 =	vld.idx.msk [tilespmem:v4+s9+$0x0], $0xffff  }
0x1d: {  	v27 =	vld.idx.msk [tilespmem:v5+s2+$0x0], $0xffff  }
0x1e: {  	v8 =	vor.u32 $0x6, v17;
	v28 =	vld.idx.msk [tilespmem:v5+s9+$0x0], $0xffff  }
0x1f: {  	v29 =	vld.idx.msk [tilespmem:v6+s2+$0x0], $0xffff;
	v4 =	vmul.f32 v19, v19;
	v5 =	vmul.f32 v20, v20  }
0x20: {  	v11 =	vor.u32 $0x7, v17;
	v15 =	vor.u32 $0x9, v17;
	v30 =	vld.idx.msk [tilespmem:v6+s9+$0x0], $0xffff;
	v9 =	vmul.f32 v18, v18  }
0x21: {  	v31 =	vld.idx.msk [tilespmem:v7+s2+$0x0], $0xffff;
	v10 =	vmul.f32 v24, v24;
	v6 =	vmul.f32 v25, v25;
	v5 =	vadd.f32 v5, v4  }
0x22: {  	v23 =	vor.u32 $0xB, v17;
	v32 =	vld.idx.msk [tilespmem:v7+s9+$0x0], $0xffff;
	v12 =	vmul.f32 v26, v26;
	v7 =	vmul.f32 v27, v27  }
0x23: {  	v13 =	vld.idx.msk [tilespmem:v8+s2+$0x0], $0xffff;
	v9 =	vadd.f32 v10, v9;
	v10 =	vor.u32 $0x8, v17;
	v6 =	vadd.f32 v6, v5  }
0x24: {  	v37 =	vor.u32 $0xC, v17;
	v39 =	vor.u32 $0xD, v17;
	v33 =	vld.idx.msk [tilespmem:v8+s9+$0x0], $0xffff;
	v8 =	vmul.f32 v29, v29  }
0x25: {  	v14 =	vld.idx.msk [tilespmem:v11+s2+$0x0], $0xffff;
	v9 =	vadd.f32 v12, v9;
	v12 =	vmul.f32 v28, v28;
	v7 =	vadd.f32 v7, v6  }
0x26: {  	v40 =	vor.u32 $0x19, v17;
	v34 =	vld.idx.msk [tilespmem:v11+s9+$0x0], $0xffff;
	v11 =	vor.u32 $0xA, v17;
	v21 =	vmul.f32 v31, v31  }
0x27: {  	v38 =	vld.idx.msk [tilespmem:v15+s9+$0x0], $0xffff;
	v9 =	vadd.f32 v12, v9;
	v12 =	vmul.f32 v30, v30;
	v8 =	vadd.f32 v8, v7  }
0x28: {  	v42 =	vor.u32 $0xE, v17;
	v43 =	vor.u32 $0x18, v17;
	v22 =	vmul.f32 v32, v32;
	v16 =	vld.idx.msk [tilespmem:v10+s2+$0x0], $0xffff  }
0x29: {  	v35 =	vld.idx.msk [tilespmem:v10+s9+$0x0], $0xffff;
	v12 =	vadd.f32 v12, v9;
	v10 =	vadd.f32 v21, v8;
	v21 =	vmul.f32 v13, v13  }
0x2a: {  	v45 =	vor.u32 $0xF, v17;
	v46 =	vor.u32 $0x17, v17;
	v36 =	vmul.f32 v33, v33;
	v9 =	vld.idx.msk [tilespmem:v15+s2+$0x0], $0xffff  }
0x2b: {  	v44 =	vld.idx.msk [tilespmem:v23+s9+$0x0], $0xffff;
	v12 =	vadd.f32 v22, v12;
	v15 =	vadd.f32 v21, v10;
	v21 =	vmul.f32 v14, v14  }
0x2c: {  	v48 =	vor.u32 $0x10, v17;
	v49 =	vor.u32 $0x16, v17;
	v22 =	vmul.f32 v34, v34;
	v10 =	vld.idx.msk [tilespmem:v11+s2+$0x0], $0xffff  }
0x2d: {  	v41 =	vld.idx.msk [tilespmem:v11+s9+$0x0], $0xffff;
	v12 =	vadd.f32 v36, v12;
	v15 =	vadd.f32 v21, v15;
	v21 =	vmul.f32 v16, v16  }
0x2e: {  	v51 =	vor.u32 $0x11, v17;
	v52 =	vor.u32 $0x15, v17;
	v11 =	vld.idx.msk [tilespmem:v23+s2+$0x0], $0xffff;
	v56 =	vmul.f32 v35, v35  }
0x2f: {  	v22 =	vadd.f32 v22, v12;
	v15 =	vadd.f32 v21, v15;
	v21 =	vmul.f32 v9, v9  }
0x30: {  	v54 =	vor.u32 $0x12, v17;
	v55 =	vor.u32 $0x14, v17;
	v23 =	vmul.f32 v38, v38;
	v12 =	vld.idx.msk [tilespmem:v37+s2+$0x0], $0xffff  }
0x31: {  	v37 =	vld.idx.msk [tilespmem:v37+s9+$0x0], $0xffff;
	v22 =	vadd.f32 v56, v22;
	v57 =	vmul.f32 v10, v10;
	v21 =	vadd.f32 v21, v15  }
0x32: {  	v3 =	vor.u32 $0x1F, v17;
	v50 =	vmul.f32 v44, v44;
	v47 =	vmul.f32 v41, v41;
	v15 =	vld.idx.msk [tilespmem:v39+s2+$0x0], $0xffff  }
0x33: {  	v58 =	vmul.f32 v11, v11;
	v39 =	vld.idx.msk [tilespmem:v39+s9+$0x0], $0xffff;
	v22 =	vadd.f32 v23, v22;
	v23 =	vadd.f32 v57, v21  }
0x34: {  	v18 =	vmul.f32 v18, v19;
	v4 =	vor.u32 $0x1E, v17;
	v5 =	vor.u32 $0x1D, v17;
	v21 =	vld.idx.msk [tilespmem:v42+s2+$0x0], $0xffff  }
0x35: {  	v59 =	vmul.f32 v12, v12;
	v42 =	vld.idx.msk [tilespmem:v42+s9+$0x0], $0xffff;
	v47 =	vadd.f32 v47, v22;
	v23 =	vadd.f32 v58, v23  }
0x36: {  	v6 =	vor.u32 $0x1C, v17;
	v7 =	vor.u32 $0x1B, v17;
	v53 =	vmul.f32 v37, v37;
	v22 =	vld.idx.msk [tilespmem:v45+s2+$0x0], $0xffff  }
0x37: {  	v45 =	vld.idx.msk [tilespmem:v45+s9+$0x0], $0xffff;
	v47 =	vadd.f32 v50, v47;
	v60 =	vmul.f32 v15, v15;
	v36 =	vadd.f32 v59, v23  }
0x38: {  	v8 =	vor.u32 $0x1A, v17;
	v17 =	vor.u32 $0x13, v17;
	v19 =	vmul.f32 v39, v39;
	v23 =	vld.idx.msk [tilespmem:v48+s2+$0x0], $0xffff  }
0x39: {  	v48 =	vld.idx.msk [tilespmem:v48+s9+$0x0], $0xffff;
	v47 =	vadd.f32 v53, v47;
	v61 =	vmul.f32 v21, v21;
	v36 =	vadd.f32 v60, v36  }
0x3a: {  	v20 =	vmul.f32 v24, v20;
	v18 =	vadd.f32 $0.0e+00, v18;
	v53 =	vld.idx.msk [tilespmem:v51+s2+$0x0], $0xffff;
	v24 =	vmul.f32 v42, v42  }
0x3b: {  	v51 =	vld.idx.msk [tilespmem:v51+s9+$0x0], $0xffff;
	v62 =	vmul.f32 v22, v22;
	v19 =	vadd.f32 v19, v47;
	v36 =	vadd.f32 v61, v36  }
0x3c: {  	v18 =	vadd.f32 v20, v18;
	v20 =	vmul.f32 v26, v25;
	v50 =	vld.idx.msk [tilespmem:v54+s2+$0x0], $0xffff;
	v25 =	vmul.f32 v45, v45  }
0x3d: {  	v26 =	vld.idx.msk [tilespmem:v54+s9+$0x0], $0xffff;
	v19 =	vadd.f32 v24, v19;
	v63 =	vmul.f32 v23, v23;
	v24 =	vadd.f32 v62, v36  }
0x3e: {  	v18 =	vadd.f32 v20, v18;
	v20 =	vmul.f32 v28, v27;
	v47 =	vld.idx.msk [tilespmem:v17+s2+$0x0], $0xffff;
	v27 =	vmul.f32 v48, v48  }
0x3f: {  	v28 =	vld.idx.msk [tilespmem:v17+s9+$0x0], $0xffff;
	v17 =	vadd.f32 v25, v19;
	v19 =	vadd.f32 v63, v24;
	v24 =	vmul.f32 v53, v53  }
0x40: {  	v18 =	vadd.f32 v20, v18;
	v20 =	vmul.f32 v30, v29;
	v29 =	vmul.f32 v51, v51;
	v25 =	vld.idx.msk [tilespmem:v55+s2+$0x0], $0xffff  }
0x41: {  	v30 =	vld.idx.msk [tilespmem:v55+s9+$0x0], $0xffff;
	v17 =	vadd.f32 v27, v17;
	v19 =	vadd.f32 v24, v19;
	v24 =	vmul.f32 v50, v50  }
0x42: {  	v18 =	vadd.f32 v20, v18;
	v20 =	vmul.f32 v32, v31;
	v31 =	vmul.f32 v26, v26;
	v27 =	vld.idx.msk [tilespmem:v52+s2+$0x0], $0xffff  }
0x43: {  	v52 =	vld.idx.msk [tilespmem:v52+s9+$0x0], $0xffff;
	v17 =	vadd.f32 v29, v17;
	v19 =	vadd.f32 v24, v19;
	v24 =	vmul.f32 v47, v47  }
0x44: {  	v13 =	vmul.f32 v33, v13;
	v18 =	vadd.f32 v20, v18;
	v20 =	vmul.f32 v28, v28;
	v29 =	vld.idx.msk [tilespmem:v49+s2+$0x0], $0xffff  }
0x45: {  	v54 =	vld.idx.msk [tilespmem:v49+s9+$0x0], $0xffff;
	v17 =	vadd.f32 v31, v17;
	v19 =	vadd.f32 v24, v19;
	v24 =	vmul.f32 v25, v25  }
0x46: {  	v14 =	vmul.f32 v34, v14;
	v13 =	vadd.f32 v13, v18;
	v18 =	vmul.f32 v30, v30;
	v31 =	vld.idx.msk [tilespmem:v46+s2+$0x0], $0xffff  }
0x47: {  	v56 =	vld.idx.msk [tilespmem:v43+s2+$0x0], $0xffff;
	v17 =	vadd.f32 v20, v17;
	v20 =	vmul.f32 v27, v27;
	v19 =	vadd.f32 v24, v19  }
0x48: {  	v13 =	vadd.f32 v14, v13;
	v14 =	vmul.f32 v35, v16;
	v55 =	vld.idx.msk [tilespmem:v46+s9+$0x0], $0xffff;
	v16 =	vmul.f32 v52, v52  }
0x49: {  	v57 =	vld.idx.msk [tilespmem:v43+s9+$0x0], $0xffff;
	v17 =	vadd.f32 v18, v17;
	v24 =	vmul.f32 v29, v29;
	v18 =	vadd.f32 v20, v19  }
0x4a: {  	v9 =	vmul.f32 v38, v9;
	v13 =	vadd.f32 v14, v13;
	v14 =	vmul.f32 v54, v54;
	v19 =	vld.idx.msk [tilespmem:v40+s2+$0x0], $0xffff  }
0x4b: {  	v58 =	vmul.f32 v31, v31;
	v20 =	vld.idx.msk [tilespmem:v40+s9+$0x0], $0xffff;
	v16 =	vadd.f32 v16, v17;
	v24 =	vadd.f32 v24, v18  }
0x4c: {  	v10 =	vmul.f32 v41, v10;
	v9 =	vadd.f32 v9, v13;
	v59 =	vmul.f32 v56, v56;
	v17 =	vld.idx.msk [tilespmem:v8+s2+$0x0], $0xffff  }
0x4d: {  	v13 =	vmul.f32 v55, v55;
	v18 =	vld.idx.msk [tilespmem:v8+s9+$0x0], $0xffff;
	v8 =	vadd.f32 v14, v16;
	v24 =	vadd.f32 v58, v24  }
0x4e: {  	v11 =	vmul.f32 v44, v11;
	v10 =	vadd.f32 v10, v9;
	v60 =	vmul.f32 v57, v57;
	v14 =	vld.idx.msk [tilespmem:v7+s2+$0x0], $0xffff  }
0x4f: {  	v16 =	vld.idx.msk [tilespmem:v7+s9+$0x0], $0xffff;
	v7 =	vadd.f32 v13, v8;
	v8 =	vadd.f32 v59, v24;
	v24 =	vmul.f32 v19, v19  }
0x50: {  	v9 =	vld.idx.msk [tilespmem:v6+s2+$0x0], $0xffff;
	v10 =	vadd.f32 v11, v10;
	v11 =	vmul.f32 v37, v12;
	v61 =	vmul.f32 v20, v20  }
0x51: {  	v13 =	vld.idx.msk [tilespmem:v6+s9+$0x0], $0xffff;
	v6 =	vadd.f32 v60, v7;
	v7 =	vadd.f32 v24, v8;
	v24 =	vmul.f32 v17, v17  }
0x52: {  	v10 =	vadd.f32 v11, v10;
	v11 =	vmul.f32 v39, v15;
	v15 =	vmul.f32 v18, v18;
	v8 =	vld.idx.msk [tilespmem:v5+s2+$0x0], $0xffff  }
0x53: {  	v12 =	vld.idx.msk [tilespmem:v5+s9+$0x0], $0xffff;
	v5 =	vadd.f32 v61, v6;
	v6 =	vadd.f32 v24, v7;
	v24 =	vmul.f32 v14, v14  }
0x54: {  	v21 =	vmul.f32 v42, v21;
	v62 =	vadd.f32 v11, v10;
	v63 =	vmul.f32 v16, v16;
	v7 =	vld.idx.msk [tilespmem:v4+s2+$0x0], $0xffff  }
0x55: {  	v10 =	vld.idx.msk [tilespmem:v4+s9+$0x0], $0xffff;
	v4 =	vadd.f32 v15, v5;
	v5 =	vadd.f32 v24, v6;
	v6 =	vmul.f32 v9, v9  }
0x56: {  	v22 =	vmul.f32 v45, v22;
	v11 =	vld.idx.msk [tilespmem:v3+s2+$0x0], $0xffff;
	v21 =	vadd.f32 v21, v62;
	v24 =	vmul.f32 v13, v13  }
0x57: {  	v4 =	vadd.f32 v63, v4;
	v5 =	vadd.f32 v6, v5;
	v6 =	vmul.f32 v8, v8  }
0x58: {  	v15 =	vld.idx.msk [tilespmem:v3+s9+$0x0], $0xffff;
	v3 =	vadd.f32 v22, v21;
	v21 =	vmul.f32 v48, v23;
	v22 =	vmul.f32 v12, v12  }
0x59: {  	v4 =	vadd.f32 v24, v4;
	v5 =	vadd.f32 v6, v5;
	v6 =	vmul.f32 v7, v7  }
0x5a: {  	v23 =	vmul.f32 v10, v10;
	v3 =	vadd.f32 v21, v3;
	v21 =	vmul.f32 v51, v53  }
0x5b: {  	v4 =	vadd.f32 v22, v4;
	v5 =	vadd.f32 v6, v5;
	v6 =	vmul.f32 v11, v11  }
0x5c: {  	v3 =	vadd.f32 v21, v3;
	v21 =	vmul.f32 v26, v50  }
0x5d: {  	s31 =	simm.s32 $0x10;
	v4 =	vadd.f32 v23, v4;
	v5 =	vadd.f32 v6, v5;
	v6 =	vmul.f32 v15, v15  }
0x5e: {  	v22 =	vmov s31;
	v3 =	vadd.f32 v21, v3;
	v21 =	vmul.f32 v28, v47  }
0x5f: {  	v4 =	vadd.f32 v6, v4;
	v6 =	vshrl.u32 v5, $0x1;
	v23 =	vmul.f32 $5.000000000e-01, v5  }
0x60: {  	v3 =	vadd.f32 v21, v3;
	v5 =	vmul.f32 v30, v25;
	v6 =	vsub.s32 $0x5F3759DF, v6  }
0x61: {  	v24 =	vmul.f32 v6, v23;
	v25 =	vshrl.u32 v4, $0x1;
	v21 =	vmul.f32 $5.000000000e-01, v4  }
0x62: {  	v3 =	vadd.f32 v5, v3;
	v4 =	vmul.f32 v52, v27;
	v28 =	vsub.s32 $0x5F3759DF, v25  }
0x63: {  	v5 =	vshll.u32 v22, $0x7;
	v24 =	vmul.f32 v6, v24;
	v25 =	vmul.f32 v28, v21  }
0x64: {  	v26 =	vmul.f32 v54, v29;
	v22 =	vor.u32 v0, v5;
	v5 =	vadd.f32 v4, v3  }
0x65: {  	v27 =	vmul.f32 v55, v31;
	v24 =	vsub.f32 $1.500000000e+00, v24;
	v25 =	vmul.f32 v28, v25  }
0x66: {  	v3 =	vor.u32 $0x1F, v22;
	v4 =	vor.u32 $0x1E, v22;
	v26 =	vadd.f32 v26, v5  }
0x67: {  	v5 =	vor.u32 $0x1D, v22;
	v24 =	vmul.f32 v6, v24;
	v31 =	vsub.f32 $1.500000000e+00, v25  }
0x68: {  	s13 =	simm.s32 $0x20;
	v6 =	vor.u32 $0x1C, v22;
	v26 =	vadd.f32 v27, v26;
	v27 =	vmul.f32 v57, v56  }
.LBB2_3:
0x69: {  	p0 =	sne.s32 s13, $0x70;
	v25 =	vor.u32 $0x1B, v22;
	v29 =	vmul.f32 v24, v23;
	v28 =	vmul.f32 v28, v31  }
0x6a: {  	v31 =	vor.u32 $0x2, v22;
	v20 =	vmul.f32 v20, v19;
	v26 =	vadd.f32 v27, v26  }
0x6b: {  	v27 =	vor.u32 $0x1, v22;
	v29 =	vmul.f32 v29, v24;
	v30 =	vmul.f32 v28, v21  }
0x6c: {  	v33 =	vor.u32 $0x9, v22;
	v18 =	vmul.f32 v18, v17;
	v19 =	vld.idx.msk [tilespmem:v22+s9+$0x0], $0xffff;
	v20 =	vadd.f32 v20, v26  }
0x6d: {  	v26 =	vor.u32 $0x8, v22;
	v29 =	vsub.f32 $1.500000000e+00, v29;
	v30 =	vmul.f32 v30, v28  }
0x6e: {  	v34 =	vor.u32 $0x7, v22;
	v17 =	vld.idx.msk [tilespmem:v22+s2+$0x0], $0xffff;
	v18 =	vadd.f32 v18, v20;
	v20 =	vmul.f32 v16, v14  }
0x6f: {  	v32 =	vor.u32 $0x3, v22;
	v14 =	vld.idx.msk [tilespmem:v31+s9+$0x0], $0xffff;
	v24 =	vmul.f32 v29, v24;
	v29 =	vsub.f32 $1.500000000e+00, v30  }
0x70: {  	v35 =	vor.u32 $0x6, v22;
	v13 =	vmul.f32 v13, v9;
	v16 =	vld.idx.msk [tilespmem:v27+s2+$0x0], $0xffff;
	v18 =	vadd.f32 v20, v18  }
0x71: {  	v30 =	vld.idx.msk [tilespmem:v27+s9+$0x0], $0xffff;
	v27 =	vor.u32 $0x4, v22;
	v20 =	vmul.f32 v24, v23;
	v23 =	vmul.f32 v29, v28  }
0x72: {  	v12 =	vmul.f32 v12, v8;
	v28 =	vmul.f32 v19, v19;
	v9 =	vld.idx.msk [tilespmem:v31+s2+$0x0], $0xffff;
	v13 =	vadd.f32 v13, v18  }
0x73: {  	v18 =	vor.u32 $0x5, v22;
	v29 =	vmul.f32 v20, v24;
	v21 =	vmul.f32 v23, v21  }
0x74: {  	v7 =	vmul.f32 v10, v7;
	v36 =	vmul.f32 v17, v17;
	v8 =	vld.idx.msk [tilespmem:v32+s2+$0x0], $0xffff;
	v12 =	vadd.f32 v12, v13  }
0x75: {  	v13 =	vmul.f32 v15, v11;
	v20 =	vld.idx.msk [tilespmem:v32+s9+$0x0], $0xffff;
	v11 =	vsub.f32 $1.500000000e+00, v29;
	v15 =	vmul.f32 v21, v23  }
0x76: {  	v21 =	vmul.f32 v16, v16;
	v29 =	vmul.f32 v14, v14;
	v10 =	vld.idx.msk [tilespmem:v27+s2+$0x0], $0xffff;
	v7 =	vadd.f32 v7, v12  }
0x77: {  	v12 =	vmul.f32 v30, v30;
	v31 =	vld.idx.msk [tilespmem:v27+s9+$0x0], $0xffff;
	v24 =	vmul.f32 v11, v24;
	v15 =	vsub.f32 $1.500000000e+00, v15  }
0x78: {  	v21 =	vadd.f32 v21, v36;
	v27 =	vmul.f32 v9, v9;
	v11 =	vld.idx.msk [tilespmem:v18+s2+$0x0], $0xffff;
	v7 =	vadd.f32 v13, v7  }
0x79: {  	v13 =	vadd.f32 v12, v28;
	v32 =	vld.idx.msk [tilespmem:v18+s9+$0x0], $0xffff;
	v18 =	vmin.f32 v24, $9.999999950e+11;
	v15 =	vmul.f32 v15, v23  }
0x7a: {  	v21 =	vadd.f32 v27, v21;
	v23 =	vmul.f32 v8, v8;
	v12 =	vld.idx.msk [tilespmem:v35+s2+$0x0], $0xffff;
	v7 =	vmul.f32 v18, v7  }
0x7b: {  	v18 =	vadd.f32 v29, v13;
	v24 =	vmul.f32 v20, v20;
	v40 =	vld.idx.msk [tilespmem:v35+s9+$0x0], $0xffff;
	v15 =	vmin.f32 v15, $9.999999950e+11  }
0x7c: {  	v21 =	vadd.f32 v23, v21;
	v23 =	vmul.f32 v10, v10;
	v13 =	vld.idx.msk [tilespmem:v34+s2+$0x0], $0xffff;
	v7 =	vmul.f32 v15, v7  }
0x7d: {  	v27 =	vor.u32 $0xA, v22;
	v18 =	vadd.f32 v24, v18;
	v24 =	vmul.f32 v31, v31;
	v41 =	vld.idx.msk [tilespmem:v34+s9+$0x0], $0xffff  }
0x7e: {  	v21 =	vadd.f32 v23, v21;
	v23 =	vmul.f32 v11, v11;
	v15 =	vld.idx.msk [tilespmem:v26+s2+$0x0], $0xffff;
	v7 =	vsub.f32 $1.000000000e+00, v7  }
0x7f: {  	v24 =	vadd.f32 v24, v18;
	v28 =	vmul.f32 v32, v32;
	v42 =	vld.idx.msk [tilespmem:v26+s9+$0x0], $0xffff;
	v26 =	vor.u32 $0xB, v22  }
0x80: {  	v21 =	vadd.f32 v23, v21;
	v23 =	vmul.f32 v12, v12;
	v18 =	vld.idx.msk [tilespmem:v33+s2+$0x0], $0xffff;
	v2 =	vadd.f32 v7, v2  }
0x81: {  	v36 =	vor.u32 $0xC, v22;
	v29 =	vmul.f32 v40, v40;
	v7 =	vor.u32 $0x1A, v22;
	v33 =	vld.idx.msk [tilespmem:v33+s9+$0x0], $0xffff  }
0x82: {  	v24 =	vadd.f32 v28, v24;
	v23 =	vadd.f32 v23, v21;
	v28 =	vmul.f32 v13, v13;
	v21 =	vld.idx.msk [tilespmem:v27+s2+$0x0], $0xffff  }
0x83: {  	v49 =	vor.u32 $0x19, v22;
	v37 =	vmul.f32 v41, v41;
	v34 =	vld.idx.msk [tilespmem:v27+s9+$0x0], $0xffff;
	v27 =	vor.u32 $0xD, v22  }
0x84: {  	v24 =	vadd.f32 v29, v24;
	v28 =	vadd.f32 v28, v23;
	v29 =	vmul.f32 v15, v15;
	v23 =	vld.idx.msk [tilespmem:v26+s2+$0x0], $0xffff  }
0x85: {  	v39 =	vor.u32 $0xE, v22;
	v54 =	vor.u32 $0x18, v22;
	v38 =	vmul.f32 v42, v42;
	v35 =	vld.idx.msk [tilespmem:v26+s9+$0x0], $0xffff  }
0x86: {  	v26 =	vadd.f32 v37, v24;
	v28 =	vadd.f32 v29, v28;
	v29 =	vmul.f32 v18, v18;
	v24 =	vld.idx.msk [tilespmem:v36+s2+$0x0], $0xffff  }
0x87: {  	v44 =	vor.u32 $0xF, v22;
	v53 =	vor.u32 $0x17, v22;
	v43 =	vmul.f32 v33, v33;
	v36 =	vld.idx.msk [tilespmem:v36+s9+$0x0], $0xffff  }
0x88: {  	v38 =	vadd.f32 v38, v26;
	v28 =	vadd.f32 v29, v28;
	v29 =	vmul.f32 v21, v21;
	v26 =	vld.idx.msk [tilespmem:v27+s2+$0x0], $0xffff  }
0x89: {  	v46 =	vor.u32 $0x10, v22;
	v52 =	vor.u32 $0x16, v22;
	v45 =	vmul.f32 v34, v34;
	v37 =	vld.idx.msk [tilespmem:v27+s9+$0x0], $0xffff  }
0x8a: {  	v43 =	vadd.f32 v43, v38;
	v28 =	vadd.f32 v29, v28;
	v29 =	vmul.f32 v23, v23;
	v27 =	vld.idx.msk [tilespmem:v39+s2+$0x0], $0xffff  }
0x8b: {  	v48 =	vor.u32 $0x11, v22;
	v51 =	vor.u32 $0x15, v22;
	v47 =	vmul.f32 v35, v35;
	v38 =	vld.idx.msk [tilespmem:v39+s9+$0x0], $0xffff  }
0x8c: {  	v43 =	vadd.f32 v45, v43;
	v29 =	vadd.f32 v29, v28;
	v45 =	vmul.f32 v24, v24;
	v28 =	vld.idx.msk [tilespmem:v44+s2+$0x0], $0xffff  }
0x8d: {  	v55 =	vor.u32 $0x14, v22;
	v50 =	vmul.f32 v36, v36;
	v39 =	vld.idx.msk [tilespmem:v44+s9+$0x0], $0xffff;
	v44 =	vor.u32 $0x12, v22  }
0x8e: {  	v47 =	vadd.f32 v47, v43;
	v45 =	vadd.f32 v45, v29;
	v56 =	vmul.f32 v26, v26;
	v29 =	vld.idx.msk [tilespmem:v46+s2+$0x0], $0xffff  }
0x8f: {  	v57 =	vor.u32 $0x13, v22;
	v17 =	vmul.f32 v19, v17;
	v19 =	vmul.f32 v37, v37;
	v43 =	vld.idx.msk [tilespmem:v46+s9+$0x0], $0xffff  }
0x90: {  	v46 =	vadd.f32 v50, v47;
	v47 =	vadd.f32 v56, v45;
	v50 =	vmul.f32 v27, v27;
	v22 =	vld.idx.msk [tilespmem:v48+s2+$0x0], $0xffff  }
0x91: {  	v17 =	vadd.f32 $0.0e+00, v17;
	v16 =	vmul.f32 v30, v16;
	v56 =	vmul.f32 v38, v38;
	v45 =	vld.idx.msk [tilespmem:v48+s9+$0x0], $0xffff  }
0x92: {  	v19 =	vadd.f32 v19, v46;
	v47 =	vadd.f32 v50, v47;
	v48 =	vmul.f32 v28, v28;
	v30 =	vld.idx.msk [tilespmem:v44+s2+$0x0], $0xffff  }
0x93: {  	v9 =	vmul.f32 v14, v9;
	v16 =	vadd.f32 v16, v17;
	v14 =	vmul.f32 v39, v39;
	v46 =	vld.idx.msk [tilespmem:v44+s9+$0x0], $0xffff  }
0x94: {  	v17 =	vadd.f32 v56, v19;
	v19 =	vadd.f32 v48, v47;
	v47 =	vmul.f32 v29, v29;
	v44 =	vld.idx.msk [tilespmem:v57+s2+$0x0], $0xffff  }
0x95: {  	v9 =	vadd.f32 v9, v16;
	v8 =	vmul.f32 v20, v8;
	v16 =	vmul.f32 v43, v43;
	v48 =	vld.idx.msk [tilespmem:v57+s9+$0x0], $0xffff  }
0x96: {  	v14 =	vadd.f32 v14, v17;
	v17 =	vadd.f32 v47, v19;
	v19 =	vmul.f32 v22, v22;
	v47 =	vld.idx.msk [tilespmem:v55+s2+$0x0], $0xffff  }
0x97: {  	v8 =	vadd.f32 v8, v9;
	v9 =	vmul.f32 v31, v10;
	v10 =	vmul.f32 v45, v45;
	v50 =	vld.idx.msk [tilespmem:v55+s9+$0x0], $0xffff  }
0x98: {  	v14 =	vadd.f32 v16, v14;
	v16 =	vadd.f32 v19, v17;
	v17 =	vmul.f32 v30, v30;
	v31 =	vld.idx.msk [tilespmem:v51+s2+$0x0], $0xffff  }
0x99: {  	v8 =	vadd.f32 v9, v8;
	v9 =	vmul.f32 v32, v11;
	v11 =	vmul.f32 v46, v46;
	v51 =	vld.idx.msk [tilespmem:v51+s9+$0x0], $0xffff  }
0x9a: {  	v10 =	vadd.f32 v10, v14;
	v14 =	vadd.f32 v17, v16;
	v16 =	vmul.f32 v44, v44;
	v32 =	vld.idx.msk [tilespmem:v52+s2+$0x0], $0xffff  }
0x9b: {  	v8 =	vadd.f32 v9, v8;
	v9 =	vmul.f32 v40, v12;
	v12 =	vmul.f32 v48, v48;
	v52 =	vld.idx.msk [tilespmem:v52+s9+$0x0], $0xffff  }
0x9c: {  	v10 =	vadd.f32 v11, v10;
	v11 =	vadd.f32 v16, v14;
	v14 =	vmul.f32 v47, v47;
	v40 =	vld.idx.msk [tilespmem:v53+s2+$0x0], $0xffff  }
0x9d: {  	v8 =	vadd.f32 v9, v8;
	v9 =	vmul.f32 v41, v13;
	v13 =	vmul.f32 v50, v50;
	v53 =	vld.idx.msk [tilespmem:v53+s9+$0x0], $0xffff  }
0x9e: {  	v10 =	vadd.f32 v12, v10;
	v11 =	vadd.f32 v14, v11;
	v12 =	vmul.f32 v31, v31;
	v41 =	vld.idx.msk [tilespmem:v54+s2+$0x0], $0xffff  }
0x9f: {  	v8 =	vadd.f32 v9, v8;
	v9 =	vmul.f32 v42, v15;
	v14 =	vmul.f32 v51, v51;
	v42 =	vld.idx.msk [tilespmem:v54+s9+$0x0], $0xffff  }
0xa0: {  	v10 =	vadd.f32 v13, v10;
	v11 =	vadd.f32 v12, v11;
	v12 =	vmul.f32 v32, v32;
	v19 =	vld.idx.msk [tilespmem:v49+s2+$0x0], $0xffff  }
0xa1: {  	v8 =	vadd.f32 v9, v8;
	v9 =	vmul.f32 v33, v18;
	v13 =	vmul.f32 v52, v52;
	v20 =	vld.idx.msk [tilespmem:v49+s9+$0x0], $0xffff  }
0xa2: {  	v10 =	vadd.f32 v14, v10;
	v11 =	vadd.f32 v12, v11;
	v12 =	vmul.f32 v40, v40;
	v17 =	vld.idx.msk [tilespmem:v7+s2+$0x0], $0xffff  }
0xa3: {  	v8 =	vadd.f32 v9, v8;
	v9 =	vmul.f32 v34, v21;
	v15 =	vmul.f32 v53, v53;
	v18 =	vld.idx.msk [tilespmem:v7+s9+$0x0], $0xffff  }
0xa4: {  	v7 =	vadd.f32 v13, v10;
	v10 =	vadd.f32 v12, v11;
	v11 =	vmul.f32 v41, v41;
	v14 =	vld.idx.msk [tilespmem:v25+s2+$0x0], $0xffff  }
0xa5: {  	v8 =	vadd.f32 v9, v8;
	v12 =	vmul.f32 v35, v23;
	v21 =	vmul.f32 v42, v42;
	v16 =	vld.idx.msk [tilespmem:v25+s9+$0x0], $0xffff  }
0xa6: {  	v7 =	vadd.f32 v15, v7;
	v10 =	vadd.f32 v11, v10;
	v11 =	vmul.f32 v19, v19;
	v9 =	vld.idx.msk [tilespmem:v6+s2+$0x0], $0xffff  }
0xa7: {  	v12 =	vadd.f32 v12, v8;
	v15 =	vmul.f32 v36, v24;
	v23 =	vmul.f32 v20, v20;
	v13 =	vld.idx.msk [tilespmem:v6+s9+$0x0], $0xffff  }
0xa8: {  	v6 =	vadd.f32 v21, v7;
	v7 =	vadd.f32 v11, v10;
	v10 =	vmul.f32 v17, v17;
	v8 =	vld.idx.msk [tilespmem:v5+s2+$0x0], $0xffff  }
0xa9: {  	v11 =	vadd.f32 v15, v12;
	v15 =	vmul.f32 v37, v26;
	v21 =	vmul.f32 v18, v18;
	v12 =	vld.idx.msk [tilespmem:v5+s9+$0x0], $0xffff  }
0xaa: {  	v5 =	vadd.f32 v23, v6;
	v6 =	vadd.f32 v10, v7;
	v23 =	vmul.f32 v14, v14;
	v7 =	vld.idx.msk [tilespmem:v4+s2+$0x0], $0xffff  }
0xab: {  	v24 =	vmul.f32 v38, v27;
	v15 =	vadd.f32 v15, v11;
	v25 =	vmul.f32 v16, v16;
	v10 =	vld.idx.msk [tilespmem:v4+s9+$0x0], $0xffff  }
0xac: {  	v4 =	vadd.f32 v21, v5;
	v5 =	vadd.f32 v23, v6;
	v6 =	vmul.f32 v9, v9;
	v11 =	vld.idx.msk [tilespmem:v3+s2+$0x0], $0xffff  }
0xad: {  	v21 =	vadd.f32 v24, v15;
	v23 =	vmul.f32 v39, v28;
	v24 =	vmul.f32 v13, v13  }
0xae: {  	v4 =	vadd.f32 v25, v4;
	v5 =	vadd.f32 v6, v5;
	v6 =	vmul.f32 v8, v8;
	v15 =	vld.idx.msk [tilespmem:v3+s9+$0x0], $0xffff  }
0xaf: {  	v3 =	vadd.f32 v23, v21;
	v21 =	vmul.f32 v43, v29;
	v23 =	vmul.f32 v12, v12  }
0xb0: {  	v4 =	vadd.f32 v24, v4;
	v5 =	vadd.f32 v6, v5;
	v6 =	vmul.f32 v7, v7  }
0xb1: {  	v3 =	vadd.f32 v21, v3;
	v21 =	vmul.f32 v45, v22;
	v22 =	vmul.f32 v10, v10  }
0xb2: {  	v4 =	vadd.f32 v23, v4;
	v5 =	vadd.f32 v6, v5;
	v6 =	vmul.f32 v11, v11  }
0xb3: {  	v3 =	vadd.f32 v21, v3;
	v21 =	vmul.f32 v46, v30  }
0xb4: {  	v4 =	vadd.f32 v22, v4;
	v5 =	vadd.f32 v6, v5;
	v6 =	vmul.f32 v15, v15  }
0xb5: {  	v22 =	vmov s13;
	v3 =	vadd.f32 v21, v3;
	v21 =	vmul.f32 v48, v44  }
0xb6: {  	v4 =	vadd.f32 v6, v4;
	v6 =	vshrl.u32 v5, $0x1;
	v23 =	vmul.f32 $5.000000000e-01, v5  }
0xb7: {  	v5 =	vmul.f32 v50, v47;
	v3 =	vadd.f32 v21, v3;
	v6 =	vsub.s32 $0x5F3759DF, v6  }
0xb8: {  	v24 =	vmul.f32 v6, v23;
	v25 =	vshrl.u32 v4, $0x1;
	v21 =	vmul.f32 $5.000000000e-01, v4  }
0xb9: {  	v4 =	vmul.f32 v51, v31;
	v3 =	vadd.f32 v5, v3;
	v28 =	vsub.s32 $0x5F3759DF, v25  }
0xba: {  	v5 =	vshll.u32 v22, $0x7;
	v24 =	vmul.f32 v6, v24;
	v25 =	vmul.f32 v28, v21  }
.Ltmp0:
0xbb: {  	v26 =	vmul.f32 v52, v32;
	v22 =	vor.u32 v0, v5;
	v5 =	vadd.f32 v4, v3;
	(pc) =	sbr.rel @p0 .LBB2_3-.Ltmp0, $4  }
0xbc: {  	v3 =	vor.u32 $0x1F, v22;
	v24 =	vsub.f32 $1.500000000e+00, v24;
	v25 =	vmul.f32 v28, v25  }
0xbd: {  	v27 =	vmul.f32 v53, v40;
	v4 =	vor.u32 $0x1E, v22;
	v26 =	vadd.f32 v26, v5  }
0xbe: {  	v5 =	vor.u32 $0x1D, v22;
	v24 =	vmul.f32 v6, v24;
	v31 =	vsub.f32 $1.500000000e+00, v25  }
0xbf: {  	s13 =	sadd.s32 $0x10, s13;
	v6 =	vor.u32 $0x1C, v22;
	v26 =	vadd.f32 v27, v26;
	v27 =	vmul.f32 v42, v41  }
0xc0: {  	_ = 	snop  }
0xc1: {  	v25 =	vor.u32 $0x1, v22;
	_ =	sdelay $0x1  }
0xc2: {  	v29 =	vor.u32 $0x2, v22  }
0xc3: {  	v41 =	vld.idx.msk [tilespmem:v22+s9+$0x0], $0xffff  }
0xc4: {  	v38 =	vld.idx.msk [tilespmem:v22+s2+$0x0], $0xffff;
	v30 =	vor.u32 $0x3, v22  }
0xc5: {  	v43 =	vld.idx.msk [tilespmem:v25+s2+$0x0], $0xffff  }
0xc6: {  	v61 =	vor.u32 $0x4, v22;
	v42 =	vld.idx.msk [tilespmem:v25+s9+$0x0], $0xffff  }
0xc7: {  	v46 =	vld.idx.msk [tilespmem:v29+s2+$0x0], $0xffff  }
0xc8: {  	v62 =	vor.u32 $0x5, v22;
	v45 =	vld.idx.msk [tilespmem:v29+s9+$0x0], $0xffff  }
0xc9: {  	v47 =	vld.idx.msk [tilespmem:v30+s2+$0x0], $0xffff  }
0xca: {  	v32 =	vor.u32 $0x6, v22;
	v50 =	vld.idx.msk [tilespmem:v30+s9+$0x0], $0xffff  }
0xcb: {  	v34 =	vmul.f32 v38, v38;
	v51 =	vld.idx.msk [tilespmem:v61+s2+$0x0], $0xffff;
	v63 =	vmul.f32 v43, v43  }
0xcc: {  	v39 =	vor.u32 $0x7, v22;
	v35 =	vmul.f32 v41, v41;
	v52 =	vld.idx.msk [tilespmem:v61+s9+$0x0], $0xffff;
	v37 =	vmul.f32 v42, v42  }
0xcd: {  	v53 =	vld.idx.msk [tilespmem:v62+s2+$0x0], $0xffff;
	v44 =	vmul.f32 v46, v46;
	v40 =	vadd.f32 v63, v34  }
0xce: {  	v49 =	vor.u32 $0x8, v22;
	v54 =	vld.idx.msk [tilespmem:v62+s9+$0x0], $0xffff;
	v48 =	vmul.f32 v45, v45;
	v35 =	vadd.f32 v37, v35  }
0xcf: {  	v55 =	vld.idx.msk [tilespmem:v32+s2+$0x0], $0xffff;
	v60 =	vmul.f32 v47, v47;
	v25 =	vadd.f32 v44, v40  }
0xd0: {  	v56 =	vld.idx.msk [tilespmem:v32+s9+$0x0], $0xffff;
	v62 =	vmul.f32 v50, v50;
	v34 =	vor.u32 $0xA, v22;
	v61 =	vadd.f32 v48, v35  }
0xd1: {  	v57 =	vld.idx.msk [tilespmem:v39+s2+$0x0], $0xffff;
	v63 =	vmul.f32 v51, v51;
	v35 =	vor.u32 $0x9, v22;
	v25 =	vadd.f32 v60, v25  }
0xd2: {  	v58 =	vld.idx.msk [tilespmem:v39+s9+$0x0], $0xffff;
	v36 =	vmul.f32 v52, v52;
	v30 =	vadd.f32 v62, v61  }
0xd3: {  	v59 =	vld.idx.msk [tilespmem:v49+s2+$0x0], $0xffff;
	v37 =	vor.u32 $0xB, v22;
	v40 =	vmul.f32 v53, v53;
	v25 =	vadd.f32 v63, v25  }
0xd4: {  	v32 =	vmul.f32 v54, v54;
	v60 =	vld.idx.msk [tilespmem:v49+s9+$0x0], $0xffff;
	v30 =	vadd.f32 v36, v30  }
0xd5: {  	v44 =	vmul.f32 v55, v55;
	v62 =	vld.idx.msk [tilespmem:v34+s2+$0x0], $0xffff;
	v25 =	vadd.f32 v40, v25  }
0xd6: {  	v49 =	vmul.f32 v56, v56;
	v48 =	vld.idx.msk [tilespmem:v35+s2+$0x0], $0xffff;
	v30 =	vadd.f32 v32, v30;
	v32 =	vor.u32 $0xC, v22  }
0xd7: {  	v61 =	vld.idx.msk [tilespmem:v35+s9+$0x0], $0xffff;
	v25 =	vadd.f32 v44, v25;
	v44 =	vmul.f32 v57, v57  }
0xd8: {  	v39 =	vld.idx.msk [tilespmem:v37+s9+$0x0], $0xffff;
	v63 =	vmul.f32 v58, v58;
	v40 =	vor.u32 $0xD, v22;
	v30 =	vadd.f32 v49, v30  }
0xd9: {  	v49 =	vld.idx.msk [tilespmem:v34+s9+$0x0], $0xffff;
	v34 =	vmul.f32 v59, v59;
	v25 =	vadd.f32 v44, v25  }
0xda: {  	v36 =	vld.idx.msk [tilespmem:v37+s2+$0x0], $0xffff;
	v44 =	vmul.f32 v60, v60;
	v1 =	vadd.f32 v63, v30  }
0xdb: {  	v37 =	vor.u32 $0xE, v22;
	v63 =	vmul.f32 v48, v48;
	v30 =	vld.idx.msk [tilespmem:v32+s2+$0x0], $0xffff;
	v25 =	vadd.f32 v34, v25  }
0xdc: {  	v35 =	vmul.f32 v61, v61;
	v33 =	vadd.f32 v44, v1;
	v44 =	vld.idx.msk [tilespmem:v32+s9+$0x0], $0xffff  }
0xdd: {  	v28 =	vmul.f32 v28, v31;
	v32 =	vmul.f32 v62, v62;
	v1 =	vld.idx.msk [tilespmem:v40+s2+$0x0], $0xffff;
	v29 =	vadd.f32 v63, v25  }
0xde: {  	[tilespmem:$0x1FF90] =	vst v62;
	v62 =	vor.u32 $0xF, v22;
	v63 =	vmul.f32 v49, v49;
	v33 =	vadd.f32 v35, v33;
	v25 =	vld.idx.msk [tilespmem:v40+s9+$0x0], $0xffff  }
0xdf: {  	v47 =	vmul.f32 v50, v47;
	[tilespmem:$0x1FFA0] =	vst v36;
	v36 =	vmul.f32 v36, v36;
	v34 =	vadd.f32 v32, v29  }
0xe0: {  	v35 =	vor.u32 $0x10, v22;
	v40 =	vmul.f32 v39, v39;
	v29 =	vld.idx.msk [tilespmem:v37+s2+$0x0], $0xffff;
	v63 =	vadd.f32 v63, v33  }
0xe1: {  	[tilespmem:$0x1FFB0] =	vst v30;
	v32 =	vmul.f32 v30, v30;
	v30 =	vld.idx.msk [tilespmem:v37+s9+$0x0], $0xffff;
	v33 =	vadd.f32 v36, v34  }
0xe2: {  	[tilespmem:$0x1FFF0] =	vst v28;
	v31 =	vmul.f32 v1, v1;
	v36 =	vadd.f32 v40, v63;
	v34 =	vmul.f32 v44, v44  }
0xe3: {  	v37 =	vor.u32 $0x11, v22;
	v63 =	vld.idx.msk [tilespmem:v62+s2+$0x0], $0xffff;
	[tilespmem:$0x1FFD0] =	vst v25;
	v25 =	vmul.f32 v25, v25;
	v28 =	vadd.f32 v32, v33  }
0xe4: {  	v50 =	vor.u32 $0x15, v22;
	[tilespmem:$0x1FFC0] =	vst v1;
	v40 =	vld.idx.msk [tilespmem:v62+s9+$0x0], $0xffff;
	v32 =	vmul.f32 v41, v38;
	v1 =	vadd.f32 v34, v36  }
0xe5: {  	v34 =	vor.u32 $0x12, v22;
	v38 =	vmul.f32 v42, v43;
	v28 =	vadd.f32 v31, v28;
	v31 =	vld.idx.msk [tilespmem:v35+s2+$0x0], $0xffff  }
0xe6: {  	[tilespmem:$0x1FFE0] =	vst v29;
	v41 =	vmul.f32 v29, v29;
	v62 =	vmul.f32 v30, v30;
	v29 =	vadd.f32 $0.0e+00, v32  }
0xe7: {  	v36 =	vld.idx.msk [tilespmem:v35+s9+$0x0], $0xffff;
	v1 =	vadd.f32 v25, v1;
	v32 =	vor.u32 $0x13, v22;
	v35 =	vmul.f32 v45, v46;
	v25 =	vmovc v30  }
0xe8: {  	v30 =	vmul.f32 v63, v63;
	v33 =	vadd.f32 v41, v28;
	v28 =	vld.idx.msk [tilespmem:v37+s2+$0x0], $0xffff;
	v29 =	vadd.f32 v38, v29  }
0xe9: {  	v1 =	vadd.f32 v62, v1;
	v62 =	vor.u32 $0x14, v22;
	v41 =	vld.idx.msk [tilespmem:v37+s9+$0x0], $0xffff;
	v37 =	vmul.f32 v40, v40  }
0xea: {  	v45 =	vadd.f32 v30, v33;
	v29 =	vadd.f32 v35, v29;
	v33 =	vld.idx.msk [tilespmem:v34+s2+$0x0], $0xffff;
	v38 =	vmul.f32 v31, v31  }
0xeb: {  	v51 =	vmul.f32 v52, v51;
	v42 =	vld.idx.msk [tilespmem:v34+s9+$0x0], $0xffff;
	v1 =	vadd.f32 v37, v1  }
0xec: {  	v35 =	vmul.f32 v36, v36;
	v29 =	vadd.f32 v47, v29;
	v43 =	vadd.f32 v38, v45;
	v38 =	vld.idx.msk [tilespmem:v32+s2+$0x0], $0xffff  }
0xed: {  	v19 =	vmul.f32 v20, v19;
	v30 =	vor.u32 $0x16, v22;
	v47 =	vld.idx.msk [tilespmem:v32+s9+$0x0], $0xffff;
	v34 =	vmul.f32 v28, v28  }
0xee: {  	v1 =	vadd.f32 v35, v1;
	v45 =	vld.idx.msk [tilespmem:v62+s2+$0x0], $0xffff;
	v35 =	vmul.f32 v41, v41;
	v29 =	vadd.f32 v51, v29  }
0xef: {  	v51 =	vld.idx.msk [tilespmem:v50+s2+$0x0], $0xffff;
	v32 =	vadd.f32 v34, v43;
	v43 =	vmul.f32 v54, v53;
	v46 =	vmul.f32 v33, v33  }
0xf0: {  	v26 =	vadd.f32 v27, v26;
	v55 =	vmul.f32 v56, v55;
	v1 =	vadd.f32 v35, v1  }
0xf1: {  	v32 =	vadd.f32 v46, v32;
	v29 =	vadd.f32 v43, v29;
	v35 =	vmul.f32 v38, v38  }
0xf2: {  	v19 =	vadd.f32 v19, v26;
	v37 =	vor.u32 $0x17, v22;
	v56 =	vld.idx.msk [tilespmem:v30+s2+$0x0], $0xffff;
	v46 =	vmul.f32 v58, v57  }
0xf3: {  	v26 =	vld.idx.msk [tilespmem:v6+s2+$0x0], $0xffff;
	v43 =	vmul.f32 v45, v45;
	v29 =	vadd.f32 v55, v29;
	v32 =	vadd.f32 v35, v32  }
0xf4: {  	v52 =	vor.u32 $0x18, v22;
	v53 =	vld.idx.msk [tilespmem:v62+s9+$0x0], $0xffff;
	v62 =	vmul.f32 v42, v42;
	v35 =	vmul.f32 v51, v51  }
0xf5: {  	v6 =	vld.idx.msk [tilespmem:v6+s9+$0x0], $0xffff;
	v29 =	vadd.f32 v46, v29;
	v46 =	vmul.f32 v60, v59;
	v32 =	vadd.f32 v43, v32  }
0xf6: {  	v48 =	vmul.f32 v61, v48;
	v50 =	vld.idx.msk [tilespmem:v50+s9+$0x0], $0xffff;
	v1 =	vadd.f32 v62, v1;
	v54 =	vmul.f32 v47, v47  }
0xf7: {  	v30 =	vld.idx.msk [tilespmem:v30+s9+$0x0], $0xffff;
	v29 =	vadd.f32 v46, v29;
	v46 =	vmul.f32 v56, v56;
	v32 =	vadd.f32 v35, v32  }
0xf8: {  	v57 =	vld.idx.msk [tilespmem:v37+s2+$0x0], $0xffff;
	v1 =	vadd.f32 v54, v1;
	v54 =	vor.u32 $0x19, v22  }
0xf9: {  	v32 =	vadd.f32 v46, v32;
	v46 =	vadd.f32 v48, v29;
	v48 =	vld [tilespmem:$0x1FF90]  }
0xfa: {  	v58 =	vor.u32 $0x1A, v22;
	v37 =	vld.idx.msk [tilespmem:v37+s9+$0x0], $0xffff;
	v43 =	vmul.f32 v53, v53  }
0xfb: {  	v55 =	vld.idx.msk [tilespmem:v52+s2+$0x0], $0xffff  }
0xfc: {  	v52 =	vld.idx.msk [tilespmem:v52+s9+$0x0], $0xffff;
	v1 =	vadd.f32 v43, v1;
	v43 =	vmul.f32 v50, v50  }
0xfd: {  	v22 =	vor.u32 $0x1B, v22;
	v60 =	vld.idx.msk [tilespmem:v54+s2+$0x0], $0xffff  }
0xfe: {  	v1 =	vadd.f32 v43, v1;
	v43 =	vld.idx.msk [tilespmem:v54+s9+$0x0], $0xffff;
	v29 =	vmul.f32 v49, v48  }
0xff: {  	v34 =	vmul.f32 v30, v30;
	v48 =	vld.idx.msk [tilespmem:v58+s2+$0x0], $0xffff  }
0x100: {  	v27 =	vadd.f32 v29, v46;
	v29 =	vld.idx.msk [tilespmem:v58+s9+$0x0], $0xffff  }
0x101: {  	v35 =	vmul.f32 v57, v57;
	v54 =	vmul.f32 v37, v37;
	v1 =	vadd.f32 v34, v1;
	v58 =	vld [tilespmem:$0x1FFA0]  }
0x102: {  	v59 =	vmul.f32 v55, v55;
	v20 =	vld.idx.msk [tilespmem:v22+s2+$0x0], $0xffff  }
0x103: {  	v61 =	vmul.f32 v52, v52;
	v22 =	vld.idx.msk [tilespmem:v22+s9+$0x0], $0xffff;
	v32 =	vadd.f32 v35, v32;
	v1 =	vadd.f32 v54, v1  }
0x104: {  	v46 =	vld [tilespmem:$0x1FFB0]  }
0x105: {  	v32 =	vadd.f32 v59, v32;
	v59 =	vld [tilespmem:$0x1FFD0];
	v49 =	vmul.f32 v43, v43;
	v1 =	vadd.f32 v61, v1  }
0x106: {  	v62 =	vmul.f32 v60, v60;
	v39 =	vmul.f32 v39, v58;
	v58 =	vld [tilespmem:$0x1FFC0]  }
0x107: {  	v17 =	vmul.f32 v18, v17;
	v14 =	vmul.f32 v16, v14;
	v1 =	vadd.f32 v49, v1;
	v49 =	vld [tilespmem:$0x1FFE0]  }
0x108: {  	v9 =	vmul.f32 v13, v9;
	v32 =	vadd.f32 v62, v32;
	v54 =	vmul.f32 v48, v48  }
0x109: {  	v18 =	vld.idx.msk [tilespmem:v3+s2+$0x0], $0xffff;
	v44 =	vmul.f32 v44, v46;
	v61 =	vmul.f32 v29, v29;
	v27 =	vadd.f32 v39, v27  }
0x10a: {  	v62 =	vmul.f32 v20, v20;
	v32 =	vadd.f32 v54, v32;
	v54 =	vmul.f32 v22, v22;
	v39 =	vld.idx.msk [tilespmem:v4+s2+$0x0], $0xffff  }
0x10b: {  	v1 =	vadd.f32 v61, v1;
	v27 =	vadd.f32 v44, v27;
	v44 =	vld.idx.msk [tilespmem:v5+s2+$0x0], $0xffff;
	v35 =	vmul.f32 v59, v58  }
0x10c: {  	v34 =	vmul.f32 v25, v49;
	v32 =	vadd.f32 v62, v32;
	v62 =	vmul.f32 v6, v6;
	v5 =	vld.idx.msk [tilespmem:v5+s9+$0x0], $0xffff  }
0x10d: {  	v1 =	vadd.f32 v54, v1;
	v59 =	vmul.f32 v40, v63;
	v40 =	vld [tilespmem:$0x1FFF0];
	v27 =	vadd.f32 v35, v27  }
0x10e: {  	v36 =	vmul.f32 v36, v31;
	v58 =	vmul.f32 v26, v26  }
0x10f: {  	v28 =	vmul.f32 v41, v28;
	v4 =	vld.idx.msk [tilespmem:v4+s9+$0x0], $0xffff;
	v1 =	vadd.f32 v62, v1;
	v27 =	vadd.f32 v34, v27  }
0x110: {  	v62 =	vmul.f32 v18, v18;
	v32 =	vadd.f32 v58, v32;
	v63 =	vmul.f32 v44, v44  }
0x111: {  	v3 =	vld.idx.msk [tilespmem:v3+s9+$0x0], $0xffff;
	v35 =	vmul.f32 v24, v23;
	v58 =	vmul.f32 v5, v5;
	v25 =	vadd.f32 v59, v27  }
0x112: {  	v61 =	vmul.f32 v40, v21;
	v32 =	vadd.f32 v63, v32;
	v59 =	vmul.f32 v39, v39  }
0x113: {  	v54 =	vmul.f32 v35, v24;
	v1 =	vadd.f32 v58, v1;
	v25 =	vadd.f32 v36, v25  }
0x114: {  	v35 =	vmul.f32 v61, v40;
	v61 =	vmul.f32 v4, v4;
	v27 =	vadd.f32 v59, v32  }
0x115: {  	v8 =	vmul.f32 v12, v8;
	v34 =	vmul.f32 v42, v33;
	v63 =	vadd.f32 v28, v25  }
0x116: {  	v41 =	vmul.f32 v3, v3;
	v1 =	vadd.f32 v61, v1;
	v27 =	vadd.f32 v62, v27  }
0x117: {  	v42 =	vmul.f32 v47, v38;
	v47 =	vmul.f32 v53, v45;
	v16 =	vadd.f32 v34, v63  }
0x118: {  	v1 =	vadd.f32 v41, v1;
	v46 =	vshrl.u32 v27, $0x1;
	v27 =	vmul.f32 $5.000000000e-01, v27  }
0x119: {  	v31 =	vsub.f32 $1.500000000e+00, v54;
	v28 =	vsub.s32 $0x5F3759DF, v46;
	v16 =	vadd.f32 v42, v16  }
0x11a: {  	v53 =	vshrl.u32 v1, $0x1;
	v1 =	vmul.f32 $5.000000000e-01, v1;
	v49 =	vmul.f32 v28, v27  }
0x11b: {  	v54 =	vmul.f32 v50, v51;
	v32 =	vsub.s32 $0x5F3759DF, v53;
	v16 =	vadd.f32 v47, v16  }
0x11c: {  	v59 =	vmul.f32 v32, v1;
	v58 =	vmul.f32 v28, v49  }
0x11d: {  	v7 =	vmul.f32 v10, v7;
	v62 =	vmul.f32 v30, v56;
	v16 =	vadd.f32 v54, v16  }
0x11e: {  	v11 =	vmul.f32 v15, v11;
	v34 =	vmul.f32 v32, v59;
	v63 =	vsub.f32 $1.500000000e+00, v58  }
0x11f: {  	v36 =	vmul.f32 v37, v57;
	v61 =	vsub.f32 $1.500000000e+00, v35;
	v16 =	vadd.f32 v62, v16  }
0x120: {  	v17 =	vadd.f32 v17, v19;
	v19 =	vsub.f32 $1.500000000e+00, v34;
	v13 =	vmul.f32 v28, v63  }
0x121: {  	v37 =	vmul.f32 v61, v40;
	v40 =	vmul.f32 v52, v55;
	v38 =	vadd.f32 v36, v16  }
0x122: {  	v14 =	vadd.f32 v14, v17;
	v19 =	vmul.f32 v32, v19;
	v41 =	vmul.f32 v13, v27  }
0x123: {  	v3 =	vmul.f32 v3, v18;
	v42 =	vmul.f32 v43, v60;
	v12 =	vadd.f32 v40, v38  }
0x124: {  	v9 =	vadd.f32 v9, v14;
	v45 =	vmul.f32 v19, v1;
	v43 =	vmul.f32 v41, v13  }
0x125: {  	v24 =	vmul.f32 v31, v24;
	v47 =	vmul.f32 v29, v48;
	v12 =	vadd.f32 v42, v12  }
0x126: {  	v6 =	vmul.f32 v6, v26;
	v49 =	vmul.f32 v45, v19;
	v48 =	vsub.f32 $1.500000000e+00, v43  }
0x127: {  	v50 =	vmul.f32 v22, v20;
	v35 =	vmul.f32 v24, v23;
	v12 =	vadd.f32 v47, v12  }
0x128: {  	v5 =	vmul.f32 v5, v44;
	v52 =	vsub.f32 $1.500000000e+00, v49;
	v10 =	vmul.f32 v48, v13  }
0x129: {  	v23 =	vmul.f32 v35, v24;
	v46 =	vmul.f32 v37, v21;
	v12 =	vadd.f32 v50, v12  }
0x12a: {  	v8 =	vadd.f32 v8, v9;
	v13 =	vmul.f32 v52, v19;
	v54 =	vmul.f32 v10, v27  }
0x12b: {  	v51 =	vsub.f32 $1.500000000e+00, v23;
	v53 =	vmul.f32 v46, v37;
	v6 =	vadd.f32 v6, v12  }
0x12c: {  	v7 =	vadd.f32 v7, v8;
	v1 =	vmul.f32 v13, v1;
	v56 =	vmul.f32 v54, v10  }
0x12d: {  	v4 =	vmul.f32 v4, v39;
	v55 =	vmul.f32 v51, v24;
	v5 =	vadd.f32 v5, v6  }
0x12e: {  	v57 =	vsub.f32 $1.500000000e+00, v53;
	v1 =	vmul.f32 v1, v13;
	v59 =	vsub.f32 $1.500000000e+00, v56  }
0x12f: {  	v58 =	vadd.f32 v11, v7;
	v60 =	vmin.f32 v55, $9.999999950e+11;
	v4 =	vadd.f32 v4, v5  }
0x130: {  	v61 =	vmul.f32 v57, v37;
	v1 =	vsub.f32 $1.500000000e+00, v1;
	v7 =	vmul.f32 v59, v10  }
0x131: {  	v6 =	vmul.f32 v60, v58;
	v3 =	vadd.f32 v3, v4  }
0x132: {  	v62 =	vmin.f32 v61, $9.999999950e+11;
	v1 =	vmul.f32 v1, v13;
	v63 =	vmin.f32 v7, $9.999999950e+11  }
0x133: {  	s12 =	sadd.s32 $0x1, s12;
	v4 =	vmul.f32 v62, v6;
	v3 =	vmul.f32 v63, v3  }
0x134: {  	p0 =	sne.s32 s12, $0x4;
	v1 =	vmin.f32 v1, $9.999999950e+11  }
.Ltmp1:
0x135: {  	v4 =	vsub.f32 $1.000000000e+00, v4;
	v1 =	vmul.f32 v1, v3;
	(pc) =	sbr.rel @p0 .LBB2_2-.Ltmp1, $3  }
0x136: {  	_ = 	snop  }
0x137: {  	v2 =	vadd.f32 v4, v2;
	v1 =	vsub.f32 $1.000000000e+00, v1;
	_ =	sdelay $0x1  }
0x138: {  	v2 =	vadd.f32 v1, v2  }
0x139: {  	_ = 	snop  }
0x13a: {  	v1 =	vimm.f32 $0.0e+00;
	[tilespmem:$0x8000] =	vst v2  }
0x13b: {  	[tilespmem:$0x8010] =	vst v1  }
0x13c: {  	[tilespmem:$0x8020] =	vst v1  }
0x13d: {  	[tilespmem:$0x8030] =	vst v1  }
0x13e: {  	[tilespmem:$0x8040] =	vst v1  }
0x13f: {  	s11 =	sadd.s32 $0x1, s11;
	[tilespmem:$0x8050] =	vst v1  }
0x140: {  	[tilespmem:$0x8060] =	vst v1;
	p0 =	sne.s32 s11, s7  }
.Ltmp2:
0x141: {  	[tilespmem:$0x8070] =	vst v1;
	(pc) =	sbr.rel @p0 .LBB2_1-.Ltmp2, $4  }
0x142: {  	[hbm4b:s6+s2] =	stream.linear.scatter [tilespmem:s10], [sflag:$0x1], $0x80, $0x38;
	[tilespmem:$0x8080] =	vst v63  }
0x143: {  	_ =	swait.ge [sflag:s8], $0x80  }
0x144: {  	[sflag:s8] =	ssyncset.done $0x0  }
0x145: {  	[sflag:s8] =	ssyncadd.s32 $0xFFFFFF80  }
0x146: {  	_ =	sfence.sel $0x180000  }
0x147: {  	[bflag:$0x0] =	sbarrier.arrive $0xFFFF  }
0x148: {  	p0 =	sne.s32 s1, $0x0;
	_ =	strace $0x9000004A  }
0x149: {  	s0 =	sadd.s32 @!p0 $0x100000, s0;
	[bflag:$0x2] =	sbarrier.arrive $0xFFFF  }
0x14a: {  	[sflag:s0] =	ssyncadd.tile.s32 @!p0 $0x1;
	_ =	shalt  }
.Lfunc_end2:
_tile_overlayer_lowered:
.L_overlay_start_2:
0x14b: {  	(tag) =	ssettag $0x2  }
0x14c: {  	s0 =	rddreg [dreg:$0x0];
	s2 =	stileid.u32  }
0x14d: {  	s1 =	rddreg [dreg:$0x1];
	p0 =	sne.s32 s2, $0x0  }
0x14e: {  	s3 =	rddreg [dreg:$0x2];
	[bflag:$0x3] =	sbarrier.arrive $0xFFFF;
	s2 =	simm.s32 @!p0 $0x1C01  }
0x14f: {  	[timem:s3], [sflag:s2] =	dma.local @!p0 [hbm:s0], s1  }
0x150: {  	s0 =	simm.s32 @!p0 $0x1  }
0x151: {  	_ =	swait.ge @!p0 [sflag:s0], s1  }
0x152: {  	s1 =	ssub.s32 @!p0 $0x0, s1;
	[sflag:s0] =	ssyncset.done @!p0 $0x0  }
0x153: {  	[sflag:s0] =	ssyncadd.s32 @!p0 s1  }
0x154: {  	[bflag:$0x3] =	sbarrier.arrive $0xFFFF  }
0x155: {  	_ =	shalt  }

</sc_bundles>
